<compile_context>
chip_gen: v7x
topology: tpu7x:2x2x1
jax: 0.10.2.dev20260603
libtpu: 0.0.44.dev20260713+nightly
codegen_flags: <defaults>
</compile_context>

<pallas_src>
import functools

import jax
import jax.numpy as jnp
from jax import lax
from jax.experimental import pallas as pl
from jax.experimental.pallas import tpu as pltpu
from jax.experimental.pallas import tpu_sc as plsc

N = 10000
D = 128
HD = 64
E = 320000
RANK = 64
ODIM = 32

NC = 2
NS = 16
NW = NC * NS
CHUNK = 128
CH0 = 64
CH1 = 96
CHM = max(CH0, CH1)
CHT = NS * (CH0 + CH1)
EPAD = CHT * CHUNK
NPAD = 10240
RPT = NPAD // NS

_mesh = plsc.VectorSubcoreMesh(core_axis_name="c", subcore_axis_name="s")


@functools.partial(
    pl.kernel,
    out_type=[
        jax.ShapeDtypeStruct((NC, NPAD, HD), jnp.float32),
        jax.ShapeDtypeStruct((NC, NPAD, HD), jnp.float32),
    ],
    mesh=_mesh,
    compiler_params=pltpu.CompilerParams(use_tc_tiling_on_sc=False),
    scratch_types=[
        pltpu.VMEM((CHM, CHUNK), jnp.int32),
        pltpu.VMEM((CHM, CHUNK), jnp.int32),
        pltpu.VMEM((CHUNK, HD), jnp.float32),
        pltpu.VMEM((CHUNK, HD), jnp.float32),
        pltpu.VMEM((CHUNK, HD), jnp.float32),
        pltpu.VMEM((CHUNK, HD), jnp.float32),
        pltpu.VMEM_SHARED((NPAD, HD), jnp.float32),
        pltpu.SemaphoreType.DMA,
        pltpu.SemaphoreType.DMA,
        pltpu.SemaphoreType.DMA,
    ],
)
def _sc_agg(h0_hbm, h1_hbm, col_hbm, row_hbm, zero_hbm, out0_hbm, out1_hbm,
            cidx, ridx, rows_a, rows_b, rows_c, zbuf, agg_sh,
            sem_a, sem_b, sem_c):
    c = lax.axis_index("c")
    s = lax.axis_index("s")
    base = s * RPT

    off = jnp.where(c == 0, s * CH0, NS * CH0 + s * CH1)

    @pl.when(c == 0)
    def _():
        pltpu.sync_copy(col_hbm.at[pl.ds(off, CH0)], cidx.at[pl.ds(0, CH0)])
        pltpu.sync_copy(row_hbm.at[pl.ds(off, CH0)], ridx.at[pl.ds(0, CH0)])

    @pl.when(c == 1)
    def _():
        pltpu.sync_copy(col_hbm.at[pl.ds(off, CH1)], cidx.at[pl.ds(0, CH1)])
        pltpu.sync_copy(row_hbm.at[pl.ds(off, CH1)], ridx.at[pl.ds(0, CH1)])

    pltpu.sync_copy(zero_hbm, zbuf)
    bufs = ((rows_a, sem_a), (rows_b, sem_b), (rows_c, sem_c))

    def run_pipeline(hf_hbm, cnt):
        for k in range(3):
            pltpu.async_copy(hf_hbm.at[cidx.at[k]], bufs[k][0], bufs[k][1])

        def trio_body(jj, carry):
            j0 = jj * 3
            for k in range(3):
                j = j0 + k
                buf, sem = bufs[k]
                pltpu.make_async_copy(hf_hbm.at[cidx.at[j]], buf, sem).wait()
                pltpu.sync_copy(buf, agg_sh.at[ridx.at[j]], add=True)

                @pl.when(j + 3 < cnt)
                def _():
                    pltpu.async_copy(hf_hbm.at[cidx.at[j + 3]], buf, sem)

            return carry

        lax.fori_loop(0, cnt // 3, trio_body, 0)
        for j in range(cnt - cnt % 3, cnt):
            buf, sem = bufs[j % 3]
            pltpu.make_async_copy(hf_hbm.at[cidx.at[j]], buf, sem).wait()
            pltpu.sync_copy(buf, agg_sh.at[ridx.at[j]], add=True)

    for hf_hbm, out_hbm in ((h0_hbm, out0_hbm), (h1_hbm, out1_hbm)):
        for k in range(RPT // CHUNK):
            pltpu.sync_copy(zbuf, agg_sh.at[pl.ds(base + k * CHUNK, CHUNK)])
        plsc.subcore_barrier()

        @pl.when(c == 0)
        def _():
            run_pipeline(hf_hbm, CH0)

        @pl.when(c == 1)
        def _():
            run_pipeline(hf_hbm, CH1)

        plsc.subcore_barrier()

        pltpu.sync_copy(agg_sh.at[pl.ds(base, RPT)],
                        out_hbm.at[c, pl.ds(base, RPT)])


BLK = 1000


def _block_prod(t):
    a = jnp.concatenate([t, jnp.ones((1024 - BLK, t.shape[1]), t.dtype)], axis=0)
    for half in (512, 256, 128, 64, 32, 16, 8):
        a = a[0:half] * a[half:2 * half]
    return a


def _rows8_prod(a):
    r = a[0:1]
    for i in range(1, 8):
        r = r * a[i:i + 1]
    return r


def _tanh_z(h0, h1, W):
    z = (lax.dot_general(h0, W[0:HD], (((1,), (0,)), ((), ())),
                         precision=lax.Precision.HIGHEST)
         + lax.dot_general(h1, W[HD:D], (((1,), (0,)), ((), ())),
                           precision=lax.Precision.HIGHEST)
         + W[D:D + 1])
    return jnp.tanh(z)


def _tc_pool0_body(x0_ref, x1_ref, W_ref, p0_ref):
    W0 = W_ref[0]

    def blk(i, acc):
        sl = pl.ds(i * BLK, BLK)
        return acc * _block_prod(_tanh_z(x0_ref[sl, :], x1_ref[sl, :], W0))

    acc = lax.fori_loop(0, N // BLK, blk, jnp.ones((8, RANK), jnp.float32))
    p0_ref[...] = _rows8_prod(acc)


def _tc_mid_body(x0_ref, x1_ref, a0_ref, a1_ref, W_ref,
                 h0_ref, h1_ref, p1_ref):
    W1 = W_ref[1]

    def blk(i, acc):
        sl = pl.ds(i * BLK, BLK)
        h0 = x0_ref[sl, :] + a0_ref[0, sl, :] + a0_ref[1, sl, :]
        h1 = x1_ref[sl, :] + a1_ref[0, sl, :] + a1_ref[1, sl, :]
        h0_ref[sl, :] = h0
        h1_ref[sl, :] = h1
        return acc * _block_prod(_tanh_z(h0, h1, W1))

    acc = lax.fori_loop(0, N // BLK, blk, jnp.ones((8, RANK), jnp.float32))
    p1_ref[...] = _rows8_prod(acc)


def _tc_final_body(h0_ref, h1_ref, a0_ref, a1_ref, W_ref, p0_ref, p1_ref,
                   lw_ref, lb_ref, score_ref):
    W2 = W_ref[2]

    def blk(i, acc):
        sl = pl.ds(i * BLK, BLK)
        g0 = h0_ref[sl, :] + a0_ref[0, sl, :] + a0_ref[1, sl, :]
        g1 = h1_ref[sl, :] + a1_ref[0, sl, :] + a1_ref[1, sl, :]
        return acc * _block_prod(_tanh_z(g0, g1, W2))

    acc = lax.fori_loop(0, N // BLK, blk, jnp.ones((8, RANK), jnp.float32))
    p2 = _rows8_prod(acc)
    pools = (p0_ref[...], p1_ref[...], p2)
    score = jnp.zeros((1, ODIM), jnp.float32)
    for l in range(3):
        score = score + lax.dot_general(
            pools[l], lw_ref[l], (((1,), (1,)), ((), ())),
            precision=lax.Precision.HIGHEST) + lb_ref[l:l + 1, :]
    score_ref[...] = score


_tc_pool0 = pl.pallas_call(
    _tc_pool0_body,
    out_shape=jax.ShapeDtypeStruct((1, RANK), jnp.float32),
)

_tc_mid = pl.pallas_call(
    _tc_mid_body,
    out_shape=[
        jax.ShapeDtypeStruct((N, HD), jnp.float32),
        jax.ShapeDtypeStruct((N, HD), jnp.float32),
        jax.ShapeDtypeStruct((1, RANK), jnp.float32),
    ],
)

_tc_final = pl.pallas_call(
    _tc_final_body,
    out_shape=jax.ShapeDtypeStruct((1, ODIM), jnp.float32),
)


def kernel(x, edge_index, W_pools, lin_w, lin_b):
    row = edge_index[0]
    col = edge_index[1]
    pad = EPAD - E
    row_p = jnp.concatenate(
        [row, jnp.full((pad,), N, jnp.int32)]).reshape(CHT, CHUNK)
    col_p = jnp.concatenate(
        [col, jnp.zeros((pad,), jnp.int32)]).reshape(CHT, CHUNK)
    zeros = jnp.zeros((CHUNK, HD), jnp.float32)
    x0 = x[:, 0:HD]
    x1 = x[:, HD:D]

    a0, a1 = _sc_agg(x0, x1, col_p, row_p, zeros)
    p0 = _tc_pool0(x0, x1, W_pools)
    h0, h1, p1 = _tc_mid(x0, x1, a0, a1, W_pools)
    b0, b1 = _sc_agg(h0, h1, col_p, row_p, zeros)
    return _tc_final(h0, h1, b0, b1, W_pools, p0, p1, lin_w, lin_b)

# --- scband reference (transcript-rebuilt; emitter-appended) ---
"""Pipeline reference for scband-graph-cnn-7636451852422 (READ-ONLY COPY).

The authoritative reference and input builder live on the scoring server;
editing this copy changes nothing except your own understanding.
"""

import jax, jax.numpy as jnp
import numpy as np

NUM_LAYERS = 3
INPUT_DIM = 128
RANK = 64
OUTPUT_DIM = 32
N_NODES = 10000
N_EDGES = 320000


def _xavier_uniform(key, shape):
    fan_in, fan_out = shape[-2], shape[-1]
    a = float(np.sqrt(6.0 / (fan_in + fan_out)))
    return jax.random.uniform(key, shape, dtype=jnp.float32, minval=-a, maxval=a)


def setup_inputs(seed: int = 0) -> dict:
    key = jax.random.key(seed)
    ks = jax.random.split(key, 5)
    x = jax.random.normal(ks[0], (N_NODES, INPUT_DIM), dtype=jnp.float32)
    edge_index = jax.random.randint(ks[1], (2, N_EDGES), 0, N_NODES, dtype=jnp.int32)
    # cp-pool weights: one (INPUT_DIM+1, RANK) matrix per layer (stacked)
    W_pools = _xavier_uniform(ks[2], (NUM_LAYERS, INPUT_DIM + 1, RANK))
    # prediction linears: weight (OUTPUT_DIM, RANK), bias (OUTPUT_DIM) per layer
    bnd = float(1.0 / np.sqrt(RANK))
    lin_w = jax.random.uniform(ks[3], (NUM_LAYERS, OUTPUT_DIM, RANK), dtype=jnp.float32, minval=-bnd, maxval=bnd)
    lin_b = jax.random.uniform(ks[4], (NUM_LAYERS, OUTPUT_DIM), dtype=jnp.float32, minval=-bnd, maxval=bnd)
    return {"x": x, "edge_index": edge_index, "W_pools": W_pools, "lin_w": lin_w, "lin_b": lin_b}


def _cp_pool(h, W):
    # graph_cp_pooling.forward on cat([h, ones], dim=1)
    hp = jnp.concatenate([h, jnp.ones((h.shape[0], 1), dtype=h.dtype)], axis=1)
    fea = jnp.tanh(hp @ W)
    return jnp.prod(fea, axis=0, keepdims=True)  # [1, RANK]


def reference(x, edge_index, W_pools, lin_w, lin_b):
    # batch of a single graph; learn_eps=False -> adj = I + A (sum neighbor pooling)
    row = edge_index[0]
    col = edge_index[1]
    hidden_reps = [_cp_pool(x, W_pools[0])]
    h = x
    for layer in range(NUM_LAYERS - 1):
        # torch.spmm(I + A, h) = h + scatter_add over edges (dst=row, src=col)
        agg = jnp.zeros_like(h).at[row].add(h[col])
        h = h + agg
        hidden_reps.append(_cp_pool(h, W_pools[layer + 1]))
    score = jnp.zeros((1, OUTPUT_DIM), dtype=jnp.float32)
    for l in range(NUM_LAYERS):
        # eval mode: F.dropout(training=False) is identity
        score = score + hidden_reps[l] @ lin_w[l].T + lin_b[l]
    return score

if __name__ == "__main__":
    import jax
    _d = setup_inputs()
    print(jax.jit(kernel)(*tuple(_d.values())))

</pallas_src>

<mosaic_0001>
#map = affine_map<(d0, d1) -> (0, 0)>
#map1 = affine_map<(d0, d1) -> (0, 0, 0)>
module attributes {stable_mosaic.version = 14 : i64} {
  func.func @_sc_agg(%arg0: i32, %arg1: i32, %arg2: memref<10000x64xf32, #tpu.memory_space<hbm>>, %arg3: memref<10000x64xf32, #tpu.memory_space<hbm>>, %arg4: memref<2560x128xi32, #tpu.memory_space<hbm>>, %arg5: memref<2560x128xi32, #tpu.memory_space<hbm>>, %arg6: memref<128x64xf32, #tpu.memory_space<hbm>>, %arg7: memref<2x10240x64xf32, #tpu.memory_space<hbm>>, %arg8: memref<2x10240x64xf32, #tpu.memory_space<hbm>>, %arg9: memref<96x128xi32, #tpu.memory_space<vmem>>, %arg10: memref<96x128xi32, #tpu.memory_space<vmem>>, %arg11: memref<128x64xf32, #tpu.memory_space<vmem>>, %arg12: memref<128x64xf32, #tpu.memory_space<vmem>>, %arg13: memref<128x64xf32, #tpu.memory_space<vmem>>, %arg14: memref<128x64xf32, #tpu.memory_space<vmem>>, %arg15: memref<10240x64xf32, #tpu.memory_space<vmem_shared>>, %arg16: memref<!tpu.dma_semaphore, #tpu.memory_space<semaphore_mem>>, %arg17: memref<!tpu.dma_semaphore, #tpu.memory_space<semaphore_mem>>, %arg18: memref<!tpu.dma_semaphore, #tpu.memory_space<semaphore_mem>>) attributes {dimension_semantics = [#tpu.dimension_semantics<core_parallel>, #tpu.dimension_semantics<subcore_parallel>], iteration_bounds = array<i64: 2, 16>, scalar_prefetch = 0 : i64, scratch_operands = 10 : i64, tpu.core_type = #tpu.core_type<sc_vector_subcore>, window_params = [{transform_indices = #map}, {transform_indices = #map}, {transform_indices = #map}, {transform_indices = #map}, {transform_indices = #map}, {transform_indices = #map1}, {transform_indices = #map1}]} {
    %mul3A = arith.constant 640 : i32
    %mul3A_0 = arith.muli %arg1, %mul3A : i32
    %eq3A = arith.constant 0 : i32
    %eq3A_1 = arith.cmpi eq, %arg0, %eq3A : i32
    %mul3A_2 = arith.constant 64 : i32
    %mul3A_3 = arith.muli %arg1, %mul3A_2 : i32
    %mul3A_4 = arith.constant 96 : i32
    %mul3A_5 = arith.muli %arg1, %mul3A_4 : i32
    %add3A = arith.constant 1024 : i32
    %add3A_6 = arith.addi %add3A, %mul3A_5 : i32
    %select_n3A = arith.select %eq3A_1, %mul3A_3, %add3A_6 : i32
    %eq3A_7 = arith.constant 0 : i32
    %eq3A_8 = arith.cmpi eq, %arg0, %eq3A_7 : i32
    %convert_element_type3A = arith.extui %eq3A_8 : i1 to i32
    %cond3A = arith.constant 0 : i32
    %cond3A_9 = arith.cmpi ne, %convert_element_type3A, %cond3A : i32
    scf.if %cond3A_9 {
      "tpu.region"() ({
        %run_scoped3A = tpu.sem_alloc : memref<!tpu.dma_semaphore, #tpu.memory_space<semaphore_mem>>
        %dma_start3A = arith.constant 0 : i32
        %dma_start3A_58 = arith.constant 0 : i32
        %dma_start3A_59 = tpu.memref_slice %arg9[%dma_start3A, %dma_start3A_58] : memref<96x128xi32, #tpu.memory_space<vmem>> -> memref<64x128xi32, #tpu.memory_space<vmem>>
        %dma_start3A_60 = arith.constant 0 : i32
        %dma_start3A_61 = tpu.memref_slice %arg4[%select_n3A, %dma_start3A_60] : memref<2560x128xi32, #tpu.memory_space<hbm>> -> memref<64x128xi32, #tpu.memory_space<hbm>>
        %dma_start3A_62 = arith.constant 0 : i32
        %dma_start3A_63 = arith.constant 0 : i32
        %dma_start3A_64 = tpu.memref_slice %arg9[%dma_start3A_62, %dma_start3A_63] : memref<96x128xi32, #tpu.memory_space<vmem>> -> memref<64x128xi32, #tpu.memory_space<vmem>>
        %dma_start3A_65 = arith.constant 0 : i32
        %dma_start3A_66 = tpu.memref_slice %arg4[%select_n3A, %dma_start3A_65] : memref<2560x128xi32, #tpu.memory_space<hbm>> -> memref<64x128xi32, #tpu.memory_space<hbm>>
        tpu.enqueue_dma source(%dma_start3A_66 : memref<64x128xi32, #tpu.memory_space<hbm>>) target(%dma_start3A_64 : memref<64x128xi32, #tpu.memory_space<vmem>>) target_semaphore(%run_scoped3A : memref<!tpu.dma_semaphore, #tpu.memory_space<semaphore_mem>>)
        %dma_wait3A = arith.constant 0 : i32
        %dma_wait3A_67 = arith.constant 0 : i32
        %dma_wait3A_68 = tpu.memref_slice %arg9[%dma_wait3A, %dma_wait3A_67] : memref<96x128xi32, #tpu.memory_space<vmem>> -> memref<64x128xi32, #tpu.memory_space<vmem>>
        %dma_wait3A_69 = arith.constant 0 : i32
        %dma_wait3A_70 = tpu.memref_slice %arg4[%select_n3A, %dma_wait3A_69] : memref<2560x128xi32, #tpu.memory_space<hbm>> -> memref<64x128xi32, #tpu.memory_space<hbm>>
        %dma_wait3A_71 = arith.constant 0 : i32
        %dma_wait3A_72 = arith.constant 0 : i32
        %dma_wait3A_73 = tpu.memref_slice %arg9[%dma_wait3A_71, %dma_wait3A_72] : memref<96x128xi32, #tpu.memory_space<vmem>> -> memref<64x128xi32, #tpu.memory_space<vmem>>
        %dma_wait3A_74 = arith.constant 0 : i32
        %dma_wait3A_75 = tpu.memref_slice %arg4[%select_n3A, %dma_wait3A_74] : memref<2560x128xi32, #tpu.memory_space<hbm>> -> memref<64x128xi32, #tpu.memory_space<hbm>>
        tpu.wait_dma2 semaphore(%run_scoped3A : memref<!tpu.dma_semaphore, #tpu.memory_space<semaphore_mem>>) src(%dma_wait3A_75 : memref<64x128xi32, #tpu.memory_space<hbm>>) dst(%dma_wait3A_73 : memref<64x128xi32, #tpu.memory_space<vmem>>)
        tpu.yield
      }) : () -> ()
      "tpu.region"() ({
        %run_scoped3A = tpu.sem_alloc : memref<!tpu.dma_semaphore, #tpu.memory_space<semaphore_mem>>
        %dma_start3A = arith.constant 0 : i32
        %dma_start3A_58 = arith.constant 0 : i32
        %dma_start3A_59 = tpu.memref_slice %arg10[%dma_start3A, %dma_start3A_58] : memref<96x128xi32, #tpu.memory_space<vmem>> -> memref<64x128xi32, #tpu.memory_space<vmem>>
        %dma_start3A_60 = arith.constant 0 : i32
        %dma_start3A_61 = tpu.memref_slice %arg5[%select_n3A, %dma_start3A_60] : memref<2560x128xi32, #tpu.memory_space<hbm>> -> memref<64x128xi32, #tpu.memory_space<hbm>>
        %dma_start3A_62 = arith.constant 0 : i32
        %dma_start3A_63 = arith.constant 0 : i32
        %dma_start3A_64 = tpu.memref_slice %arg10[%dma_start3A_62, %dma_start3A_63] : memref<96x128xi32, #tpu.memory_space<vmem>> -> memref<64x128xi32, #tpu.memory_space<vmem>>
        %dma_start3A_65 = arith.constant 0 : i32
        %dma_start3A_66 = tpu.memref_slice %arg5[%select_n3A, %dma_start3A_65] : memref<2560x128xi32, #tpu.memory_space<hbm>> -> memref<64x128xi32, #tpu.memory_space<hbm>>
        tpu.enqueue_dma source(%dma_start3A_66 : memref<64x128xi32, #tpu.memory_space<hbm>>) target(%dma_start3A_64 : memref<64x128xi32, #tpu.memory_space<vmem>>) target_semaphore(%run_scoped3A : memref<!tpu.dma_semaphore, #tpu.memory_space<semaphore_mem>>)
        %dma_wait3A = arith.constant 0 : i32
        %dma_wait3A_67 = arith.constant 0 : i32
        %dma_wait3A_68 = tpu.memref_slice %arg10[%dma_wait3A, %dma_wait3A_67] : memref<96x128xi32, #tpu.memory_space<vmem>> -> memref<64x128xi32, #tpu.memory_space<vmem>>
        %dma_wait3A_69 = arith.constant 0 : i32
        %dma_wait3A_70 = tpu.memref_slice %arg5[%select_n3A, %dma_wait3A_69] : memref<2560x128xi32, #tpu.memory_space<hbm>> -> memref<64x128xi32, #tpu.memory_space<hbm>>
        %dma_wait3A_71 = arith.constant 0 : i32
        %dma_wait3A_72 = arith.constant 0 : i32
        %dma_wait3A_73 = tpu.memref_slice %arg10[%dma_wait3A_71, %dma_wait3A_72] : memref<96x128xi32, #tpu.memory_space<vmem>> -> memref<64x128xi32, #tpu.memory_space<vmem>>
        %dma_wait3A_74 = arith.constant 0 : i32
        %dma_wait3A_75 = tpu.memref_slice %arg5[%select_n3A, %dma_wait3A_74] : memref<2560x128xi32, #tpu.memory_space<hbm>> -> memref<64x128xi32, #tpu.memory_space<hbm>>
        tpu.wait_dma2 semaphore(%run_scoped3A : memref<!tpu.dma_semaphore, #tpu.memory_space<semaphore_mem>>) src(%dma_wait3A_75 : memref<64x128xi32, #tpu.memory_space<hbm>>) dst(%dma_wait3A_73 : memref<64x128xi32, #tpu.memory_space<vmem>>)
        tpu.yield
      }) : () -> ()
    } else {
    }
    %eq3A_10 = arith.constant 1 : i32
    %eq3A_11 = arith.cmpi eq, %arg0, %eq3A_10 : i32
    %convert_element_type3A_12 = arith.extui %eq3A_11 : i1 to i32
    %cond3A_13 = arith.constant 0 : i32
    %cond3A_14 = arith.cmpi ne, %convert_element_type3A_12, %cond3A_13 : i32
    scf.if %cond3A_14 {
      "tpu.region"() ({
        %run_scoped3A = tpu.sem_alloc : memref<!tpu.dma_semaphore, #tpu.memory_space<semaphore_mem>>
        %dma_start3A = arith.constant 0 : i32
        %dma_start3A_58 = arith.constant 0 : i32
        %dma_start3A_59 = tpu.memref_slice %arg9[%dma_start3A, %dma_start3A_58] : memref<96x128xi32, #tpu.memory_space<vmem>> -> memref<96x128xi32, #tpu.memory_space<vmem>>
        %dma_start3A_60 = arith.constant 0 : i32
        %dma_start3A_61 = tpu.memref_slice %arg4[%select_n3A, %dma_start3A_60] : memref<2560x128xi32, #tpu.memory_space<hbm>> -> memref<96x128xi32, #tpu.memory_space<hbm>>
        %dma_start3A_62 = arith.constant 0 : i32
        %dma_start3A_63 = arith.constant 0 : i32
        %dma_start3A_64 = tpu.memref_slice %arg9[%dma_start3A_62, %dma_start3A_63] : memref<96x128xi32, #tpu.memory_space<vmem>> -> memref<96x128xi32, #tpu.memory_space<vmem>>
        %dma_start3A_65 = arith.constant 0 : i32
        %dma_start3A_66 = tpu.memref_slice %arg4[%select_n3A, %dma_start3A_65] : memref<2560x128xi32, #tpu.memory_space<hbm>> -> memref<96x128xi32, #tpu.memory_space<hbm>>
        tpu.enqueue_dma source(%dma_start3A_66 : memref<96x128xi32, #tpu.memory_space<hbm>>) target(%dma_start3A_64 : memref<96x128xi32, #tpu.memory_space<vmem>>) target_semaphore(%run_scoped3A : memref<!tpu.dma_semaphore, #tpu.memory_space<semaphore_mem>>)
        %dma_wait3A = arith.constant 0 : i32
        %dma_wait3A_67 = arith.constant 0 : i32
        %dma_wait3A_68 = tpu.memref_slice %arg9[%dma_wait3A, %dma_wait3A_67] : memref<96x128xi32, #tpu.memory_space<vmem>> -> memref<96x128xi32, #tpu.memory_space<vmem>>
        %dma_wait3A_69 = arith.constant 0 : i32
        %dma_wait3A_70 = tpu.memref_slice %arg4[%select_n3A, %dma_wait3A_69] : memref<2560x128xi32, #tpu.memory_space<hbm>> -> memref<96x128xi32, #tpu.memory_space<hbm>>
        %dma_wait3A_71 = arith.constant 0 : i32
        %dma_wait3A_72 = arith.constant 0 : i32
        %dma_wait3A_73 = tpu.memref_slice %arg9[%dma_wait3A_71, %dma_wait3A_72] : memref<96x128xi32, #tpu.memory_space<vmem>> -> memref<96x128xi32, #tpu.memory_space<vmem>>
        %dma_wait3A_74 = arith.constant 0 : i32
        %dma_wait3A_75 = tpu.memref_slice %arg4[%select_n3A, %dma_wait3A_74] : memref<2560x128xi32, #tpu.memory_space<hbm>> -> memref<96x128xi32, #tpu.memory_space<hbm>>
        tpu.wait_dma2 semaphore(%run_scoped3A : memref<!tpu.dma_semaphore, #tpu.memory_space<semaphore_mem>>) src(%dma_wait3A_75 : memref<96x128xi32, #tpu.memory_space<hbm>>) dst(%dma_wait3A_73 : memref<96x128xi32, #tpu.memory_space<vmem>>)
        tpu.yield
      }) : () -> ()
      "tpu.region"() ({
        %run_scoped3A = tpu.sem_alloc : memref<!tpu.dma_semaphore, #tpu.memory_space<semaphore_mem>>
        %dma_start3A = arith.constant 0 : i32
        %dma_start3A_58 = arith.constant 0 : i32
        %dma_start3A_59 = tpu.memref_slice %arg10[%dma_start3A, %dma_start3A_58] : memref<96x128xi32, #tpu.memory_space<vmem>> -> memref<96x128xi32, #tpu.memory_space<vmem>>
        %dma_start3A_60 = arith.constant 0 : i32
        %dma_start3A_61 = tpu.memref_slice %arg5[%select_n3A, %dma_start3A_60] : memref<2560x128xi32, #tpu.memory_space<hbm>> -> memref<96x128xi32, #tpu.memory_space<hbm>>
        %dma_start3A_62 = arith.constant 0 : i32
        %dma_start3A_63 = arith.constant 0 : i32
        %dma_start3A_64 = tpu.memref_slice %arg10[%dma_start3A_62, %dma_start3A_63] : memref<96x128xi32, #tpu.memory_space<vmem>> -> memref<96x128xi32, #tpu.memory_space<vmem>>
        %dma_start3A_65 = arith.constant 0 : i32
        %dma_start3A_66 = tpu.memref_slice %arg5[%select_n3A, %dma_start3A_65] : memref<2560x128xi32, #tpu.memory_space<hbm>> -> memref<96x128xi32, #tpu.memory_space<hbm>>
        tpu.enqueue_dma source(%dma_start3A_66 : memref<96x128xi32, #tpu.memory_space<hbm>>) target(%dma_start3A_64 : memref<96x128xi32, #tpu.memory_space<vmem>>) target_semaphore(%run_scoped3A : memref<!tpu.dma_semaphore, #tpu.memory_space<semaphore_mem>>)
        %dma_wait3A = arith.constant 0 : i32
        %dma_wait3A_67 = arith.constant 0 : i32
        %dma_wait3A_68 = tpu.memref_slice %arg10[%dma_wait3A, %dma_wait3A_67] : memref<96x128xi32, #tpu.memory_space<vmem>> -> memref<96x128xi32, #tpu.memory_space<vmem>>
        %dma_wait3A_69 = arith.constant 0 : i32
        %dma_wait3A_70 = tpu.memref_slice %arg5[%select_n3A, %dma_wait3A_69] : memref<2560x128xi32, #tpu.memory_space<hbm>> -> memref<96x128xi32, #tpu.memory_space<hbm>>
        %dma_wait3A_71 = arith.constant 0 : i32
        %dma_wait3A_72 = arith.constant 0 : i32
        %dma_wait3A_73 = tpu.memref_slice %arg10[%dma_wait3A_71, %dma_wait3A_72] : memref<96x128xi32, #tpu.memory_space<vmem>> -> memref<96x128xi32, #tpu.memory_space<vmem>>
        %dma_wait3A_74 = arith.constant 0 : i32
        %dma_wait3A_75 = tpu.memref_slice %arg5[%select_n3A, %dma_wait3A_74] : memref<2560x128xi32, #tpu.memory_space<hbm>> -> memref<96x128xi32, #tpu.memory_space<hbm>>
        tpu.wait_dma2 semaphore(%run_scoped3A : memref<!tpu.dma_semaphore, #tpu.memory_space<semaphore_mem>>) src(%dma_wait3A_75 : memref<96x128xi32, #tpu.memory_space<hbm>>) dst(%dma_wait3A_73 : memref<96x128xi32, #tpu.memory_space<vmem>>)
        tpu.yield
      }) : () -> ()
    } else {
    }
    "tpu.region"() ({
      %run_scoped3A = tpu.sem_alloc : memref<!tpu.dma_semaphore, #tpu.memory_space<semaphore_mem>>
      tpu.enqueue_dma source(%arg6 : memref<128x64xf32, #tpu.memory_space<hbm>>) target(%arg14 : memref<128x64xf32, #tpu.memory_space<vmem>>) target_semaphore(%run_scoped3A : memref<!tpu.dma_semaphore, #tpu.memory_space<semaphore_mem>>)
      tpu.wait_dma2 semaphore(%run_scoped3A : memref<!tpu.dma_semaphore, #tpu.memory_space<semaphore_mem>>) src(%arg6 : memref<128x64xf32, #tpu.memory_space<hbm>>) dst(%arg14 : memref<128x64xf32, #tpu.memory_space<vmem>>)
      tpu.yield
    }) : () -> ()
    %add3A_15 = arith.constant 0 : i32
    %add3A_16 = arith.addi %mul3A_0, %add3A_15 : i32
    "tpu.region"() ({
      %run_scoped3A = tpu.sem_alloc : memref<!tpu.dma_semaphore, #tpu.memory_space<semaphore_mem>>
      %dma_start3A = arith.constant 0 : i32
      %dma_start3A_58 = tpu.memref_slice %arg15[%add3A_16, %dma_start3A] : memref<10240x64xf32, #tpu.memory_space<vmem_shared>> -> memref<128x64xf32, #tpu.memory_space<vmem_shared>>
      %dma_start3A_59 = arith.constant 0 : i32
      %dma_start3A_60 = tpu.memref_slice %arg15[%add3A_16, %dma_start3A_59] : memref<10240x64xf32, #tpu.memory_space<vmem_shared>> -> memref<128x64xf32, #tpu.memory_space<vmem_shared>>
      tpu.enqueue_dma source(%arg14 : memref<128x64xf32, #tpu.memory_space<vmem>>) target(%dma_start3A_60 : memref<128x64xf32, #tpu.memory_space<vmem_shared>>) target_semaphore(%run_scoped3A : memref<!tpu.dma_semaphore, #tpu.memory_space<semaphore_mem>>)
      %dma_wait3A = arith.constant 0 : i32
      %dma_wait3A_61 = tpu.memref_slice %arg15[%add3A_16, %dma_wait3A] : memref<10240x64xf32, #tpu.memory_space<vmem_shared>> -> memref<128x64xf32, #tpu.memory_space<vmem_shared>>
      %dma_wait3A_62 = arith.constant 0 : i32
      %dma_wait3A_63 = tpu.memref_slice %arg15[%add3A_16, %dma_wait3A_62] : memref<10240x64xf32, #tpu.memory_space<vmem_shared>> -> memref<128x64xf32, #tpu.memory_space<vmem_shared>>
      tpu.wait_dma2 semaphore(%run_scoped3A : memref<!tpu.dma_semaphore, #tpu.memory_space<semaphore_mem>>) src(%arg14 : memref<128x64xf32, #tpu.memory_space<vmem>>) dst(%dma_wait3A_63 : memref<128x64xf32, #tpu.memory_space<vmem_shared>>)
      tpu.yield
    }) : () -> ()
    %add3A_17 = arith.constant 128 : i32
    %add3A_18 = arith.addi %mul3A_0, %add3A_17 : i32
    "tpu.region"() ({
      %run_scoped3A = tpu.sem_alloc : memref<!tpu.dma_semaphore, #tpu.memory_space<semaphore_mem>>
      %dma_start3A = arith.constant 0 : i32
      %dma_start3A_58 = tpu.memref_slice %arg15[%add3A_18, %dma_start3A] : memref<10240x64xf32, #tpu.memory_space<vmem_shared>> -> memref<128x64xf32, #tpu.memory_space<vmem_shared>>
      %dma_start3A_59 = arith.constant 0 : i32
      %dma_start3A_60 = tpu.memref_slice %arg15[%add3A_18, %dma_start3A_59] : memref<10240x64xf32, #tpu.memory_space<vmem_shared>> -> memref<128x64xf32, #tpu.memory_space<vmem_shared>>
      tpu.enqueue_dma source(%arg14 : memref<128x64xf32, #tpu.memory_space<vmem>>) target(%dma_start3A_60 : memref<128x64xf32, #tpu.memory_space<vmem_shared>>) target_semaphore(%run_scoped3A : memref<!tpu.dma_semaphore, #tpu.memory_space<semaphore_mem>>)
      %dma_wait3A = arith.constant 0 : i32
      %dma_wait3A_61 = tpu.memref_slice %arg15[%add3A_18, %dma_wait3A] : memref<10240x64xf32, #tpu.memory_space<vmem_shared>> -> memref<128x64xf32, #tpu.memory_space<vmem_shared>>
      %dma_wait3A_62 = arith.constant 0 : i32
      %dma_wait3A_63 = tpu.memref_slice %arg15[%add3A_18, %dma_wait3A_62] : memref<10240x64xf32, #tpu.memory_space<vmem_shared>> -> memref<128x64xf32, #tpu.memory_space<vmem_shared>>
      tpu.wait_dma2 semaphore(%run_scoped3A : memref<!tpu.dma_semaphore, #tpu.memory_space<semaphore_mem>>) src(%arg14 : memref<128x64xf32, #tpu.memory_space<vmem>>) dst(%dma_wait3A_63 : memref<128x64xf32, #tpu.memory_space<vmem_shared>>)
      tpu.yield
    }) : () -> ()
    %add3A_19 = arith.constant 256 : i32
    %add3A_20 = arith.addi %mul3A_0, %add3A_19 : i32
    "tpu.region"() ({
      %run_scoped3A = tpu.sem_alloc : memref<!tpu.dma_semaphore, #tpu.memory_space<semaphore_mem>>
      %dma_start3A = arith.constant 0 : i32
      %dma_start3A_58 = tpu.memref_slice %arg15[%add3A_20, %dma_start3A] : memref<10240x64xf32, #tpu.memory_space<vmem_shared>> -> memref<128x64xf32, #tpu.memory_space<vmem_shared>>
      %dma_start3A_59 = arith.constant 0 : i32
      %dma_start3A_60 = tpu.memref_slice %arg15[%add3A_20, %dma_start3A_59] : memref<10240x64xf32, #tpu.memory_space<vmem_shared>> -> memref<128x64xf32, #tpu.memory_space<vmem_shared>>
      tpu.enqueue_dma source(%arg14 : memref<128x64xf32, #tpu.memory_space<vmem>>) target(%dma_start3A_60 : memref<128x64xf32, #tpu.memory_space<vmem_shared>>) target_semaphore(%run_scoped3A : memref<!tpu.dma_semaphore, #tpu.memory_space<semaphore_mem>>)
      %dma_wait3A = arith.constant 0 : i32
      %dma_wait3A_61 = tpu.memref_slice %arg15[%add3A_20, %dma_wait3A] : memref<10240x64xf32, #tpu.memory_space<vmem_shared>> -> memref<128x64xf32, #tpu.memory_space<vmem_shared>>
      %dma_wait3A_62 = arith.constant 0 : i32
      %dma_wait3A_63 = tpu.memref_slice %arg15[%add3A_20, %dma_wait3A_62] : memref<10240x64xf32, #tpu.memory_space<vmem_shared>> -> memref<128x64xf32, #tpu.memory_space<vmem_shared>>
      tpu.wait_dma2 semaphore(%run_scoped3A : memref<!tpu.dma_semaphore, #tpu.memory_space<semaphore_mem>>) src(%arg14 : memref<128x64xf32, #tpu.memory_space<vmem>>) dst(%dma_wait3A_63 : memref<128x64xf32, #tpu.memory_space<vmem_shared>>)
      tpu.yield
    }) : () -> ()
    %add3A_21 = arith.constant 384 : i32
    %add3A_22 = arith.addi %mul3A_0, %add3A_21 : i32
    "tpu.region"() ({
      %run_scoped3A = tpu.sem_alloc : memref<!tpu.dma_semaphore, #tpu.memory_space<semaphore_mem>>
      %dma_start3A = arith.constant 0 : i32
      %dma_start3A_58 = tpu.memref_slice %arg15[%add3A_22, %dma_start3A] : memref<10240x64xf32, #tpu.memory_space<vmem_shared>> -> memref<128x64xf32, #tpu.memory_space<vmem_shared>>
      %dma_start3A_59 = arith.constant 0 : i32
      %dma_start3A_60 = tpu.memref_slice %arg15[%add3A_22, %dma_start3A_59] : memref<10240x64xf32, #tpu.memory_space<vmem_shared>> -> memref<128x64xf32, #tpu.memory_space<vmem_shared>>
      tpu.enqueue_dma source(%arg14 : memref<128x64xf32, #tpu.memory_space<vmem>>) target(%dma_start3A_60 : memref<128x64xf32, #tpu.memory_space<vmem_shared>>) target_semaphore(%run_scoped3A : memref<!tpu.dma_semaphore, #tpu.memory_space<semaphore_mem>>)
      %dma_wait3A = arith.constant 0 : i32
      %dma_wait3A_61 = tpu.memref_slice %arg15[%add3A_22, %dma_wait3A] : memref<10240x64xf32, #tpu.memory_space<vmem_shared>> -> memref<128x64xf32, #tpu.memory_space<vmem_shared>>
      %dma_wait3A_62 = arith.constant 0 : i32
      %dma_wait3A_63 = tpu.memref_slice %arg15[%add3A_22, %dma_wait3A_62] : memref<10240x64xf32, #tpu.memory_space<vmem_shared>> -> memref<128x64xf32, #tpu.memory_space<vmem_shared>>
      tpu.wait_dma2 semaphore(%run_scoped3A : memref<!tpu.dma_semaphore, #tpu.memory_space<semaphore_mem>>) src(%arg14 : memref<128x64xf32, #tpu.memory_space<vmem>>) dst(%dma_wait3A_63 : memref<128x64xf32, #tpu.memory_space<vmem_shared>>)
      tpu.yield
    }) : () -> ()
    %add3A_23 = arith.constant 512 : i32
    %add3A_24 = arith.addi %mul3A_0, %add3A_23 : i32
    "tpu.region"() ({
      %run_scoped3A = tpu.sem_alloc : memref<!tpu.dma_semaphore, #tpu.memory_space<semaphore_mem>>
      %dma_start3A = arith.constant 0 : i32
      %dma_start3A_58 = tpu.memref_slice %arg15[%add3A_24, %dma_start3A] : memref<10240x64xf32, #tpu.memory_space<vmem_shared>> -> memref<128x64xf32, #tpu.memory_space<vmem_shared>>
      %dma_start3A_59 = arith.constant 0 : i32
      %dma_start3A_60 = tpu.memref_slice %arg15[%add3A_24, %dma_start3A_59] : memref<10240x64xf32, #tpu.memory_space<vmem_shared>> -> memref<128x64xf32, #tpu.memory_space<vmem_shared>>
      tpu.enqueue_dma source(%arg14 : memref<128x64xf32, #tpu.memory_space<vmem>>) target(%dma_start3A_60 : memref<128x64xf32, #tpu.memory_space<vmem_shared>>) target_semaphore(%run_scoped3A : memref<!tpu.dma_semaphore, #tpu.memory_space<semaphore_mem>>)
      %dma_wait3A = arith.constant 0 : i32
      %dma_wait3A_61 = tpu.memref_slice %arg15[%add3A_24, %dma_wait3A] : memref<10240x64xf32, #tpu.memory_space<vmem_shared>> -> memref<128x64xf32, #tpu.memory_space<vmem_shared>>
      %dma_wait3A_62 = arith.constant 0 : i32
      %dma_wait3A_63 = tpu.memref_slice %arg15[%add3A_24, %dma_wait3A_62] : memref<10240x64xf32, #tpu.memory_space<vmem_shared>> -> memref<128x64xf32, #tpu.memory_space<vmem_shared>>
      tpu.wait_dma2 semaphore(%run_scoped3A : memref<!tpu.dma_semaphore, #tpu.memory_space<semaphore_mem>>) src(%arg14 : memref<128x64xf32, #tpu.memory_space<vmem>>) dst(%dma_wait3A_63 : memref<128x64xf32, #tpu.memory_space<vmem_shared>>)
      tpu.yield
    }) : () -> ()
    %barrier3A = arith.constant 0 : index
    tpu.barrier barrier_id(%barrier3A)
    %eq3A_25 = arith.constant 0 : i32
    %eq3A_26 = arith.cmpi eq, %arg0, %eq3A_25 : i32
    %convert_element_type3A_27 = arith.extui %eq3A_26 : i1 to i32
    %cond3A_28 = arith.constant 0 : i32
    %cond3A_29 = arith.cmpi ne, %convert_element_type3A_27, %cond3A_28 : i32
    scf.if %cond3A_29 {
      %dma_start3A = arith.constant 0 : i32
      %dma_start3A_58 = arith.constant 0 : i32
      %dma_start3A_59 = tpu.memref_slice %arg9[%dma_start3A, %dma_start3A_58] : memref<96x128xi32, #tpu.memory_space<vmem>> -> memref<1x128xi32, #tpu.memory_space<vmem>>
      %dma_start3A_60 = tpu.memref_squeeze %dma_start3A_59 : memref<1x128xi32, #tpu.memory_space<vmem>> -> memref<128xi32, #tpu.memory_space<vmem>>
      %dma_start3A_61 = arith.constant 0 : i32
      %dma_start3A_62 = arith.constant 0 : i32
      %dma_start3A_63 = tpu.memref_slice %arg2[%dma_start3A_61, %dma_start3A_62] : memref<10000x64xf32, #tpu.memory_space<hbm>> -> memref<10000x64xf32, #tpu.memory_space<hbm>>
      tpu.enqueue_indirect_dma source(%dma_start3A_63 : memref<10000x64xf32, #tpu.memory_space<hbm>>) target(%arg11 : memref<128x64xf32, #tpu.memory_space<vmem>>) offsets(%dma_start3A_60 : memref<128xi32, #tpu.memory_space<vmem>>) semaphore(%arg16 : memref<!tpu.dma_semaphore, #tpu.memory_space<semaphore_mem>>)
      %dma_start3A_64 = arith.constant 1 : i32
      %dma_start3A_65 = arith.constant 0 : i32
      %dma_start3A_66 = tpu.memref_slice %arg9[%dma_start3A_64, %dma_start3A_65] : memref<96x128xi32, #tpu.memory_space<vmem>> -> memref<1x128xi32, #tpu.memory_space<vmem>>
      %dma_start3A_67 = tpu.memref_squeeze %dma_start3A_66 : memref<1x128xi32, #tpu.memory_space<vmem>> -> memref<128xi32, #tpu.memory_space<vmem>>
      %dma_start3A_68 = arith.constant 0 : i32
      %dma_start3A_69 = arith.constant 0 : i32
      %dma_start3A_70 = tpu.memref_slice %arg2[%dma_start3A_68, %dma_start3A_69] : memref<10000x64xf32, #tpu.memory_space<hbm>> -> memref<10000x64xf32, #tpu.memory_space<hbm>>
      tpu.enqueue_indirect_dma source(%dma_start3A_70 : memref<10000x64xf32, #tpu.memory_space<hbm>>) target(%arg12 : memref<128x64xf32, #tpu.memory_space<vmem>>) offsets(%dma_start3A_67 : memref<128xi32, #tpu.memory_space<vmem>>) semaphore(%arg17 : memref<!tpu.dma_semaphore, #tpu.memory_space<semaphore_mem>>)
      %dma_start3A_71 = arith.constant 2 : i32
      %dma_start3A_72 = arith.constant 0 : i32
      %dma_start3A_73 = tpu.memref_slice %arg9[%dma_start3A_71, %dma_start3A_72] : memref<96x128xi32, #tpu.memory_space<vmem>> -> memref<1x128xi32, #tpu.memory_space<vmem>>
      %dma_start3A_74 = tpu.memref_squeeze %dma_start3A_73 : memref<1x128xi32, #tpu.memory_space<vmem>> -> memref<128xi32, #tpu.memory_space<vmem>>
      %dma_start3A_75 = arith.constant 0 : i32
      %dma_start3A_76 = arith.constant 0 : i32
      %dma_start3A_77 = tpu.memref_slice %arg2[%dma_start3A_75, %dma_start3A_76] : memref<10000x64xf32, #tpu.memory_space<hbm>> -> memref<10000x64xf32, #tpu.memory_space<hbm>>
      tpu.enqueue_indirect_dma source(%dma_start3A_77 : memref<10000x64xf32, #tpu.memory_space<hbm>>) target(%arg13 : memref<128x64xf32, #tpu.memory_space<vmem>>) offsets(%dma_start3A_74 : memref<128xi32, #tpu.memory_space<vmem>>) semaphore(%arg18 : memref<!tpu.dma_semaphore, #tpu.memory_space<semaphore_mem>>)
      %scan3A = arith.constant 0 : i32
      %scan3A_78 = arith.constant 0 : i32
      %scan3A_79 = arith.constant 21 : i32
      %scan3A_80 = arith.addi %scan3A_78, %scan3A_79 : i32
      %scan3A_81 = arith.constant 1 : i32
      scf.for %scan3A_89 = %scan3A_78 to %scan3A_80 step %scan3A_81  : i32 {
        %mul3A_90 = arith.constant 3 : i32
        %mul3A_91 = arith.muli %scan3A_89, %mul3A_90 : i32
        %add3A_92 = arith.constant 0 : i32
        %add3A_93 = arith.addi %mul3A_91, %add3A_92 : i32
        %dma_wait3A_94 = arith.constant 0 : i32
        %dma_wait3A_95 = tpu.memref_slice %arg9[%add3A_93, %dma_wait3A_94] : memref<96x128xi32, #tpu.memory_space<vmem>> -> memref<1x128xi32, #tpu.memory_space<vmem>>
        %dma_wait3A_96 = tpu.memref_squeeze %dma_wait3A_95 : memref<1x128xi32, #tpu.memory_space<vmem>> -> memref<128xi32, #tpu.memory_space<vmem>>
        %dma_wait3A_97 = arith.constant 0 : i32
        %dma_wait3A_98 = arith.constant 0 : i32
        %dma_wait3A_99 = tpu.memref_slice %arg2[%dma_wait3A_97, %dma_wait3A_98] : memref<10000x64xf32, #tpu.memory_space<hbm>> -> memref<10000x64xf32, #tpu.memory_space<hbm>>
        tpu.wait_indirect_dma semaphore(%arg16 : memref<!tpu.dma_semaphore, #tpu.memory_space<semaphore_mem>>) src(%dma_wait3A_99 : memref<10000x64xf32, #tpu.memory_space<hbm>>) dst(%arg11 : memref<128x64xf32, #tpu.memory_space<vmem>>)
        "tpu.region"() ({
          %run_scoped3A_136 = tpu.sem_alloc : memref<!tpu.dma_semaphore, #tpu.memory_space<semaphore_mem>>
          %dma_start3A_137 = arith.constant 0 : i32
          %dma_start3A_138 = tpu.memref_slice %arg10[%add3A_93, %dma_start3A_137] : memref<96x128xi32, #tpu.memory_space<vmem>> -> memref<1x128xi32, #tpu.memory_space<vmem>>
          %dma_start3A_139 = tpu.memref_squeeze %dma_start3A_138 : memref<1x128xi32, #tpu.memory_space<vmem>> -> memref<128xi32, #tpu.memory_space<vmem>>
          %dma_start3A_140 = arith.constant 0 : i32
          %dma_start3A_141 = arith.constant 0 : i32
          %dma_start3A_142 = tpu.memref_slice %arg15[%dma_start3A_140, %dma_start3A_141] : memref<10240x64xf32, #tpu.memory_space<vmem_shared>> -> memref<10240x64xf32, #tpu.memory_space<vmem_shared>>
          tpu.enqueue_indirect_dma source(%arg11 : memref<128x64xf32, #tpu.memory_space<vmem>>) target(%dma_start3A_142 : memref<10240x64xf32, #tpu.memory_space<vmem_shared>>) offsets(%dma_start3A_139 : memref<128xi32, #tpu.memory_space<vmem>>) semaphore(%run_scoped3A_136 : memref<!tpu.dma_semaphore, #tpu.memory_space<semaphore_mem>>) {add = true}
          %dma_wait3A_143 = arith.constant 0 : i32
          %dma_wait3A_144 = tpu.memref_slice %arg10[%add3A_93, %dma_wait3A_143] : memref<96x128xi32, #tpu.memory_space<vmem>> -> memref<1x128xi32, #tpu.memory_space<vmem>>
          %dma_wait3A_145 = tpu.memref_squeeze %dma_wait3A_144 : memref<1x128xi32, #tpu.memory_space<vmem>> -> memref<128xi32, #tpu.memory_space<vmem>>
          %dma_wait3A_146 = arith.constant 0 : i32
          %dma_wait3A_147 = arith.constant 0 : i32
          %dma_wait3A_148 = tpu.memref_slice %arg15[%dma_wait3A_146, %dma_wait3A_147] : memref<10240x64xf32, #tpu.memory_space<vmem_shared>> -> memref<10240x64xf32, #tpu.memory_space<vmem_shared>>
          tpu.wait_indirect_dma semaphore(%run_scoped3A_136 : memref<!tpu.dma_semaphore, #tpu.memory_space<semaphore_mem>>) src(%arg11 : memref<128x64xf32, #tpu.memory_space<vmem>>) dst(%dma_wait3A_148 : memref<10240x64xf32, #tpu.memory_space<vmem_shared>>)
          tpu.yield
        }) : () -> ()
        %add3A_100 = arith.constant 3 : i32
        %add3A_101 = arith.addi %add3A_93, %add3A_100 : i32
        %lt3A = arith.constant 64 : i32
        %lt3A_102 = arith.cmpi slt, %add3A_101, %lt3A : i32
        %convert_element_type3A_103 = arith.extui %lt3A_102 : i1 to i32
        %cond3A_104 = arith.constant 0 : i32
        %cond3A_105 = arith.cmpi ne, %convert_element_type3A_103, %cond3A_104 : i32
        scf.if %cond3A_105 {
          %add3A_136 = arith.constant 3 : i32
          %add3A_137 = arith.addi %add3A_93, %add3A_136 : i32
          %dma_start3A_138 = arith.constant 0 : i32
          %dma_start3A_139 = tpu.memref_slice %arg9[%add3A_137, %dma_start3A_138] : memref<96x128xi32, #tpu.memory_space<vmem>> -> memref<1x128xi32, #tpu.memory_space<vmem>>
          %dma_start3A_140 = tpu.memref_squeeze %dma_start3A_139 : memref<1x128xi32, #tpu.memory_space<vmem>> -> memref<128xi32, #tpu.memory_space<vmem>>
          %dma_start3A_141 = arith.constant 0 : i32
          %dma_start3A_142 = arith.constant 0 : i32
          %dma_start3A_143 = tpu.memref_slice %arg2[%dma_start3A_141, %dma_start3A_142] : memref<10000x64xf32, #tpu.memory_space<hbm>> -> memref<10000x64xf32, #tpu.memory_space<hbm>>
          tpu.enqueue_indirect_dma source(%dma_start3A_143 : memref<10000x64xf32, #tpu.memory_space<hbm>>) target(%arg11 : memref<128x64xf32, #tpu.memory_space<vmem>>) offsets(%dma_start3A_140 : memref<128xi32, #tpu.memory_space<vmem>>) semaphore(%arg16 : memref<!tpu.dma_semaphore, #tpu.memory_space<semaphore_mem>>)
        } else {
        }
        %add3A_106 = arith.constant 1 : i32
        %add3A_107 = arith.addi %mul3A_91, %add3A_106 : i32
        %dma_wait3A_108 = arith.constant 0 : i32
        %dma_wait3A_109 = tpu.memref_slice %arg9[%add3A_107, %dma_wait3A_108] : memref<96x128xi32, #tpu.memory_space<vmem>> -> memref<1x128xi32, #tpu.memory_space<vmem>>
        %dma_wait3A_110 = tpu.memref_squeeze %dma_wait3A_109 : memref<1x128xi32, #tpu.memory_space<vmem>> -> memref<128xi32, #tpu.memory_space<vmem>>
        %dma_wait3A_111 = arith.constant 0 : i32
        %dma_wait3A_112 = arith.constant 0 : i32
        %dma_wait3A_113 = tpu.memref_slice %arg2[%dma_wait3A_111, %dma_wait3A_112] : memref<10000x64xf32, #tpu.memory_space<hbm>> -> memref<10000x64xf32, #tpu.memory_space<hbm>>
        tpu.wait_indirect_dma semaphore(%arg17 : memref<!tpu.dma_semaphore, #tpu.memory_space<semaphore_mem>>) src(%dma_wait3A_113 : memref<10000x64xf32, #tpu.memory_space<hbm>>) dst(%arg12 : memref<128x64xf32, #tpu.memory_space<vmem>>)
        "tpu.region"() ({
          %run_scoped3A_136 = tpu.sem_alloc : memref<!tpu.dma_semaphore, #tpu.memory_space<semaphore_mem>>
          %dma_start3A_137 = arith.constant 0 : i32
          %dma_start3A_138 = tpu.memref_slice %arg10[%add3A_107, %dma_start3A_137] : memref<96x128xi32, #tpu.memory_space<vmem>> -> memref<1x128xi32, #tpu.memory_space<vmem>>
          %dma_start3A_139 = tpu.memref_squeeze %dma_start3A_138 : memref<1x128xi32, #tpu.memory_space<vmem>> -> memref<128xi32, #tpu.memory_space<vmem>>
          %dma_start3A_140 = arith.constant 0 : i32
          %dma_start3A_141 = arith.constant 0 : i32
          %dma_start3A_142 = tpu.memref_slice %arg15[%dma_start3A_140, %dma_start3A_141] : memref<10240x64xf32, #tpu.memory_space<vmem_shared>> -> memref<10240x64xf32, #tpu.memory_space<vmem_shared>>
          tpu.enqueue_indirect_dma source(%arg12 : memref<128x64xf32, #tpu.memory_space<vmem>>) target(%dma_start3A_142 : memref<10240x64xf32, #tpu.memory_space<vmem_shared>>) offsets(%dma_start3A_139 : memref<128xi32, #tpu.memory_space<vmem>>) semaphore(%run_scoped3A_136 : memref<!tpu.dma_semaphore, #tpu.memory_space<semaphore_mem>>) {add = true}
          %dma_wait3A_143 = arith.constant 0 : i32
          %dma_wait3A_144 = tpu.memref_slice %arg10[%add3A_107, %dma_wait3A_143] : memref<96x128xi32, #tpu.memory_space<vmem>> -> memref<1x128xi32, #tpu.memory_space<vmem>>
          %dma_wait3A_145 = tpu.memref_squeeze %dma_wait3A_144 : memref<1x128xi32, #tpu.memory_space<vmem>> -> memref<128xi32, #tpu.memory_space<vmem>>
          %dma_wait3A_146 = arith.constant 0 : i32
          %dma_wait3A_147 = arith.constant 0 : i32
          %dma_wait3A_148 = tpu.memref_slice %arg15[%dma_wait3A_146, %dma_wait3A_147] : memref<10240x64xf32, #tpu.memory_space<vmem_shared>> -> memref<10240x64xf32, #tpu.memory_space<vmem_shared>>
          tpu.wait_indirect_dma semaphore(%run_scoped3A_136 : memref<!tpu.dma_semaphore, #tpu.memory_space<semaphore_mem>>) src(%arg12 : memref<128x64xf32, #tpu.memory_space<vmem>>) dst(%dma_wait3A_148 : memref<10240x64xf32, #tpu.memory_space<vmem_shared>>)
          tpu.yield
        }) : () -> ()
        %add3A_114 = arith.constant 3 : i32
        %add3A_115 = arith.addi %add3A_107, %add3A_114 : i32
        %lt3A_116 = arith.constant 64 : i32
        %lt3A_117 = arith.cmpi slt, %add3A_115, %lt3A_116 : i32
        %convert_element_type3A_118 = arith.extui %lt3A_117 : i1 to i32
        %cond3A_119 = arith.constant 0 : i32
        %cond3A_120 = arith.cmpi ne, %convert_element_type3A_118, %cond3A_119 : i32
        scf.if %cond3A_120 {
          %add3A_136 = arith.constant 3 : i32
          %add3A_137 = arith.addi %add3A_107, %add3A_136 : i32
          %dma_start3A_138 = arith.constant 0 : i32
          %dma_start3A_139 = tpu.memref_slice %arg9[%add3A_137, %dma_start3A_138] : memref<96x128xi32, #tpu.memory_space<vmem>> -> memref<1x128xi32, #tpu.memory_space<vmem>>
          %dma_start3A_140 = tpu.memref_squeeze %dma_start3A_139 : memref<1x128xi32, #tpu.memory_space<vmem>> -> memref<128xi32, #tpu.memory_space<vmem>>
          %dma_start3A_141 = arith.constant 0 : i32
          %dma_start3A_142 = arith.constant 0 : i32
          %dma_start3A_143 = tpu.memref_slice %arg2[%dma_start3A_141, %dma_start3A_142] : memref<10000x64xf32, #tpu.memory_space<hbm>> -> memref<10000x64xf32, #tpu.memory_space<hbm>>
          tpu.enqueue_indirect_dma source(%dma_start3A_143 : memref<10000x64xf32, #tpu.memory_space<hbm>>) target(%arg12 : memref<128x64xf32, #tpu.memory_space<vmem>>) offsets(%dma_start3A_140 : memref<128xi32, #tpu.memory_space<vmem>>) semaphore(%arg17 : memref<!tpu.dma_semaphore, #tpu.memory_space<semaphore_mem>>)
        } else {
        }
        %add3A_121 = arith.constant 2 : i32
        %add3A_122 = arith.addi %mul3A_91, %add3A_121 : i32
        %dma_wait3A_123 = arith.constant 0 : i32
        %dma_wait3A_124 = tpu.memref_slice %arg9[%add3A_122, %dma_wait3A_123] : memref<96x128xi32, #tpu.memory_space<vmem>> -> memref<1x128xi32, #tpu.memory_space<vmem>>
        %dma_wait3A_125 = tpu.memref_squeeze %dma_wait3A_124 : memref<1x128xi32, #tpu.memory_space<vmem>> -> memref<128xi32, #tpu.memory_space<vmem>>
        %dma_wait3A_126 = arith.constant 0 : i32
        %dma_wait3A_127 = arith.constant 0 : i32
        %dma_wait3A_128 = tpu.memref_slice %arg2[%dma_wait3A_126, %dma_wait3A_127] : memref<10000x64xf32, #tpu.memory_space<hbm>> -> memref<10000x64xf32, #tpu.memory_space<hbm>>
        tpu.wait_indirect_dma semaphore(%arg18 : memref<!tpu.dma_semaphore, #tpu.memory_space<semaphore_mem>>) src(%dma_wait3A_128 : memref<10000x64xf32, #tpu.memory_space<hbm>>) dst(%arg13 : memref<128x64xf32, #tpu.memory_space<vmem>>)
        "tpu.region"() ({
          %run_scoped3A_136 = tpu.sem_alloc : memref<!tpu.dma_semaphore, #tpu.memory_space<semaphore_mem>>
          %dma_start3A_137 = arith.constant 0 : i32
          %dma_start3A_138 = tpu.memref_slice %arg10[%add3A_122, %dma_start3A_137] : memref<96x128xi32, #tpu.memory_space<vmem>> -> memref<1x128xi32, #tpu.memory_space<vmem>>
          %dma_start3A_139 = tpu.memref_squeeze %dma_start3A_138 : memref<1x128xi32, #tpu.memory_space<vmem>> -> memref<128xi32, #tpu.memory_space<vmem>>
          %dma_start3A_140 = arith.constant 0 : i32
          %dma_start3A_141 = arith.constant 0 : i32
          %dma_start3A_142 = tpu.memref_slice %arg15[%dma_start3A_140, %dma_start3A_141] : memref<10240x64xf32, #tpu.memory_space<vmem_shared>> -> memref<10240x64xf32, #tpu.memory_space<vmem_shared>>
          tpu.enqueue_indirect_dma source(%arg13 : memref<128x64xf32, #tpu.memory_space<vmem>>) target(%dma_start3A_142 : memref<10240x64xf32, #tpu.memory_space<vmem_shared>>) offsets(%dma_start3A_139 : memref<128xi32, #tpu.memory_space<vmem>>) semaphore(%run_scoped3A_136 : memref<!tpu.dma_semaphore, #tpu.memory_space<semaphore_mem>>) {add = true}
          %dma_wait3A_143 = arith.constant 0 : i32
          %dma_wait3A_144 = tpu.memref_slice %arg10[%add3A_122, %dma_wait3A_143] : memref<96x128xi32, #tpu.memory_space<vmem>> -> memref<1x128xi32, #tpu.memory_space<vmem>>
          %dma_wait3A_145 = tpu.memref_squeeze %dma_wait3A_144 : memref<1x128xi32, #tpu.memory_space<vmem>> -> memref<128xi32, #tpu.memory_space<vmem>>
          %dma_wait3A_146 = arith.constant 0 : i32
          %dma_wait3A_147 = arith.constant 0 : i32
          %dma_wait3A_148 = tpu.memref_slice %arg15[%dma_wait3A_146, %dma_wait3A_147] : memref<10240x64xf32, #tpu.memory_space<vmem_shared>> -> memref<10240x64xf32, #tpu.memory_space<vmem_shared>>
          tpu.wait_indirect_dma semaphore(%run_scoped3A_136 : memref<!tpu.dma_semaphore, #tpu.memory_space<semaphore_mem>>) src(%arg13 : memref<128x64xf32, #tpu.memory_space<vmem>>) dst(%dma_wait3A_148 : memref<10240x64xf32, #tpu.memory_space<vmem_shared>>)
          tpu.yield
        }) : () -> ()
        %add3A_129 = arith.constant 3 : i32
        %add3A_130 = arith.addi %add3A_122, %add3A_129 : i32
        %lt3A_131 = arith.constant 64 : i32
        %lt3A_132 = arith.cmpi slt, %add3A_130, %lt3A_131 : i32
        %convert_element_type3A_133 = arith.extui %lt3A_132 : i1 to i32
        %cond3A_134 = arith.constant 0 : i32
        %cond3A_135 = arith.cmpi ne, %convert_element_type3A_133, %cond3A_134 : i32
        scf.if %cond3A_135 {
          %add3A_136 = arith.constant 3 : i32
          %add3A_137 = arith.addi %add3A_122, %add3A_136 : i32
          %dma_start3A_138 = arith.constant 0 : i32
          %dma_start3A_139 = tpu.memref_slice %arg9[%add3A_137, %dma_start3A_138] : memref<96x128xi32, #tpu.memory_space<vmem>> -> memref<1x128xi32, #tpu.memory_space<vmem>>
          %dma_start3A_140 = tpu.memref_squeeze %dma_start3A_139 : memref<1x128xi32, #tpu.memory_space<vmem>> -> memref<128xi32, #tpu.memory_space<vmem>>
          %dma_start3A_141 = arith.constant 0 : i32
          %dma_start3A_142 = arith.constant 0 : i32
          %dma_start3A_143 = tpu.memref_slice %arg2[%dma_start3A_141, %dma_start3A_142] : memref<10000x64xf32, #tpu.memory_space<hbm>> -> memref<10000x64xf32, #tpu.memory_space<hbm>>
          tpu.enqueue_indirect_dma source(%dma_start3A_143 : memref<10000x64xf32, #tpu.memory_space<hbm>>) target(%arg13 : memref<128x64xf32, #tpu.memory_space<vmem>>) offsets(%dma_start3A_140 : memref<128xi32, #tpu.memory_space<vmem>>) semaphore(%arg18 : memref<!tpu.dma_semaphore, #tpu.memory_space<semaphore_mem>>)
        } else {
        }
      }
      %scan3A_82 = arith.constant 21 : i32
      %dma_wait3A = arith.constant 63 : i32
      %dma_wait3A_83 = arith.constant 0 : i32
      %dma_wait3A_84 = tpu.memref_slice %arg9[%dma_wait3A, %dma_wait3A_83] : memref<96x128xi32, #tpu.memory_space<vmem>> -> memref<1x128xi32, #tpu.memory_space<vmem>>
      %dma_wait3A_85 = tpu.memref_squeeze %dma_wait3A_84 : memref<1x128xi32, #tpu.memory_space<vmem>> -> memref<128xi32, #tpu.memory_space<vmem>>
      %dma_wait3A_86 = arith.constant 0 : i32
      %dma_wait3A_87 = arith.constant 0 : i32
      %dma_wait3A_88 = tpu.memref_slice %arg2[%dma_wait3A_86, %dma_wait3A_87] : memref<10000x64xf32, #tpu.memory_space<hbm>> -> memref<10000x64xf32, #tpu.memory_space<hbm>>
      tpu.wait_indirect_dma semaphore(%arg16 : memref<!tpu.dma_semaphore, #tpu.memory_space<semaphore_mem>>) src(%dma_wait3A_88 : memref<10000x64xf32, #tpu.memory_space<hbm>>) dst(%arg11 : memref<128x64xf32, #tpu.memory_space<vmem>>)
      %run_scoped3A = arith.constant 63 : i32
      "tpu.region"() ({
        %run_scoped3A_89 = tpu.sem_alloc : memref<!tpu.dma_semaphore, #tpu.memory_space<semaphore_mem>>
        %dma_start3A_90 = arith.constant 0 : i32
        %dma_start3A_91 = tpu.memref_slice %arg10[%run_scoped3A, %dma_start3A_90] : memref<96x128xi32, #tpu.memory_space<vmem>> -> memref<1x128xi32, #tpu.memory_space<vmem>>
        %dma_start3A_92 = tpu.memref_squeeze %dma_start3A_91 : memref<1x128xi32, #tpu.memory_space<vmem>> -> memref<128xi32, #tpu.memory_space<vmem>>
        %dma_start3A_93 = arith.constant 0 : i32
        %dma_start3A_94 = arith.constant 0 : i32
        %dma_start3A_95 = tpu.memref_slice %arg15[%dma_start3A_93, %dma_start3A_94] : memref<10240x64xf32, #tpu.memory_space<vmem_shared>> -> memref<10240x64xf32, #tpu.memory_space<vmem_shared>>
        tpu.enqueue_indirect_dma source(%arg11 : memref<128x64xf32, #tpu.memory_space<vmem>>) target(%dma_start3A_95 : memref<10240x64xf32, #tpu.memory_space<vmem_shared>>) offsets(%dma_start3A_92 : memref<128xi32, #tpu.memory_space<vmem>>) semaphore(%run_scoped3A_89 : memref<!tpu.dma_semaphore, #tpu.memory_space<semaphore_mem>>) {add = true}
        %dma_wait3A_96 = arith.constant 0 : i32
        %dma_wait3A_97 = tpu.memref_slice %arg10[%run_scoped3A, %dma_wait3A_96] : memref<96x128xi32, #tpu.memory_space<vmem>> -> memref<1x128xi32, #tpu.memory_space<vmem>>
        %dma_wait3A_98 = tpu.memref_squeeze %dma_wait3A_97 : memref<1x128xi32, #tpu.memory_space<vmem>> -> memref<128xi32, #tpu.memory_space<vmem>>
        %dma_wait3A_99 = arith.constant 0 : i32
        %dma_wait3A_100 = arith.constant 0 : i32
        %dma_wait3A_101 = tpu.memref_slice %arg15[%dma_wait3A_99, %dma_wait3A_100] : memref<10240x64xf32, #tpu.memory_space<vmem_shared>> -> memref<10240x64xf32, #tpu.memory_space<vmem_shared>>
        tpu.wait_indirect_dma semaphore(%run_scoped3A_89 : memref<!tpu.dma_semaphore, #tpu.memory_space<semaphore_mem>>) src(%arg11 : memref<128x64xf32, #tpu.memory_space<vmem>>) dst(%dma_wait3A_101 : memref<10240x64xf32, #tpu.memory_space<vmem_shared>>)
        tpu.yield
      }) : () -> ()
    } else {
    }
    %eq3A_30 = arith.constant 1 : i32
    %eq3A_31 = arith.cmpi eq, %arg0, %eq3A_30 : i32
    %convert_element_type3A_32 = arith.extui %eq3A_31 : i1 to i32
    %cond3A_33 = arith.constant 0 : i32
    %cond3A_34 = arith.cmpi ne, %convert_element_type3A_32, %cond3A_33 : i32
    scf.if %cond3A_34 {
      %dma_start3A = arith.constant 0 : i32
      %dma_start3A_58 = arith.constant 0 : i32
      %dma_start3A_59 = tpu.memref_slice %arg9[%dma_start3A, %dma_start3A_58] : memref<96x128xi32, #tpu.memory_space<vmem>> -> memref<1x128xi32, #tpu.memory_space<vmem>>
      %dma_start3A_60 = tpu.memref_squeeze %dma_start3A_59 : memref<1x128xi32, #tpu.memory_space<vmem>> -> memref<128xi32, #tpu.memory_space<vmem>>
      %dma_start3A_61 = arith.constant 0 : i32
      %dma_start3A_62 = arith.constant 0 : i32
      %dma_start3A_63 = tpu.memref_slice %arg2[%dma_start3A_61, %dma_start3A_62] : memref<10000x64xf32, #tpu.memory_space<hbm>> -> memref<10000x64xf32, #tpu.memory_space<hbm>>
      tpu.enqueue_indirect_dma source(%dma_start3A_63 : memref<10000x64xf32, #tpu.memory_space<hbm>>) target(%arg11 : memref<128x64xf32, #tpu.memory_space<vmem>>) offsets(%dma_start3A_60 : memref<128xi32, #tpu.memory_space<vmem>>) semaphore(%arg16 : memref<!tpu.dma_semaphore, #tpu.memory_space<semaphore_mem>>)
      %dma_start3A_64 = arith.constant 1 : i32
      %dma_start3A_65 = arith.constant 0 : i32
      %dma_start3A_66 = tpu.memref_slice %arg9[%dma_start3A_64, %dma_start3A_65] : memref<96x128xi32, #tpu.memory_space<vmem>> -> memref<1x128xi32, #tpu.memory_space<vmem>>
      %dma_start3A_67 = tpu.memref_squeeze %dma_start3A_66 : memref<1x128xi32, #tpu.memory_space<vmem>> -> memref<128xi32, #tpu.memory_space<vmem>>
      %dma_start3A_68 = arith.constant 0 : i32
      %dma_start3A_69 = arith.constant 0 : i32
      %dma_start3A_70 = tpu.memref_slice %arg2[%dma_start3A_68, %dma_start3A_69] : memref<10000x64xf32, #tpu.memory_space<hbm>> -> memref<10000x64xf32, #tpu.memory_space<hbm>>
      tpu.enqueue_indirect_dma source(%dma_start3A_70 : memref<10000x64xf32, #tpu.memory_space<hbm>>) target(%arg12 : memref<128x64xf32, #tpu.memory_space<vmem>>) offsets(%dma_start3A_67 : memref<128xi32, #tpu.memory_space<vmem>>) semaphore(%arg17 : memref<!tpu.dma_semaphore, #tpu.memory_space<semaphore_mem>>)
      %dma_start3A_71 = arith.constant 2 : i32
      %dma_start3A_72 = arith.constant 0 : i32
      %dma_start3A_73 = tpu.memref_slice %arg9[%dma_start3A_71, %dma_start3A_72] : memref<96x128xi32, #tpu.memory_space<vmem>> -> memref<1x128xi32, #tpu.memory_space<vmem>>
      %dma_start3A_74 = tpu.memref_squeeze %dma_start3A_73 : memref<1x128xi32, #tpu.memory_space<vmem>> -> memref<128xi32, #tpu.memory_space<vmem>>
      %dma_start3A_75 = arith.constant 0 : i32
      %dma_start3A_76 = arith.constant 0 : i32
      %dma_start3A_77 = tpu.memref_slice %arg2[%dma_start3A_75, %dma_start3A_76] : memref<10000x64xf32, #tpu.memory_space<hbm>> -> memref<10000x64xf32, #tpu.memory_space<hbm>>
      tpu.enqueue_indirect_dma source(%dma_start3A_77 : memref<10000x64xf32, #tpu.memory_space<hbm>>) target(%arg13 : memref<128x64xf32, #tpu.memory_space<vmem>>) offsets(%dma_start3A_74 : memref<128xi32, #tpu.memory_space<vmem>>) semaphore(%arg18 : memref<!tpu.dma_semaphore, #tpu.memory_space<semaphore_mem>>)
      %scan3A = arith.constant 0 : i32
      %scan3A_78 = arith.constant 0 : i32
      %scan3A_79 = arith.constant 32 : i32
      %scan3A_80 = arith.addi %scan3A_78, %scan3A_79 : i32
      %scan3A_81 = arith.constant 1 : i32
      scf.for %scan3A_83 = %scan3A_78 to %scan3A_80 step %scan3A_81  : i32 {
        %mul3A_84 = arith.constant 3 : i32
        %mul3A_85 = arith.muli %scan3A_83, %mul3A_84 : i32
        %add3A_86 = arith.constant 0 : i32
        %add3A_87 = arith.addi %mul3A_85, %add3A_86 : i32
        %dma_wait3A = arith.constant 0 : i32
        %dma_wait3A_88 = tpu.memref_slice %arg9[%add3A_87, %dma_wait3A] : memref<96x128xi32, #tpu.memory_space<vmem>> -> memref<1x128xi32, #tpu.memory_space<vmem>>
        %dma_wait3A_89 = tpu.memref_squeeze %dma_wait3A_88 : memref<1x128xi32, #tpu.memory_space<vmem>> -> memref<128xi32, #tpu.memory_space<vmem>>
        %dma_wait3A_90 = arith.constant 0 : i32
        %dma_wait3A_91 = arith.constant 0 : i32
        %dma_wait3A_92 = tpu.memref_slice %arg2[%dma_wait3A_90, %dma_wait3A_91] : memref<10000x64xf32, #tpu.memory_space<hbm>> -> memref<10000x64xf32, #tpu.memory_space<hbm>>
        tpu.wait_indirect_dma semaphore(%arg16 : memref<!tpu.dma_semaphore, #tpu.memory_space<semaphore_mem>>) src(%dma_wait3A_92 : memref<10000x64xf32, #tpu.memory_space<hbm>>) dst(%arg11 : memref<128x64xf32, #tpu.memory_space<vmem>>)
        "tpu.region"() ({
          %run_scoped3A = tpu.sem_alloc : memref<!tpu.dma_semaphore, #tpu.memory_space<semaphore_mem>>
          %dma_start3A_129 = arith.constant 0 : i32
          %dma_start3A_130 = tpu.memref_slice %arg10[%add3A_87, %dma_start3A_129] : memref<96x128xi32, #tpu.memory_space<vmem>> -> memref<1x128xi32, #tpu.memory_space<vmem>>
          %dma_start3A_131 = tpu.memref_squeeze %dma_start3A_130 : memref<1x128xi32, #tpu.memory_space<vmem>> -> memref<128xi32, #tpu.memory_space<vmem>>
          %dma_start3A_132 = arith.constant 0 : i32
          %dma_start3A_133 = arith.constant 0 : i32
          %dma_start3A_134 = tpu.memref_slice %arg15[%dma_start3A_132, %dma_start3A_133] : memref<10240x64xf32, #tpu.memory_space<vmem_shared>> -> memref<10240x64xf32, #tpu.memory_space<vmem_shared>>
          tpu.enqueue_indirect_dma source(%arg11 : memref<128x64xf32, #tpu.memory_space<vmem>>) target(%dma_start3A_134 : memref<10240x64xf32, #tpu.memory_space<vmem_shared>>) offsets(%dma_start3A_131 : memref<128xi32, #tpu.memory_space<vmem>>) semaphore(%run_scoped3A : memref<!tpu.dma_semaphore, #tpu.memory_space<semaphore_mem>>) {add = true}
          %dma_wait3A_135 = arith.constant 0 : i32
          %dma_wait3A_136 = tpu.memref_slice %arg10[%add3A_87, %dma_wait3A_135] : memref<96x128xi32, #tpu.memory_space<vmem>> -> memref<1x128xi32, #tpu.memory_space<vmem>>
          %dma_wait3A_137 = tpu.memref_squeeze %dma_wait3A_136 : memref<1x128xi32, #tpu.memory_space<vmem>> -> memref<128xi32, #tpu.memory_space<vmem>>
          %dma_wait3A_138 = arith.constant 0 : i32
          %dma_wait3A_139 = arith.constant 0 : i32
          %dma_wait3A_140 = tpu.memref_slice %arg15[%dma_wait3A_138, %dma_wait3A_139] : memref<10240x64xf32, #tpu.memory_space<vmem_shared>> -> memref<10240x64xf32, #tpu.memory_space<vmem_shared>>
          tpu.wait_indirect_dma semaphore(%run_scoped3A : memref<!tpu.dma_semaphore, #tpu.memory_space<semaphore_mem>>) src(%arg11 : memref<128x64xf32, #tpu.memory_space<vmem>>) dst(%dma_wait3A_140 : memref<10240x64xf32, #tpu.memory_space<vmem_shared>>)
          tpu.yield
        }) : () -> ()
        %add3A_93 = arith.constant 3 : i32
        %add3A_94 = arith.addi %add3A_87, %add3A_93 : i32
        %lt3A = arith.constant 96 : i32
        %lt3A_95 = arith.cmpi slt, %add3A_94, %lt3A : i32
        %convert_element_type3A_96 = arith.extui %lt3A_95 : i1 to i32
        %cond3A_97 = arith.constant 0 : i32
        %cond3A_98 = arith.cmpi ne, %convert_element_type3A_96, %cond3A_97 : i32
        scf.if %cond3A_98 {
          %add3A_129 = arith.constant 3 : i32
          %add3A_130 = arith.addi %add3A_87, %add3A_129 : i32
          %dma_start3A_131 = arith.constant 0 : i32
          %dma_start3A_132 = tpu.memref_slice %arg9[%add3A_130, %dma_start3A_131] : memref<96x128xi32, #tpu.memory_space<vmem>> -> memref<1x128xi32, #tpu.memory_space<vmem>>
          %dma_start3A_133 = tpu.memref_squeeze %dma_start3A_132 : memref<1x128xi32, #tpu.memory_space<vmem>> -> memref<128xi32, #tpu.memory_space<vmem>>
          %dma_start3A_134 = arith.constant 0 : i32
          %dma_start3A_135 = arith.constant 0 : i32
          %dma_start3A_136 = tpu.memref_slice %arg2[%dma_start3A_134, %dma_start3A_135] : memref<10000x64xf32, #tpu.memory_space<hbm>> -> memref<10000x64xf32, #tpu.memory_space<hbm>>
          tpu.enqueue_indirect_dma source(%dma_start3A_136 : memref<10000x64xf32, #tpu.memory_space<hbm>>) target(%arg11 : memref<128x64xf32, #tpu.memory_space<vmem>>) offsets(%dma_start3A_133 : memref<128xi32, #tpu.memory_space<vmem>>) semaphore(%arg16 : memref<!tpu.dma_semaphore, #tpu.memory_space<semaphore_mem>>)
        } else {
        }
        %add3A_99 = arith.constant 1 : i32
        %add3A_100 = arith.addi %mul3A_85, %add3A_99 : i32
        %dma_wait3A_101 = arith.constant 0 : i32
        %dma_wait3A_102 = tpu.memref_slice %arg9[%add3A_100, %dma_wait3A_101] : memref<96x128xi32, #tpu.memory_space<vmem>> -> memref<1x128xi32, #tpu.memory_space<vmem>>
        %dma_wait3A_103 = tpu.memref_squeeze %dma_wait3A_102 : memref<1x128xi32, #tpu.memory_space<vmem>> -> memref<128xi32, #tpu.memory_space<vmem>>
        %dma_wait3A_104 = arith.constant 0 : i32
        %dma_wait3A_105 = arith.constant 0 : i32
        %dma_wait3A_106 = tpu.memref_slice %arg2[%dma_wait3A_104, %dma_wait3A_105] : memref<10000x64xf32, #tpu.memory_space<hbm>> -> memref<10000x64xf32, #tpu.memory_space<hbm>>
        tpu.wait_indirect_dma semaphore(%arg17 : memref<!tpu.dma_semaphore, #tpu.memory_space<semaphore_mem>>) src(%dma_wait3A_106 : memref<10000x64xf32, #tpu.memory_space<hbm>>) dst(%arg12 : memref<128x64xf32, #tpu.memory_space<vmem>>)
        "tpu.region"() ({
          %run_scoped3A = tpu.sem_alloc : memref<!tpu.dma_semaphore, #tpu.memory_space<semaphore_mem>>
          %dma_start3A_129 = arith.constant 0 : i32
          %dma_start3A_130 = tpu.memref_slice %arg10[%add3A_100, %dma_start3A_129] : memref<96x128xi32, #tpu.memory_space<vmem>> -> memref<1x128xi32, #tpu.memory_space<vmem>>
          %dma_start3A_131 = tpu.memref_squeeze %dma_start3A_130 : memref<1x128xi32, #tpu.memory_space<vmem>> -> memref<128xi32, #tpu.memory_space<vmem>>
          %dma_start3A_132 = arith.constant 0 : i32
          %dma_start3A_133 = arith.constant 0 : i32
          %dma_start3A_134 = tpu.memref_slice %arg15[%dma_start3A_132, %dma_start3A_133] : memref<10240x64xf32, #tpu.memory_space<vmem_shared>> -> memref<10240x64xf32, #tpu.memory_space<vmem_shared>>
          tpu.enqueue_indirect_dma source(%arg12 : memref<128x64xf32, #tpu.memory_space<vmem>>) target(%dma_start3A_134 : memref<10240x64xf32, #tpu.memory_space<vmem_shared>>) offsets(%dma_start3A_131 : memref<128xi32, #tpu.memory_space<vmem>>) semaphore(%run_scoped3A : memref<!tpu.dma_semaphore, #tpu.memory_space<semaphore_mem>>) {add = true}
          %dma_wait3A_135 = arith.constant 0 : i32
          %dma_wait3A_136 = tpu.memref_slice %arg10[%add3A_100, %dma_wait3A_135] : memref<96x128xi32, #tpu.memory_space<vmem>> -> memref<1x128xi32, #tpu.memory_space<vmem>>
          %dma_wait3A_137 = tpu.memref_squeeze %dma_wait3A_136 : memref<1x128xi32, #tpu.memory_space<vmem>> -> memref<128xi32, #tpu.memory_space<vmem>>
          %dma_wait3A_138 = arith.constant 0 : i32
          %dma_wait3A_139 = arith.constant 0 : i32
          %dma_wait3A_140 = tpu.memref_slice %arg15[%dma_wait3A_138, %dma_wait3A_139] : memref<10240x64xf32, #tpu.memory_space<vmem_shared>> -> memref<10240x64xf32, #tpu.memory_space<vmem_shared>>
          tpu.wait_indirect_dma semaphore(%run_scoped3A : memref<!tpu.dma_semaphore, #tpu.memory_space<semaphore_mem>>) src(%arg12 : memref<128x64xf32, #tpu.memory_space<vmem>>) dst(%dma_wait3A_140 : memref<10240x64xf32, #tpu.memory_space<vmem_shared>>)
          tpu.yield
        }) : () -> ()
        %add3A_107 = arith.constant 3 : i32
        %add3A_108 = arith.addi %add3A_100, %add3A_107 : i32
        %lt3A_109 = arith.constant 96 : i32
        %lt3A_110 = arith.cmpi slt, %add3A_108, %lt3A_109 : i32
        %convert_element_type3A_111 = arith.extui %lt3A_110 : i1 to i32
        %cond3A_112 = arith.constant 0 : i32
        %cond3A_113 = arith.cmpi ne, %convert_element_type3A_111, %cond3A_112 : i32
        scf.if %cond3A_113 {
          %add3A_129 = arith.constant 3 : i32
          %add3A_130 = arith.addi %add3A_100, %add3A_129 : i32
          %dma_start3A_131 = arith.constant 0 : i32
          %dma_start3A_132 = tpu.memref_slice %arg9[%add3A_130, %dma_start3A_131] : memref<96x128xi32, #tpu.memory_space<vmem>> -> memref<1x128xi32, #tpu.memory_space<vmem>>
          %dma_start3A_133 = tpu.memref_squeeze %dma_start3A_132 : memref<1x128xi32, #tpu.memory_space<vmem>> -> memref<128xi32, #tpu.memory_space<vmem>>
          %dma_start3A_134 = arith.constant 0 : i32
          %dma_start3A_135 = arith.constant 0 : i32
          %dma_start3A_136 = tpu.memref_slice %arg2[%dma_start3A_134, %dma_start3A_135] : memref<10000x64xf32, #tpu.memory_space<hbm>> -> memref<10000x64xf32, #tpu.memory_space<hbm>>
          tpu.enqueue_indirect_dma source(%dma_start3A_136 : memref<10000x64xf32, #tpu.memory_space<hbm>>) target(%arg12 : memref<128x64xf32, #tpu.memory_space<vmem>>) offsets(%dma_start3A_133 : memref<128xi32, #tpu.memory_space<vmem>>) semaphore(%arg17 : memref<!tpu.dma_semaphore, #tpu.memory_space<semaphore_mem>>)
        } else {
        }
        %add3A_114 = arith.constant 2 : i32
        %add3A_115 = arith.addi %mul3A_85, %add3A_114 : i32
        %dma_wait3A_116 = arith.constant 0 : i32
        %dma_wait3A_117 = tpu.memref_slice %arg9[%add3A_115, %dma_wait3A_116] : memref<96x128xi32, #tpu.memory_space<vmem>> -> memref<1x128xi32, #tpu.memory_space<vmem>>
        %dma_wait3A_118 = tpu.memref_squeeze %dma_wait3A_117 : memref<1x128xi32, #tpu.memory_space<vmem>> -> memref<128xi32, #tpu.memory_space<vmem>>
        %dma_wait3A_119 = arith.constant 0 : i32
        %dma_wait3A_120 = arith.constant 0 : i32
        %dma_wait3A_121 = tpu.memref_slice %arg2[%dma_wait3A_119, %dma_wait3A_120] : memref<10000x64xf32, #tpu.memory_space<hbm>> -> memref<10000x64xf32, #tpu.memory_space<hbm>>
        tpu.wait_indirect_dma semaphore(%arg18 : memref<!tpu.dma_semaphore, #tpu.memory_space<semaphore_mem>>) src(%dma_wait3A_121 : memref<10000x64xf32, #tpu.memory_space<hbm>>) dst(%arg13 : memref<128x64xf32, #tpu.memory_space<vmem>>)
        "tpu.region"() ({
          %run_scoped3A = tpu.sem_alloc : memref<!tpu.dma_semaphore, #tpu.memory_space<semaphore_mem>>
          %dma_start3A_129 = arith.constant 0 : i32
          %dma_start3A_130 = tpu.memref_slice %arg10[%add3A_115, %dma_start3A_129] : memref<96x128xi32, #tpu.memory_space<vmem>> -> memref<1x128xi32, #tpu.memory_space<vmem>>
          %dma_start3A_131 = tpu.memref_squeeze %dma_start3A_130 : memref<1x128xi32, #tpu.memory_space<vmem>> -> memref<128xi32, #tpu.memory_space<vmem>>
          %dma_start3A_132 = arith.constant 0 : i32
          %dma_start3A_133 = arith.constant 0 : i32
          %dma_start3A_134 = tpu.memref_slice %arg15[%dma_start3A_132, %dma_start3A_133] : memref<10240x64xf32, #tpu.memory_space<vmem_shared>> -> memref<10240x64xf32, #tpu.memory_space<vmem_shared>>
          tpu.enqueue_indirect_dma source(%arg13 : memref<128x64xf32, #tpu.memory_space<vmem>>) target(%dma_start3A_134 : memref<10240x64xf32, #tpu.memory_space<vmem_shared>>) offsets(%dma_start3A_131 : memref<128xi32, #tpu.memory_space<vmem>>) semaphore(%run_scoped3A : memref<!tpu.dma_semaphore, #tpu.memory_space<semaphore_mem>>) {add = true}
          %dma_wait3A_135 = arith.constant 0 : i32
          %dma_wait3A_136 = tpu.memref_slice %arg10[%add3A_115, %dma_wait3A_135] : memref<96x128xi32, #tpu.memory_space<vmem>> -> memref<1x128xi32, #tpu.memory_space<vmem>>
          %dma_wait3A_137 = tpu.memref_squeeze %dma_wait3A_136 : memref<1x128xi32, #tpu.memory_space<vmem>> -> memref<128xi32, #tpu.memory_space<vmem>>
          %dma_wait3A_138 = arith.constant 0 : i32
          %dma_wait3A_139 = arith.constant 0 : i32
          %dma_wait3A_140 = tpu.memref_slice %arg15[%dma_wait3A_138, %dma_wait3A_139] : memref<10240x64xf32, #tpu.memory_space<vmem_shared>> -> memref<10240x64xf32, #tpu.memory_space<vmem_shared>>
          tpu.wait_indirect_dma semaphore(%run_scoped3A : memref<!tpu.dma_semaphore, #tpu.memory_space<semaphore_mem>>) src(%arg13 : memref<128x64xf32, #tpu.memory_space<vmem>>) dst(%dma_wait3A_140 : memref<10240x64xf32, #tpu.memory_space<vmem_shared>>)
          tpu.yield
        }) : () -> ()
        %add3A_122 = arith.constant 3 : i32
        %add3A_123 = arith.addi %add3A_115, %add3A_122 : i32
        %lt3A_124 = arith.constant 96 : i32
        %lt3A_125 = arith.cmpi slt, %add3A_123, %lt3A_124 : i32
        %convert_element_type3A_126 = arith.extui %lt3A_125 : i1 to i32
        %cond3A_127 = arith.constant 0 : i32
        %cond3A_128 = arith.cmpi ne, %convert_element_type3A_126, %cond3A_127 : i32
        scf.if %cond3A_128 {
          %add3A_129 = arith.constant 3 : i32
          %add3A_130 = arith.addi %add3A_115, %add3A_129 : i32
          %dma_start3A_131 = arith.constant 0 : i32
          %dma_start3A_132 = tpu.memref_slice %arg9[%add3A_130, %dma_start3A_131] : memref<96x128xi32, #tpu.memory_space<vmem>> -> memref<1x128xi32, #tpu.memory_space<vmem>>
          %dma_start3A_133 = tpu.memref_squeeze %dma_start3A_132 : memref<1x128xi32, #tpu.memory_space<vmem>> -> memref<128xi32, #tpu.memory_space<vmem>>
          %dma_start3A_134 = arith.constant 0 : i32
          %dma_start3A_135 = arith.constant 0 : i32
          %dma_start3A_136 = tpu.memref_slice %arg2[%dma_start3A_134, %dma_start3A_135] : memref<10000x64xf32, #tpu.memory_space<hbm>> -> memref<10000x64xf32, #tpu.memory_space<hbm>>
          tpu.enqueue_indirect_dma source(%dma_start3A_136 : memref<10000x64xf32, #tpu.memory_space<hbm>>) target(%arg13 : memref<128x64xf32, #tpu.memory_space<vmem>>) offsets(%dma_start3A_133 : memref<128xi32, #tpu.memory_space<vmem>>) semaphore(%arg18 : memref<!tpu.dma_semaphore, #tpu.memory_space<semaphore_mem>>)
        } else {
        }
      }
      %scan3A_82 = arith.constant 32 : i32
    } else {
    }
    %barrier3A_35 = arith.constant 0 : index
    tpu.barrier barrier_id(%barrier3A_35)
    "tpu.region"() ({
      %run_scoped3A = tpu.sem_alloc : memref<!tpu.dma_semaphore, #tpu.memory_space<semaphore_mem>>
      %dma_start3A = arith.constant 0 : i32
      %dma_start3A_58 = tpu.memref_slice %arg7[%arg0, %mul3A_0, %dma_start3A] : memref<2x10240x64xf32, #tpu.memory_space<hbm>> -> memref<1x640x64xf32, #tpu.memory_space<hbm>>
      %dma_start3A_59 = tpu.memref_squeeze %dma_start3A_58 : memref<1x640x64xf32, #tpu.memory_space<hbm>> -> memref<640x64xf32, #tpu.memory_space<hbm>>
      %dma_start3A_60 = arith.constant 0 : i32
      %dma_start3A_61 = tpu.memref_slice %arg15[%mul3A_0, %dma_start3A_60] : memref<10240x64xf32, #tpu.memory_space<vmem_shared>> -> memref<640x64xf32, #tpu.memory_space<vmem_shared>>
      tpu.enqueue_dma source(%dma_start3A_61 : memref<640x64xf32, #tpu.memory_space<vmem_shared>>) target(%dma_start3A_59 : memref<640x64xf32, #tpu.memory_space<hbm>>) target_semaphore(%run_scoped3A : memref<!tpu.dma_semaphore, #tpu.memory_space<semaphore_mem>>)
      %dma_wait3A = arith.constant 0 : i32
      %dma_wait3A_62 = tpu.memref_slice %arg7[%arg0, %mul3A_0, %dma_wait3A] : memref<2x10240x64xf32, #tpu.memory_space<hbm>> -> memref<1x640x64xf32, #tpu.memory_space<hbm>>
      %dma_wait3A_63 = tpu.memref_squeeze %dma_wait3A_62 : memref<1x640x64xf32, #tpu.memory_space<hbm>> -> memref<640x64xf32, #tpu.memory_space<hbm>>
      %dma_wait3A_64 = arith.constant 0 : i32
      %dma_wait3A_65 = tpu.memref_slice %arg15[%mul3A_0, %dma_wait3A_64] : memref<10240x64xf32, #tpu.memory_space<vmem_shared>> -> memref<640x64xf32, #tpu.memory_space<vmem_shared>>
      tpu.wait_dma2 semaphore(%run_scoped3A : memref<!tpu.dma_semaphore, #tpu.memory_space<semaphore_mem>>) src(%dma_wait3A_65 : memref<640x64xf32, #tpu.memory_space<vmem_shared>>) dst(%dma_wait3A_63 : memref<640x64xf32, #tpu.memory_space<hbm>>)
      tpu.yield
    }) : () -> ()
    %add3A_36 = arith.constant 0 : i32
    %add3A_37 = arith.addi %mul3A_0, %add3A_36 : i32
    "tpu.region"() ({
      %run_scoped3A = tpu.sem_alloc : memref<!tpu.dma_semaphore, #tpu.memory_space<semaphore_mem>>
      %dma_start3A = arith.constant 0 : i32
      %dma_start3A_58 = tpu.memref_slice %arg15[%add3A_37, %dma_start3A] : memref<10240x64xf32, #tpu.memory_space<vmem_shared>> -> memref<128x64xf32, #tpu.memory_space<vmem_shared>>
      %dma_start3A_59 = arith.constant 0 : i32
      %dma_start3A_60 = tpu.memref_slice %arg15[%add3A_37, %dma_start3A_59] : memref<10240x64xf32, #tpu.memory_space<vmem_shared>> -> memref<128x64xf32, #tpu.memory_space<vmem_shared>>
      tpu.enqueue_dma source(%arg14 : memref<128x64xf32, #tpu.memory_space<vmem>>) target(%dma_start3A_60 : memref<128x64xf32, #tpu.memory_space<vmem_shared>>) target_semaphore(%run_scoped3A : memref<!tpu.dma_semaphore, #tpu.memory_space<semaphore_mem>>)
      %dma_wait3A = arith.constant 0 : i32
      %dma_wait3A_61 = tpu.memref_slice %arg15[%add3A_37, %dma_wait3A] : memref<10240x64xf32, #tpu.memory_space<vmem_shared>> -> memref<128x64xf32, #tpu.memory_space<vmem_shared>>
      %dma_wait3A_62 = arith.constant 0 : i32
      %dma_wait3A_63 = tpu.memref_slice %arg15[%add3A_37, %dma_wait3A_62] : memref<10240x64xf32, #tpu.memory_space<vmem_shared>> -> memref<128x64xf32, #tpu.memory_space<vmem_shared>>
      tpu.wait_dma2 semaphore(%run_scoped3A : memref<!tpu.dma_semaphore, #tpu.memory_space<semaphore_mem>>) src(%arg14 : memref<128x64xf32, #tpu.memory_space<vmem>>) dst(%dma_wait3A_63 : memref<128x64xf32, #tpu.memory_space<vmem_shared>>)
      tpu.yield
    }) : () -> ()
    %add3A_38 = arith.constant 128 : i32
    %add3A_39 = arith.addi %mul3A_0, %add3A_38 : i32
    "tpu.region"() ({
      %run_scoped3A = tpu.sem_alloc : memref<!tpu.dma_semaphore, #tpu.memory_space<semaphore_mem>>
      %dma_start3A = arith.constant 0 : i32
      %dma_start3A_58 = tpu.memref_slice %arg15[%add3A_39, %dma_start3A] : memref<10240x64xf32, #tpu.memory_space<vmem_shared>> -> memref<128x64xf32, #tpu.memory_space<vmem_shared>>
      %dma_start3A_59 = arith.constant 0 : i32
      %dma_start3A_60 = tpu.memref_slice %arg15[%add3A_39, %dma_start3A_59] : memref<10240x64xf32, #tpu.memory_space<vmem_shared>> -> memref<128x64xf32, #tpu.memory_space<vmem_shared>>
      tpu.enqueue_dma source(%arg14 : memref<128x64xf32, #tpu.memory_space<vmem>>) target(%dma_start3A_60 : memref<128x64xf32, #tpu.memory_space<vmem_shared>>) target_semaphore(%run_scoped3A : memref<!tpu.dma_semaphore, #tpu.memory_space<semaphore_mem>>)
      %dma_wait3A = arith.constant 0 : i32
      %dma_wait3A_61 = tpu.memref_slice %arg15[%add3A_39, %dma_wait3A] : memref<10240x64xf32, #tpu.memory_space<vmem_shared>> -> memref<128x64xf32, #tpu.memory_space<vmem_shared>>
      %dma_wait3A_62 = arith.constant 0 : i32
      %dma_wait3A_63 = tpu.memref_slice %arg15[%add3A_39, %dma_wait3A_62] : memref<10240x64xf32, #tpu.memory_space<vmem_shared>> -> memref<128x64xf32, #tpu.memory_space<vmem_shared>>
      tpu.wait_dma2 semaphore(%run_scoped3A : memref<!tpu.dma_semaphore, #tpu.memory_space<semaphore_mem>>) src(%arg14 : memref<128x64xf32, #tpu.memory_space<vmem>>) dst(%dma_wait3A_63 : memref<128x64xf32, #tpu.memory_space<vmem_shared>>)
      tpu.yield
    }) : () -> ()
    %add3A_40 = arith.constant 256 : i32
    %add3A_41 = arith.addi %mul3A_0, %add3A_40 : i32
    "tpu.region"() ({
      %run_scoped3A = tpu.sem_alloc : memref<!tpu.dma_semaphore, #tpu.memory_space<semaphore_mem>>
      %dma_start3A = arith.constant 0 : i32
      %dma_start3A_58 = tpu.memref_slice %arg15[%add3A_41, %dma_start3A] : memref<10240x64xf32, #tpu.memory_space<vmem_shared>> -> memref<128x64xf32, #tpu.memory_space<vmem_shared>>
      %dma_start3A_59 = arith.constant 0 : i32
      %dma_start3A_60 = tpu.memref_slice %arg15[%add3A_41, %dma_start3A_59] : memref<10240x64xf32, #tpu.memory_space<vmem_shared>> -> memref<128x64xf32, #tpu.memory_space<vmem_shared>>
      tpu.enqueue_dma source(%arg14 : memref<128x64xf32, #tpu.memory_space<vmem>>) target(%dma_start3A_60 : memref<128x64xf32, #tpu.memory_space<vmem_shared>>) target_semaphore(%run_scoped3A : memref<!tpu.dma_semaphore, #tpu.memory_space<semaphore_mem>>)
      %dma_wait3A = arith.constant 0 : i32
      %dma_wait3A_61 = tpu.memref_slice %arg15[%add3A_41, %dma_wait3A] : memref<10240x64xf32, #tpu.memory_space<vmem_shared>> -> memref<128x64xf32, #tpu.memory_space<vmem_shared>>
      %dma_wait3A_62 = arith.constant 0 : i32
      %dma_wait3A_63 = tpu.memref_slice %arg15[%add3A_41, %dma_wait3A_62] : memref<10240x64xf32, #tpu.memory_space<vmem_shared>> -> memref<128x64xf32, #tpu.memory_space<vmem_shared>>
      tpu.wait_dma2 semaphore(%run_scoped3A : memref<!tpu.dma_semaphore, #tpu.memory_space<semaphore_mem>>) src(%arg14 : memref<128x64xf32, #tpu.memory_space<vmem>>) dst(%dma_wait3A_63 : memref<128x64xf32, #tpu.memory_space<vmem_shared>>)
      tpu.yield
    }) : () -> ()
    %add3A_42 = arith.constant 384 : i32
    %add3A_43 = arith.addi %mul3A_0, %add3A_42 : i32
    "tpu.region"() ({
      %run_scoped3A = tpu.sem_alloc : memref<!tpu.dma_semaphore, #tpu.memory_space<semaphore_mem>>
      %dma_start3A = arith.constant 0 : i32
      %dma_start3A_58 = tpu.memref_slice %arg15[%add3A_43, %dma_start3A] : memref<10240x64xf32, #tpu.memory_space<vmem_shared>> -> memref<128x64xf32, #tpu.memory_space<vmem_shared>>
      %dma_start3A_59 = arith.constant 0 : i32
      %dma_start3A_60 = tpu.memref_slice %arg15[%add3A_43, %dma_start3A_59] : memref<10240x64xf32, #tpu.memory_space<vmem_shared>> -> memref<128x64xf32, #tpu.memory_space<vmem_shared>>
      tpu.enqueue_dma source(%arg14 : memref<128x64xf32, #tpu.memory_space<vmem>>) target(%dma_start3A_60 : memref<128x64xf32, #tpu.memory_space<vmem_shared>>) target_semaphore(%run_scoped3A : memref<!tpu.dma_semaphore, #tpu.memory_space<semaphore_mem>>)
      %dma_wait3A = arith.constant 0 : i32
      %dma_wait3A_61 = tpu.memref_slice %arg15[%add3A_43, %dma_wait3A] : memref<10240x64xf32, #tpu.memory_space<vmem_shared>> -> memref<128x64xf32, #tpu.memory_space<vmem_shared>>
      %dma_wait3A_62 = arith.constant 0 : i32
      %dma_wait3A_63 = tpu.memref_slice %arg15[%add3A_43, %dma_wait3A_62] : memref<10240x64xf32, #tpu.memory_space<vmem_shared>> -> memref<128x64xf32, #tpu.memory_space<vmem_shared>>
      tpu.wait_dma2 semaphore(%run_scoped3A : memref<!tpu.dma_semaphore, #tpu.memory_space<semaphore_mem>>) src(%arg14 : memref<128x64xf32, #tpu.memory_space<vmem>>) dst(%dma_wait3A_63 : memref<128x64xf32, #tpu.memory_space<vmem_shared>>)
      tpu.yield
    }) : () -> ()
    %add3A_44 = arith.constant 512 : i32
    %add3A_45 = arith.addi %mul3A_0, %add3A_44 : i32
    "tpu.region"() ({
      %run_scoped3A = tpu.sem_alloc : memref<!tpu.dma_semaphore, #tpu.memory_space<semaphore_mem>>
      %dma_start3A = arith.constant 0 : i32
      %dma_start3A_58 = tpu.memref_slice %arg15[%add3A_45, %dma_start3A] : memref<10240x64xf32, #tpu.memory_space<vmem_shared>> -> memref<128x64xf32, #tpu.memory_space<vmem_shared>>
      %dma_start3A_59 = arith.constant 0 : i32
      %dma_start3A_60 = tpu.memref_slice %arg15[%add3A_45, %dma_start3A_59] : memref<10240x64xf32, #tpu.memory_space<vmem_shared>> -> memref<128x64xf32, #tpu.memory_space<vmem_shared>>
      tpu.enqueue_dma source(%arg14 : memref<128x64xf32, #tpu.memory_space<vmem>>) target(%dma_start3A_60 : memref<128x64xf32, #tpu.memory_space<vmem_shared>>) target_semaphore(%run_scoped3A : memref<!tpu.dma_semaphore, #tpu.memory_space<semaphore_mem>>)
      %dma_wait3A = arith.constant 0 : i32
      %dma_wait3A_61 = tpu.memref_slice %arg15[%add3A_45, %dma_wait3A] : memref<10240x64xf32, #tpu.memory_space<vmem_shared>> -> memref<128x64xf32, #tpu.memory_space<vmem_shared>>
      %dma_wait3A_62 = arith.constant 0 : i32
      %dma_wait3A_63 = tpu.memref_slice %arg15[%add3A_45, %dma_wait3A_62] : memref<10240x64xf32, #tpu.memory_space<vmem_shared>> -> memref<128x64xf32, #tpu.memory_space<vmem_shared>>
      tpu.wait_dma2 semaphore(%run_scoped3A : memref<!tpu.dma_semaphore, #tpu.memory_space<semaphore_mem>>) src(%arg14 : memref<128x64xf32, #tpu.memory_space<vmem>>) dst(%dma_wait3A_63 : memref<128x64xf32, #tpu.memory_space<vmem_shared>>)
      tpu.yield
    }) : () -> ()
    %barrier3A_46 = arith.constant 0 : index
    tpu.barrier barrier_id(%barrier3A_46)
    %eq3A_47 = arith.constant 0 : i32
    %eq3A_48 = arith.cmpi eq, %arg0, %eq3A_47 : i32
    %convert_element_type3A_49 = arith.extui %eq3A_48 : i1 to i32
    %cond3A_50 = arith.constant 0 : i32
    %cond3A_51 = arith.cmpi ne, %convert_element_type3A_49, %cond3A_50 : i32
    scf.if %cond3A_51 {
      %dma_start3A = arith.constant 0 : i32
      %dma_start3A_58 = arith.constant 0 : i32
      %dma_start3A_59 = tpu.memref_slice %arg9[%dma_start3A, %dma_start3A_58] : memref<96x128xi32, #tpu.memory_space<vmem>> -> memref<1x128xi32, #tpu.memory_space<vmem>>
      %dma_start3A_60 = tpu.memref_squeeze %dma_start3A_59 : memref<1x128xi32, #tpu.memory_space<vmem>> -> memref<128xi32, #tpu.memory_space<vmem>>
      %dma_start3A_61 = arith.constant 0 : i32
      %dma_start3A_62 = arith.constant 0 : i32
      %dma_start3A_63 = tpu.memref_slice %arg3[%dma_start3A_61, %dma_start3A_62] : memref<10000x64xf32, #tpu.memory_space<hbm>> -> memref<10000x64xf32, #tpu.memory_space<hbm>>
      tpu.enqueue_indirect_dma source(%dma_start3A_63 : memref<10000x64xf32, #tpu.memory_space<hbm>>) target(%arg11 : memref<128x64xf32, #tpu.memory_space<vmem>>) offsets(%dma_start3A_60 : memref<128xi32, #tpu.memory_space<vmem>>) semaphore(%arg16 : memref<!tpu.dma_semaphore, #tpu.memory_space<semaphore_mem>>)
      %dma_start3A_64 = arith.constant 1 : i32
      %dma_start3A_65 = arith.constant 0 : i32
      %dma_start3A_66 = tpu.memref_slice %arg9[%dma_start3A_64, %dma_start3A_65] : memref<96x128xi32, #tpu.memory_space<vmem>> -> memref<1x128xi32, #tpu.memory_space<vmem>>
      %dma_start3A_67 = tpu.memref_squeeze %dma_start3A_66 : memref<1x128xi32, #tpu.memory_space<vmem>> -> memref<128xi32, #tpu.memory_space<vmem>>
      %dma_start3A_68 = arith.constant 0 : i32
      %dma_start3A_69 = arith.constant 0 : i32
      %dma_start3A_70 = tpu.memref_slice %arg3[%dma_start3A_68, %dma_start3A_69] : memref<10000x64xf32, #tpu.memory_space<hbm>> -> memref<10000x64xf32, #tpu.memory_space<hbm>>
      tpu.enqueue_indirect_dma source(%dma_start3A_70 : memref<10000x64xf32, #tpu.memory_space<hbm>>) target(%arg12 : memref<128x64xf32, #tpu.memory_space<vmem>>) offsets(%dma_start3A_67 : memref<128xi32, #tpu.memory_space<vmem>>) semaphore(%arg17 : memref<!tpu.dma_semaphore, #tpu.memory_space<semaphore_mem>>)
      %dma_start3A_71 = arith.constant 2 : i32
      %dma_start3A_72 = arith.constant 0 : i32
      %dma_start3A_73 = tpu.memref_slice %arg9[%dma_start3A_71, %dma_start3A_72] : memref<96x128xi32, #tpu.memory_space<vmem>> -> memref<1x128xi32, #tpu.memory_space<vmem>>
      %dma_start3A_74 = tpu.memref_squeeze %dma_start3A_73 : memref<1x128xi32, #tpu.memory_space<vmem>> -> memref<128xi32, #tpu.memory_space<vmem>>
      %dma_start3A_75 = arith.constant 0 : i32
      %dma_start3A_76 = arith.constant 0 : i32
      %dma_start3A_77 = tpu.memref_slice %arg3[%dma_start3A_75, %dma_start3A_76] : memref<10000x64xf32, #tpu.memory_space<hbm>> -> memref<10000x64xf32, #tpu.memory_space<hbm>>
      tpu.enqueue_indirect_dma source(%dma_start3A_77 : memref<10000x64xf32, #tpu.memory_space<hbm>>) target(%arg13 : memref<128x64xf32, #tpu.memory_space<vmem>>) offsets(%dma_start3A_74 : memref<128xi32, #tpu.memory_space<vmem>>) semaphore(%arg18 : memref<!tpu.dma_semaphore, #tpu.memory_space<semaphore_mem>>)
      %scan3A = arith.constant 0 : i32
      %scan3A_78 = arith.constant 0 : i32
      %scan3A_79 = arith.constant 21 : i32
      %scan3A_80 = arith.addi %scan3A_78, %scan3A_79 : i32
      %scan3A_81 = arith.constant 1 : i32
      scf.for %scan3A_89 = %scan3A_78 to %scan3A_80 step %scan3A_81  : i32 {
        %mul3A_90 = arith.constant 3 : i32
        %mul3A_91 = arith.muli %scan3A_89, %mul3A_90 : i32
        %add3A_92 = arith.constant 0 : i32
        %add3A_93 = arith.addi %mul3A_91, %add3A_92 : i32
        %dma_wait3A_94 = arith.constant 0 : i32
        %dma_wait3A_95 = tpu.memref_slice %arg9[%add3A_93, %dma_wait3A_94] : memref<96x128xi32, #tpu.memory_space<vmem>> -> memref<1x128xi32, #tpu.memory_space<vmem>>
        %dma_wait3A_96 = tpu.memref_squeeze %dma_wait3A_95 : memref<1x128xi32, #tpu.memory_space<vmem>> -> memref<128xi32, #tpu.memory_space<vmem>>
        %dma_wait3A_97 = arith.constant 0 : i32
        %dma_wait3A_98 = arith.constant 0 : i32
        %dma_wait3A_99 = tpu.memref_slice %arg3[%dma_wait3A_97, %dma_wait3A_98] : memref<10000x64xf32, #tpu.memory_space<hbm>> -> memref<10000x64xf32, #tpu.memory_space<hbm>>
        tpu.wait_indirect_dma semaphore(%arg16 : memref<!tpu.dma_semaphore, #tpu.memory_space<semaphore_mem>>) src(%dma_wait3A_99 : memref<10000x64xf32, #tpu.memory_space<hbm>>) dst(%arg11 : memref<128x64xf32, #tpu.memory_space<vmem>>)
        "tpu.region"() ({
          %run_scoped3A_136 = tpu.sem_alloc : memref<!tpu.dma_semaphore, #tpu.memory_space<semaphore_mem>>
          %dma_start3A_137 = arith.constant 0 : i32
          %dma_start3A_138 = tpu.memref_slice %arg10[%add3A_93, %dma_start3A_137] : memref<96x128xi32, #tpu.memory_space<vmem>> -> memref<1x128xi32, #tpu.memory_space<vmem>>
          %dma_start3A_139 = tpu.memref_squeeze %dma_start3A_138 : memref<1x128xi32, #tpu.memory_space<vmem>> -> memref<128xi32, #tpu.memory_space<vmem>>
          %dma_start3A_140 = arith.constant 0 : i32
          %dma_start3A_141 = arith.constant 0 : i32
          %dma_start3A_142 = tpu.memref_slice %arg15[%dma_start3A_140, %dma_start3A_141] : memref<10240x64xf32, #tpu.memory_space<vmem_shared>> -> memref<10240x64xf32, #tpu.memory_space<vmem_shared>>
          tpu.enqueue_indirect_dma source(%arg11 : memref<128x64xf32, #tpu.memory_space<vmem>>) target(%dma_start3A_142 : memref<10240x64xf32, #tpu.memory_space<vmem_shared>>) offsets(%dma_start3A_139 : memref<128xi32, #tpu.memory_space<vmem>>) semaphore(%run_scoped3A_136 : memref<!tpu.dma_semaphore, #tpu.memory_space<semaphore_mem>>) {add = true}
          %dma_wait3A_143 = arith.constant 0 : i32
          %dma_wait3A_144 = tpu.memref_slice %arg10[%add3A_93, %dma_wait3A_143] : memref<96x128xi32, #tpu.memory_space<vmem>> -> memref<1x128xi32, #tpu.memory_space<vmem>>
          %dma_wait3A_145 = tpu.memref_squeeze %dma_wait3A_144 : memref<1x128xi32, #tpu.memory_space<vmem>> -> memref<128xi32, #tpu.memory_space<vmem>>
          %dma_wait3A_146 = arith.constant 0 : i32
          %dma_wait3A_147 = arith.constant 0 : i32
          %dma_wait3A_148 = tpu.memref_slice %arg15[%dma_wait3A_146, %dma_wait3A_147] : memref<10240x64xf32, #tpu.memory_space<vmem_shared>> -> memref<10240x64xf32, #tpu.memory_space<vmem_shared>>
          tpu.wait_indirect_dma semaphore(%run_scoped3A_136 : memref<!tpu.dma_semaphore, #tpu.memory_space<semaphore_mem>>) src(%arg11 : memref<128x64xf32, #tpu.memory_space<vmem>>) dst(%dma_wait3A_148 : memref<10240x64xf32, #tpu.memory_space<vmem_shared>>)
          tpu.yield
        }) : () -> ()
        %add3A_100 = arith.constant 3 : i32
        %add3A_101 = arith.addi %add3A_93, %add3A_100 : i32
        %lt3A = arith.constant 64 : i32
        %lt3A_102 = arith.cmpi slt, %add3A_101, %lt3A : i32
        %convert_element_type3A_103 = arith.extui %lt3A_102 : i1 to i32
        %cond3A_104 = arith.constant 0 : i32
        %cond3A_105 = arith.cmpi ne, %convert_element_type3A_103, %cond3A_104 : i32
        scf.if %cond3A_105 {
          %add3A_136 = arith.constant 3 : i32
          %add3A_137 = arith.addi %add3A_93, %add3A_136 : i32
          %dma_start3A_138 = arith.constant 0 : i32
          %dma_start3A_139 = tpu.memref_slice %arg9[%add3A_137, %dma_start3A_138] : memref<96x128xi32, #tpu.memory_space<vmem>> -> memref<1x128xi32, #tpu.memory_space<vmem>>
          %dma_start3A_140 = tpu.memref_squeeze %dma_start3A_139 : memref<1x128xi32, #tpu.memory_space<vmem>> -> memref<128xi32, #tpu.memory_space<vmem>>
          %dma_start3A_141 = arith.constant 0 : i32
          %dma_start3A_142 = arith.constant 0 : i32
          %dma_start3A_143 = tpu.memref_slice %arg3[%dma_start3A_141, %dma_start3A_142] : memref<10000x64xf32, #tpu.memory_space<hbm>> -> memref<10000x64xf32, #tpu.memory_space<hbm>>
          tpu.enqueue_indirect_dma source(%dma_start3A_143 : memref<10000x64xf32, #tpu.memory_space<hbm>>) target(%arg11 : memref<128x64xf32, #tpu.memory_space<vmem>>) offsets(%dma_start3A_140 : memref<128xi32, #tpu.memory_space<vmem>>) semaphore(%arg16 : memref<!tpu.dma_semaphore, #tpu.memory_space<semaphore_mem>>)
        } else {
        }
        %add3A_106 = arith.constant 1 : i32
        %add3A_107 = arith.addi %mul3A_91, %add3A_106 : i32
        %dma_wait3A_108 = arith.constant 0 : i32
        %dma_wait3A_109 = tpu.memref_slice %arg9[%add3A_107, %dma_wait3A_108] : memref<96x128xi32, #tpu.memory_space<vmem>> -> memref<1x128xi32, #tpu.memory_space<vmem>>
        %dma_wait3A_110 = tpu.memref_squeeze %dma_wait3A_109 : memref<1x128xi32, #tpu.memory_space<vmem>> -> memref<128xi32, #tpu.memory_space<vmem>>
        %dma_wait3A_111 = arith.constant 0 : i32
        %dma_wait3A_112 = arith.constant 0 : i32
        %dma_wait3A_113 = tpu.memref_slice %arg3[%dma_wait3A_111, %dma_wait3A_112] : memref<10000x64xf32, #tpu.memory_space<hbm>> -> memref<10000x64xf32, #tpu.memory_space<hbm>>
        tpu.wait_indirect_dma semaphore(%arg17 : memref<!tpu.dma_semaphore, #tpu.memory_space<semaphore_mem>>) src(%dma_wait3A_113 : memref<10000x64xf32, #tpu.memory_space<hbm>>) dst(%arg12 : memref<128x64xf32, #tpu.memory_space<vmem>>)
        "tpu.region"() ({
          %run_scoped3A_136 = tpu.sem_alloc : memref<!tpu.dma_semaphore, #tpu.memory_space<semaphore_mem>>
          %dma_start3A_137 = arith.constant 0 : i32
          %dma_start3A_138 = tpu.memref_slice %arg10[%add3A_107, %dma_start3A_137] : memref<96x128xi32, #tpu.memory_space<vmem>> -> memref<1x128xi32, #tpu.memory_space<vmem>>
          %dma_start3A_139 = tpu.memref_squeeze %dma_start3A_138 : memref<1x128xi32, #tpu.memory_space<vmem>> -> memref<128xi32, #tpu.memory_space<vmem>>
          %dma_start3A_140 = arith.constant 0 : i32
          %dma_start3A_141 = arith.constant 0 : i32
          %dma_start3A_142 = tpu.memref_slice %arg15[%dma_start3A_140, %dma_start3A_141] : memref<10240x64xf32, #tpu.memory_space<vmem_shared>> -> memref<10240x64xf32, #tpu.memory_space<vmem_shared>>
          tpu.enqueue_indirect_dma source(%arg12 : memref<128x64xf32, #tpu.memory_space<vmem>>) target(%dma_start3A_142 : memref<10240x64xf32, #tpu.memory_space<vmem_shared>>) offsets(%dma_start3A_139 : memref<128xi32, #tpu.memory_space<vmem>>) semaphore(%run_scoped3A_136 : memref<!tpu.dma_semaphore, #tpu.memory_space<semaphore_mem>>) {add = true}
          %dma_wait3A_143 = arith.constant 0 : i32
          %dma_wait3A_144 = tpu.memref_slice %arg10[%add3A_107, %dma_wait3A_143] : memref<96x128xi32, #tpu.memory_space<vmem>> -> memref<1x128xi32, #tpu.memory_space<vmem>>
          %dma_wait3A_145 = tpu.memref_squeeze %dma_wait3A_144 : memref<1x128xi32, #tpu.memory_space<vmem>> -> memref<128xi32, #tpu.memory_space<vmem>>
          %dma_wait3A_146 = arith.constant 0 : i32
          %dma_wait3A_147 = arith.constant 0 : i32
          %dma_wait3A_148 = tpu.memref_slice %arg15[%dma_wait3A_146, %dma_wait3A_147] : memref<10240x64xf32, #tpu.memory_space<vmem_shared>> -> memref<10240x64xf32, #tpu.memory_space<vmem_shared>>
          tpu.wait_indirect_dma semaphore(%run_scoped3A_136 : memref<!tpu.dma_semaphore, #tpu.memory_space<semaphore_mem>>) src(%arg12 : memref<128x64xf32, #tpu.memory_space<vmem>>) dst(%dma_wait3A_148 : memref<10240x64xf32, #tpu.memory_space<vmem_shared>>)
          tpu.yield
        }) : () -> ()
        %add3A_114 = arith.constant 3 : i32
        %add3A_115 = arith.addi %add3A_107, %add3A_114 : i32
        %lt3A_116 = arith.constant 64 : i32
        %lt3A_117 = arith.cmpi slt, %add3A_115, %lt3A_116 : i32
        %convert_element_type3A_118 = arith.extui %lt3A_117 : i1 to i32
        %cond3A_119 = arith.constant 0 : i32
        %cond3A_120 = arith.cmpi ne, %convert_element_type3A_118, %cond3A_119 : i32
        scf.if %cond3A_120 {
          %add3A_136 = arith.constant 3 : i32
          %add3A_137 = arith.addi %add3A_107, %add3A_136 : i32
          %dma_start3A_138 = arith.constant 0 : i32
          %dma_start3A_139 = tpu.memref_slice %arg9[%add3A_137, %dma_start3A_138] : memref<96x128xi32, #tpu.memory_space<vmem>> -> memref<1x128xi32, #tpu.memory_space<vmem>>
          %dma_start3A_140 = tpu.memref_squeeze %dma_start3A_139 : memref<1x128xi32, #tpu.memory_space<vmem>> -> memref<128xi32, #tpu.memory_space<vmem>>
          %dma_start3A_141 = arith.constant 0 : i32
          %dma_start3A_142 = arith.constant 0 : i32
          %dma_start3A_143 = tpu.memref_slice %arg3[%dma_start3A_141, %dma_start3A_142] : memref<10000x64xf32, #tpu.memory_space<hbm>> -> memref<10000x64xf32, #tpu.memory_space<hbm>>
          tpu.enqueue_indirect_dma source(%dma_start3A_143 : memref<10000x64xf32, #tpu.memory_space<hbm>>) target(%arg12 : memref<128x64xf32, #tpu.memory_space<vmem>>) offsets(%dma_start3A_140 : memref<128xi32, #tpu.memory_space<vmem>>) semaphore(%arg17 : memref<!tpu.dma_semaphore, #tpu.memory_space<semaphore_mem>>)
        } else {
        }
        %add3A_121 = arith.constant 2 : i32
        %add3A_122 = arith.addi %mul3A_91, %add3A_121 : i32
        %dma_wait3A_123 = arith.constant 0 : i32
        %dma_wait3A_124 = tpu.memref_slice %arg9[%add3A_122, %dma_wait3A_123] : memref<96x128xi32, #tpu.memory_space<vmem>> -> memref<1x128xi32, #tpu.memory_space<vmem>>
        %dma_wait3A_125 = tpu.memref_squeeze %dma_wait3A_124 : memref<1x128xi32, #tpu.memory_space<vmem>> -> memref<128xi32, #tpu.memory_space<vmem>>
        %dma_wait3A_126 = arith.constant 0 : i32
        %dma_wait3A_127 = arith.constant 0 : i32
        %dma_wait3A_128 = tpu.memref_slice %arg3[%dma_wait3A_126, %dma_wait3A_127] : memref<10000x64xf32, #tpu.memory_space<hbm>> -> memref<10000x64xf32, #tpu.memory_space<hbm>>
        tpu.wait_indirect_dma semaphore(%arg18 : memref<!tpu.dma_semaphore, #tpu.memory_space<semaphore_mem>>) src(%dma_wait3A_128 : memref<10000x64xf32, #tpu.memory_space<hbm>>) dst(%arg13 : memref<128x64xf32, #tpu.memory_space<vmem>>)
        "tpu.region"() ({
          %run_scoped3A_136 = tpu.sem_alloc : memref<!tpu.dma_semaphore, #tpu.memory_space<semaphore_mem>>
          %dma_start3A_137 = arith.constant 0 : i32
          %dma_start3A_138 = tpu.memref_slice %arg10[%add3A_122, %dma_start3A_137] : memref<96x128xi32, #tpu.memory_space<vmem>> -> memref<1x128xi32, #tpu.memory_space<vmem>>
          %dma_start3A_139 = tpu.memref_squeeze %dma_start3A_138 : memref<1x128xi32, #tpu.memory_space<vmem>> -> memref<128xi32, #tpu.memory_space<vmem>>
          %dma_start3A_140 = arith.constant 0 : i32
          %dma_start3A_141 = arith.constant 0 : i32
          %dma_start3A_142 = tpu.memref_slice %arg15[%dma_start3A_140, %dma_start3A_141] : memref<10240x64xf32, #tpu.memory_space<vmem_shared>> -> memref<10240x64xf32, #tpu.memory_space<vmem_shared>>
          tpu.enqueue_indirect_dma source(%arg13 : memref<128x64xf32, #tpu.memory_space<vmem>>) target(%dma_start3A_142 : memref<10240x64xf32, #tpu.memory_space<vmem_shared>>) offsets(%dma_start3A_139 : memref<128xi32, #tpu.memory_space<vmem>>) semaphore(%run_scoped3A_136 : memref<!tpu.dma_semaphore, #tpu.memory_space<semaphore_mem>>) {add = true}
          %dma_wait3A_143 = arith.constant 0 : i32
          %dma_wait3A_144 = tpu.memref_slice %arg10[%add3A_122, %dma_wait3A_143] : memref<96x128xi32, #tpu.memory_space<vmem>> -> memref<1x128xi32, #tpu.memory_space<vmem>>
          %dma_wait3A_145 = tpu.memref_squeeze %dma_wait3A_144 : memref<1x128xi32, #tpu.memory_space<vmem>> -> memref<128xi32, #tpu.memory_space<vmem>>
          %dma_wait3A_146 = arith.constant 0 : i32
          %dma_wait3A_147 = arith.constant 0 : i32
          %dma_wait3A_148 = tpu.memref_slice %arg15[%dma_wait3A_146, %dma_wait3A_147] : memref<10240x64xf32, #tpu.memory_space<vmem_shared>> -> memref<10240x64xf32, #tpu.memory_space<vmem_shared>>
          tpu.wait_indirect_dma semaphore(%run_scoped3A_136 : memref<!tpu.dma_semaphore, #tpu.memory_space<semaphore_mem>>) src(%arg13 : memref<128x64xf32, #tpu.memory_space<vmem>>) dst(%dma_wait3A_148 : memref<10240x64xf32, #tpu.memory_space<vmem_shared>>)
          tpu.yield
        }) : () -> ()
        %add3A_129 = arith.constant 3 : i32
        %add3A_130 = arith.addi %add3A_122, %add3A_129 : i32
        %lt3A_131 = arith.constant 64 : i32
        %lt3A_132 = arith.cmpi slt, %add3A_130, %lt3A_131 : i32
        %convert_element_type3A_133 = arith.extui %lt3A_132 : i1 to i32
        %cond3A_134 = arith.constant 0 : i32
        %cond3A_135 = arith.cmpi ne, %convert_element_type3A_133, %cond3A_134 : i32
        scf.if %cond3A_135 {
          %add3A_136 = arith.constant 3 : i32
          %add3A_137 = arith.addi %add3A_122, %add3A_136 : i32
          %dma_start3A_138 = arith.constant 0 : i32
          %dma_start3A_139 = tpu.memref_slice %arg9[%add3A_137, %dma_start3A_138] : memref<96x128xi32, #tpu.memory_space<vmem>> -> memref<1x128xi32, #tpu.memory_space<vmem>>
          %dma_start3A_140 = tpu.memref_squeeze %dma_start3A_139 : memref<1x128xi32, #tpu.memory_space<vmem>> -> memref<128xi32, #tpu.memory_space<vmem>>
          %dma_start3A_141 = arith.constant 0 : i32
          %dma_start3A_142 = arith.constant 0 : i32
          %dma_start3A_143 = tpu.memref_slice %arg3[%dma_start3A_141, %dma_start3A_142] : memref<10000x64xf32, #tpu.memory_space<hbm>> -> memref<10000x64xf32, #tpu.memory_space<hbm>>
          tpu.enqueue_indirect_dma source(%dma_start3A_143 : memref<10000x64xf32, #tpu.memory_space<hbm>>) target(%arg13 : memref<128x64xf32, #tpu.memory_space<vmem>>) offsets(%dma_start3A_140 : memref<128xi32, #tpu.memory_space<vmem>>) semaphore(%arg18 : memref<!tpu.dma_semaphore, #tpu.memory_space<semaphore_mem>>)
        } else {
        }
      }
      %scan3A_82 = arith.constant 21 : i32
      %dma_wait3A = arith.constant 63 : i32
      %dma_wait3A_83 = arith.constant 0 : i32
      %dma_wait3A_84 = tpu.memref_slice %arg9[%dma_wait3A, %dma_wait3A_83] : memref<96x128xi32, #tpu.memory_space<vmem>> -> memref<1x128xi32, #tpu.memory_space<vmem>>
      %dma_wait3A_85 = tpu.memref_squeeze %dma_wait3A_84 : memref<1x128xi32, #tpu.memory_space<vmem>> -> memref<128xi32, #tpu.memory_space<vmem>>
      %dma_wait3A_86 = arith.constant 0 : i32
      %dma_wait3A_87 = arith.constant 0 : i32
      %dma_wait3A_88 = tpu.memref_slice %arg3[%dma_wait3A_86, %dma_wait3A_87] : memref<10000x64xf32, #tpu.memory_space<hbm>> -> memref<10000x64xf32, #tpu.memory_space<hbm>>
      tpu.wait_indirect_dma semaphore(%arg16 : memref<!tpu.dma_semaphore, #tpu.memory_space<semaphore_mem>>) src(%dma_wait3A_88 : memref<10000x64xf32, #tpu.memory_space<hbm>>) dst(%arg11 : memref<128x64xf32, #tpu.memory_space<vmem>>)
      %run_scoped3A = arith.constant 63 : i32
      "tpu.region"() ({
        %run_scoped3A_89 = tpu.sem_alloc : memref<!tpu.dma_semaphore, #tpu.memory_space<semaphore_mem>>
        %dma_start3A_90 = arith.constant 0 : i32
        %dma_start3A_91 = tpu.memref_slice %arg10[%run_scoped3A, %dma_start3A_90] : memref<96x128xi32, #tpu.memory_space<vmem>> -> memref<1x128xi32, #tpu.memory_space<vmem>>
        %dma_start3A_92 = tpu.memref_squeeze %dma_start3A_91 : memref<1x128xi32, #tpu.memory_space<vmem>> -> memref<128xi32, #tpu.memory_space<vmem>>
        %dma_start3A_93 = arith.constant 0 : i32
        %dma_start3A_94 = arith.constant 0 : i32
        %dma_start3A_95 = tpu.memref_slice %arg15[%dma_start3A_93, %dma_start3A_94] : memref<10240x64xf32, #tpu.memory_space<vmem_shared>> -> memref<10240x64xf32, #tpu.memory_space<vmem_shared>>
        tpu.enqueue_indirect_dma source(%arg11 : memref<128x64xf32, #tpu.memory_space<vmem>>) target(%dma_start3A_95 : memref<10240x64xf32, #tpu.memory_space<vmem_shared>>) offsets(%dma_start3A_92 : memref<128xi32, #tpu.memory_space<vmem>>) semaphore(%run_scoped3A_89 : memref<!tpu.dma_semaphore, #tpu.memory_space<semaphore_mem>>) {add = true}
        %dma_wait3A_96 = arith.constant 0 : i32
        %dma_wait3A_97 = tpu.memref_slice %arg10[%run_scoped3A, %dma_wait3A_96] : memref<96x128xi32, #tpu.memory_space<vmem>> -> memref<1x128xi32, #tpu.memory_space<vmem>>
        %dma_wait3A_98 = tpu.memref_squeeze %dma_wait3A_97 : memref<1x128xi32, #tpu.memory_space<vmem>> -> memref<128xi32, #tpu.memory_space<vmem>>
        %dma_wait3A_99 = arith.constant 0 : i32
        %dma_wait3A_100 = arith.constant 0 : i32
        %dma_wait3A_101 = tpu.memref_slice %arg15[%dma_wait3A_99, %dma_wait3A_100] : memref<10240x64xf32, #tpu.memory_space<vmem_shared>> -> memref<10240x64xf32, #tpu.memory_space<vmem_shared>>
        tpu.wait_indirect_dma semaphore(%run_scoped3A_89 : memref<!tpu.dma_semaphore, #tpu.memory_space<semaphore_mem>>) src(%arg11 : memref<128x64xf32, #tpu.memory_space<vmem>>) dst(%dma_wait3A_101 : memref<10240x64xf32, #tpu.memory_space<vmem_shared>>)
        tpu.yield
      }) : () -> ()
    } else {
    }
    %eq3A_52 = arith.constant 1 : i32
    %eq3A_53 = arith.cmpi eq, %arg0, %eq3A_52 : i32
    %convert_element_type3A_54 = arith.extui %eq3A_53 : i1 to i32
    %cond3A_55 = arith.constant 0 : i32
    %cond3A_56 = arith.cmpi ne, %convert_element_type3A_54, %cond3A_55 : i32
    scf.if %cond3A_56 {
      %dma_start3A = arith.constant 0 : i32
      %dma_start3A_58 = arith.constant 0 : i32
      %dma_start3A_59 = tpu.memref_slice %arg9[%dma_start3A, %dma_start3A_58] : memref<96x128xi32, #tpu.memory_space<vmem>> -> memref<1x128xi32, #tpu.memory_space<vmem>>
      %dma_start3A_60 = tpu.memref_squeeze %dma_start3A_59 : memref<1x128xi32, #tpu.memory_space<vmem>> -> memref<128xi32, #tpu.memory_space<vmem>>
      %dma_start3A_61 = arith.constant 0 : i32
      %dma_start3A_62 = arith.constant 0 : i32
      %dma_start3A_63 = tpu.memref_slice %arg3[%dma_start3A_61, %dma_start3A_62] : memref<10000x64xf32, #tpu.memory_space<hbm>> -> memref<10000x64xf32, #tpu.memory_space<hbm>>
      tpu.enqueue_indirect_dma source(%dma_start3A_63 : memref<10000x64xf32, #tpu.memory_space<hbm>>) target(%arg11 : memref<128x64xf32, #tpu.memory_space<vmem>>) offsets(%dma_start3A_60 : memref<128xi32, #tpu.memory_space<vmem>>) semaphore(%arg16 : memref<!tpu.dma_semaphore, #tpu.memory_space<semaphore_mem>>)
      %dma_start3A_64 = arith.constant 1 : i32
      %dma_start3A_65 = arith.constant 0 : i32
      %dma_start3A_66 = tpu.memref_slice %arg9[%dma_start3A_64, %dma_start3A_65] : memref<96x128xi32, #tpu.memory_space<vmem>> -> memref<1x128xi32, #tpu.memory_space<vmem>>
      %dma_start3A_67 = tpu.memref_squeeze %dma_start3A_66 : memref<1x128xi32, #tpu.memory_space<vmem>> -> memref<128xi32, #tpu.memory_space<vmem>>
      %dma_start3A_68 = arith.constant 0 : i32
      %dma_start3A_69 = arith.constant 0 : i32
      %dma_start3A_70 = tpu.memref_slice %arg3[%dma_start3A_68, %dma_start3A_69] : memref<10000x64xf32, #tpu.memory_space<hbm>> -> memref<10000x64xf32, #tpu.memory_space<hbm>>
      tpu.enqueue_indirect_dma source(%dma_start3A_70 : memref<10000x64xf32, #tpu.memory_space<hbm>>) target(%arg12 : memref<128x64xf32, #tpu.memory_space<vmem>>) offsets(%dma_start3A_67 : memref<128xi32, #tpu.memory_space<vmem>>) semaphore(%arg17 : memref<!tpu.dma_semaphore, #tpu.memory_space<semaphore_mem>>)
      %dma_start3A_71 = arith.constant 2 : i32
      %dma_start3A_72 = arith.constant 0 : i32
      %dma_start3A_73 = tpu.memref_slice %arg9[%dma_start3A_71, %dma_start3A_72] : memref<96x128xi32, #tpu.memory_space<vmem>> -> memref<1x128xi32, #tpu.memory_space<vmem>>
      %dma_start3A_74 = tpu.memref_squeeze %dma_start3A_73 : memref<1x128xi32, #tpu.memory_space<vmem>> -> memref<128xi32, #tpu.memory_space<vmem>>
      %dma_start3A_75 = arith.constant 0 : i32
      %dma_start3A_76 = arith.constant 0 : i32
      %dma_start3A_77 = tpu.memref_slice %arg3[%dma_start3A_75, %dma_start3A_76] : memref<10000x64xf32, #tpu.memory_space<hbm>> -> memref<10000x64xf32, #tpu.memory_space<hbm>>
      tpu.enqueue_indirect_dma source(%dma_start3A_77 : memref<10000x64xf32, #tpu.memory_space<hbm>>) target(%arg13 : memref<128x64xf32, #tpu.memory_space<vmem>>) offsets(%dma_start3A_74 : memref<128xi32, #tpu.memory_space<vmem>>) semaphore(%arg18 : memref<!tpu.dma_semaphore, #tpu.memory_space<semaphore_mem>>)
      %scan3A = arith.constant 0 : i32
      %scan3A_78 = arith.constant 0 : i32
      %scan3A_79 = arith.constant 32 : i32
      %scan3A_80 = arith.addi %scan3A_78, %scan3A_79 : i32
      %scan3A_81 = arith.constant 1 : i32
      scf.for %scan3A_83 = %scan3A_78 to %scan3A_80 step %scan3A_81  : i32 {
        %mul3A_84 = arith.constant 3 : i32
        %mul3A_85 = arith.muli %scan3A_83, %mul3A_84 : i32
        %add3A_86 = arith.constant 0 : i32
        %add3A_87 = arith.addi %mul3A_85, %add3A_86 : i32
        %dma_wait3A = arith.constant 0 : i32
        %dma_wait3A_88 = tpu.memref_slice %arg9[%add3A_87, %dma_wait3A] : memref<96x128xi32, #tpu.memory_space<vmem>> -> memref<1x128xi32, #tpu.memory_space<vmem>>
        %dma_wait3A_89 = tpu.memref_squeeze %dma_wait3A_88 : memref<1x128xi32, #tpu.memory_space<vmem>> -> memref<128xi32, #tpu.memory_space<vmem>>
        %dma_wait3A_90 = arith.constant 0 : i32
        %dma_wait3A_91 = arith.constant 0 : i32
        %dma_wait3A_92 = tpu.memref_slice %arg3[%dma_wait3A_90, %dma_wait3A_91] : memref<10000x64xf32, #tpu.memory_space<hbm>> -> memref<10000x64xf32, #tpu.memory_space<hbm>>
        tpu.wait_indirect_dma semaphore(%arg16 : memref<!tpu.dma_semaphore, #tpu.memory_space<semaphore_mem>>) src(%dma_wait3A_92 : memref<10000x64xf32, #tpu.memory_space<hbm>>) dst(%arg11 : memref<128x64xf32, #tpu.memory_space<vmem>>)
        "tpu.region"() ({
          %run_scoped3A = tpu.sem_alloc : memref<!tpu.dma_semaphore, #tpu.memory_space<semaphore_mem>>
          %dma_start3A_129 = arith.constant 0 : i32
          %dma_start3A_130 = tpu.memref_slice %arg10[%add3A_87, %dma_start3A_129] : memref<96x128xi32, #tpu.memory_space<vmem>> -> memref<1x128xi32, #tpu.memory_space<vmem>>
          %dma_start3A_131 = tpu.memref_squeeze %dma_start3A_130 : memref<1x128xi32, #tpu.memory_space<vmem>> -> memref<128xi32, #tpu.memory_space<vmem>>
          %dma_start3A_132 = arith.constant 0 : i32
          %dma_start3A_133 = arith.constant 0 : i32
          %dma_start3A_134 = tpu.memref_slice %arg15[%dma_start3A_132, %dma_start3A_133] : memref<10240x64xf32, #tpu.memory_space<vmem_shared>> -> memref<10240x64xf32, #tpu.memory_space<vmem_shared>>
          tpu.enqueue_indirect_dma source(%arg11 : memref<128x64xf32, #tpu.memory_space<vmem>>) target(%dma_start3A_134 : memref<10240x64xf32, #tpu.memory_space<vmem_shared>>) offsets(%dma_start3A_131 : memref<128xi32, #tpu.memory_space<vmem>>) semaphore(%run_scoped3A : memref<!tpu.dma_semaphore, #tpu.memory_space<semaphore_mem>>) {add = true}
          %dma_wait3A_135 = arith.constant 0 : i32
          %dma_wait3A_136 = tpu.memref_slice %arg10[%add3A_87, %dma_wait3A_135] : memref<96x128xi32, #tpu.memory_space<vmem>> -> memref<1x128xi32, #tpu.memory_space<vmem>>
          %dma_wait3A_137 = tpu.memref_squeeze %dma_wait3A_136 : memref<1x128xi32, #tpu.memory_space<vmem>> -> memref<128xi32, #tpu.memory_space<vmem>>
          %dma_wait3A_138 = arith.constant 0 : i32
          %dma_wait3A_139 = arith.constant 0 : i32
          %dma_wait3A_140 = tpu.memref_slice %arg15[%dma_wait3A_138, %dma_wait3A_139] : memref<10240x64xf32, #tpu.memory_space<vmem_shared>> -> memref<10240x64xf32, #tpu.memory_space<vmem_shared>>
          tpu.wait_indirect_dma semaphore(%run_scoped3A : memref<!tpu.dma_semaphore, #tpu.memory_space<semaphore_mem>>) src(%arg11 : memref<128x64xf32, #tpu.memory_space<vmem>>) dst(%dma_wait3A_140 : memref<10240x64xf32, #tpu.memory_space<vmem_shared>>)
          tpu.yield
        }) : () -> ()
        %add3A_93 = arith.constant 3 : i32
        %add3A_94 = arith.addi %add3A_87, %add3A_93 : i32
        %lt3A = arith.constant 96 : i32
        %lt3A_95 = arith.cmpi slt, %add3A_94, %lt3A : i32
        %convert_element_type3A_96 = arith.extui %lt3A_95 : i1 to i32
        %cond3A_97 = arith.constant 0 : i32
        %cond3A_98 = arith.cmpi ne, %convert_element_type3A_96, %cond3A_97 : i32
        scf.if %cond3A_98 {
          %add3A_129 = arith.constant 3 : i32
          %add3A_130 = arith.addi %add3A_87, %add3A_129 : i32
          %dma_start3A_131 = arith.constant 0 : i32
          %dma_start3A_132 = tpu.memref_slice %arg9[%add3A_130, %dma_start3A_131] : memref<96x128xi32, #tpu.memory_space<vmem>> -> memref<1x128xi32, #tpu.memory_space<vmem>>
          %dma_start3A_133 = tpu.memref_squeeze %dma_start3A_132 : memref<1x128xi32, #tpu.memory_space<vmem>> -> memref<128xi32, #tpu.memory_space<vmem>>
          %dma_start3A_134 = arith.constant 0 : i32
          %dma_start3A_135 = arith.constant 0 : i32
          %dma_start3A_136 = tpu.memref_slice %arg3[%dma_start3A_134, %dma_start3A_135] : memref<10000x64xf32, #tpu.memory_space<hbm>> -> memref<10000x64xf32, #tpu.memory_space<hbm>>
          tpu.enqueue_indirect_dma source(%dma_start3A_136 : memref<10000x64xf32, #tpu.memory_space<hbm>>) target(%arg11 : memref<128x64xf32, #tpu.memory_space<vmem>>) offsets(%dma_start3A_133 : memref<128xi32, #tpu.memory_space<vmem>>) semaphore(%arg16 : memref<!tpu.dma_semaphore, #tpu.memory_space<semaphore_mem>>)
        } else {
        }
        %add3A_99 = arith.constant 1 : i32
        %add3A_100 = arith.addi %mul3A_85, %add3A_99 : i32
        %dma_wait3A_101 = arith.constant 0 : i32
        %dma_wait3A_102 = tpu.memref_slice %arg9[%add3A_100, %dma_wait3A_101] : memref<96x128xi32, #tpu.memory_space<vmem>> -> memref<1x128xi32, #tpu.memory_space<vmem>>
        %dma_wait3A_103 = tpu.memref_squeeze %dma_wait3A_102 : memref<1x128xi32, #tpu.memory_space<vmem>> -> memref<128xi32, #tpu.memory_space<vmem>>
        %dma_wait3A_104 = arith.constant 0 : i32
        %dma_wait3A_105 = arith.constant 0 : i32
        %dma_wait3A_106 = tpu.memref_slice %arg3[%dma_wait3A_104, %dma_wait3A_105] : memref<10000x64xf32, #tpu.memory_space<hbm>> -> memref<10000x64xf32, #tpu.memory_space<hbm>>
        tpu.wait_indirect_dma semaphore(%arg17 : memref<!tpu.dma_semaphore, #tpu.memory_space<semaphore_mem>>) src(%dma_wait3A_106 : memref<10000x64xf32, #tpu.memory_space<hbm>>) dst(%arg12 : memref<128x64xf32, #tpu.memory_space<vmem>>)
        "tpu.region"() ({
          %run_scoped3A = tpu.sem_alloc : memref<!tpu.dma_semaphore, #tpu.memory_space<semaphore_mem>>
          %dma_start3A_129 = arith.constant 0 : i32
          %dma_start3A_130 = tpu.memref_slice %arg10[%add3A_100, %dma_start3A_129] : memref<96x128xi32, #tpu.memory_space<vmem>> -> memref<1x128xi32, #tpu.memory_space<vmem>>
          %dma_start3A_131 = tpu.memref_squeeze %dma_start3A_130 : memref<1x128xi32, #tpu.memory_space<vmem>> -> memref<128xi32, #tpu.memory_space<vmem>>
          %dma_start3A_132 = arith.constant 0 : i32
          %dma_start3A_133 = arith.constant 0 : i32
          %dma_start3A_134 = tpu.memref_slice %arg15[%dma_start3A_132, %dma_start3A_133] : memref<10240x64xf32, #tpu.memory_space<vmem_shared>> -> memref<10240x64xf32, #tpu.memory_space<vmem_shared>>
          tpu.enqueue_indirect_dma source(%arg12 : memref<128x64xf32, #tpu.memory_space<vmem>>) target(%dma_start3A_134 : memref<10240x64xf32, #tpu.memory_space<vmem_shared>>) offsets(%dma_start3A_131 : memref<128xi32, #tpu.memory_space<vmem>>) semaphore(%run_scoped3A : memref<!tpu.dma_semaphore, #tpu.memory_space<semaphore_mem>>) {add = true}
          %dma_wait3A_135 = arith.constant 0 : i32
          %dma_wait3A_136 = tpu.memref_slice %arg10[%add3A_100, %dma_wait3A_135] : memref<96x128xi32, #tpu.memory_space<vmem>> -> memref<1x128xi32, #tpu.memory_space<vmem>>
          %dma_wait3A_137 = tpu.memref_squeeze %dma_wait3A_136 : memref<1x128xi32, #tpu.memory_space<vmem>> -> memref<128xi32, #tpu.memory_space<vmem>>
          %dma_wait3A_138 = arith.constant 0 : i32
          %dma_wait3A_139 = arith.constant 0 : i32
          %dma_wait3A_140 = tpu.memref_slice %arg15[%dma_wait3A_138, %dma_wait3A_139] : memref<10240x64xf32, #tpu.memory_space<vmem_shared>> -> memref<10240x64xf32, #tpu.memory_space<vmem_shared>>
          tpu.wait_indirect_dma semaphore(%run_scoped3A : memref<!tpu.dma_semaphore, #tpu.memory_space<semaphore_mem>>) src(%arg12 : memref<128x64xf32, #tpu.memory_space<vmem>>) dst(%dma_wait3A_140 : memref<10240x64xf32, #tpu.memory_space<vmem_shared>>)
          tpu.yield
        }) : () -> ()
        %add3A_107 = arith.constant 3 : i32
        %add3A_108 = arith.addi %add3A_100, %add3A_107 : i32
        %lt3A_109 = arith.constant 96 : i32
        %lt3A_110 = arith.cmpi slt, %add3A_108, %lt3A_109 : i32
        %convert_element_type3A_111 = arith.extui %lt3A_110 : i1 to i32
        %cond3A_112 = arith.constant 0 : i32
        %cond3A_113 = arith.cmpi ne, %convert_element_type3A_111, %cond3A_112 : i32
        scf.if %cond3A_113 {
          %add3A_129 = arith.constant 3 : i32
          %add3A_130 = arith.addi %add3A_100, %add3A_129 : i32
          %dma_start3A_131 = arith.constant 0 : i32
          %dma_start3A_132 = tpu.memref_slice %arg9[%add3A_130, %dma_start3A_131] : memref<96x128xi32, #tpu.memory_space<vmem>> -> memref<1x128xi32, #tpu.memory_space<vmem>>
          %dma_start3A_133 = tpu.memref_squeeze %dma_start3A_132 : memref<1x128xi32, #tpu.memory_space<vmem>> -> memref<128xi32, #tpu.memory_space<vmem>>
          %dma_start3A_134 = arith.constant 0 : i32
          %dma_start3A_135 = arith.constant 0 : i32
          %dma_start3A_136 = tpu.memref_slice %arg3[%dma_start3A_134, %dma_start3A_135] : memref<10000x64xf32, #tpu.memory_space<hbm>> -> memref<10000x64xf32, #tpu.memory_space<hbm>>
          tpu.enqueue_indirect_dma source(%dma_start3A_136 : memref<10000x64xf32, #tpu.memory_space<hbm>>) target(%arg12 : memref<128x64xf32, #tpu.memory_space<vmem>>) offsets(%dma_start3A_133 : memref<128xi32, #tpu.memory_space<vmem>>) semaphore(%arg17 : memref<!tpu.dma_semaphore, #tpu.memory_space<semaphore_mem>>)
        } else {
        }
        %add3A_114 = arith.constant 2 : i32
        %add3A_115 = arith.addi %mul3A_85, %add3A_114 : i32
        %dma_wait3A_116 = arith.constant 0 : i32
        %dma_wait3A_117 = tpu.memref_slice %arg9[%add3A_115, %dma_wait3A_116] : memref<96x128xi32, #tpu.memory_space<vmem>> -> memref<1x128xi32, #tpu.memory_space<vmem>>
        %dma_wait3A_118 = tpu.memref_squeeze %dma_wait3A_117 : memref<1x128xi32, #tpu.memory_space<vmem>> -> memref<128xi32, #tpu.memory_space<vmem>>
        %dma_wait3A_119 = arith.constant 0 : i32
        %dma_wait3A_120 = arith.constant 0 : i32
        %dma_wait3A_121 = tpu.memref_slice %arg3[%dma_wait3A_119, %dma_wait3A_120] : memref<10000x64xf32, #tpu.memory_space<hbm>> -> memref<10000x64xf32, #tpu.memory_space<hbm>>
        tpu.wait_indirect_dma semaphore(%arg18 : memref<!tpu.dma_semaphore, #tpu.memory_space<semaphore_mem>>) src(%dma_wait3A_121 : memref<10000x64xf32, #tpu.memory_space<hbm>>) dst(%arg13 : memref<128x64xf32, #tpu.memory_space<vmem>>)
        "tpu.region"() ({
          %run_scoped3A = tpu.sem_alloc : memref<!tpu.dma_semaphore, #tpu.memory_space<semaphore_mem>>
          %dma_start3A_129 = arith.constant 0 : i32
          %dma_start3A_130 = tpu.memref_slice %arg10[%add3A_115, %dma_start3A_129] : memref<96x128xi32, #tpu.memory_space<vmem>> -> memref<1x128xi32, #tpu.memory_space<vmem>>
          %dma_start3A_131 = tpu.memref_squeeze %dma_start3A_130 : memref<1x128xi32, #tpu.memory_space<vmem>> -> memref<128xi32, #tpu.memory_space<vmem>>
          %dma_start3A_132 = arith.constant 0 : i32
          %dma_start3A_133 = arith.constant 0 : i32
          %dma_start3A_134 = tpu.memref_slice %arg15[%dma_start3A_132, %dma_start3A_133] : memref<10240x64xf32, #tpu.memory_space<vmem_shared>> -> memref<10240x64xf32, #tpu.memory_space<vmem_shared>>
          tpu.enqueue_indirect_dma source(%arg13 : memref<128x64xf32, #tpu.memory_space<vmem>>) target(%dma_start3A_134 : memref<10240x64xf32, #tpu.memory_space<vmem_shared>>) offsets(%dma_start3A_131 : memref<128xi32, #tpu.memory_space<vmem>>) semaphore(%run_scoped3A : memref<!tpu.dma_semaphore, #tpu.memory_space<semaphore_mem>>) {add = true}
          %dma_wait3A_135 = arith.constant 0 : i32
          %dma_wait3A_136 = tpu.memref_slice %arg10[%add3A_115, %dma_wait3A_135] : memref<96x128xi32, #tpu.memory_space<vmem>> -> memref<1x128xi32, #tpu.memory_space<vmem>>
          %dma_wait3A_137 = tpu.memref_squeeze %dma_wait3A_136 : memref<1x128xi32, #tpu.memory_space<vmem>> -> memref<128xi32, #tpu.memory_space<vmem>>
          %dma_wait3A_138 = arith.constant 0 : i32
          %dma_wait3A_139 = arith.constant 0 : i32
          %dma_wait3A_140 = tpu.memref_slice %arg15[%dma_wait3A_138, %dma_wait3A_139] : memref<10240x64xf32, #tpu.memory_space<vmem_shared>> -> memref<10240x64xf32, #tpu.memory_space<vmem_shared>>
          tpu.wait_indirect_dma semaphore(%run_scoped3A : memref<!tpu.dma_semaphore, #tpu.memory_space<semaphore_mem>>) src(%arg13 : memref<128x64xf32, #tpu.memory_space<vmem>>) dst(%dma_wait3A_140 : memref<10240x64xf32, #tpu.memory_space<vmem_shared>>)
          tpu.yield
        }) : () -> ()
        %add3A_122 = arith.constant 3 : i32
        %add3A_123 = arith.addi %add3A_115, %add3A_122 : i32
        %lt3A_124 = arith.constant 96 : i32
        %lt3A_125 = arith.cmpi slt, %add3A_123, %lt3A_124 : i32
        %convert_element_type3A_126 = arith.extui %lt3A_125 : i1 to i32
        %cond3A_127 = arith.constant 0 : i32
        %cond3A_128 = arith.cmpi ne, %convert_element_type3A_126, %cond3A_127 : i32
        scf.if %cond3A_128 {
          %add3A_129 = arith.constant 3 : i32
          %add3A_130 = arith.addi %add3A_115, %add3A_129 : i32
          %dma_start3A_131 = arith.constant 0 : i32
          %dma_start3A_132 = tpu.memref_slice %arg9[%add3A_130, %dma_start3A_131] : memref<96x128xi32, #tpu.memory_space<vmem>> -> memref<1x128xi32, #tpu.memory_space<vmem>>
          %dma_start3A_133 = tpu.memref_squeeze %dma_start3A_132 : memref<1x128xi32, #tpu.memory_space<vmem>> -> memref<128xi32, #tpu.memory_space<vmem>>
          %dma_start3A_134 = arith.constant 0 : i32
          %dma_start3A_135 = arith.constant 0 : i32
          %dma_start3A_136 = tpu.memref_slice %arg3[%dma_start3A_134, %dma_start3A_135] : memref<10000x64xf32, #tpu.memory_space<hbm>> -> memref<10000x64xf32, #tpu.memory_space<hbm>>
          tpu.enqueue_indirect_dma source(%dma_start3A_136 : memref<10000x64xf32, #tpu.memory_space<hbm>>) target(%arg13 : memref<128x64xf32, #tpu.memory_space<vmem>>) offsets(%dma_start3A_133 : memref<128xi32, #tpu.memory_space<vmem>>) semaphore(%arg18 : memref<!tpu.dma_semaphore, #tpu.memory_space<semaphore_mem>>)
        } else {
        }
      }
      %scan3A_82 = arith.constant 32 : i32
    } else {
    }
    %barrier3A_57 = arith.constant 0 : index
    tpu.barrier barrier_id(%barrier3A_57)
    "tpu.region"() ({
      %run_scoped3A = tpu.sem_alloc : memref<!tpu.dma_semaphore, #tpu.memory_space<semaphore_mem>>
      %dma_start3A = arith.constant 0 : i32
      %dma_start3A_58 = tpu.memref_slice %arg8[%arg0, %mul3A_0, %dma_start3A] : memref<2x10240x64xf32, #tpu.memory_space<hbm>> -> memref<1x640x64xf32, #tpu.memory_space<hbm>>
      %dma_start3A_59 = tpu.memref_squeeze %dma_start3A_58 : memref<1x640x64xf32, #tpu.memory_space<hbm>> -> memref<640x64xf32, #tpu.memory_space<hbm>>
      %dma_start3A_60 = arith.constant 0 : i32
      %dma_start3A_61 = tpu.memref_slice %arg15[%mul3A_0, %dma_start3A_60] : memref<10240x64xf32, #tpu.memory_space<vmem_shared>> -> memref<640x64xf32, #tpu.memory_space<vmem_shared>>
      tpu.enqueue_dma source(%dma_start3A_61 : memref<640x64xf32, #tpu.memory_space<vmem_shared>>) target(%dma_start3A_59 : memref<640x64xf32, #tpu.memory_space<hbm>>) target_semaphore(%run_scoped3A : memref<!tpu.dma_semaphore, #tpu.memory_space<semaphore_mem>>)
      %dma_wait3A = arith.constant 0 : i32
      %dma_wait3A_62 = tpu.memref_slice %arg8[%arg0, %mul3A_0, %dma_wait3A] : memref<2x10240x64xf32, #tpu.memory_space<hbm>> -> memref<1x640x64xf32, #tpu.memory_space<hbm>>
      %dma_wait3A_63 = tpu.memref_squeeze %dma_wait3A_62 : memref<1x640x64xf32, #tpu.memory_space<hbm>> -> memref<640x64xf32, #tpu.memory_space<hbm>>
      %dma_wait3A_64 = arith.constant 0 : i32
      %dma_wait3A_65 = tpu.memref_slice %arg15[%mul3A_0, %dma_wait3A_64] : memref<10240x64xf32, #tpu.memory_space<vmem_shared>> -> memref<640x64xf32, #tpu.memory_space<vmem_shared>>
      tpu.wait_dma2 semaphore(%run_scoped3A : memref<!tpu.dma_semaphore, #tpu.memory_space<semaphore_mem>>) src(%dma_wait3A_65 : memref<640x64xf32, #tpu.memory_space<vmem_shared>>) dst(%dma_wait3A_63 : memref<640x64xf32, #tpu.memory_space<hbm>>)
      tpu.yield
    }) : () -> ()
    return
  }
}

#map = affine_map<(d0, d1) -> (0, 0)>
#map1 = affine_map<(d0, d1) -> (0, 0, 0)>
module attributes {stable_mosaic.version = 14 : i64} {
  func.func @_sc_agg(%arg0: i32, %arg1: i32, %arg2: memref<10000x64xf32, #tpu.memory_space<hbm>>, %arg3: memref<10000x64xf32, #tpu.memory_space<hbm>>, %arg4: memref<2560x128xi32, #tpu.memory_space<hbm>>, %arg5: memref<2560x128xi32, #tpu.memory_space<hbm>>, %arg6: memref<128x64xf32, #tpu.memory_space<hbm>>, %arg7: memref<2x10240x64xf32, #tpu.memory_space<hbm>>, %arg8: memref<2x10240x64xf32, #tpu.memory_space<hbm>>, %arg9: memref<96x128xi32, #tpu.memory_space<vmem>>, %arg10: memref<96x128xi32, #tpu.memory_space<vmem>>, %arg11: memref<128x64xf32, #tpu.memory_space<vmem>>, %arg12: memref<128x64xf32, #tpu.memory_space<vmem>>, %arg13: memref<128x64xf32, #tpu.memory_space<vmem>>, %arg14: memref<128x64xf32, #tpu.memory_space<vmem>>, %arg15: memref<10240x64xf32, #tpu.memory_space<vmem_shared>>, %arg16: memref<!tpu.dma_semaphore, #tpu.memory_space<semaphore_mem>>, %arg17: memref<!tpu.dma_semaphore, #tpu.memory_space<semaphore_mem>>, %arg18: memref<!tpu.dma_semaphore, #tpu.memory_space<semaphore_mem>>) attributes {dimension_semantics = [#tpu.dimension_semantics<core_parallel>, #tpu.dimension_semantics<subcore_parallel>], iteration_bounds = array<i64: 2, 16>, scalar_prefetch = 0 : i64, scratch_operands = 10 : i64, tpu.core_type = #tpu.core_type<sc_vector_subcore>, window_params = [{transform_indices = #map}, {transform_indices = #map}, {transform_indices = #map}, {transform_indices = #map}, {transform_indices = #map}, {transform_indices = #map1}, {transform_indices = #map1}]} {
    %mul3A = arith.constant 640 : i32
    %mul3A_0 = arith.muli %arg1, %mul3A : i32
    %eq3A = arith.constant 0 : i32
    %eq3A_1 = arith.cmpi eq, %arg0, %eq3A : i32
    %mul3A_2 = arith.constant 64 : i32
    %mul3A_3 = arith.muli %arg1, %mul3A_2 : i32
    %mul3A_4 = arith.constant 96 : i32
    %mul3A_5 = arith.muli %arg1, %mul3A_4 : i32
    %add3A = arith.constant 1024 : i32
    %add3A_6 = arith.addi %add3A, %mul3A_5 : i32
    %select_n3A = arith.select %eq3A_1, %mul3A_3, %add3A_6 : i32
    %eq3A_7 = arith.constant 0 : i32
    %eq3A_8 = arith.cmpi eq, %arg0, %eq3A_7 : i32
    %convert_element_type3A = arith.extui %eq3A_8 : i1 to i32
    %cond3A = arith.constant 0 : i32
    %cond3A_9 = arith.cmpi ne, %convert_element_type3A, %cond3A : i32
    scf.if %cond3A_9 {
      "tpu.region"() ({
        %run_scoped3A = tpu.sem_alloc : memref<!tpu.dma_semaphore, #tpu.memory_space<semaphore_mem>>
        %dma_start3A = arith.constant 0 : i32
        %dma_start3A_58 = arith.constant 0 : i32
        %dma_start3A_59 = tpu.memref_slice %arg9[%dma_start3A, %dma_start3A_58] : memref<96x128xi32, #tpu.memory_space<vmem>> -> memref<64x128xi32, #tpu.memory_space<vmem>>
        %dma_start3A_60 = arith.constant 0 : i32
        %dma_start3A_61 = tpu.memref_slice %arg4[%select_n3A, %dma_start3A_60] : memref<2560x128xi32, #tpu.memory_space<hbm>> -> memref<64x128xi32, #tpu.memory_space<hbm>>
        %dma_start3A_62 = arith.constant 0 : i32
        %dma_start3A_63 = arith.constant 0 : i32
        %dma_start3A_64 = tpu.memref_slice %arg9[%dma_start3A_62, %dma_start3A_63] : memref<96x128xi32, #tpu.memory_space<vmem>> -> memref<64x128xi32, #tpu.memory_space<vmem>>
        %dma_start3A_65 = arith.constant 0 : i32
        %dma_start3A_66 = tpu.memref_slice %arg4[%select_n3A, %dma_start3A_65] : memref<2560x128xi32, #tpu.memory_space<hbm>> -> memref<64x128xi32, #tpu.memory_space<hbm>>
        tpu.enqueue_dma source(%dma_start3A_66 : memref<64x128xi32, #tpu.memory_space<hbm>>) target(%dma_start3A_64 : memref<64x128xi32, #tpu.memory_space<vmem>>) target_semaphore(%run_scoped3A : memref<!tpu.dma_semaphore, #tpu.memory_space<semaphore_mem>>)
        %dma_wait3A = arith.constant 0 : i32
        %dma_wait3A_67 = arith.constant 0 : i32
        %dma_wait3A_68 = tpu.memref_slice %arg9[%dma_wait3A, %dma_wait3A_67] : memref<96x128xi32, #tpu.memory_space<vmem>> -> memref<64x128xi32, #tpu.memory_space<vmem>>
        %dma_wait3A_69 = arith.constant 0 : i32
        %dma_wait3A_70 = tpu.memref_slice %arg4[%select_n3A, %dma_wait3A_69] : memref<2560x128xi32, #tpu.memory_space<hbm>> -> memref<64x128xi32, #tpu.memory_space<hbm>>
        %dma_wait3A_71 = arith.constant 0 : i32
        %dma_wait3A_72 = arith.constant 0 : i32
        %dma_wait3A_73 = tpu.memref_slice %arg9[%dma_wait3A_71, %dma_wait3A_72] : memref<96x128xi32, #tpu.memory_space<vmem>> -> memref<64x128xi32, #tpu.memory_space<vmem>>
        %dma_wait3A_74 = arith.constant 0 : i32
        %dma_wait3A_75 = tpu.memref_slice %arg4[%select_n3A, %dma_wait3A_74] : memref<2560x128xi32, #tpu.memory_space<hbm>> -> memref<64x128xi32, #tpu.memory_space<hbm>>
        tpu.wait_dma2 semaphore(%run_scoped3A : memref<!tpu.dma_semaphore, #tpu.memory_space<semaphore_mem>>) src(%dma_wait3A_75 : memref<64x128xi32, #tpu.memory_space<hbm>>) dst(%dma_wait3A_73 : memref<64x128xi32, #tpu.memory_space<vmem>>)
        tpu.yield
      }) : () -> ()
      "tpu.region"() ({
        %run_scoped3A = tpu.sem_alloc : memref<!tpu.dma_semaphore, #tpu.memory_space<semaphore_mem>>
        %dma_start3A = arith.constant 0 : i32
        %dma_start3A_58 = arith.constant 0 : i32
        %dma_start3A_59 = tpu.memref_slice %arg10[%dma_start3A, %dma_start3A_58] : memref<96x128xi32, #tpu.memory_space<vmem>> -> memref<64x128xi32, #tpu.memory_space<vmem>>
        %dma_start3A_60 = arith.constant 0 : i32
        %dma_start3A_61 = tpu.memref_slice %arg5[%select_n3A, %dma_start3A_60] : memref<2560x128xi32, #tpu.memory_space<hbm>> -> memref<64x128xi32, #tpu.memory_space<hbm>>
        %dma_start3A_62 = arith.constant 0 : i32
        %dma_start3A_63 = arith.constant 0 : i32
        %dma_start3A_64 = tpu.memref_slice %arg10[%dma_start3A_62, %dma_start3A_63] : memref<96x128xi32, #tpu.memory_space<vmem>> -> memref<64x128xi32, #tpu.memory_space<vmem>>
        %dma_start3A_65 = arith.constant 0 : i32
        %dma_start3A_66 = tpu.memref_slice %arg5[%select_n3A, %dma_start3A_65] : memref<2560x128xi32, #tpu.memory_space<hbm>> -> memref<64x128xi32, #tpu.memory_space<hbm>>
        tpu.enqueue_dma source(%dma_start3A_66 : memref<64x128xi32, #tpu.memory_space<hbm>>) target(%dma_start3A_64 : memref<64x128xi32, #tpu.memory_space<vmem>>) target_semaphore(%run_scoped3A : memref<!tpu.dma_semaphore, #tpu.memory_space<semaphore_mem>>)
        %dma_wait3A = arith.constant 0 : i32
        %dma_wait3A_67 = arith.constant 0 : i32
        %dma_wait3A_68 = tpu.memref_slice %arg10[%dma_wait3A, %dma_wait3A_67] : memref<96x128xi32, #tpu.memory_space<vmem>> -> memref<64x128xi32, #tpu.memory_space<vmem>>
        %dma_wait3A_69 = arith.constant 0 : i32
        %dma_wait3A_70 = tpu.memref_slice %arg5[%select_n3A, %dma_wait3A_69] : memref<2560x128xi32, #tpu.memory_space<hbm>> -> memref<64x128xi32, #tpu.memory_space<hbm>>
        %dma_wait3A_71 = arith.constant 0 : i32
        %dma_wait3A_72 = arith.constant 0 : i32
        %dma_wait3A_73 = tpu.memref_slice %arg10[%dma_wait3A_71, %dma_wait3A_72] : memref<96x128xi32, #tpu.memory_space<vmem>> -> memref<64x128xi32, #tpu.memory_space<vmem>>
        %dma_wait3A_74 = arith.constant 0 : i32
        %dma_wait3A_75 = tpu.memref_slice %arg5[%select_n3A, %dma_wait3A_74] : memref<2560x128xi32, #tpu.memory_space<hbm>> -> memref<64x128xi32, #tpu.memory_space<hbm>>
        tpu.wait_dma2 semaphore(%run_scoped3A : memref<!tpu.dma_semaphore, #tpu.memory_space<semaphore_mem>>) src(%dma_wait3A_75 : memref<64x128xi32, #tpu.memory_space<hbm>>) dst(%dma_wait3A_73 : memref<64x128xi32, #tpu.memory_space<vmem>>)
        tpu.yield
      }) : () -> ()
    } else {
    }
    %eq3A_10 = arith.constant 1 : i32
    %eq3A_11 = arith.cmpi eq, %arg0, %eq3A_10 : i32
    %convert_element_type3A_12 = arith.extui %eq3A_11 : i1 to i32
    %cond3A_13 = arith.constant 0 : i32
    %cond3A_14 = arith.cmpi ne, %convert_element_type3A_12, %cond3A_13 : i32
    scf.if %cond3A_14 {
      "tpu.region"() ({
        %run_scoped3A = tpu.sem_alloc : memref<!tpu.dma_semaphore, #tpu.memory_space<semaphore_mem>>
        %dma_start3A = arith.constant 0 : i32
        %dma_start3A_58 = arith.constant 0 : i32
        %dma_start3A_59 = tpu.memref_slice %arg9[%dma_start3A, %dma_start3A_58] : memref<96x128xi32, #tpu.memory_space<vmem>> -> memref<96x128xi32, #tpu.memory_space<vmem>>
        %dma_start3A_60 = arith.constant 0 : i32
        %dma_start3A_61 = tpu.memref_slice %arg4[%select_n3A, %dma_start3A_60] : memref<2560x128xi32, #tpu.memory_space<hbm>> -> memref<96x128xi32, #tpu.memory_space<hbm>>
        %dma_start3A_62 = arith.constant 0 : i32
        %dma_start3A_63 = arith.constant 0 : i32
        %dma_start3A_64 = tpu.memref_slice %arg9[%dma_start3A_62, %dma_start3A_63] : memref<96x128xi32, #tpu.memory_space<vmem>> -> memref<96x128xi32, #tpu.memory_space<vmem>>
        %dma_start3A_65 = arith.constant 0 : i32
        %dma_start3A_66 = tpu.memref_slice %arg4[%select_n3A, %dma_start3A_65] : memref<2560x128xi32, #tpu.memory_space<hbm>> -> memref<96x128xi32, #tpu.memory_space<hbm>>
        tpu.enqueue_dma source(%dma_start3A_66 : memref<96x128xi32, #tpu.memory_space<hbm>>) target(%dma_start3A_64 : memref<96x128xi32, #tpu.memory_space<vmem>>) target_semaphore(%run_scoped3A : memref<!tpu.dma_semaphore, #tpu.memory_space<semaphore_mem>>)
        %dma_wait3A = arith.constant 0 : i32
        %dma_wait3A_67 = arith.constant 0 : i32
        %dma_wait3A_68 = tpu.memref_slice %arg9[%dma_wait3A, %dma_wait3A_67] : memref<96x128xi32, #tpu.memory_space<vmem>> -> memref<96x128xi32, #tpu.memory_space<vmem>>
        %dma_wait3A_69 = arith.constant 0 : i32
        %dma_wait3A_70 = tpu.memref_slice %arg4[%select_n3A, %dma_wait3A_69] : memref<2560x128xi32, #tpu.memory_space<hbm>> -> memref<96x128xi32, #tpu.memory_space<hbm>>
        %dma_wait3A_71 = arith.constant 0 : i32
        %dma_wait3A_72 = arith.constant 0 : i32
        %dma_wait3A_73 = tpu.memref_slice %arg9[%dma_wait3A_71, %dma_wait3A_72] : memref<96x128xi32, #tpu.memory_space<vmem>> -> memref<96x128xi32, #tpu.memory_space<vmem>>
        %dma_wait3A_74 = arith.constant 0 : i32
        %dma_wait3A_75 = tpu.memref_slice %arg4[%select_n3A, %dma_wait3A_74] : memref<2560x128xi32, #tpu.memory_space<hbm>> -> memref<96x128xi32, #tpu.memory_space<hbm>>
        tpu.wait_dma2 semaphore(%run_scoped3A : memref<!tpu.dma_semaphore, #tpu.memory_space<semaphore_mem>>) src(%dma_wait3A_75 : memref<96x128xi32, #tpu.memory_space<hbm>>) dst(%dma_wait3A_73 : memref<96x128xi32, #tpu.memory_space<vmem>>)
        tpu.yield
      }) : () -> ()
      "tpu.region"() ({
        %run_scoped3A = tpu.sem_alloc : memref<!tpu.dma_semaphore, #tpu.memory_space<semaphore_mem>>
        %dma_start3A = arith.constant 0 : i32
        %dma_start3A_58 = arith.constant 0 : i32
        %dma_start3A_59 = tpu.memref_slice %arg10[%dma_start3A, %dma_start3A_58] : memref<96x128xi32, #tpu.memory_space<vmem>> -> memref<96x128xi32, #tpu.memory_space<vmem>>
        %dma_start3A_60 = arith.constant 0 : i32
        %dma_start3A_61 = tpu.memref_slice %arg5[%select_n3A, %dma_start3A_60] : memref<2560x128xi32, #tpu.memory_space<hbm>> -> memref<96x128xi32, #tpu.memory_space<hbm>>
        %dma_start3A_62 = arith.constant 0 : i32
        %dma_start3A_63 = arith.constant 0 : i32
        %dma_start3A_64 = tpu.memref_slice %arg10[%dma_start3A_62, %dma_start3A_63] : memref<96x128xi32, #tpu.memory_space<vmem>> -> memref<96x128xi32, #tpu.memory_space<vmem>>
        %dma_start3A_65 = arith.constant 0 : i32
        %dma_start3A_66 = tpu.memref_slice %arg5[%select_n3A, %dma_start3A_65] : memref<2560x128xi32, #tpu.memory_space<hbm>> -> memref<96x128xi32, #tpu.memory_space<hbm>>
        tpu.enqueue_dma source(%dma_start3A_66 : memref<96x128xi32, #tpu.memory_space<hbm>>) target(%dma_start3A_64 : memref<96x128xi32, #tpu.memory_space<vmem>>) target_semaphore(%run_scoped3A : memref<!tpu.dma_semaphore, #tpu.memory_space<semaphore_mem>>)
        %dma_wait3A = arith.constant 0 : i32
        %dma_wait3A_67 = arith.constant 0 : i32
        %dma_wait3A_68 = tpu.memref_slice %arg10[%dma_wait3A, %dma_wait3A_67] : memref<96x128xi32, #tpu.memory_space<vmem>> -> memref<96x128xi32, #tpu.memory_space<vmem>>
        %dma_wait3A_69 = arith.constant 0 : i32
        %dma_wait3A_70 = tpu.memref_slice %arg5[%select_n3A, %dma_wait3A_69] : memref<2560x128xi32, #tpu.memory_space<hbm>> -> memref<96x128xi32, #tpu.memory_space<hbm>>
        %dma_wait3A_71 = arith.constant 0 : i32
        %dma_wait3A_72 = arith.constant 0 : i32
        %dma_wait3A_73 = tpu.memref_slice %arg10[%dma_wait3A_71, %dma_wait3A_72] : memref<96x128xi32, #tpu.memory_space<vmem>> -> memref<96x128xi32, #tpu.memory_space<vmem>>
        %dma_wait3A_74 = arith.constant 0 : i32
        %dma_wait3A_75 = tpu.memref_slice %arg5[%select_n3A, %dma_wait3A_74] : memref<2560x128xi32, #tpu.memory_space<hbm>> -> memref<96x128xi32, #tpu.memory_space<hbm>>
        tpu.wait_dma2 semaphore(%run_scoped3A : memref<!tpu.dma_semaphore, #tpu.memory_space<semaphore_mem>>) src(%dma_wait3A_75 : memref<96x128xi32, #tpu.memory_space<hbm>>) dst(%dma_wait3A_73 : memref<96x128xi32, #tpu.memory_space<vmem>>)
        tpu.yield
      }) : () -> ()
    } else {
    }
    "tpu.region"() ({
      %run_scoped3A = tpu.sem_alloc : memref<!tpu.dma_semaphore, #tpu.memory_space<semaphore_mem>>
      tpu.enqueue_dma source(%arg6 : memref<128x64xf32, #tpu.memory_space<hbm>>) target(%arg14 : memref<128x64xf32, #tpu.memory_space<vmem>>) target_semaphore(%run_scoped3A : memref<!tpu.dma_semaphore, #tpu.memory_space<semaphore_mem>>)
      tpu.wait_dma2 semaphore(%run_scoped3A : memref<!tpu.dma_semaphore, #tpu.memory_space<semaphore_mem>>) src(%arg6 : memref<128x64xf32, #tpu.memory_space<hbm>>) dst(%arg14 : memref<128x64xf32, #tpu.memory_space<vmem>>)
      tpu.yield
    }) : () -> ()
    %add3A_15 = arith.constant 0 : i32
    %add3A_16 = arith.addi %mul3A_0, %add3A_15 : i32
    "tpu.region"() ({
      %run_scoped3A = tpu.sem_alloc : memref<!tpu.dma_semaphore, #tpu.memory_space<semaphore_mem>>
      %dma_start3A = arith.constant 0 : i32
      %dma_start3A_58 = tpu.memref_slice %arg15[%add3A_16, %dma_start3A] : memref<10240x64xf32, #tpu.memory_space<vmem_shared>> -> memref<128x64xf32, #tpu.memory_space<vmem_shared>>
      %dma_start3A_59 = arith.constant 0 : i32
      %dma_start3A_60 = tpu.memref_slice %arg15[%add3A_16, %dma_start3A_59] : memref<10240x64xf32, #tpu.memory_space<vmem_shared>> -> memref<128x64xf32, #tpu.memory_space<vmem_shared>>
      tpu.enqueue_dma source(%arg14 : memref<128x64xf32, #tpu.memory_space<vmem>>) target(%dma_start3A_60 : memref<128x64xf32, #tpu.memory_space<vmem_shared>>) target_semaphore(%run_scoped3A : memref<!tpu.dma_semaphore, #tpu.memory_space<semaphore_mem>>)
      %dma_wait3A = arith.constant 0 : i32
      %dma_wait3A_61 = tpu.memref_slice %arg15[%add3A_16, %dma_wait3A] : memref<10240x64xf32, #tpu.memory_space<vmem_shared>> -> memref<128x64xf32, #tpu.memory_space<vmem_shared>>
      %dma_wait3A_62 = arith.constant 0 : i32
      %dma_wait3A_63 = tpu.memref_slice %arg15[%add3A_16, %dma_wait3A_62] : memref<10240x64xf32, #tpu.memory_space<vmem_shared>> -> memref<128x64xf32, #tpu.memory_space<vmem_shared>>
      tpu.wait_dma2 semaphore(%run_scoped3A : memref<!tpu.dma_semaphore, #tpu.memory_space<semaphore_mem>>) src(%arg14 : memref<128x64xf32, #tpu.memory_space<vmem>>) dst(%dma_wait3A_63 : memref<128x64xf32, #tpu.memory_space<vmem_shared>>)
      tpu.yield
    }) : () -> ()
    %add3A_17 = arith.constant 128 : i32
    %add3A_18 = arith.addi %mul3A_0, %add3A_17 : i32
    "tpu.region"() ({
      %run_scoped3A = tpu.sem_alloc : memref<!tpu.dma_semaphore, #tpu.memory_space<semaphore_mem>>
      %dma_start3A = arith.constant 0 : i32
      %dma_start3A_58 = tpu.memref_slice %arg15[%add3A_18, %dma_start3A] : memref<10240x64xf32, #tpu.memory_space<vmem_shared>> -> memref<128x64xf32, #tpu.memory_space<vmem_shared>>
      %dma_start3A_59 = arith.constant 0 : i32
      %dma_start3A_60 = tpu.memref_slice %arg15[%add3A_18, %dma_start3A_59] : memref<10240x64xf32, #tpu.memory_space<vmem_shared>> -> memref<128x64xf32, #tpu.memory_space<vmem_shared>>
      tpu.enqueue_dma source(%arg14 : memref<128x64xf32, #tpu.memory_space<vmem>>) target(%dma_start3A_60 : memref<128x64xf32, #tpu.memory_space<vmem_shared>>) target_semaphore(%run_scoped3A : memref<!tpu.dma_semaphore, #tpu.memory_space<semaphore_mem>>)
      %dma_wait3A = arith.constant 0 : i32
      %dma_wait3A_61 = tpu.memref_slice %arg15[%add3A_18, %dma_wait3A] : memref<10240x64xf32, #tpu.memory_space<vmem_shared>> -> memref<128x64xf32, #tpu.memory_space<vmem_shared>>
      %dma_wait3A_62 = arith.constant 0 : i32
      %dma_wait3A_63 = tpu.memref_slice %arg15[%add3A_18, %dma_wait3A_62] : memref<10240x64xf32, #tpu.memory_space<vmem_shared>> -> memref<128x64xf32, #tpu.memory_space<vmem_shared>>
      tpu.wait_dma2 semaphore(%run_scoped3A : memref<!tpu.dma_semaphore, #tpu.memory_space<semaphore_mem>>) src(%arg14 : memref<128x64xf32, #tpu.memory_space<vmem>>) dst(%dma_wait3A_63 : memref<128x64xf32, #tpu.memory_space<vmem_shared>>)
      tpu.yield
    }) : () -> ()
    %add3A_19 = arith.constant 256 : i32
    %add3A_20 = arith.addi %mul3A_0, %add3A_19 : i32
    "tpu.region"() ({
      %run_scoped3A = tpu.sem_alloc : memref<!tpu.dma_semaphore, #tpu.memory_space<semaphore_mem>>
      %dma_start3A = arith.constant 0 : i32
      %dma_start3A_58 = tpu.memref_slice %arg15[%add3A_20, %dma_start3A] : memref<10240x64xf32, #tpu.memory_space<vmem_shared>> -> memref<128x64xf32, #tpu.memory_space<vmem_shared>>
      %dma_start3A_59 = arith.constant 0 : i32
      %dma_start3A_60 = tpu.memref_slice %arg15[%add3A_20, %dma_start3A_59] : memref<10240x64xf32, #tpu.memory_space<vmem_shared>> -> memref<128x64xf32, #tpu.memory_space<vmem_shared>>
      tpu.enqueue_dma source(%arg14 : memref<128x64xf32, #tpu.memory_space<vmem>>) target(%dma_start3A_60 : memref<128x64xf32, #tpu.memory_space<vmem_shared>>) target_semaphore(%run_scoped3A : memref<!tpu.dma_semaphore, #tpu.memory_space<semaphore_mem>>)
      %dma_wait3A = arith.constant 0 : i32
      %dma_wait3A_61 = tpu.memref_slice %arg15[%add3A_20, %dma_wait3A] : memref<10240x64xf32, #tpu.memory_space<vmem_shared>> -> memref<128x64xf32, #tpu.memory_space<vmem_shared>>
      %dma_wait3A_62 = arith.constant 0 : i32
      %dma_wait3A_63 = tpu.memref_slice %arg15[%add3A_20, %dma_wait3A_62] : memref<10240x64xf32, #tpu.memory_space<vmem_shared>> -> memref<128x64xf32, #tpu.memory_space<vmem_shared>>
      tpu.wait_dma2 semaphore(%run_scoped3A : memref<!tpu.dma_semaphore, #tpu.memory_space<semaphore_mem>>) src(%arg14 : memref<128x64xf32, #tpu.memory_space<vmem>>) dst(%dma_wait3A_63 : memref<128x64xf32, #tpu.memory_space<vmem_shared>>)
      tpu.yield
    }) : () -> ()
    %add3A_21 = arith.constant 384 : i32
    %add3A_22 = arith.addi %mul3A_0, %add3A_21 : i32
    "tpu.region"() ({
      %run_scoped3A = tpu.sem_alloc : memref<!tpu.dma_semaphore, #tpu.memory_space<semaphore_mem>>
      %dma_start3A = arith.constant 0 : i32
      %dma_start3A_58 = tpu.memref_slice %arg15[%add3A_22, %dma_start3A] : memref<10240x64xf32, #tpu.memory_space<vmem_shared>> -> memref<128x64xf32, #tpu.memory_space<vmem_shared>>
      %dma_start3A_59 = arith.constant 0 : i32
      %dma_start3A_60 = tpu.memref_slice %arg15[%add3A_22, %dma_start3A_59] : memref<10240x64xf32, #tpu.memory_space<vmem_shared>> -> memref<128x64xf32, #tpu.memory_space<vmem_shared>>
      tpu.enqueue_dma source(%arg14 : memref<128x64xf32, #tpu.memory_space<vmem>>) target(%dma_start3A_60 : memref<128x64xf32, #tpu.memory_space<vmem_shared>>) target_semaphore(%run_scoped3A : memref<!tpu.dma_semaphore, #tpu.memory_space<semaphore_mem>>)
      %dma_wait3A = arith.constant 0 : i32
      %dma_wait3A_61 = tpu.memref_slice %arg15[%add3A_22, %dma_wait3A] : memref<10240x64xf32, #tpu.memory_space<vmem_shared>> -> memref<128x64xf32, #tpu.memory_space<vmem_shared>>
      %dma_wait3A_62 = arith.constant 0 : i32
      %dma_wait3A_63 = tpu.memref_slice %arg15[%add3A_22, %dma_wait3A_62] : memref<10240x64xf32, #tpu.memory_space<vmem_shared>> -> memref<128x64xf32, #tpu.memory_space<vmem_shared>>
      tpu.wait_dma2 semaphore(%run_scoped3A : memref<!tpu.dma_semaphore, #tpu.memory_space<semaphore_mem>>) src(%arg14 : memref<128x64xf32, #tpu.memory_space<vmem>>) dst(%dma_wait3A_63 : memref<128x64xf32, #tpu.memory_space<vmem_shared>>)
      tpu.yield
    }) : () -> ()
    %add3A_23 = arith.constant 512 : i32
    %add3A_24 = arith.addi %mul3A_0, %add3A_23 : i32
    "tpu.region"() ({
      %run_scoped3A = tpu.sem_alloc : memref<!tpu.dma_semaphore, #tpu.memory_space<semaphore_mem>>
      %dma_start3A = arith.constant 0 : i32
      %dma_start3A_58 = tpu.memref_slice %arg15[%add3A_24, %dma_start3A] : memref<10240x64xf32, #tpu.memory_space<vmem_shared>> -> memref<128x64xf32, #tpu.memory_space<vmem_shared>>
      %dma_start3A_59 = arith.constant 0 : i32
      %dma_start3A_60 = tpu.memref_slice %arg15[%add3A_24, %dma_start3A_59] : memref<10240x64xf32, #tpu.memory_space<vmem_shared>> -> memref<128x64xf32, #tpu.memory_space<vmem_shared>>
      tpu.enqueue_dma source(%arg14 : memref<128x64xf32, #tpu.memory_space<vmem>>) target(%dma_start3A_60 : memref<128x64xf32, #tpu.memory_space<vmem_shared>>) target_semaphore(%run_scoped3A : memref<!tpu.dma_semaphore, #tpu.memory_space<semaphore_mem>>)
      %dma_wait3A = arith.constant 0 : i32
      %dma_wait3A_61 = tpu.memref_slice %arg15[%add3A_24, %dma_wait3A] : memref<10240x64xf32, #tpu.memory_space<vmem_shared>> -> memref<128x64xf32, #tpu.memory_space<vmem_shared>>
      %dma_wait3A_62 = arith.constant 0 : i32
      %dma_wait3A_63 = tpu.memref_slice %arg15[%add3A_24, %dma_wait3A_62] : memref<10240x64xf32, #tpu.memory_space<vmem_shared>> -> memref<128x64xf32, #tpu.memory_space<vmem_shared>>
      tpu.wait_dma2 semaphore(%run_scoped3A : memref<!tpu.dma_semaphore, #tpu.memory_space<semaphore_mem>>) src(%arg14 : memref<128x64xf32, #tpu.memory_space<vmem>>) dst(%dma_wait3A_63 : memref<128x64xf32, #tpu.memory_space<vmem_shared>>)
      tpu.yield
    }) : () -> ()
    %barrier3A = arith.constant 0 : index
    tpu.barrier barrier_id(%barrier3A)
    %eq3A_25 = arith.constant 0 : i32
    %eq3A_26 = arith.cmpi eq, %arg0, %eq3A_25 : i32
    %convert_element_type3A_27 = arith.extui %eq3A_26 : i1 to i32
    %cond3A_28 = arith.constant 0 : i32
    %cond3A_29 = arith.cmpi ne, %convert_element_type3A_27, %cond3A_28 : i32
    scf.if %cond3A_29 {
      %dma_start3A = arith.constant 0 : i32
      %dma_start3A_58 = arith.constant 0 : i32
      %dma_start3A_59 = tpu.memref_slice %arg9[%dma_start3A, %dma_start3A_58] : memref<96x128xi32, #tpu.memory_space<vmem>> -> memref<1x128xi32, #tpu.memory_space<vmem>>
      %dma_start3A_60 = tpu.memref_squeeze %dma_start3A_59 : memref<1x128xi32, #tpu.memory_space<vmem>> -> memref<128xi32, #tpu.memory_space<vmem>>
      %dma_start3A_61 = arith.constant 0 : i32
      %dma_start3A_62 = arith.constant 0 : i32
      %dma_start3A_63 = tpu.memref_slice %arg2[%dma_start3A_61, %dma_start3A_62] : memref<10000x64xf32, #tpu.memory_space<hbm>> -> memref<10000x64xf32, #tpu.memory_space<hbm>>
      tpu.enqueue_indirect_dma source(%dma_start3A_63 : memref<10000x64xf32, #tpu.memory_space<hbm>>) target(%arg11 : memref<128x64xf32, #tpu.memory_space<vmem>>) offsets(%dma_start3A_60 : memref<128xi32, #tpu.memory_space<vmem>>) semaphore(%arg16 : memref<!tpu.dma_semaphore, #tpu.memory_space<semaphore_mem>>)
      %dma_start3A_64 = arith.constant 1 : i32
      %dma_start3A_65 = arith.constant 0 : i32
      %dma_start3A_66 = tpu.memref_slice %arg9[%dma_start3A_64, %dma_start3A_65] : memref<96x128xi32, #tpu.memory_space<vmem>> -> memref<1x128xi32, #tpu.memory_space<vmem>>
      %dma_start3A_67 = tpu.memref_squeeze %dma_start3A_66 : memref<1x128xi32, #tpu.memory_space<vmem>> -> memref<128xi32, #tpu.memory_space<vmem>>
      %dma_start3A_68 = arith.constant 0 : i32
      %dma_start3A_69 = arith.constant 0 : i32
      %dma_start3A_70 = tpu.memref_slice %arg2[%dma_start3A_68, %dma_start3A_69] : memref<10000x64xf32, #tpu.memory_space<hbm>> -> memref<10000x64xf32, #tpu.memory_space<hbm>>
      tpu.enqueue_indirect_dma source(%dma_start3A_70 : memref<10000x64xf32, #tpu.memory_space<hbm>>) target(%arg12 : memref<128x64xf32, #tpu.memory_space<vmem>>) offsets(%dma_start3A_67 : memref<128xi32, #tpu.memory_space<vmem>>) semaphore(%arg17 : memref<!tpu.dma_semaphore, #tpu.memory_space<semaphore_mem>>)
      %dma_start3A_71 = arith.constant 2 : i32
      %dma_start3A_72 = arith.constant 0 : i32
      %dma_start3A_73 = tpu.memref_slice %arg9[%dma_start3A_71, %dma_start3A_72] : memref<96x128xi32, #tpu.memory_space<vmem>> -> memref<1x128xi32, #tpu.memory_space<vmem>>
      %dma_start3A_74 = tpu.memref_squeeze %dma_start3A_73 : memref<1x128xi32, #tpu.memory_space<vmem>> -> memref<128xi32, #tpu.memory_space<vmem>>
      %dma_start3A_75 = arith.constant 0 : i32
      %dma_start3A_76 = arith.constant 0 : i32
      %dma_start3A_77 = tpu.memref_slice %arg2[%dma_start3A_75, %dma_start3A_76] : memref<10000x64xf32, #tpu.memory_space<hbm>> -> memref<10000x64xf32, #tpu.memory_space<hbm>>
      tpu.enqueue_indirect_dma source(%dma_start3A_77 : memref<10000x64xf32, #tpu.memory_space<hbm>>) target(%arg13 : memref<128x64xf32, #tpu.memory_space<vmem>>) offsets(%dma_start3A_74 : memref<128xi32, #tpu.memory_space<vmem>>) semaphore(%arg18 : memref<!tpu.dma_semaphore, #tpu.memory_space<semaphore_mem>>)
      %scan3A = arith.constant 0 : i32
      %scan3A_78 = arith.constant 0 : i32
      %scan3A_79 = arith.constant 21 : i32
      %scan3A_80 = arith.addi %scan3A_78, %scan3A_79 : i32
      %scan3A_81 = arith.constant 1 : i32
      scf.for %scan3A_89 = %scan3A_78 to %scan3A_80 step %scan3A_81  : i32 {
        %mul3A_90 = arith.constant 3 : i32
        %mul3A_91 = arith.muli %scan3A_89, %mul3A_90 : i32
        %add3A_92 = arith.constant 0 : i32
        %add3A_93 = arith.addi %mul3A_91, %add3A_92 : i32
        %dma_wait3A_94 = arith.constant 0 : i32
        %dma_wait3A_95 = tpu.memref_slice %arg9[%add3A_93, %dma_wait3A_94] : memref<96x128xi32, #tpu.memory_space<vmem>> -> memref<1x128xi32, #tpu.memory_space<vmem>>
        %dma_wait3A_96 = tpu.memref_squeeze %dma_wait3A_95 : memref<1x128xi32, #tpu.memory_space<vmem>> -> memref<128xi32, #tpu.memory_space<vmem>>
        %dma_wait3A_97 = arith.constant 0 : i32
        %dma_wait3A_98 = arith.constant 0 : i32
        %dma_wait3A_99 = tpu.memref_slice %arg2[%dma_wait3A_97, %dma_wait3A_98] : memref<10000x64xf32, #tpu.memory_space<hbm>> -> memref<10000x64xf32, #tpu.memory_space<hbm>>
        tpu.wait_indirect_dma semaphore(%arg16 : memref<!tpu.dma_semaphore, #tpu.memory_space<semaphore_mem>>) src(%dma_wait3A_99 : memref<10000x64xf32, #tpu.memory_space<hbm>>) dst(%arg11 : memref<128x64xf32, #tpu.memory_space<vmem>>)
        "tpu.region"() ({
          %run_scoped3A_136 = tpu.sem_alloc : memref<!tpu.dma_semaphore, #tpu.memory_space<semaphore_mem>>
          %dma_start3A_137 = arith.constant 0 : i32
          %dma_start3A_138 = tpu.memref_slice %arg10[%add3A_93, %dma_start3A_137] : memref<96x128xi32, #tpu.memory_space<vmem>> -> memref<1x128xi32, #tpu.memory_space<vmem>>
          %dma_start3A_139 = tpu.memref_squeeze %dma_start3A_138 : memref<1x128xi32, #tpu.memory_space<vmem>> -> memref<128xi32, #tpu.memory_space<vmem>>
          %dma_start3A_140 = arith.constant 0 : i32
          %dma_start3A_141 = arith.constant 0 : i32
          %dma_start3A_142 = tpu.memref_slice %arg15[%dma_start3A_140, %dma_start3A_141] : memref<10240x64xf32, #tpu.memory_space<vmem_shared>> -> memref<10240x64xf32, #tpu.memory_space<vmem_shared>>
          tpu.enqueue_indirect_dma source(%arg11 : memref<128x64xf32, #tpu.memory_space<vmem>>) target(%dma_start3A_142 : memref<10240x64xf32, #tpu.memory_space<vmem_shared>>) offsets(%dma_start3A_139 : memref<128xi32, #tpu.memory_space<vmem>>) semaphore(%run_scoped3A_136 : memref<!tpu.dma_semaphore, #tpu.memory_space<semaphore_mem>>) {add = true}
          %dma_wait3A_143 = arith.constant 0 : i32
          %dma_wait3A_144 = tpu.memref_slice %arg10[%add3A_93, %dma_wait3A_143] : memref<96x128xi32, #tpu.memory_space<vmem>> -> memref<1x128xi32, #tpu.memory_space<vmem>>
          %dma_wait3A_145 = tpu.memref_squeeze %dma_wait3A_144 : memref<1x128xi32, #tpu.memory_space<vmem>> -> memref<128xi32, #tpu.memory_space<vmem>>
          %dma_wait3A_146 = arith.constant 0 : i32
          %dma_wait3A_147 = arith.constant 0 : i32
          %dma_wait3A_148 = tpu.memref_slice %arg15[%dma_wait3A_146, %dma_wait3A_147] : memref<10240x64xf32, #tpu.memory_space<vmem_shared>> -> memref<10240x64xf32, #tpu.memory_space<vmem_shared>>
          tpu.wait_indirect_dma semaphore(%run_scoped3A_136 : memref<!tpu.dma_semaphore, #tpu.memory_space<semaphore_mem>>) src(%arg11 : memref<128x64xf32, #tpu.memory_space<vmem>>) dst(%dma_wait3A_148 : memref<10240x64xf32, #tpu.memory_space<vmem_shared>>)
          tpu.yield
        }) : () -> ()
        %add3A_100 = arith.constant 3 : i32
        %add3A_101 = arith.addi %add3A_93, %add3A_100 : i32
        %lt3A = arith.constant 64 : i32
        %lt3A_102 = arith.cmpi slt, %add3A_101, %lt3A : i32
        %convert_element_type3A_103 = arith.extui %lt3A_102 : i1 to i32
        %cond3A_104 = arith.constant 0 : i32
        %cond3A_105 = arith.cmpi ne, %convert_element_type3A_103, %cond3A_104 : i32
        scf.if %cond3A_105 {
          %add3A_136 = arith.constant 3 : i32
          %add3A_137 = arith.addi %add3A_93, %add3A_136 : i32
          %dma_start3A_138 = arith.constant 0 : i32
          %dma_start3A_139 = tpu.memref_slice %arg9[%add3A_137, %dma_start3A_138] : memref<96x128xi32, #tpu.memory_space<vmem>> -> memref<1x128xi32, #tpu.memory_space<vmem>>
          %dma_start3A_140 = tpu.memref_squeeze %dma_start3A_139 : memref<1x128xi32, #tpu.memory_space<vmem>> -> memref<128xi32, #tpu.memory_space<vmem>>
          %dma_start3A_141 = arith.constant 0 : i32
          %dma_start3A_142 = arith.constant 0 : i32
          %dma_start3A_143 = tpu.memref_slice %arg2[%dma_start3A_141, %dma_start3A_142] : memref<10000x64xf32, #tpu.memory_space<hbm>> -> memref<10000x64xf32, #tpu.memory_space<hbm>>
          tpu.enqueue_indirect_dma source(%dma_start3A_143 : memref<10000x64xf32, #tpu.memory_space<hbm>>) target(%arg11 : memref<128x64xf32, #tpu.memory_space<vmem>>) offsets(%dma_start3A_140 : memref<128xi32, #tpu.memory_space<vmem>>) semaphore(%arg16 : memref<!tpu.dma_semaphore, #tpu.memory_space<semaphore_mem>>)
        } else {
        }
        %add3A_106 = arith.constant 1 : i32
        %add3A_107 = arith.addi %mul3A_91, %add3A_106 : i32
        %dma_wait3A_108 = arith.constant 0 : i32
        %dma_wait3A_109 = tpu.memref_slice %arg9[%add3A_107, %dma_wait3A_108] : memref<96x128xi32, #tpu.memory_space<vmem>> -> memref<1x128xi32, #tpu.memory_space<vmem>>
        %dma_wait3A_110 = tpu.memref_squeeze %dma_wait3A_109 : memref<1x128xi32, #tpu.memory_space<vmem>> -> memref<128xi32, #tpu.memory_space<vmem>>
        %dma_wait3A_111 = arith.constant 0 : i32
        %dma_wait3A_112 = arith.constant 0 : i32
        %dma_wait3A_113 = tpu.memref_slice %arg2[%dma_wait3A_111, %dma_wait3A_112] : memref<10000x64xf32, #tpu.memory_space<hbm>> -> memref<10000x64xf32, #tpu.memory_space<hbm>>
        tpu.wait_indirect_dma semaphore(%arg17 : memref<!tpu.dma_semaphore, #tpu.memory_space<semaphore_mem>>) src(%dma_wait3A_113 : memref<10000x64xf32, #tpu.memory_space<hbm>>) dst(%arg12 : memref<128x64xf32, #tpu.memory_space<vmem>>)
        "tpu.region"() ({
          %run_scoped3A_136 = tpu.sem_alloc : memref<!tpu.dma_semaphore, #tpu.memory_space<semaphore_mem>>
          %dma_start3A_137 = arith.constant 0 : i32
          %dma_start3A_138 = tpu.memref_slice %arg10[%add3A_107, %dma_start3A_137] : memref<96x128xi32, #tpu.memory_space<vmem>> -> memref<1x128xi32, #tpu.memory_space<vmem>>
          %dma_start3A_139 = tpu.memref_squeeze %dma_start3A_138 : memref<1x128xi32, #tpu.memory_space<vmem>> -> memref<128xi32, #tpu.memory_space<vmem>>
          %dma_start3A_140 = arith.constant 0 : i32
          %dma_start3A_141 = arith.constant 0 : i32
          %dma_start3A_142 = tpu.memref_slice %arg15[%dma_start3A_140, %dma_start3A_141] : memref<10240x64xf32, #tpu.memory_space<vmem_shared>> -> memref<10240x64xf32, #tpu.memory_space<vmem_shared>>
          tpu.enqueue_indirect_dma source(%arg12 : memref<128x64xf32, #tpu.memory_space<vmem>>) target(%dma_start3A_142 : memref<10240x64xf32, #tpu.memory_space<vmem_shared>>) offsets(%dma_start3A_139 : memref<128xi32, #tpu.memory_space<vmem>>) semaphore(%run_scoped3A_136 : memref<!tpu.dma_semaphore, #tpu.memory_space<semaphore_mem>>) {add = true}
          %dma_wait3A_143 = arith.constant 0 : i32
          %dma_wait3A_144 = tpu.memref_slice %arg10[%add3A_107, %dma_wait3A_143] : memref<96x128xi32, #tpu.memory_space<vmem>> -> memref<1x128xi32, #tpu.memory_space<vmem>>
          %dma_wait3A_145 = tpu.memref_squeeze %dma_wait3A_144 : memref<1x128xi32, #tpu.memory_space<vmem>> -> memref<128xi32, #tpu.memory_space<vmem>>
          %dma_wait3A_146 = arith.constant 0 : i32
          %dma_wait3A_147 = arith.constant 0 : i32
          %dma_wait3A_148 = tpu.memref_slice %arg15[%dma_wait3A_146, %dma_wait3A_147] : memref<10240x64xf32, #tpu.memory_space<vmem_shared>> -> memref<10240x64xf32, #tpu.memory_space<vmem_shared>>
          tpu.wait_indirect_dma semaphore(%run_scoped3A_136 : memref<!tpu.dma_semaphore, #tpu.memory_space<semaphore_mem>>) src(%arg12 : memref<128x64xf32, #tpu.memory_space<vmem>>) dst(%dma_wait3A_148 : memref<10240x64xf32, #tpu.memory_space<vmem_shared>>)
          tpu.yield
        }) : () -> ()
        %add3A_114 = arith.constant 3 : i32
        %add3A_115 = arith.addi %add3A_107, %add3A_114 : i32
        %lt3A_116 = arith.constant 64 : i32
        %lt3A_117 = arith.cmpi slt, %add3A_115, %lt3A_116 : i32
        %convert_element_type3A_118 = arith.extui %lt3A_117 : i1 to i32
        %cond3A_119 = arith.constant 0 : i32
        %cond3A_120 = arith.cmpi ne, %convert_element_type3A_118, %cond3A_119 : i32
        scf.if %cond3A_120 {
          %add3A_136 = arith.constant 3 : i32
          %add3A_137 = arith.addi %add3A_107, %add3A_136 : i32
          %dma_start3A_138 = arith.constant 0 : i32
          %dma_start3A_139 = tpu.memref_slice %arg9[%add3A_137, %dma_start3A_138] : memref<96x128xi32, #tpu.memory_space<vmem>> -> memref<1x128xi32, #tpu.memory_space<vmem>>
          %dma_start3A_140 = tpu.memref_squeeze %dma_start3A_139 : memref<1x128xi32, #tpu.memory_space<vmem>> -> memref<128xi32, #tpu.memory_space<vmem>>
          %dma_start3A_141 = arith.constant 0 : i32
          %dma_start3A_142 = arith.constant 0 : i32
          %dma_start3A_143 = tpu.memref_slice %arg2[%dma_start3A_141, %dma_start3A_142] : memref<10000x64xf32, #tpu.memory_space<hbm>> -> memref<10000x64xf32, #tpu.memory_space<hbm>>
          tpu.enqueue_indirect_dma source(%dma_start3A_143 : memref<10000x64xf32, #tpu.memory_space<hbm>>) target(%arg12 : memref<128x64xf32, #tpu.memory_space<vmem>>) offsets(%dma_start3A_140 : memref<128xi32, #tpu.memory_space<vmem>>) semaphore(%arg17 : memref<!tpu.dma_semaphore, #tpu.memory_space<semaphore_mem>>)
        } else {
        }
        %add3A_121 = arith.constant 2 : i32
        %add3A_122 = arith.addi %mul3A_91, %add3A_121 : i32
        %dma_wait3A_123 = arith.constant 0 : i32
        %dma_wait3A_124 = tpu.memref_slice %arg9[%add3A_122, %dma_wait3A_123] : memref<96x128xi32, #tpu.memory_space<vmem>> -> memref<1x128xi32, #tpu.memory_space<vmem>>
        %dma_wait3A_125 = tpu.memref_squeeze %dma_wait3A_124 : memref<1x128xi32, #tpu.memory_space<vmem>> -> memref<128xi32, #tpu.memory_space<vmem>>
        %dma_wait3A_126 = arith.constant 0 : i32
        %dma_wait3A_127 = arith.constant 0 : i32
        %dma_wait3A_128 = tpu.memref_slice %arg2[%dma_wait3A_126, %dma_wait3A_127] : memref<10000x64xf32, #tpu.memory_space<hbm>> -> memref<10000x64xf32, #tpu.memory_space<hbm>>
        tpu.wait_indirect_dma semaphore(%arg18 : memref<!tpu.dma_semaphore, #tpu.memory_space<semaphore_mem>>) src(%dma_wait3A_128 : memref<10000x64xf32, #tpu.memory_space<hbm>>) dst(%arg13 : memref<128x64xf32, #tpu.memory_space<vmem>>)
        "tpu.region"() ({
          %run_scoped3A_136 = tpu.sem_alloc : memref<!tpu.dma_semaphore, #tpu.memory_space<semaphore_mem>>
          %dma_start3A_137 = arith.constant 0 : i32
          %dma_start3A_138 = tpu.memref_slice %arg10[%add3A_122, %dma_start3A_137] : memref<96x128xi32, #tpu.memory_space<vmem>> -> memref<1x128xi32, #tpu.memory_space<vmem>>
          %dma_start3A_139 = tpu.memref_squeeze %dma_start3A_138 : memref<1x128xi32, #tpu.memory_space<vmem>> -> memref<128xi32, #tpu.memory_space<vmem>>
          %dma_start3A_140 = arith.constant 0 : i32
          %dma_start3A_141 = arith.constant 0 : i32
          %dma_start3A_142 = tpu.memref_slice %arg15[%dma_start3A_140, %dma_start3A_141] : memref<10240x64xf32, #tpu.memory_space<vmem_shared>> -> memref<10240x64xf32, #tpu.memory_space<vmem_shared>>
          tpu.enqueue_indirect_dma source(%arg13 : memref<128x64xf32, #tpu.memory_space<vmem>>) target(%dma_start3A_142 : memref<10240x64xf32, #tpu.memory_space<vmem_shared>>) offsets(%dma_start3A_139 : memref<128xi32, #tpu.memory_space<vmem>>) semaphore(%run_scoped3A_136 : memref<!tpu.dma_semaphore, #tpu.memory_space<semaphore_mem>>) {add = true}
          %dma_wait3A_143 = arith.constant 0 : i32
          %dma_wait3A_144 = tpu.memref_slice %arg10[%add3A_122, %dma_wait3A_143] : memref<96x128xi32, #tpu.memory_space<vmem>> -> memref<1x128xi32, #tpu.memory_space<vmem>>
          %dma_wait3A_145 = tpu.memref_squeeze %dma_wait3A_144 : memref<1x128xi32, #tpu.memory_space<vmem>> -> memref<128xi32, #tpu.memory_space<vmem>>
          %dma_wait3A_146 = arith.constant 0 : i32
          %dma_wait3A_147 = arith.constant 0 : i32
          %dma_wait3A_148 = tpu.memref_slice %arg15[%dma_wait3A_146, %dma_wait3A_147] : memref<10240x64xf32, #tpu.memory_space<vmem_shared>> -> memref<10240x64xf32, #tpu.memory_space<vmem_shared>>
          tpu.wait_indirect_dma semaphore(%run_scoped3A_136 : memref<!tpu.dma_semaphore, #tpu.memory_space<semaphore_mem>>) src(%arg13 : memref<128x64xf32, #tpu.memory_space<vmem>>) dst(%dma_wait3A_148 : memref<10240x64xf32, #tpu.memory_space<vmem_shared>>)
          tpu.yield
        }) : () -> ()
        %add3A_129 = arith.constant 3 : i32
        %add3A_130 = arith.addi %add3A_122, %add3A_129 : i32
        %lt3A_131 = arith.constant 64 : i32
        %lt3A_132 = arith.cmpi slt, %add3A_130, %lt3A_131 : i32
        %convert_element_type3A_133 = arith.extui %lt3A_132 : i1 to i32
        %cond3A_134 = arith.constant 0 : i32
        %cond3A_135 = arith.cmpi ne, %convert_element_type3A_133, %cond3A_134 : i32
        scf.if %cond3A_135 {
          %add3A_136 = arith.constant 3 : i32
          %add3A_137 = arith.addi %add3A_122, %add3A_136 : i32
          %dma_start3A_138 = arith.constant 0 : i32
          %dma_start3A_139 = tpu.memref_slice %arg9[%add3A_137, %dma_start3A_138] : memref<96x128xi32, #tpu.memory_space<vmem>> -> memref<1x128xi32, #tpu.memory_space<vmem>>
          %dma_start3A_140 = tpu.memref_squeeze %dma_start3A_139 : memref<1x128xi32, #tpu.memory_space<vmem>> -> memref<128xi32, #tpu.memory_space<vmem>>
          %dma_start3A_141 = arith.constant 0 : i32
          %dma_start3A_142 = arith.constant 0 : i32
          %dma_start3A_143 = tpu.memref_slice %arg2[%dma_start3A_141, %dma_start3A_142] : memref<10000x64xf32, #tpu.memory_space<hbm>> -> memref<10000x64xf32, #tpu.memory_space<hbm>>
          tpu.enqueue_indirect_dma source(%dma_start3A_143 : memref<10000x64xf32, #tpu.memory_space<hbm>>) target(%arg13 : memref<128x64xf32, #tpu.memory_space<vmem>>) offsets(%dma_start3A_140 : memref<128xi32, #tpu.memory_space<vmem>>) semaphore(%arg18 : memref<!tpu.dma_semaphore, #tpu.memory_space<semaphore_mem>>)
        } else {
        }
      }
      %scan3A_82 = arith.constant 21 : i32
      %dma_wait3A = arith.constant 63 : i32
      %dma_wait3A_83 = arith.constant 0 : i32
      %dma_wait3A_84 = tpu.memref_slice %arg9[%dma_wait3A, %dma_wait3A_83] : memref<96x128xi32, #tpu.memory_space<vmem>> -> memref<1x128xi32, #tpu.memory_space<vmem>>
      %dma_wait3A_85 = tpu.memref_squeeze %dma_wait3A_84 : memref<1x128xi32, #tpu.memory_space<vmem>> -> memref<128xi32, #tpu.memory_space<vmem>>
      %dma_wait3A_86 = arith.constant 0 : i32
      %dma_wait3A_87 = arith.constant 0 : i32
      %dma_wait3A_88 = tpu.memref_slice %arg2[%dma_wait3A_86, %dma_wait3A_87] : memref<10000x64xf32, #tpu.memory_space<hbm>> -> memref<10000x64xf32, #tpu.memory_space<hbm>>
      tpu.wait_indirect_dma semaphore(%arg16 : memref<!tpu.dma_semaphore, #tpu.memory_space<semaphore_mem>>) src(%dma_wait3A_88 : memref<10000x64xf32, #tpu.memory_space<hbm>>) dst(%arg11 : memref<128x64xf32, #tpu.memory_space<vmem>>)
      %run_scoped3A = arith.constant 63 : i32
      "tpu.region"() ({
        %run_scoped3A_89 = tpu.sem_alloc : memref<!tpu.dma_semaphore, #tpu.memory_space<semaphore_mem>>
        %dma_start3A_90 = arith.constant 0 : i32
        %dma_start3A_91 = tpu.memref_slice %arg10[%run_scoped3A, %dma_start3A_90] : memref<96x128xi32, #tpu.memory_space<vmem>> -> memref<1x128xi32, #tpu.memory_space<vmem>>
        %dma_start3A_92 = tpu.memref_squeeze %dma_start3A_91 : memref<1x128xi32, #tpu.memory_space<vmem>> -> memref<128xi32, #tpu.memory_space<vmem>>
        %dma_start3A_93 = arith.constant 0 : i32
        %dma_start3A_94 = arith.constant 0 : i32
        %dma_start3A_95 = tpu.memref_slice %arg15[%dma_start3A_93, %dma_start3A_94] : memref<10240x64xf32, #tpu.memory_space<vmem_shared>> -> memref<10240x64xf32, #tpu.memory_space<vmem_shared>>
        tpu.enqueue_indirect_dma source(%arg11 : memref<128x64xf32, #tpu.memory_space<vmem>>) target(%dma_start3A_95 : memref<10240x64xf32, #tpu.memory_space<vmem_shared>>) offsets(%dma_start3A_92 : memref<128xi32, #tpu.memory_space<vmem>>) semaphore(%run_scoped3A_89 : memref<!tpu.dma_semaphore, #tpu.memory_space<semaphore_mem>>) {add = true}
        %dma_wait3A_96 = arith.constant 0 : i32
        %dma_wait3A_97 = tpu.memref_slice %arg10[%run_scoped3A, %dma_wait3A_96] : memref<96x128xi32, #tpu.memory_space<vmem>> -> memref<1x128xi32, #tpu.memory_space<vmem>>
        %dma_wait3A_98 = tpu.memref_squeeze %dma_wait3A_97 : memref<1x128xi32, #tpu.memory_space<vmem>> -> memref<128xi32, #tpu.memory_space<vmem>>
        %dma_wait3A_99 = arith.constant 0 : i32
        %dma_wait3A_100 = arith.constant 0 : i32
        %dma_wait3A_101 = tpu.memref_slice %arg15[%dma_wait3A_99, %dma_wait3A_100] : memref<10240x64xf32, #tpu.memory_space<vmem_shared>> -> memref<10240x64xf32, #tpu.memory_space<vmem_shared>>
        tpu.wait_indirect_dma semaphore(%run_scoped3A_89 : memref<!tpu.dma_semaphore, #tpu.memory_space<semaphore_mem>>) src(%arg11 : memref<128x64xf32, #tpu.memory_space<vmem>>) dst(%dma_wait3A_101 : memref<10240x64xf32, #tpu.memory_space<vmem_shared>>)
        tpu.yield
      }) : () -> ()
    } else {
    }
    %eq3A_30 = arith.constant 1 : i32
    %eq3A_31 = arith.cmpi eq, %arg0, %eq3A_30 : i32
    %convert_element_type3A_32 = arith.extui %eq3A_31 : i1 to i32
    %cond3A_33 = arith.constant 0 : i32
    %cond3A_34 = arith.cmpi ne, %convert_element_type3A_32, %cond3A_33 : i32
    scf.if %cond3A_34 {
      %dma_start3A = arith.constant 0 : i32
      %dma_start3A_58 = arith.constant 0 : i32
      %dma_start3A_59 = tpu.memref_slice %arg9[%dma_start3A, %dma_start3A_58] : memref<96x128xi32, #tpu.memory_space<vmem>> -> memref<1x128xi32, #tpu.memory_space<vmem>>
      %dma_start3A_60 = tpu.memref_squeeze %dma_start3A_59 : memref<1x128xi32, #tpu.memory_space<vmem>> -> memref<128xi32, #tpu.memory_space<vmem>>
      %dma_start3A_61 = arith.constant 0 : i32
      %dma_start3A_62 = arith.constant 0 : i32
      %dma_start3A_63 = tpu.memref_slice %arg2[%dma_start3A_61, %dma_start3A_62] : memref<10000x64xf32, #tpu.memory_space<hbm>> -> memref<10000x64xf32, #tpu.memory_space<hbm>>
      tpu.enqueue_indirect_dma source(%dma_start3A_63 : memref<10000x64xf32, #tpu.memory_space<hbm>>) target(%arg11 : memref<128x64xf32, #tpu.memory_space<vmem>>) offsets(%dma_start3A_60 : memref<128xi32, #tpu.memory_space<vmem>>) semaphore(%arg16 : memref<!tpu.dma_semaphore, #tpu.memory_space<semaphore_mem>>)
      %dma_start3A_64 = arith.constant 1 : i32
      %dma_start3A_65 = arith.constant 0 : i32
      %dma_start3A_66 = tpu.memref_slice %arg9[%dma_start3A_64, %dma_start3A_65] : memref<96x128xi32, #tpu.memory_space<vmem>> -> memref<1x128xi32, #tpu.memory_space<vmem>>
      %dma_start3A_67 = tpu.memref_squeeze %dma_start3A_66 : memref<1x128xi32, #tpu.memory_space<vmem>> -> memref<128xi32, #tpu.memory_space<vmem>>
      %dma_start3A_68 = arith.constant 0 : i32
      %dma_start3A_69 = arith.constant 0 : i32
      %dma_start3A_70 = tpu.memref_slice %arg2[%dma_start3A_68, %dma_start3A_69] : memref<10000x64xf32, #tpu.memory_space<hbm>> -> memref<10000x64xf32, #tpu.memory_space<hbm>>
      tpu.enqueue_indirect_dma source(%dma_start3A_70 : memref<10000x64xf32, #tpu.memory_space<hbm>>) target(%arg12 : memref<128x64xf32, #tpu.memory_space<vmem>>) offsets(%dma_start3A_67 : memref<128xi32, #tpu.memory_space<vmem>>) semaphore(%arg17 : memref<!tpu.dma_semaphore, #tpu.memory_space<semaphore_mem>>)
      %dma_start3A_71 = arith.constant 2 : i32
      %dma_start3A_72 = arith.constant 0 : i32
      %dma_start3A_73 = tpu.memref_slice %arg9[%dma_start3A_71, %dma_start3A_72] : memref<96x128xi32, #tpu.memory_space<vmem>> -> memref<1x128xi32, #tpu.memory_space<vmem>>
      %dma_start3A_74 = tpu.memref_squeeze %dma_start3A_73 : memref<1x128xi32, #tpu.memory_space<vmem>> -> memref<128xi32, #tpu.memory_space<vmem>>
      %dma_start3A_75 = arith.constant 0 : i32
      %dma_start3A_76 = arith.constant 0 : i32
      %dma_start3A_77 = tpu.memref_slice %arg2[%dma_start3A_75, %dma_start3A_76] : memref<10000x64xf32, #tpu.memory_space<hbm>> -> memref<10000x64xf32, #tpu.memory_space<hbm>>
      tpu.enqueue_indirect_dma source(%dma_start3A_77 : memref<10000x64xf32, #tpu.memory_space<hbm>>) target(%arg13 : memref<128x64xf32, #tpu.memory_space<vmem>>) offsets(%dma_start3A_74 : memref<128xi32, #tpu.memory_space<vmem>>) semaphore(%arg18 : memref<!tpu.dma_semaphore, #tpu.memory_space<semaphore_mem>>)
      %scan3A = arith.constant 0 : i32
      %scan3A_78 = arith.constant 0 : i32
      %scan3A_79 = arith.constant 32 : i32
      %scan3A_80 = arith.addi %scan3A_78, %scan3A_79 : i32
      %scan3A_81 = arith.constant 1 : i32
      scf.for %scan3A_83 = %scan3A_78 to %scan3A_80 step %scan3A_81  : i32 {
        %mul3A_84 = arith.constant 3 : i32
        %mul3A_85 = arith.muli %scan3A_83, %mul3A_84 : i32
        %add3A_86 = arith.constant 0 : i32
        %add3A_87 = arith.addi %mul3A_85, %add3A_86 : i32
        %dma_wait3A = arith.constant 0 : i32
        %dma_wait3A_88 = tpu.memref_slice %arg9[%add3A_87, %dma_wait3A] : memref<96x128xi32, #tpu.memory_space<vmem>> -> memref<1x128xi32, #tpu.memory_space<vmem>>
        %dma_wait3A_89 = tpu.memref_squeeze %dma_wait3A_88 : memref<1x128xi32, #tpu.memory_space<vmem>> -> memref<128xi32, #tpu.memory_space<vmem>>
        %dma_wait3A_90 = arith.constant 0 : i32
        %dma_wait3A_91 = arith.constant 0 : i32
        %dma_wait3A_92 = tpu.memref_slice %arg2[%dma_wait3A_90, %dma_wait3A_91] : memref<10000x64xf32, #tpu.memory_space<hbm>> -> memref<10000x64xf32, #tpu.memory_space<hbm>>
        tpu.wait_indirect_dma semaphore(%arg16 : memref<!tpu.dma_semaphore, #tpu.memory_space<semaphore_mem>>) src(%dma_wait3A_92 : memref<10000x64xf32, #tpu.memory_space<hbm>>) dst(%arg11 : memref<128x64xf32, #tpu.memory_space<vmem>>)
        "tpu.region"() ({
          %run_scoped3A = tpu.sem_alloc : memref<!tpu.dma_semaphore, #tpu.memory_space<semaphore_mem>>
          %dma_start3A_129 = arith.constant 0 : i32
          %dma_start3A_130 = tpu.memref_slice %arg10[%add3A_87, %dma_start3A_129] : memref<96x128xi32, #tpu.memory_space<vmem>> -> memref<1x128xi32, #tpu.memory_space<vmem>>
          %dma_start3A_131 = tpu.memref_squeeze %dma_start3A_130 : memref<1x128xi32, #tpu.memory_space<vmem>> -> memref<128xi32, #tpu.memory_space<vmem>>
          %dma_start3A_132 = arith.constant 0 : i32
          %dma_start3A_133 = arith.constant 0 : i32
          %dma_start3A_134 = tpu.memref_slice %arg15[%dma_start3A_132, %dma_start3A_133] : memref<10240x64xf32, #tpu.memory_space<vmem_shared>> -> memref<10240x64xf32, #tpu.memory_space<vmem_shared>>
          tpu.enqueue_indirect_dma source(%arg11 : memref<128x64xf32, #tpu.memory_space<vmem>>) target(%dma_start3A_134 : memref<10240x64xf32, #tpu.memory_space<vmem_shared>>) offsets(%dma_start3A_131 : memref<128xi32, #tpu.memory_space<vmem>>) semaphore(%run_scoped3A : memref<!tpu.dma_semaphore, #tpu.memory_space<semaphore_mem>>) {add = true}
          %dma_wait3A_135 = arith.constant 0 : i32
          %dma_wait3A_136 = tpu.memref_slice %arg10[%add3A_87, %dma_wait3A_135] : memref<96x128xi32, #tpu.memory_space<vmem>> -> memref<1x128xi32, #tpu.memory_space<vmem>>
          %dma_wait3A_137 = tpu.memref_squeeze %dma_wait3A_136 : memref<1x128xi32, #tpu.memory_space<vmem>> -> memref<128xi32, #tpu.memory_space<vmem>>
          %dma_wait3A_138 = arith.constant 0 : i32
          %dma_wait3A_139 = arith.constant 0 : i32
          %dma_wait3A_140 = tpu.memref_slice %arg15[%dma_wait3A_138, %dma_wait3A_139] : memref<10240x64xf32, #tpu.memory_space<vmem_shared>> -> memref<10240x64xf32, #tpu.memory_space<vmem_shared>>
          tpu.wait_indirect_dma semaphore(%run_scoped3A : memref<!tpu.dma_semaphore, #tpu.memory_space<semaphore_mem>>) src(%arg11 : memref<128x64xf32, #tpu.memory_space<vmem>>) dst(%dma_wait3A_140 : memref<10240x64xf32, #tpu.memory_space<vmem_shared>>)
          tpu.yield
        }) : () -> ()
        %add3A_93 = arith.constant 3 : i32
        %add3A_94 = arith.addi %add3A_87, %add3A_93 : i32
        %lt3A = arith.constant 96 : i32
        %lt3A_95 = arith.cmpi slt, %add3A_94, %lt3A : i32
        %convert_element_type3A_96 = arith.extui %lt3A_95 : i1 to i32
        %cond3A_97 = arith.constant 0 : i32
        %cond3A_98 = arith.cmpi ne, %convert_element_type3A_96, %cond3A_97 : i32
        scf.if %cond3A_98 {
          %add3A_129 = arith.constant 3 : i32
          %add3A_130 = arith.addi %add3A_87, %add3A_129 : i32
          %dma_start3A_131 = arith.constant 0 : i32
          %dma_start3A_132 = tpu.memref_slice %arg9[%add3A_130, %dma_start3A_131] : memref<96x128xi32, #tpu.memory_space<vmem>> -> memref<1x128xi32, #tpu.memory_space<vmem>>
          %dma_start3A_133 = tpu.memref_squeeze %dma_start3A_132 : memref<1x128xi32, #tpu.memory_space<vmem>> -> memref<128xi32, #tpu.memory_space<vmem>>
          %dma_start3A_134 = arith.constant 0 : i32
          %dma_start3A_135 = arith.constant 0 : i32
          %dma_start3A_136 = tpu.memref_slice %arg2[%dma_start3A_134, %dma_start3A_135] : memref<10000x64xf32, #tpu.memory_space<hbm>> -> memref<10000x64xf32, #tpu.memory_space<hbm>>
          tpu.enqueue_indirect_dma source(%dma_start3A_136 : memref<10000x64xf32, #tpu.memory_space<hbm>>) target(%arg11 : memref<128x64xf32, #tpu.memory_space<vmem>>) offsets(%dma_start3A_133 : memref<128xi32, #tpu.memory_space<vmem>>) semaphore(%arg16 : memref<!tpu.dma_semaphore, #tpu.memory_space<semaphore_mem>>)
        } else {
        }
        %add3A_99 = arith.constant 1 : i32
        %add3A_100 = arith.addi %mul3A_85, %add3A_99 : i32
        %dma_wait3A_101 = arith.constant 0 : i32
        %dma_wait3A_102 = tpu.memref_slice %arg9[%add3A_100, %dma_wait3A_101] : memref<96x128xi32, #tpu.memory_space<vmem>> -> memref<1x128xi32, #tpu.memory_space<vmem>>
        %dma_wait3A_103 = tpu.memref_squeeze %dma_wait3A_102 : memref<1x128xi32, #tpu.memory_space<vmem>> -> memref<128xi32, #tpu.memory_space<vmem>>
        %dma_wait3A_104 = arith.constant 0 : i32
        %dma_wait3A_105 = arith.constant 0 : i32
        %dma_wait3A_106 = tpu.memref_slice %arg2[%dma_wait3A_104, %dma_wait3A_105] : memref<10000x64xf32, #tpu.memory_space<hbm>> -> memref<10000x64xf32, #tpu.memory_space<hbm>>
        tpu.wait_indirect_dma semaphore(%arg17 : memref<!tpu.dma_semaphore, #tpu.memory_space<semaphore_mem>>) src(%dma_wait3A_106 : memref<10000x64xf32, #tpu.memory_space<hbm>>) dst(%arg12 : memref<128x64xf32, #tpu.memory_space<vmem>>)
        "tpu.region"() ({
          %run_scoped3A = tpu.sem_alloc : memref<!tpu.dma_semaphore, #tpu.memory_space<semaphore_mem>>
          %dma_start3A_129 = arith.constant 0 : i32
          %dma_start3A_130 = tpu.memref_slice %arg10[%add3A_100, %dma_start3A_129] : memref<96x128xi32, #tpu.memory_space<vmem>> -> memref<1x128xi32, #tpu.memory_space<vmem>>
          %dma_start3A_131 = tpu.memref_squeeze %dma_start3A_130 : memref<1x128xi32, #tpu.memory_space<vmem>> -> memref<128xi32, #tpu.memory_space<vmem>>
          %dma_start3A_132 = arith.constant 0 : i32
          %dma_start3A_133 = arith.constant 0 : i32
          %dma_start3A_134 = tpu.memref_slice %arg15[%dma_start3A_132, %dma_start3A_133] : memref<10240x64xf32, #tpu.memory_space<vmem_shared>> -> memref<10240x64xf32, #tpu.memory_space<vmem_shared>>
          tpu.enqueue_indirect_dma source(%arg12 : memref<128x64xf32, #tpu.memory_space<vmem>>) target(%dma_start3A_134 : memref<10240x64xf32, #tpu.memory_space<vmem_shared>>) offsets(%dma_start3A_131 : memref<128xi32, #tpu.memory_space<vmem>>) semaphore(%run_scoped3A : memref<!tpu.dma_semaphore, #tpu.memory_space<semaphore_mem>>) {add = true}
          %dma_wait3A_135 = arith.constant 0 : i32
          %dma_wait3A_136 = tpu.memref_slice %arg10[%add3A_100, %dma_wait3A_135] : memref<96x128xi32, #tpu.memory_space<vmem>> -> memref<1x128xi32, #tpu.memory_space<vmem>>
          %dma_wait3A_137 = tpu.memref_squeeze %dma_wait3A_136 : memref<1x128xi32, #tpu.memory_space<vmem>> -> memref<128xi32, #tpu.memory_space<vmem>>
          %dma_wait3A_138 = arith.constant 0 : i32
          %dma_wait3A_139 = arith.constant 0 : i32
          %dma_wait3A_140 = tpu.memref_slice %arg15[%dma_wait3A_138, %dma_wait3A_139] : memref<10240x64xf32, #tpu.memory_space<vmem_shared>> -> memref<10240x64xf32, #tpu.memory_space<vmem_shared>>
          tpu.wait_indirect_dma semaphore(%run_scoped3A : memref<!tpu.dma_semaphore, #tpu.memory_space<semaphore_mem>>) src(%arg12 : memref<128x64xf32, #tpu.memory_space<vmem>>) dst(%dma_wait3A_140 : memref<10240x64xf32, #tpu.memory_space<vmem_shared>>)
          tpu.yield
        }) : () -> ()
        %add3A_107 = arith.constant 3 : i32
        %add3A_108 = arith.addi %add3A_100, %add3A_107 : i32
        %lt3A_109 = arith.constant 96 : i32
        %lt3A_110 = arith.cmpi slt, %add3A_108, %lt3A_109 : i32
        %convert_element_type3A_111 = arith.extui %lt3A_110 : i1 to i32
        %cond3A_112 = arith.constant 0 : i32
        %cond3A_113 = arith.cmpi ne, %convert_element_type3A_111, %cond3A_112 : i32
        scf.if %cond3A_113 {
          %add3A_129 = arith.constant 3 : i32
          %add3A_130 = arith.addi %add3A_100, %add3A_129 : i32
          %dma_start3A_131 = arith.constant 0 : i32
          %dma_start3A_132 = tpu.memref_slice %arg9[%add3A_130, %dma_start3A_131] : memref<96x128xi32, #tpu.memory_space<vmem>> -> memref<1x128xi32, #tpu.memory_space<vmem>>
          %dma_start3A_133 = tpu.memref_squeeze %dma_start3A_132 : memref<1x128xi32, #tpu.memory_space<vmem>> -> memref<128xi32, #tpu.memory_space<vmem>>
          %dma_start3A_134 = arith.constant 0 : i32
          %dma_start3A_135 = arith.constant 0 : i32
          %dma_start3A_136 = tpu.memref_slice %arg2[%dma_start3A_134, %dma_start3A_135] : memref<10000x64xf32, #tpu.memory_space<hbm>> -> memref<10000x64xf32, #tpu.memory_space<hbm>>
          tpu.enqueue_indirect_dma source(%dma_start3A_136 : memref<10000x64xf32, #tpu.memory_space<hbm>>) target(%arg12 : memref<128x64xf32, #tpu.memory_space<vmem>>) offsets(%dma_start3A_133 : memref<128xi32, #tpu.memory_space<vmem>>) semaphore(%arg17 : memref<!tpu.dma_semaphore, #tpu.memory_space<semaphore_mem>>)
        } else {
        }
        %add3A_114 = arith.constant 2 : i32
        %add3A_115 = arith.addi %mul3A_85, %add3A_114 : i32
        %dma_wait3A_116 = arith.constant 0 : i32
        %dma_wait3A_117 = tpu.memref_slice %arg9[%add3A_115, %dma_wait3A_116] : memref<96x128xi32, #tpu.memory_space<vmem>> -> memref<1x128xi32, #tpu.memory_space<vmem>>
        %dma_wait3A_118 = tpu.memref_squeeze %dma_wait3A_117 : memref<1x128xi32, #tpu.memory_space<vmem>> -> memref<128xi32, #tpu.memory_space<vmem>>
        %dma_wait3A_119 = arith.constant 0 : i32
        %dma_wait3A_120 = arith.constant 0 : i32
        %dma_wait3A_121 = tpu.memref_slice %arg2[%dma_wait3A_119, %dma_wait3A_120] : memref<10000x64xf32, #tpu.memory_space<hbm>> -> memref<10000x64xf32, #tpu.memory_space<hbm>>
        tpu.wait_indirect_dma semaphore(%arg18 : memref<!tpu.dma_semaphore, #tpu.memory_space<semaphore_mem>>) src(%dma_wait3A_121 : memref<10000x64xf32, #tpu.memory_space<hbm>>) dst(%arg13 : memref<128x64xf32, #tpu.memory_space<vmem>>)
        "tpu.region"() ({
          %run_scoped3A = tpu.sem_alloc : memref<!tpu.dma_semaphore, #tpu.memory_space<semaphore_mem>>
          %dma_start3A_129 = arith.constant 0 : i32
          %dma_start3A_130 = tpu.memref_slice %arg10[%add3A_115, %dma_start3A_129] : memref<96x128xi32, #tpu.memory_space<vmem>> -> memref<1x128xi32, #tpu.memory_space<vmem>>
          %dma_start3A_131 = tpu.memref_squeeze %dma_start3A_130 : memref<1x128xi32, #tpu.memory_space<vmem>> -> memref<128xi32, #tpu.memory_space<vmem>>
          %dma_start3A_132 = arith.constant 0 : i32
          %dma_start3A_133 = arith.constant 0 : i32
          %dma_start3A_134 = tpu.memref_slice %arg15[%dma_start3A_132, %dma_start3A_133] : memref<10240x64xf32, #tpu.memory_space<vmem_shared>> -> memref<10240x64xf32, #tpu.memory_space<vmem_shared>>
          tpu.enqueue_indirect_dma source(%arg13 : memref<128x64xf32, #tpu.memory_space<vmem>>) target(%dma_start3A_134 : memref<10240x64xf32, #tpu.memory_space<vmem_shared>>) offsets(%dma_start3A_131 : memref<128xi32, #tpu.memory_space<vmem>>) semaphore(%run_scoped3A : memref<!tpu.dma_semaphore, #tpu.memory_space<semaphore_mem>>) {add = true}
          %dma_wait3A_135 = arith.constant 0 : i32
          %dma_wait3A_136 = tpu.memref_slice %arg10[%add3A_115, %dma_wait3A_135] : memref<96x128xi32, #tpu.memory_space<vmem>> -> memref<1x128xi32, #tpu.memory_space<vmem>>
          %dma_wait3A_137 = tpu.memref_squeeze %dma_wait3A_136 : memref<1x128xi32, #tpu.memory_space<vmem>> -> memref<128xi32, #tpu.memory_space<vmem>>
          %dma_wait3A_138 = arith.constant 0 : i32
          %dma_wait3A_139 = arith.constant 0 : i32
          %dma_wait3A_140 = tpu.memref_slice %arg15[%dma_wait3A_138, %dma_wait3A_139] : memref<10240x64xf32, #tpu.memory_space<vmem_shared>> -> memref<10240x64xf32, #tpu.memory_space<vmem_shared>>
          tpu.wait_indirect_dma semaphore(%run_scoped3A : memref<!tpu.dma_semaphore, #tpu.memory_space<semaphore_mem>>) src(%arg13 : memref<128x64xf32, #tpu.memory_space<vmem>>) dst(%dma_wait3A_140 : memref<10240x64xf32, #tpu.memory_space<vmem_shared>>)
          tpu.yield
        }) : () -> ()
        %add3A_122 = arith.constant 3 : i32
        %add3A_123 = arith.addi %add3A_115, %add3A_122 : i32
        %lt3A_124 = arith.constant 96 : i32
        %lt3A_125 = arith.cmpi slt, %add3A_123, %lt3A_124 : i32
        %convert_element_type3A_126 = arith.extui %lt3A_125 : i1 to i32
        %cond3A_127 = arith.constant 0 : i32
        %cond3A_128 = arith.cmpi ne, %convert_element_type3A_126, %cond3A_127 : i32
        scf.if %cond3A_128 {
          %add3A_129 = arith.constant 3 : i32
          %add3A_130 = arith.addi %add3A_115, %add3A_129 : i32
          %dma_start3A_131 = arith.constant 0 : i32
          %dma_start3A_132 = tpu.memref_slice %arg9[%add3A_130, %dma_start3A_131] : memref<96x128xi32, #tpu.memory_space<vmem>> -> memref<1x128xi32, #tpu.memory_space<vmem>>
          %dma_start3A_133 = tpu.memref_squeeze %dma_start3A_132 : memref<1x128xi32, #tpu.memory_space<vmem>> -> memref<128xi32, #tpu.memory_space<vmem>>
          %dma_start3A_134 = arith.constant 0 : i32
          %dma_start3A_135 = arith.constant 0 : i32
          %dma_start3A_136 = tpu.memref_slice %arg2[%dma_start3A_134, %dma_start3A_135] : memref<10000x64xf32, #tpu.memory_space<hbm>> -> memref<10000x64xf32, #tpu.memory_space<hbm>>
          tpu.enqueue_indirect_dma source(%dma_start3A_136 : memref<10000x64xf32, #tpu.memory_space<hbm>>) target(%arg13 : memref<128x64xf32, #tpu.memory_space<vmem>>) offsets(%dma_start3A_133 : memref<128xi32, #tpu.memory_space<vmem>>) semaphore(%arg18 : memref<!tpu.dma_semaphore, #tpu.memory_space<semaphore_mem>>)
        } else {
        }
      }
      %scan3A_82 = arith.constant 32 : i32
    } else {
    }
    %barrier3A_35 = arith.constant 0 : index
    tpu.barrier barrier_id(%barrier3A_35)
    "tpu.region"() ({
      %run_scoped3A = tpu.sem_alloc : memref<!tpu.dma_semaphore, #tpu.memory_space<semaphore_mem>>
      %dma_start3A = arith.constant 0 : i32
      %dma_start3A_58 = tpu.memref_slice %arg7[%arg0, %mul3A_0, %dma_start3A] : memref<2x10240x64xf32, #tpu.memory_space<hbm>> -> memref<1x640x64xf32, #tpu.memory_space<hbm>>
      %dma_start3A_59 = tpu.memref_squeeze %dma_start3A_58 : memref<1x640x64xf32, #tpu.memory_space<hbm>> -> memref<640x64xf32, #tpu.memory_space<hbm>>
      %dma_start3A_60 = arith.constant 0 : i32
      %dma_start3A_61 = tpu.memref_slice %arg15[%mul3A_0, %dma_start3A_60] : memref<10240x64xf32, #tpu.memory_space<vmem_shared>> -> memref<640x64xf32, #tpu.memory_space<vmem_shared>>
      tpu.enqueue_dma source(%dma_start3A_61 : memref<640x64xf32, #tpu.memory_space<vmem_shared>>) target(%dma_start3A_59 : memref<640x64xf32, #tpu.memory_space<hbm>>) target_semaphore(%run_scoped3A : memref<!tpu.dma_semaphore, #tpu.memory_space<semaphore_mem>>)
      %dma_wait3A = arith.constant 0 : i32
      %dma_wait3A_62 = tpu.memref_slice %arg7[%arg0, %mul3A_0, %dma_wait3A] : memref<2x10240x64xf32, #tpu.memory_space<hbm>> -> memref<1x640x64xf32, #tpu.memory_space<hbm>>
      %dma_wait3A_63 = tpu.memref_squeeze %dma_wait3A_62 : memref<1x640x64xf32, #tpu.memory_space<hbm>> -> memref<640x64xf32, #tpu.memory_space<hbm>>
      %dma_wait3A_64 = arith.constant 0 : i32
      %dma_wait3A_65 = tpu.memref_slice %arg15[%mul3A_0, %dma_wait3A_64] : memref<10240x64xf32, #tpu.memory_space<vmem_shared>> -> memref<640x64xf32, #tpu.memory_space<vmem_shared>>
      tpu.wait_dma2 semaphore(%run_scoped3A : memref<!tpu.dma_semaphore, #tpu.memory_space<semaphore_mem>>) src(%dma_wait3A_65 : memref<640x64xf32, #tpu.memory_space<vmem_shared>>) dst(%dma_wait3A_63 : memref<640x64xf32, #tpu.memory_space<hbm>>)
      tpu.yield
    }) : () -> ()
    %add3A_36 = arith.constant 0 : i32
    %add3A_37 = arith.addi %mul3A_0, %add3A_36 : i32
    "tpu.region"() ({
      %run_scoped3A = tpu.sem_alloc : memref<!tpu.dma_semaphore, #tpu.memory_space<semaphore_mem>>
      %dma_start3A = arith.constant 0 : i32
      %dma_start3A_58 = tpu.memref_slice %arg15[%add3A_37, %dma_start3A] : memref<10240x64xf32, #tpu.memory_space<vmem_shared>> -> memref<128x64xf32, #tpu.memory_space<vmem_shared>>
      %dma_start3A_59 = arith.constant 0 : i32
      %dma_start3A_60 = tpu.memref_slice %arg15[%add3A_37, %dma_start3A_59] : memref<10240x64xf32, #tpu.memory_space<vmem_shared>> -> memref<128x64xf32, #tpu.memory_space<vmem_shared>>
      tpu.enqueue_dma source(%arg14 : memref<128x64xf32, #tpu.memory_space<vmem>>) target(%dma_start3A_60 : memref<128x64xf32, #tpu.memory_space<vmem_shared>>) target_semaphore(%run_scoped3A : memref<!tpu.dma_semaphore, #tpu.memory_space<semaphore_mem>>)
      %dma_wait3A = arith.constant 0 : i32
      %dma_wait3A_61 = tpu.memref_slice %arg15[%add3A_37, %dma_wait3A] : memref<10240x64xf32, #tpu.memory_space<vmem_shared>> -> memref<128x64xf32, #tpu.memory_space<vmem_shared>>
      %dma_wait3A_62 = arith.constant 0 : i32
      %dma_wait3A_63 = tpu.memref_slice %arg15[%add3A_37, %dma_wait3A_62] : memref<10240x64xf32, #tpu.memory_space<vmem_shared>> -> memref<128x64xf32, #tpu.memory_space<vmem_shared>>
      tpu.wait_dma2 semaphore(%run_scoped3A : memref<!tpu.dma_semaphore, #tpu.memory_space<semaphore_mem>>) src(%arg14 : memref<128x64xf32, #tpu.memory_space<vmem>>) dst(%dma_wait3A_63 : memref<128x64xf32, #tpu.memory_space<vmem_shared>>)
      tpu.yield
    }) : () -> ()
    %add3A_38 = arith.constant 128 : i32
    %add3A_39 = arith.addi %mul3A_0, %add3A_38 : i32
    "tpu.region"() ({
      %run_scoped3A = tpu.sem_alloc : memref<!tpu.dma_semaphore, #tpu.memory_space<semaphore_mem>>
      %dma_start3A = arith.constant 0 : i32
      %dma_start3A_58 = tpu.memref_slice %arg15[%add3A_39, %dma_start3A] : memref<10240x64xf32, #tpu.memory_space<vmem_shared>> -> memref<128x64xf32, #tpu.memory_space<vmem_shared>>
      %dma_start3A_59 = arith.constant 0 : i32
      %dma_start3A_60 = tpu.memref_slice %arg15[%add3A_39, %dma_start3A_59] : memref<10240x64xf32, #tpu.memory_space<vmem_shared>> -> memref<128x64xf32, #tpu.memory_space<vmem_shared>>
      tpu.enqueue_dma source(%arg14 : memref<128x64xf32, #tpu.memory_space<vmem>>) target(%dma_start3A_60 : memref<128x64xf32, #tpu.memory_space<vmem_shared>>) target_semaphore(%run_scoped3A : memref<!tpu.dma_semaphore, #tpu.memory_space<semaphore_mem>>)
      %dma_wait3A = arith.constant 0 : i32
      %dma_wait3A_61 = tpu.memref_slice %arg15[%add3A_39, %dma_wait3A] : memref<10240x64xf32, #tpu.memory_space<vmem_shared>> -> memref<128x64xf32, #tpu.memory_space<vmem_shared>>
      %dma_wait3A_62 = arith.constant 0 : i32
      %dma_wait3A_63 = tpu.memref_slice %arg15[%add3A_39, %dma_wait3A_62] : memref<10240x64xf32, #tpu.memory_space<vmem_shared>> -> memref<128x64xf32, #tpu.memory_space<vmem_shared>>
      tpu.wait_dma2 semaphore(%run_scoped3A : memref<!tpu.dma_semaphore, #tpu.memory_space<semaphore_mem>>) src(%arg14 : memref<128x64xf32, #tpu.memory_space<vmem>>) dst(%dma_wait3A_63 : memref<128x64xf32, #tpu.memory_space<vmem_shared>>)
      tpu.yield
    }) : () -> ()
    %add3A_40 = arith.constant 256 : i32
    %add3A_41 = arith.addi %mul3A_0, %add3A_40 : i32
    "tpu.region"() ({
      %run_scoped3A = tpu.sem_alloc : memref<!tpu.dma_semaphore, #tpu.memory_space<semaphore_mem>>
      %dma_start3A = arith.constant 0 : i32
      %dma_start3A_58 = tpu.memref_slice %arg15[%add3A_41, %dma_start3A] : memref<10240x64xf32, #tpu.memory_space<vmem_shared>> -> memref<128x64xf32, #tpu.memory_space<vmem_shared>>
      %dma_start3A_59 = arith.constant 0 : i32
      %dma_start3A_60 = tpu.memref_slice %arg15[%add3A_41, %dma_start3A_59] : memref<10240x64xf32, #tpu.memory_space<vmem_shared>> -> memref<128x64xf32, #tpu.memory_space<vmem_shared>>
      tpu.enqueue_dma source(%arg14 : memref<128x64xf32, #tpu.memory_space<vmem>>) target(%dma_start3A_60 : memref<128x64xf32, #tpu.memory_space<vmem_shared>>) target_semaphore(%run_scoped3A : memref<!tpu.dma_semaphore, #tpu.memory_space<semaphore_mem>>)
      %dma_wait3A = arith.constant 0 : i32
      %dma_wait3A_61 = tpu.memref_slice %arg15[%add3A_41, %dma_wait3A] : memref<10240x64xf32, #tpu.memory_space<vmem_shared>> -> memref<128x64xf32, #tpu.memory_space<vmem_shared>>
      %dma_wait3A_62 = arith.constant 0 : i32
      %dma_wait3A_63 = tpu.memref_slice %arg15[%add3A_41, %dma_wait3A_62] : memref<10240x64xf32, #tpu.memory_space<vmem_shared>> -> memref<128x64xf32, #tpu.memory_space<vmem_shared>>
      tpu.wait_dma2 semaphore(%run_scoped3A : memref<!tpu.dma_semaphore, #tpu.memory_space<semaphore_mem>>) src(%arg14 : memref<128x64xf32, #tpu.memory_space<vmem>>) dst(%dma_wait3A_63 : memref<128x64xf32, #tpu.memory_space<vmem_shared>>)
      tpu.yield
    }) : () -> ()
    %add3A_42 = arith.constant 384 : i32
    %add3A_43 = arith.addi %mul3A_0, %add3A_42 : i32
    "tpu.region"() ({
      %run_scoped3A = tpu.sem_alloc : memref<!tpu.dma_semaphore, #tpu.memory_space<semaphore_mem>>
      %dma_start3A = arith.constant 0 : i32
      %dma_start3A_58 = tpu.memref_slice %arg15[%add3A_43, %dma_start3A] : memref<10240x64xf32, #tpu.memory_space<vmem_shared>> -> memref<128x64xf32, #tpu.memory_space<vmem_shared>>
      %dma_start3A_59 = arith.constant 0 : i32
      %dma_start3A_60 = tpu.memref_slice %arg15[%add3A_43, %dma_start3A_59] : memref<10240x64xf32, #tpu.memory_space<vmem_shared>> -> memref<128x64xf32, #tpu.memory_space<vmem_shared>>
      tpu.enqueue_dma source(%arg14 : memref<128x64xf32, #tpu.memory_space<vmem>>) target(%dma_start3A_60 : memref<128x64xf32, #tpu.memory_space<vmem_shared>>) target_semaphore(%run_scoped3A : memref<!tpu.dma_semaphore, #tpu.memory_space<semaphore_mem>>)
      %dma_wait3A = arith.constant 0 : i32
      %dma_wait3A_61 = tpu.memref_slice %arg15[%add3A_43, %dma_wait3A] : memref<10240x64xf32, #tpu.memory_space<vmem_shared>> -> memref<128x64xf32, #tpu.memory_space<vmem_shared>>
      %dma_wait3A_62 = arith.constant 0 : i32
      %dma_wait3A_63 = tpu.memref_slice %arg15[%add3A_43, %dma_wait3A_62] : memref<10240x64xf32, #tpu.memory_space<vmem_shared>> -> memref<128x64xf32, #tpu.memory_space<vmem_shared>>
      tpu.wait_dma2 semaphore(%run_scoped3A : memref<!tpu.dma_semaphore, #tpu.memory_space<semaphore_mem>>) src(%arg14 : memref<128x64xf32, #tpu.memory_space<vmem>>) dst(%dma_wait3A_63 : memref<128x64xf32, #tpu.memory_space<vmem_shared>>)
      tpu.yield
    }) : () -> ()
    %add3A_44 = arith.constant 512 : i32
    %add3A_45 = arith.addi %mul3A_0, %add3A_44 : i32
    "tpu.region"() ({
      %run_scoped3A = tpu.sem_alloc : memref<!tpu.dma_semaphore, #tpu.memory_space<semaphore_mem>>
      %dma_start3A = arith.constant 0 : i32
      %dma_start3A_58 = tpu.memref_slice %arg15[%add3A_45, %dma_start3A] : memref<10240x64xf32, #tpu.memory_space<vmem_shared>> -> memref<128x64xf32, #tpu.memory_space<vmem_shared>>
      %dma_start3A_59 = arith.constant 0 : i32
      %dma_start3A_60 = tpu.memref_slice %arg15[%add3A_45, %dma_start3A_59] : memref<10240x64xf32, #tpu.memory_space<vmem_shared>> -> memref<128x64xf32, #tpu.memory_space<vmem_shared>>
      tpu.enqueue_dma source(%arg14 : memref<128x64xf32, #tpu.memory_space<vmem>>) target(%dma_start3A_60 : memref<128x64xf32, #tpu.memory_space<vmem_shared>>) target_semaphore(%run_scoped3A : memref<!tpu.dma_semaphore, #tpu.memory_space<semaphore_mem>>)
      %dma_wait3A = arith.constant 0 : i32
      %dma_wait3A_61 = tpu.memref_slice %arg15[%add3A_45, %dma_wait3A] : memref<10240x64xf32, #tpu.memory_space<vmem_shared>> -> memref<128x64xf32, #tpu.memory_space<vmem_shared>>
      %dma_wait3A_62 = arith.constant 0 : i32
      %dma_wait3A_63 = tpu.memref_slice %arg15[%add3A_45, %dma_wait3A_62] : memref<10240x64xf32, #tpu.memory_space<vmem_shared>> -> memref<128x64xf32, #tpu.memory_space<vmem_shared>>
      tpu.wait_dma2 semaphore(%run_scoped3A : memref<!tpu.dma_semaphore, #tpu.memory_space<semaphore_mem>>) src(%arg14 : memref<128x64xf32, #tpu.memory_space<vmem>>) dst(%dma_wait3A_63 : memref<128x64xf32, #tpu.memory_space<vmem_shared>>)
      tpu.yield
    }) : () -> ()
    %barrier3A_46 = arith.constant 0 : index
    tpu.barrier barrier_id(%barrier3A_46)
    %eq3A_47 = arith.constant 0 : i32
    %eq3A_48 = arith.cmpi eq, %arg0, %eq3A_47 : i32
    %convert_element_type3A_49 = arith.extui %eq3A_48 : i1 to i32
    %cond3A_50 = arith.constant 0 : i32
    %cond3A_51 = arith.cmpi ne, %convert_element_type3A_49, %cond3A_50 : i32
    scf.if %cond3A_51 {
      %dma_start3A = arith.constant 0 : i32
      %dma_start3A_58 = arith.constant 0 : i32
      %dma_start3A_59 = tpu.memref_slice %arg9[%dma_start3A, %dma_start3A_58] : memref<96x128xi32, #tpu.memory_space<vmem>> -> memref<1x128xi32, #tpu.memory_space<vmem>>
      %dma_start3A_60 = tpu.memref_squeeze %dma_start3A_59 : memref<1x128xi32, #tpu.memory_space<vmem>> -> memref<128xi32, #tpu.memory_space<vmem>>
      %dma_start3A_61 = arith.constant 0 : i32
      %dma_start3A_62 = arith.constant 0 : i32
      %dma_start3A_63 = tpu.memref_slice %arg3[%dma_start3A_61, %dma_start3A_62] : memref<10000x64xf32, #tpu.memory_space<hbm>> -> memref<10000x64xf32, #tpu.memory_space<hbm>>
      tpu.enqueue_indirect_dma source(%dma_start3A_63 : memref<10000x64xf32, #tpu.memory_space<hbm>>) target(%arg11 : memref<128x64xf32, #tpu.memory_space<vmem>>) offsets(%dma_start3A_60 : memref<128xi32, #tpu.memory_space<vmem>>) semaphore(%arg16 : memref<!tpu.dma_semaphore, #tpu.memory_space<semaphore_mem>>)
      %dma_start3A_64 = arith.constant 1 : i32
      %dma_start3A_65 = arith.constant 0 : i32
      %dma_start3A_66 = tpu.memref_slice %arg9[%dma_start3A_64, %dma_start3A_65] : memref<96x128xi32, #tpu.memory_space<vmem>> -> memref<1x128xi32, #tpu.memory_space<vmem>>
      %dma_start3A_67 = tpu.memref_squeeze %dma_start3A_66 : memref<1x128xi32, #tpu.memory_space<vmem>> -> memref<128xi32, #tpu.memory_space<vmem>>
      %dma_start3A_68 = arith.constant 0 : i32
      %dma_start3A_69 = arith.constant 0 : i32
      %dma_start3A_70 = tpu.memref_slice %arg3[%dma_start3A_68, %dma_start3A_69] : memref<10000x64xf32, #tpu.memory_space<hbm>> -> memref<10000x64xf32, #tpu.memory_space<hbm>>
      tpu.enqueue_indirect_dma source(%dma_start3A_70 : memref<10000x64xf32, #tpu.memory_space<hbm>>) target(%arg12 : memref<128x64xf32, #tpu.memory_space<vmem>>) offsets(%dma_start3A_67 : memref<128xi32, #tpu.memory_space<vmem>>) semaphore(%arg17 : memref<!tpu.dma_semaphore, #tpu.memory_space<semaphore_mem>>)
      %dma_start3A_71 = arith.constant 2 : i32
      %dma_start3A_72 = arith.constant 0 : i32
      %dma_start3A_73 = tpu.memref_slice %arg9[%dma_start3A_71, %dma_start3A_72] : memref<96x128xi32, #tpu.memory_space<vmem>> -> memref<1x128xi32, #tpu.memory_space<vmem>>
      %dma_start3A_74 = tpu.memref_squeeze %dma_start3A_73 : memref<1x128xi32, #tpu.memory_space<vmem>> -> memref<128xi32, #tpu.memory_space<vmem>>
      %dma_start3A_75 = arith.constant 0 : i32
      %dma_start3A_76 = arith.constant 0 : i32
      %dma_start3A_77 = tpu.memref_slice %arg3[%dma_start3A_75, %dma_start3A_76] : memref<10000x64xf32, #tpu.memory_space<hbm>> -> memref<10000x64xf32, #tpu.memory_space<hbm>>
      tpu.enqueue_indirect_dma source(%dma_start3A_77 : memref<10000x64xf32, #tpu.memory_space<hbm>>) target(%arg13 : memref<128x64xf32, #tpu.memory_space<vmem>>) offsets(%dma_start3A_74 : memref<128xi32, #tpu.memory_space<vmem>>) semaphore(%arg18 : memref<!tpu.dma_semaphore, #tpu.memory_space<semaphore_mem>>)
      %scan3A = arith.constant 0 : i32
      %scan3A_78 = arith.constant 0 : i32
      %scan3A_79 = arith.constant 21 : i32
      %scan3A_80 = arith.addi %scan3A_78, %scan3A_79 : i32
      %scan3A_81 = arith.constant 1 : i32
      scf.for %scan3A_89 = %scan3A_78 to %scan3A_80 step %scan3A_81  : i32 {
        %mul3A_90 = arith.constant 3 : i32
        %mul3A_91 = arith.muli %scan3A_89, %mul3A_90 : i32
        %add3A_92 = arith.constant 0 : i32
        %add3A_93 = arith.addi %mul3A_91, %add3A_92 : i32
        %dma_wait3A_94 = arith.constant 0 : i32
        %dma_wait3A_95 = tpu.memref_slice %arg9[%add3A_93, %dma_wait3A_94] : memref<96x128xi32, #tpu.memory_space<vmem>> -> memref<1x128xi32, #tpu.memory_space<vmem>>
        %dma_wait3A_96 = tpu.memref_squeeze %dma_wait3A_95 : memref<1x128xi32, #tpu.memory_space<vmem>> -> memref<128xi32, #tpu.memory_space<vmem>>
        %dma_wait3A_97 = arith.constant 0 : i32
        %dma_wait3A_98 = arith.constant 0 : i32
        %dma_wait3A_99 = tpu.memref_slice %arg3[%dma_wait3A_97, %dma_wait3A_98] : memref<10000x64xf32, #tpu.memory_space<hbm>> -> memref<10000x64xf32, #tpu.memory_space<hbm>>
        tpu.wait_indirect_dma semaphore(%arg16 : memref<!tpu.dma_semaphore, #tpu.memory_space<semaphore_mem>>) src(%dma_wait3A_99 : memref<10000x64xf32, #tpu.memory_space<hbm>>) dst(%arg11 : memref<128x64xf32, #tpu.memory_space<vmem>>)
        "tpu.region"() ({
          %run_scoped3A_136 = tpu.sem_alloc : memref<!tpu.dma_semaphore, #tpu.memory_space<semaphore_mem>>
          %dma_start3A_137 = arith.constant 0 : i32
          %dma_start3A_138 = tpu.memref_slice %arg10[%add3A_93, %dma_start3A_137] : memref<96x128xi32, #tpu.memory_space<vmem>> -> memref<1x128xi32, #tpu.memory_space<vmem>>
          %dma_start3A_139 = tpu.memref_squeeze %dma_start3A_138 : memref<1x128xi32, #tpu.memory_space<vmem>> -> memref<128xi32, #tpu.memory_space<vmem>>
          %dma_start3A_140 = arith.constant 0 : i32
          %dma_start3A_141 = arith.constant 0 : i32
          %dma_start3A_142 = tpu.memref_slice %arg15[%dma_start3A_140, %dma_start3A_141] : memref<10240x64xf32, #tpu.memory_space<vmem_shared>> -> memref<10240x64xf32, #tpu.memory_space<vmem_shared>>
          tpu.enqueue_indirect_dma source(%arg11 : memref<128x64xf32, #tpu.memory_space<vmem>>) target(%dma_start3A_142 : memref<10240x64xf32, #tpu.memory_space<vmem_shared>>) offsets(%dma_start3A_139 : memref<128xi32, #tpu.memory_space<vmem>>) semaphore(%run_scoped3A_136 : memref<!tpu.dma_semaphore, #tpu.memory_space<semaphore_mem>>) {add = true}
          %dma_wait3A_143 = arith.constant 0 : i32
          %dma_wait3A_144 = tpu.memref_slice %arg10[%add3A_93, %dma_wait3A_143] : memref<96x128xi32, #tpu.memory_space<vmem>> -> memref<1x128xi32, #tpu.memory_space<vmem>>
          %dma_wait3A_145 = tpu.memref_squeeze %dma_wait3A_144 : memref<1x128xi32, #tpu.memory_space<vmem>> -> memref<128xi32, #tpu.memory_space<vmem>>
          %dma_wait3A_146 = arith.constant 0 : i32
          %dma_wait3A_147 = arith.constant 0 : i32
          %dma_wait3A_148 = tpu.memref_slice %arg15[%dma_wait3A_146, %dma_wait3A_147] : memref<10240x64xf32, #tpu.memory_space<vmem_shared>> -> memref<10240x64xf32, #tpu.memory_space<vmem_shared>>
          tpu.wait_indirect_dma semaphore(%run_scoped3A_136 : memref<!tpu.dma_semaphore, #tpu.memory_space<semaphore_mem>>) src(%arg11 : memref<128x64xf32, #tpu.memory_space<vmem>>) dst(%dma_wait3A_148 : memref<10240x64xf32, #tpu.memory_space<vmem_shared>>)
          tpu.yield
        }) : () -> ()
        %add3A_100 = arith.constant 3 : i32
        %add3A_101 = arith.addi %add3A_93, %add3A_100 : i32
        %lt3A = arith.constant 64 : i32
        %lt3A_102 = arith.cmpi slt, %add3A_101, %lt3A : i32
        %convert_element_type3A_103 = arith.extui %lt3A_102 : i1 to i32
        %cond3A_104 = arith.constant 0 : i32
        %cond3A_105 = arith.cmpi ne, %convert_element_type3A_103, %cond3A_104 : i32
        scf.if %cond3A_105 {
          %add3A_136 = arith.constant 3 : i32
          %add3A_137 = arith.addi %add3A_93, %add3A_136 : i32
          %dma_start3A_138 = arith.constant 0 : i32
          %dma_start3A_139 = tpu.memref_slice %arg9[%add3A_137, %dma_start3A_138] : memref<96x128xi32, #tpu.memory_space<vmem>> -> memref<1x128xi32, #tpu.memory_space<vmem>>
          %dma_start3A_140 = tpu.memref_squeeze %dma_start3A_139 : memref<1x128xi32, #tpu.memory_space<vmem>> -> memref<128xi32, #tpu.memory_space<vmem>>
          %dma_start3A_141 = arith.constant 0 : i32
          %dma_start3A_142 = arith.constant 0 : i32
          %dma_start3A_143 = tpu.memref_slice %arg3[%dma_start3A_141, %dma_start3A_142] : memref<10000x64xf32, #tpu.memory_space<hbm>> -> memref<10000x64xf32, #tpu.memory_space<hbm>>
          tpu.enqueue_indirect_dma source(%dma_start3A_143 : memref<10000x64xf32, #tpu.memory_space<hbm>>) target(%arg11 : memref<128x64xf32, #tpu.memory_space<vmem>>) offsets(%dma_start3A_140 : memref<128xi32, #tpu.memory_space<vmem>>) semaphore(%arg16 : memref<!tpu.dma_semaphore, #tpu.memory_space<semaphore_mem>>)
        } else {
        }
        %add3A_106 = arith.constant 1 : i32
        %add3A_107 = arith.addi %mul3A_91, %add3A_106 : i32
        %dma_wait3A_108 = arith.constant 0 : i32
        %dma_wait3A_109 = tpu.memref_slice %arg9[%add3A_107, %dma_wait3A_108] : memref<96x128xi32, #tpu.memory_space<vmem>> -> memref<1x128xi32, #tpu.memory_space<vmem>>
        %dma_wait3A_110 = tpu.memref_squeeze %dma_wait3A_109 : memref<1x128xi32, #tpu.memory_space<vmem>> -> memref<128xi32, #tpu.memory_space<vmem>>
        %dma_wait3A_111 = arith.constant 0 : i32
        %dma_wait3A_112 = arith.constant 0 : i32
        %dma_wait3A_113 = tpu.memref_slice %arg3[%dma_wait3A_111, %dma_wait3A_112] : memref<10000x64xf32, #tpu.memory_space<hbm>> -> memref<10000x64xf32, #tpu.memory_space<hbm>>
        tpu.wait_indirect_dma semaphore(%arg17 : memref<!tpu.dma_semaphore, #tpu.memory_space<semaphore_mem>>) src(%dma_wait3A_113 : memref<10000x64xf32, #tpu.memory_space<hbm>>) dst(%arg12 : memref<128x64xf32, #tpu.memory_space<vmem>>)
        "tpu.region"() ({
          %run_scoped3A_136 = tpu.sem_alloc : memref<!tpu.dma_semaphore, #tpu.memory_space<semaphore_mem>>
          %dma_start3A_137 = arith.constant 0 : i32
          %dma_start3A_138 = tpu.memref_slice %arg10[%add3A_107, %dma_start3A_137] : memref<96x128xi32, #tpu.memory_space<vmem>> -> memref<1x128xi32, #tpu.memory_space<vmem>>
          %dma_start3A_139 = tpu.memref_squeeze %dma_start3A_138 : memref<1x128xi32, #tpu.memory_space<vmem>> -> memref<128xi32, #tpu.memory_space<vmem>>
          %dma_start3A_140 = arith.constant 0 : i32
          %dma_start3A_141 = arith.constant 0 : i32
          %dma_start3A_142 = tpu.memref_slice %arg15[%dma_start3A_140, %dma_start3A_141] : memref<10240x64xf32, #tpu.memory_space<vmem_shared>> -> memref<10240x64xf32, #tpu.memory_space<vmem_shared>>
          tpu.enqueue_indirect_dma source(%arg12 : memref<128x64xf32, #tpu.memory_space<vmem>>) target(%dma_start3A_142 : memref<10240x64xf32, #tpu.memory_space<vmem_shared>>) offsets(%dma_start3A_139 : memref<128xi32, #tpu.memory_space<vmem>>) semaphore(%run_scoped3A_136 : memref<!tpu.dma_semaphore, #tpu.memory_space<semaphore_mem>>) {add = true}
          %dma_wait3A_143 = arith.constant 0 : i32
          %dma_wait3A_144 = tpu.memref_slice %arg10[%add3A_107, %dma_wait3A_143] : memref<96x128xi32, #tpu.memory_space<vmem>> -> memref<1x128xi32, #tpu.memory_space<vmem>>
          %dma_wait3A_145 = tpu.memref_squeeze %dma_wait3A_144 : memref<1x128xi32, #tpu.memory_space<vmem>> -> memref<128xi32, #tpu.memory_space<vmem>>
          %dma_wait3A_146 = arith.constant 0 : i32
          %dma_wait3A_147 = arith.constant 0 : i32
          %dma_wait3A_148 = tpu.memref_slice %arg15[%dma_wait3A_146, %dma_wait3A_147] : memref<10240x64xf32, #tpu.memory_space<vmem_shared>> -> memref<10240x64xf32, #tpu.memory_space<vmem_shared>>
          tpu.wait_indirect_dma semaphore(%run_scoped3A_136 : memref<!tpu.dma_semaphore, #tpu.memory_space<semaphore_mem>>) src(%arg12 : memref<128x64xf32, #tpu.memory_space<vmem>>) dst(%dma_wait3A_148 : memref<10240x64xf32, #tpu.memory_space<vmem_shared>>)
          tpu.yield
        }) : () -> ()
        %add3A_114 = arith.constant 3 : i32
        %add3A_115 = arith.addi %add3A_107, %add3A_114 : i32
        %lt3A_116 = arith.constant 64 : i32
        %lt3A_117 = arith.cmpi slt, %add3A_115, %lt3A_116 : i32
        %convert_element_type3A_118 = arith.extui %lt3A_117 : i1 to i32
        %cond3A_119 = arith.constant 0 : i32
        %cond3A_120 = arith.cmpi ne, %convert_element_type3A_118, %cond3A_119 : i32
        scf.if %cond3A_120 {
          %add3A_136 = arith.constant 3 : i32
          %add3A_137 = arith.addi %add3A_107, %add3A_136 : i32
          %dma_start3A_138 = arith.constant 0 : i32
          %dma_start3A_139 = tpu.memref_slice %arg9[%add3A_137, %dma_start3A_138] : memref<96x128xi32, #tpu.memory_space<vmem>> -> memref<1x128xi32, #tpu.memory_space<vmem>>
          %dma_start3A_140 = tpu.memref_squeeze %dma_start3A_139 : memref<1x128xi32, #tpu.memory_space<vmem>> -> memref<128xi32, #tpu.memory_space<vmem>>
          %dma_start3A_141 = arith.constant 0 : i32
          %dma_start3A_142 = arith.constant 0 : i32
          %dma_start3A_143 = tpu.memref_slice %arg3[%dma_start3A_141, %dma_start3A_142] : memref<10000x64xf32, #tpu.memory_space<hbm>> -> memref<10000x64xf32, #tpu.memory_space<hbm>>
          tpu.enqueue_indirect_dma source(%dma_start3A_143 : memref<10000x64xf32, #tpu.memory_space<hbm>>) target(%arg12 : memref<128x64xf32, #tpu.memory_space<vmem>>) offsets(%dma_start3A_140 : memref<128xi32, #tpu.memory_space<vmem>>) semaphore(%arg17 : memref<!tpu.dma_semaphore, #tpu.memory_space<semaphore_mem>>)
        } else {
        }
        %add3A_121 = arith.constant 2 : i32
        %add3A_122 = arith.addi %mul3A_91, %add3A_121 : i32
        %dma_wait3A_123 = arith.constant 0 : i32
        %dma_wait3A_124 = tpu.memref_slice %arg9[%add3A_122, %dma_wait3A_123] : memref<96x128xi32, #tpu.memory_space<vmem>> -> memref<1x128xi32, #tpu.memory_space<vmem>>
        %dma_wait3A_125 = tpu.memref_squeeze %dma_wait3A_124 : memref<1x128xi32, #tpu.memory_space<vmem>> -> memref<128xi32, #tpu.memory_space<vmem>>
        %dma_wait3A_126 = arith.constant 0 : i32
        %dma_wait3A_127 = arith.constant 0 : i32
        %dma_wait3A_128 = tpu.memref_slice %arg3[%dma_wait3A_126, %dma_wait3A_127] : memref<10000x64xf32, #tpu.memory_space<hbm>> -> memref<10000x64xf32, #tpu.memory_space<hbm>>
        tpu.wait_indirect_dma semaphore(%arg18 : memref<!tpu.dma_semaphore, #tpu.memory_space<semaphore_mem>>) src(%dma_wait3A_128 : memref<10000x64xf32, #tpu.memory_space<hbm>>) dst(%arg13 : memref<128x64xf32, #tpu.memory_space<vmem>>)
        "tpu.region"() ({
          %run_scoped3A_136 = tpu.sem_alloc : memref<!tpu.dma_semaphore, #tpu.memory_space<semaphore_mem>>
          %dma_start3A_137 = arith.constant 0 : i32
          %dma_start3A_138 = tpu.memref_slice %arg10[%add3A_122, %dma_start3A_137] : memref<96x128xi32, #tpu.memory_space<vmem>> -> memref<1x128xi32, #tpu.memory_space<vmem>>
          %dma_start3A_139 = tpu.memref_squeeze %dma_start3A_138 : memref<1x128xi32, #tpu.memory_space<vmem>> -> memref<128xi32, #tpu.memory_space<vmem>>
          %dma_start3A_140 = arith.constant 0 : i32
          %dma_start3A_141 = arith.constant 0 : i32
          %dma_start3A_142 = tpu.memref_slice %arg15[%dma_start3A_140, %dma_start3A_141] : memref<10240x64xf32, #tpu.memory_space<vmem_shared>> -> memref<10240x64xf32, #tpu.memory_space<vmem_shared>>
          tpu.enqueue_indirect_dma source(%arg13 : memref<128x64xf32, #tpu.memory_space<vmem>>) target(%dma_start3A_142 : memref<10240x64xf32, #tpu.memory_space<vmem_shared>>) offsets(%dma_start3A_139 : memref<128xi32, #tpu.memory_space<vmem>>) semaphore(%run_scoped3A_136 : memref<!tpu.dma_semaphore, #tpu.memory_space<semaphore_mem>>) {add = true}
          %dma_wait3A_143 = arith.constant 0 : i32
          %dma_wait3A_144 = tpu.memref_slice %arg10[%add3A_122, %dma_wait3A_143] : memref<96x128xi32, #tpu.memory_space<vmem>> -> memref<1x128xi32, #tpu.memory_space<vmem>>
          %dma_wait3A_145 = tpu.memref_squeeze %dma_wait3A_144 : memref<1x128xi32, #tpu.memory_space<vmem>> -> memref<128xi32, #tpu.memory_space<vmem>>
          %dma_wait3A_146 = arith.constant 0 : i32
          %dma_wait3A_147 = arith.constant 0 : i32
          %dma_wait3A_148 = tpu.memref_slice %arg15[%dma_wait3A_146, %dma_wait3A_147] : memref<10240x64xf32, #tpu.memory_space<vmem_shared>> -> memref<10240x64xf32, #tpu.memory_space<vmem_shared>>
          tpu.wait_indirect_dma semaphore(%run_scoped3A_136 : memref<!tpu.dma_semaphore, #tpu.memory_space<semaphore_mem>>) src(%arg13 : memref<128x64xf32, #tpu.memory_space<vmem>>) dst(%dma_wait3A_148 : memref<10240x64xf32, #tpu.memory_space<vmem_shared>>)
          tpu.yield
        }) : () -> ()
        %add3A_129 = arith.constant 3 : i32
        %add3A_130 = arith.addi %add3A_122, %add3A_129 : i32
        %lt3A_131 = arith.constant 64 : i32
        %lt3A_132 = arith.cmpi slt, %add3A_130, %lt3A_131 : i32
        %convert_element_type3A_133 = arith.extui %lt3A_132 : i1 to i32
        %cond3A_134 = arith.constant 0 : i32
        %cond3A_135 = arith.cmpi ne, %convert_element_type3A_133, %cond3A_134 : i32
        scf.if %cond3A_135 {
          %add3A_136 = arith.constant 3 : i32
          %add3A_137 = arith.addi %add3A_122, %add3A_136 : i32
          %dma_start3A_138 = arith.constant 0 : i32
          %dma_start3A_139 = tpu.memref_slice %arg9[%add3A_137, %dma_start3A_138] : memref<96x128xi32, #tpu.memory_space<vmem>> -> memref<1x128xi32, #tpu.memory_space<vmem>>
          %dma_start3A_140 = tpu.memref_squeeze %dma_start3A_139 : memref<1x128xi32, #tpu.memory_space<vmem>> -> memref<128xi32, #tpu.memory_space<vmem>>
          %dma_start3A_141 = arith.constant 0 : i32
          %dma_start3A_142 = arith.constant 0 : i32
          %dma_start3A_143 = tpu.memref_slice %arg3[%dma_start3A_141, %dma_start3A_142] : memref<10000x64xf32, #tpu.memory_space<hbm>> -> memref<10000x64xf32, #tpu.memory_space<hbm>>
          tpu.enqueue_indirect_dma source(%dma_start3A_143 : memref<10000x64xf32, #tpu.memory_space<hbm>>) target(%arg13 : memref<128x64xf32, #tpu.memory_space<vmem>>) offsets(%dma_start3A_140 : memref<128xi32, #tpu.memory_space<vmem>>) semaphore(%arg18 : memref<!tpu.dma_semaphore, #tpu.memory_space<semaphore_mem>>)
        } else {
        }
      }
      %scan3A_82 = arith.constant 21 : i32
      %dma_wait3A = arith.constant 63 : i32
      %dma_wait3A_83 = arith.constant 0 : i32
      %dma_wait3A_84 = tpu.memref_slice %arg9[%dma_wait3A, %dma_wait3A_83] : memref<96x128xi32, #tpu.memory_space<vmem>> -> memref<1x128xi32, #tpu.memory_space<vmem>>
      %dma_wait3A_85 = tpu.memref_squeeze %dma_wait3A_84 : memref<1x128xi32, #tpu.memory_space<vmem>> -> memref<128xi32, #tpu.memory_space<vmem>>
      %dma_wait3A_86 = arith.constant 0 : i32
      %dma_wait3A_87 = arith.constant 0 : i32
      %dma_wait3A_88 = tpu.memref_slice %arg3[%dma_wait3A_86, %dma_wait3A_87] : memref<10000x64xf32, #tpu.memory_space<hbm>> -> memref<10000x64xf32, #tpu.memory_space<hbm>>
      tpu.wait_indirect_dma semaphore(%arg16 : memref<!tpu.dma_semaphore, #tpu.memory_space<semaphore_mem>>) src(%dma_wait3A_88 : memref<10000x64xf32, #tpu.memory_space<hbm>>) dst(%arg11 : memref<128x64xf32, #tpu.memory_space<vmem>>)
      %run_scoped3A = arith.constant 63 : i32
      "tpu.region"() ({
        %run_scoped3A_89 = tpu.sem_alloc : memref<!tpu.dma_semaphore, #tpu.memory_space<semaphore_mem>>
        %dma_start3A_90 = arith.constant 0 : i32
        %dma_start3A_91 = tpu.memref_slice %arg10[%run_scoped3A, %dma_start3A_90] : memref<96x128xi32, #tpu.memory_space<vmem>> -> memref<1x128xi32, #tpu.memory_space<vmem>>
        %dma_start3A_92 = tpu.memref_squeeze %dma_start3A_91 : memref<1x128xi32, #tpu.memory_space<vmem>> -> memref<128xi32, #tpu.memory_space<vmem>>
        %dma_start3A_93 = arith.constant 0 : i32
        %dma_start3A_94 = arith.constant 0 : i32
        %dma_start3A_95 = tpu.memref_slice %arg15[%dma_start3A_93, %dma_start3A_94] : memref<10240x64xf32, #tpu.memory_space<vmem_shared>> -> memref<10240x64xf32, #tpu.memory_space<vmem_shared>>
        tpu.enqueue_indirect_dma source(%arg11 : memref<128x64xf32, #tpu.memory_space<vmem>>) target(%dma_start3A_95 : memref<10240x64xf32, #tpu.memory_space<vmem_shared>>) offsets(%dma_start3A_92 : memref<128xi32, #tpu.memory_space<vmem>>) semaphore(%run_scoped3A_89 : memref<!tpu.dma_semaphore, #tpu.memory_space<semaphore_mem>>) {add = true}
        %dma_wait3A_96 = arith.constant 0 : i32
        %dma_wait3A_97 = tpu.memref_slice %arg10[%run_scoped3A, %dma_wait3A_96] : memref<96x128xi32, #tpu.memory_space<vmem>> -> memref<1x128xi32, #tpu.memory_space<vmem>>
        %dma_wait3A_98 = tpu.memref_squeeze %dma_wait3A_97 : memref<1x128xi32, #tpu.memory_space<vmem>> -> memref<128xi32, #tpu.memory_space<vmem>>
        %dma_wait3A_99 = arith.constant 0 : i32
        %dma_wait3A_100 = arith.constant 0 : i32
        %dma_wait3A_101 = tpu.memref_slice %arg15[%dma_wait3A_99, %dma_wait3A_100] : memref<10240x64xf32, #tpu.memory_space<vmem_shared>> -> memref<10240x64xf32, #tpu.memory_space<vmem_shared>>
        tpu.wait_indirect_dma semaphore(%run_scoped3A_89 : memref<!tpu.dma_semaphore, #tpu.memory_space<semaphore_mem>>) src(%arg11 : memref<128x64xf32, #tpu.memory_space<vmem>>) dst(%dma_wait3A_101 : memref<10240x64xf32, #tpu.memory_space<vmem_shared>>)
        tpu.yield
      }) : () -> ()
    } else {
    }
    %eq3A_52 = arith.constant 1 : i32
    %eq3A_53 = arith.cmpi eq, %arg0, %eq3A_52 : i32
    %convert_element_type3A_54 = arith.extui %eq3A_53 : i1 to i32
    %cond3A_55 = arith.constant 0 : i32
    %cond3A_56 = arith.cmpi ne, %convert_element_type3A_54, %cond3A_55 : i32
    scf.if %cond3A_56 {
      %dma_start3A = arith.constant 0 : i32
      %dma_start3A_58 = arith.constant 0 : i32
      %dma_start3A_59 = tpu.memref_slice %arg9[%dma_start3A, %dma_start3A_58] : memref<96x128xi32, #tpu.memory_space<vmem>> -> memref<1x128xi32, #tpu.memory_space<vmem>>
      %dma_start3A_60 = tpu.memref_squeeze %dma_start3A_59 : memref<1x128xi32, #tpu.memory_space<vmem>> -> memref<128xi32, #tpu.memory_space<vmem>>
      %dma_start3A_61 = arith.constant 0 : i32
      %dma_start3A_62 = arith.constant 0 : i32
      %dma_start3A_63 = tpu.memref_slice %arg3[%dma_start3A_61, %dma_start3A_62] : memref<10000x64xf32, #tpu.memory_space<hbm>> -> memref<10000x64xf32, #tpu.memory_space<hbm>>
      tpu.enqueue_indirect_dma source(%dma_start3A_63 : memref<10000x64xf32, #tpu.memory_space<hbm>>) target(%arg11 : memref<128x64xf32, #tpu.memory_space<vmem>>) offsets(%dma_start3A_60 : memref<128xi32, #tpu.memory_space<vmem>>) semaphore(%arg16 : memref<!tpu.dma_semaphore, #tpu.memory_space<semaphore_mem>>)
      %dma_start3A_64 = arith.constant 1 : i32
      %dma_start3A_65 = arith.constant 0 : i32
      %dma_start3A_66 = tpu.memref_slice %arg9[%dma_start3A_64, %dma_start3A_65] : memref<96x128xi32, #tpu.memory_space<vmem>> -> memref<1x128xi32, #tpu.memory_space<vmem>>
      %dma_start3A_67 = tpu.memref_squeeze %dma_start3A_66 : memref<1x128xi32, #tpu.memory_space<vmem>> -> memref<128xi32, #tpu.memory_space<vmem>>
      %dma_start3A_68 = arith.constant 0 : i32
      %dma_start3A_69 = arith.constant 0 : i32
      %dma_start3A_70 = tpu.memref_slice %arg3[%dma_start3A_68, %dma_start3A_69] : memref<10000x64xf32, #tpu.memory_space<hbm>> -> memref<10000x64xf32, #tpu.memory_space<hbm>>
      tpu.enqueue_indirect_dma source(%dma_start3A_70 : memref<10000x64xf32, #tpu.memory_space<hbm>>) target(%arg12 : memref<128x64xf32, #tpu.memory_space<vmem>>) offsets(%dma_start3A_67 : memref<128xi32, #tpu.memory_space<vmem>>) semaphore(%arg17 : memref<!tpu.dma_semaphore, #tpu.memory_space<semaphore_mem>>)
      %dma_start3A_71 = arith.constant 2 : i32
      %dma_start3A_72 = arith.constant 0 : i32
      %dma_start3A_73 = tpu.memref_slice %arg9[%dma_start3A_71, %dma_start3A_72] : memref<96x128xi32, #tpu.memory_space<vmem>> -> memref<1x128xi32, #tpu.memory_space<vmem>>
      %dma_start3A_74 = tpu.memref_squeeze %dma_start3A_73 : memref<1x128xi32, #tpu.memory_space<vmem>> -> memref<128xi32, #tpu.memory_space<vmem>>
      %dma_start3A_75 = arith.constant 0 : i32
      %dma_start3A_76 = arith.constant 0 : i32
      %dma_start3A_77 = tpu.memref_slice %arg3[%dma_start3A_75, %dma_start3A_76] : memref<10000x64xf32, #tpu.memory_space<hbm>> -> memref<10000x64xf32, #tpu.memory_space<hbm>>
      tpu.enqueue_indirect_dma source(%dma_start3A_77 : memref<10000x64xf32, #tpu.memory_space<hbm>>) target(%arg13 : memref<128x64xf32, #tpu.memory_space<vmem>>) offsets(%dma_start3A_74 : memref<128xi32, #tpu.memory_space<vmem>>) semaphore(%arg18 : memref<!tpu.dma_semaphore, #tpu.memory_space<semaphore_mem>>)
      %scan3A = arith.constant 0 : i32
      %scan3A_78 = arith.constant 0 : i32
      %scan3A_79 = arith.constant 32 : i32
      %scan3A_80 = arith.addi %scan3A_78, %scan3A_79 : i32
      %scan3A_81 = arith.constant 1 : i32
      scf.for %scan3A_83 = %scan3A_78 to %scan3A_80 step %scan3A_81  : i32 {
        %mul3A_84 = arith.constant 3 : i32
        %mul3A_85 = arith.muli %scan3A_83, %mul3A_84 : i32
        %add3A_86 = arith.constant 0 : i32
        %add3A_87 = arith.addi %mul3A_85, %add3A_86 : i32
        %dma_wait3A = arith.constant 0 : i32
        %dma_wait3A_88 = tpu.memref_slice %arg9[%add3A_87, %dma_wait3A] : memref<96x128xi32, #tpu.memory_space<vmem>> -> memref<1x128xi32, #tpu.memory_space<vmem>>
        %dma_wait3A_89 = tpu.memref_squeeze %dma_wait3A_88 : memref<1x128xi32, #tpu.memory_space<vmem>> -> memref<128xi32, #tpu.memory_space<vmem>>
        %dma_wait3A_90 = arith.constant 0 : i32
        %dma_wait3A_91 = arith.constant 0 : i32
        %dma_wait3A_92 = tpu.memref_slice %arg3[%dma_wait3A_90, %dma_wait3A_91] : memref<10000x64xf32, #tpu.memory_space<hbm>> -> memref<10000x64xf32, #tpu.memory_space<hbm>>
        tpu.wait_indirect_dma semaphore(%arg16 : memref<!tpu.dma_semaphore, #tpu.memory_space<semaphore_mem>>) src(%dma_wait3A_92 : memref<10000x64xf32, #tpu.memory_space<hbm>>) dst(%arg11 : memref<128x64xf32, #tpu.memory_space<vmem>>)
        "tpu.region"() ({
          %run_scoped3A = tpu.sem_alloc : memref<!tpu.dma_semaphore, #tpu.memory_space<semaphore_mem>>
          %dma_start3A_129 = arith.constant 0 : i32
          %dma_start3A_130 = tpu.memref_slice %arg10[%add3A_87, %dma_start3A_129] : memref<96x128xi32, #tpu.memory_space<vmem>> -> memref<1x128xi32, #tpu.memory_space<vmem>>
          %dma_start3A_131 = tpu.memref_squeeze %dma_start3A_130 : memref<1x128xi32, #tpu.memory_space<vmem>> -> memref<128xi32, #tpu.memory_space<vmem>>
          %dma_start3A_132 = arith.constant 0 : i32
          %dma_start3A_133 = arith.constant 0 : i32
          %dma_start3A_134 = tpu.memref_slice %arg15[%dma_start3A_132, %dma_start3A_133] : memref<10240x64xf32, #tpu.memory_space<vmem_shared>> -> memref<10240x64xf32, #tpu.memory_space<vmem_shared>>
          tpu.enqueue_indirect_dma source(%arg11 : memref<128x64xf32, #tpu.memory_space<vmem>>) target(%dma_start3A_134 : memref<10240x64xf32, #tpu.memory_space<vmem_shared>>) offsets(%dma_start3A_131 : memref<128xi32, #tpu.memory_space<vmem>>) semaphore(%run_scoped3A : memref<!tpu.dma_semaphore, #tpu.memory_space<semaphore_mem>>) {add = true}
          %dma_wait3A_135 = arith.constant 0 : i32
          %dma_wait3A_136 = tpu.memref_slice %arg10[%add3A_87, %dma_wait3A_135] : memref<96x128xi32, #tpu.memory_space<vmem>> -> memref<1x128xi32, #tpu.memory_space<vmem>>
          %dma_wait3A_137 = tpu.memref_squeeze %dma_wait3A_136 : memref<1x128xi32, #tpu.memory_space<vmem>> -> memref<128xi32, #tpu.memory_space<vmem>>
          %dma_wait3A_138 = arith.constant 0 : i32
          %dma_wait3A_139 = arith.constant 0 : i32
          %dma_wait3A_140 = tpu.memref_slice %arg15[%dma_wait3A_138, %dma_wait3A_139] : memref<10240x64xf32, #tpu.memory_space<vmem_shared>> -> memref<10240x64xf32, #tpu.memory_space<vmem_shared>>
          tpu.wait_indirect_dma semaphore(%run_scoped3A : memref<!tpu.dma_semaphore, #tpu.memory_space<semaphore_mem>>) src(%arg11 : memref<128x64xf32, #tpu.memory_space<vmem>>) dst(%dma_wait3A_140 : memref<10240x64xf32, #tpu.memory_space<vmem_shared>>)
          tpu.yield
        }) : () -> ()
        %add3A_93 = arith.constant 3 : i32
        %add3A_94 = arith.addi %add3A_87, %add3A_93 : i32
        %lt3A = arith.constant 96 : i32
        %lt3A_95 = arith.cmpi slt, %add3A_94, %lt3A : i32
        %convert_element_type3A_96 = arith.extui %lt3A_95 : i1 to i32
        %cond3A_97 = arith.constant 0 : i32
        %cond3A_98 = arith.cmpi ne, %convert_element_type3A_96, %cond3A_97 : i32
        scf.if %cond3A_98 {
          %add3A_129 = arith.constant 3 : i32
          %add3A_130 = arith.addi %add3A_87, %add3A_129 : i32
          %dma_start3A_131 = arith.constant 0 : i32
          %dma_start3A_132 = tpu.memref_slice %arg9[%add3A_130, %dma_start3A_131] : memref<96x128xi32, #tpu.memory_space<vmem>> -> memref<1x128xi32, #tpu.memory_space<vmem>>
          %dma_start3A_133 = tpu.memref_squeeze %dma_start3A_132 : memref<1x128xi32, #tpu.memory_space<vmem>> -> memref<128xi32, #tpu.memory_space<vmem>>
          %dma_start3A_134 = arith.constant 0 : i32
          %dma_start3A_135 = arith.constant 0 : i32
          %dma_start3A_136 = tpu.memref_slice %arg3[%dma_start3A_134, %dma_start3A_135] : memref<10000x64xf32, #tpu.memory_space<hbm>> -> memref<10000x64xf32, #tpu.memory_space<hbm>>
          tpu.enqueue_indirect_dma source(%dma_start3A_136 : memref<10000x64xf32, #tpu.memory_space<hbm>>) target(%arg11 : memref<128x64xf32, #tpu.memory_space<vmem>>) offsets(%dma_start3A_133 : memref<128xi32, #tpu.memory_space<vmem>>) semaphore(%arg16 : memref<!tpu.dma_semaphore, #tpu.memory_space<semaphore_mem>>)
        } else {
        }
        %add3A_99 = arith.constant 1 : i32
        %add3A_100 = arith.addi %mul3A_85, %add3A_99 : i32
        %dma_wait3A_101 = arith.constant 0 : i32
        %dma_wait3A_102 = tpu.memref_slice %arg9[%add3A_100, %dma_wait3A_101] : memref<96x128xi32, #tpu.memory_space<vmem>> -> memref<1x128xi32, #tpu.memory_space<vmem>>
        %dma_wait3A_103 = tpu.memref_squeeze %dma_wait3A_102 : memref<1x128xi32, #tpu.memory_space<vmem>> -> memref<128xi32, #tpu.memory_space<vmem>>
        %dma_wait3A_104 = arith.constant 0 : i32
        %dma_wait3A_105 = arith.constant 0 : i32
        %dma_wait3A_106 = tpu.memref_slice %arg3[%dma_wait3A_104, %dma_wait3A_105] : memref<10000x64xf32, #tpu.memory_space<hbm>> -> memref<10000x64xf32, #tpu.memory_space<hbm>>
        tpu.wait_indirect_dma semaphore(%arg17 : memref<!tpu.dma_semaphore, #tpu.memory_space<semaphore_mem>>) src(%dma_wait3A_106 : memref<10000x64xf32, #tpu.memory_space<hbm>>) dst(%arg12 : memref<128x64xf32, #tpu.memory_space<vmem>>)
        "tpu.region"() ({
          %run_scoped3A = tpu.sem_alloc : memref<!tpu.dma_semaphore, #tpu.memory_space<semaphore_mem>>
          %dma_start3A_129 = arith.constant 0 : i32
          %dma_start3A_130 = tpu.memref_slice %arg10[%add3A_100, %dma_start3A_129] : memref<96x128xi32, #tpu.memory_space<vmem>> -> memref<1x128xi32, #tpu.memory_space<vmem>>
          %dma_start3A_131 = tpu.memref_squeeze %dma_start3A_130 : memref<1x128xi32, #tpu.memory_space<vmem>> -> memref<128xi32, #tpu.memory_space<vmem>>
          %dma_start3A_132 = arith.constant 0 : i32
          %dma_start3A_133 = arith.constant 0 : i32
          %dma_start3A_134 = tpu.memref_slice %arg15[%dma_start3A_132, %dma_start3A_133] : memref<10240x64xf32, #tpu.memory_space<vmem_shared>> -> memref<10240x64xf32, #tpu.memory_space<vmem_shared>>
          tpu.enqueue_indirect_dma source(%arg12 : memref<128x64xf32, #tpu.memory_space<vmem>>) target(%dma_start3A_134 : memref<10240x64xf32, #tpu.memory_space<vmem_shared>>) offsets(%dma_start3A_131 : memref<128xi32, #tpu.memory_space<vmem>>) semaphore(%run_scoped3A : memref<!tpu.dma_semaphore, #tpu.memory_space<semaphore_mem>>) {add = true}
          %dma_wait3A_135 = arith.constant 0 : i32
          %dma_wait3A_136 = tpu.memref_slice %arg10[%add3A_100, %dma_wait3A_135] : memref<96x128xi32, #tpu.memory_space<vmem>> -> memref<1x128xi32, #tpu.memory_space<vmem>>
          %dma_wait3A_137 = tpu.memref_squeeze %dma_wait3A_136 : memref<1x128xi32, #tpu.memory_space<vmem>> -> memref<128xi32, #tpu.memory_space<vmem>>
          %dma_wait3A_138 = arith.constant 0 : i32
          %dma_wait3A_139 = arith.constant 0 : i32
          %dma_wait3A_140 = tpu.memref_slice %arg15[%dma_wait3A_138, %dma_wait3A_139] : memref<10240x64xf32, #tpu.memory_space<vmem_shared>> -> memref<10240x64xf32, #tpu.memory_space<vmem_shared>>
          tpu.wait_indirect_dma semaphore(%run_scoped3A : memref<!tpu.dma_semaphore, #tpu.memory_space<semaphore_mem>>) src(%arg12 : memref<128x64xf32, #tpu.memory_space<vmem>>) dst(%dma_wait3A_140 : memref<10240x64xf32, #tpu.memory_space<vmem_shared>>)
          tpu.yield
        }) : () -> ()
        %add3A_107 = arith.constant 3 : i32
        %add3A_108 = arith.addi %add3A_100, %add3A_107 : i32
        %lt3A_109 = arith.constant 96 : i32
        %lt3A_110 = arith.cmpi slt, %add3A_108, %lt3A_109 : i32
        %convert_element_type3A_111 = arith.extui %lt3A_110 : i1 to i32
        %cond3A_112 = arith.constant 0 : i32
        %cond3A_113 = arith.cmpi ne, %convert_element_type3A_111, %cond3A_112 : i32
        scf.if %cond3A_113 {
          %add3A_129 = arith.constant 3 : i32
          %add3A_130 = arith.addi %add3A_100, %add3A_129 : i32
          %dma_start3A_131 = arith.constant 0 : i32
          %dma_start3A_132 = tpu.memref_slice %arg9[%add3A_130, %dma_start3A_131] : memref<96x128xi32, #tpu.memory_space<vmem>> -> memref<1x128xi32, #tpu.memory_space<vmem>>
          %dma_start3A_133 = tpu.memref_squeeze %dma_start3A_132 : memref<1x128xi32, #tpu.memory_space<vmem>> -> memref<128xi32, #tpu.memory_space<vmem>>
          %dma_start3A_134 = arith.constant 0 : i32
          %dma_start3A_135 = arith.constant 0 : i32
          %dma_start3A_136 = tpu.memref_slice %arg3[%dma_start3A_134, %dma_start3A_135] : memref<10000x64xf32, #tpu.memory_space<hbm>> -> memref<10000x64xf32, #tpu.memory_space<hbm>>
          tpu.enqueue_indirect_dma source(%dma_start3A_136 : memref<10000x64xf32, #tpu.memory_space<hbm>>) target(%arg12 : memref<128x64xf32, #tpu.memory_space<vmem>>) offsets(%dma_start3A_133 : memref<128xi32, #tpu.memory_space<vmem>>) semaphore(%arg17 : memref<!tpu.dma_semaphore, #tpu.memory_space<semaphore_mem>>)
        } else {
        }
        %add3A_114 = arith.constant 2 : i32
        %add3A_115 = arith.addi %mul3A_85, %add3A_114 : i32
        %dma_wait3A_116 = arith.constant 0 : i32
        %dma_wait3A_117 = tpu.memref_slice %arg9[%add3A_115, %dma_wait3A_116] : memref<96x128xi32, #tpu.memory_space<vmem>> -> memref<1x128xi32, #tpu.memory_space<vmem>>
        %dma_wait3A_118 = tpu.memref_squeeze %dma_wait3A_117 : memref<1x128xi32, #tpu.memory_space<vmem>> -> memref<128xi32, #tpu.memory_space<vmem>>
        %dma_wait3A_119 = arith.constant 0 : i32
        %dma_wait3A_120 = arith.constant 0 : i32
        %dma_wait3A_121 = tpu.memref_slice %arg3[%dma_wait3A_119, %dma_wait3A_120] : memref<10000x64xf32, #tpu.memory_space<hbm>> -> memref<10000x64xf32, #tpu.memory_space<hbm>>
        tpu.wait_indirect_dma semaphore(%arg18 : memref<!tpu.dma_semaphore, #tpu.memory_space<semaphore_mem>>) src(%dma_wait3A_121 : memref<10000x64xf32, #tpu.memory_space<hbm>>) dst(%arg13 : memref<128x64xf32, #tpu.memory_space<vmem>>)
        "tpu.region"() ({
          %run_scoped3A = tpu.sem_alloc : memref<!tpu.dma_semaphore, #tpu.memory_space<semaphore_mem>>
          %dma_start3A_129 = arith.constant 0 : i32
          %dma_start3A_130 = tpu.memref_slice %arg10[%add3A_115, %dma_start3A_129] : memref<96x128xi32, #tpu.memory_space<vmem>> -> memref<1x128xi32, #tpu.memory_space<vmem>>
          %dma_start3A_131 = tpu.memref_squeeze %dma_start3A_130 : memref<1x128xi32, #tpu.memory_space<vmem>> -> memref<128xi32, #tpu.memory_space<vmem>>
          %dma_start3A_132 = arith.constant 0 : i32
          %dma_start3A_133 = arith.constant 0 : i32
          %dma_start3A_134 = tpu.memref_slice %arg15[%dma_start3A_132, %dma_start3A_133] : memref<10240x64xf32, #tpu.memory_space<vmem_shared>> -> memref<10240x64xf32, #tpu.memory_space<vmem_shared>>
          tpu.enqueue_indirect_dma source(%arg13 : memref<128x64xf32, #tpu.memory_space<vmem>>) target(%dma_start3A_134 : memref<10240x64xf32, #tpu.memory_space<vmem_shared>>) offsets(%dma_start3A_131 : memref<128xi32, #tpu.memory_space<vmem>>) semaphore(%run_scoped3A : memref<!tpu.dma_semaphore, #tpu.memory_space<semaphore_mem>>) {add = true}
          %dma_wait3A_135 = arith.constant 0 : i32
          %dma_wait3A_136 = tpu.memref_slice %arg10[%add3A_115, %dma_wait3A_135] : memref<96x128xi32, #tpu.memory_space<vmem>> -> memref<1x128xi32, #tpu.memory_space<vmem>>
          %dma_wait3A_137 = tpu.memref_squeeze %dma_wait3A_136 : memref<1x128xi32, #tpu.memory_space<vmem>> -> memref<128xi32, #tpu.memory_space<vmem>>
          %dma_wait3A_138 = arith.constant 0 : i32
          %dma_wait3A_139 = arith.constant 0 : i32
          %dma_wait3A_140 = tpu.memref_slice %arg15[%dma_wait3A_138, %dma_wait3A_139] : memref<10240x64xf32, #tpu.memory_space<vmem_shared>> -> memref<10240x64xf32, #tpu.memory_space<vmem_shared>>
          tpu.wait_indirect_dma semaphore(%run_scoped3A : memref<!tpu.dma_semaphore, #tpu.memory_space<semaphore_mem>>) src(%arg13 : memref<128x64xf32, #tpu.memory_space<vmem>>) dst(%dma_wait3A_140 : memref<10240x64xf32, #tpu.memory_space<vmem_shared>>)
          tpu.yield
        }) : () -> ()
        %add3A_122 = arith.constant 3 : i32
        %add3A_123 = arith.addi %add3A_115, %add3A_122 : i32
        %lt3A_124 = arith.constant 96 : i32
        %lt3A_125 = arith.cmpi slt, %add3A_123, %lt3A_124 : i32
        %convert_element_type3A_126 = arith.extui %lt3A_125 : i1 to i32
        %cond3A_127 = arith.constant 0 : i32
        %cond3A_128 = arith.cmpi ne, %convert_element_type3A_126, %cond3A_127 : i32
        scf.if %cond3A_128 {
          %add3A_129 = arith.constant 3 : i32
          %add3A_130 = arith.addi %add3A_115, %add3A_129 : i32
          %dma_start3A_131 = arith.constant 0 : i32
          %dma_start3A_132 = tpu.memref_slice %arg9[%add3A_130, %dma_start3A_131] : memref<96x128xi32, #tpu.memory_space<vmem>> -> memref<1x128xi32, #tpu.memory_space<vmem>>
          %dma_start3A_133 = tpu.memref_squeeze %dma_start3A_132 : memref<1x128xi32, #tpu.memory_space<vmem>> -> memref<128xi32, #tpu.memory_space<vmem>>
          %dma_start3A_134 = arith.constant 0 : i32
          %dma_start3A_135 = arith.constant 0 : i32
          %dma_start3A_136 = tpu.memref_slice %arg3[%dma_start3A_134, %dma_start3A_135] : memref<10000x64xf32, #tpu.memory_space<hbm>> -> memref<10000x64xf32, #tpu.memory_space<hbm>>
          tpu.enqueue_indirect_dma source(%dma_start3A_136 : memref<10000x64xf32, #tpu.memory_space<hbm>>) target(%arg13 : memref<128x64xf32, #tpu.memory_space<vmem>>) offsets(%dma_start3A_133 : memref<128xi32, #tpu.memory_space<vmem>>) semaphore(%arg18 : memref<!tpu.dma_semaphore, #tpu.memory_space<semaphore_mem>>)
        } else {
        }
      }
      %scan3A_82 = arith.constant 32 : i32
    } else {
    }
    %barrier3A_57 = arith.constant 0 : index
    tpu.barrier barrier_id(%barrier3A_57)
    "tpu.region"() ({
      %run_scoped3A = tpu.sem_alloc : memref<!tpu.dma_semaphore, #tpu.memory_space<semaphore_mem>>
      %dma_start3A = arith.constant 0 : i32
      %dma_start3A_58 = tpu.memref_slice %arg8[%arg0, %mul3A_0, %dma_start3A] : memref<2x10240x64xf32, #tpu.memory_space<hbm>> -> memref<1x640x64xf32, #tpu.memory_space<hbm>>
      %dma_start3A_59 = tpu.memref_squeeze %dma_start3A_58 : memref<1x640x64xf32, #tpu.memory_space<hbm>> -> memref<640x64xf32, #tpu.memory_space<hbm>>
      %dma_start3A_60 = arith.constant 0 : i32
      %dma_start3A_61 = tpu.memref_slice %arg15[%mul3A_0, %dma_start3A_60] : memref<10240x64xf32, #tpu.memory_space<vmem_shared>> -> memref<640x64xf32, #tpu.memory_space<vmem_shared>>
      tpu.enqueue_dma source(%dma_start3A_61 : memref<640x64xf32, #tpu.memory_space<vmem_shared>>) target(%dma_start3A_59 : memref<640x64xf32, #tpu.memory_space<hbm>>) target_semaphore(%run_scoped3A : memref<!tpu.dma_semaphore, #tpu.memory_space<semaphore_mem>>)
      %dma_wait3A = arith.constant 0 : i32
      %dma_wait3A_62 = tpu.memref_slice %arg8[%arg0, %mul3A_0, %dma_wait3A] : memref<2x10240x64xf32, #tpu.memory_space<hbm>> -> memref<1x640x64xf32, #tpu.memory_space<hbm>>
      %dma_wait3A_63 = tpu.memref_squeeze %dma_wait3A_62 : memref<1x640x64xf32, #tpu.memory_space<hbm>> -> memref<640x64xf32, #tpu.memory_space<hbm>>
      %dma_wait3A_64 = arith.constant 0 : i32
      %dma_wait3A_65 = tpu.memref_slice %arg15[%mul3A_0, %dma_wait3A_64] : memref<10240x64xf32, #tpu.memory_space<vmem_shared>> -> memref<640x64xf32, #tpu.memory_space<vmem_shared>>
      tpu.wait_dma2 semaphore(%run_scoped3A : memref<!tpu.dma_semaphore, #tpu.memory_space<semaphore_mem>>) src(%dma_wait3A_65 : memref<640x64xf32, #tpu.memory_space<vmem_shared>>) dst(%dma_wait3A_63 : memref<640x64xf32, #tpu.memory_space<hbm>>)
      tpu.yield
    }) : () -> ()
    return
  }
}

module attributes {stable_mosaic.version = 14 : i64} {
  func.func @_tc_mid_body(%arg0: memref<10000x64xf32, #tpu.memory_space<vmem>>, %arg1: memref<10000x64xf32, #tpu.memory_space<vmem>>, %arg2: memref<2x10240x64xf32, #tpu.memory_space<vmem>>, %arg3: memref<2x10240x64xf32, #tpu.memory_space<vmem>>, %arg4: memref<3x129x64xf32, #tpu.memory_space<vmem>>, %arg5: memref<10000x64xf32, #tpu.memory_space<vmem>>, %arg6: memref<10000x64xf32, #tpu.memory_space<vmem>>, %arg7: memref<1x64xf32, #tpu.memory_space<vmem>>) attributes {dimension_semantics = [], scalar_prefetch = 0 : i64, scratch_operands = 0 : i64, tpu.core_type = #tpu.core_type<tc>} {
    %get3A = arith.constant 1 : index
    %get3A_0 = arith.constant 0 : index
    %get3A_1 = arith.constant 0 : index
    %get3A_2 = vector.load %arg4[%get3A, %get3A_0, %get3A_1] : memref<3x129x64xf32, #tpu.memory_space<vmem>>, vector<1x129x64xf32>
    %get3A_3 = vector.shape_cast %get3A_2 : vector<1x129x64xf32> to vector<129x64xf32>
    %broadcast_in_dim3A = arith.constant 1.000000e+00 : f32
    %broadcast_in_dim3A_4 = vector.broadcast %broadcast_in_dim3A : f32 to vector<8x64xf32>
    %scan3A = arith.constant 0 : i32
    %scan3A_5 = arith.constant 10 : i32
    %scan3A_6 = arith.addi %scan3A, %scan3A_5 : i32
    %scan3A_7 = arith.constant 1 : i32
    %scan3A_8 = scf.for %scan3A_25 = %scan3A to %scan3A_6 step %scan3A_7 iter_args(%scan3A_26 = %broadcast_in_dim3A_4) -> (vector<8x64xf32>)  : i32 {
      %mul3A_27 = arith.constant 1000 : i32
      %mul3A_28 = arith.muli %scan3A_25, %mul3A_27 : i32
      %get3A_29 = arith.index_cast %mul3A_28 : i32 to index
      %get3A_30 = arith.constant 0 : index
      %get3A_31 = vector.load %arg0[%get3A_29, %get3A_30] : memref<10000x64xf32, #tpu.memory_space<vmem>>, vector<1000x64xf32>
      %get3A_32 = arith.constant 0 : index
      %get3A_33 = arith.index_cast %mul3A_28 : i32 to index
      %get3A_34 = arith.constant 0 : index
      %get3A_35 = vector.load %arg2[%get3A_32, %get3A_33, %get3A_34] : memref<2x10240x64xf32, #tpu.memory_space<vmem>>, vector<1x1000x64xf32>
      %get3A_36 = vector.shape_cast %get3A_35 : vector<1x1000x64xf32> to vector<1000x64xf32>
      %add3A = arith.addf %get3A_31, %get3A_36 : vector<1000x64xf32>
      %get3A_37 = arith.constant 1 : index
      %get3A_38 = arith.index_cast %mul3A_28 : i32 to index
      %get3A_39 = arith.constant 0 : index
      %get3A_40 = vector.load %arg2[%get3A_37, %get3A_38, %get3A_39] : memref<2x10240x64xf32, #tpu.memory_space<vmem>>, vector<1x1000x64xf32>
      %get3A_41 = vector.shape_cast %get3A_40 : vector<1x1000x64xf32> to vector<1000x64xf32>
      %add3A_42 = arith.addf %add3A, %get3A_41 : vector<1000x64xf32>
      %get3A_43 = arith.index_cast %mul3A_28 : i32 to index
      %get3A_44 = arith.constant 0 : index
      %get3A_45 = vector.load %arg1[%get3A_43, %get3A_44] : memref<10000x64xf32, #tpu.memory_space<vmem>>, vector<1000x64xf32>
      %get3A_46 = arith.constant 0 : index
      %get3A_47 = arith.index_cast %mul3A_28 : i32 to index
      %get3A_48 = arith.constant 0 : index
      %get3A_49 = vector.load %arg3[%get3A_46, %get3A_47, %get3A_48] : memref<2x10240x64xf32, #tpu.memory_space<vmem>>, vector<1x1000x64xf32>
      %get3A_50 = vector.shape_cast %get3A_49 : vector<1x1000x64xf32> to vector<1000x64xf32>
      %add3A_51 = arith.addf %get3A_45, %get3A_50 : vector<1000x64xf32>
      %get3A_52 = arith.constant 1 : index
      %get3A_53 = arith.index_cast %mul3A_28 : i32 to index
      %get3A_54 = arith.constant 0 : index
      %get3A_55 = vector.load %arg3[%get3A_52, %get3A_53, %get3A_54] : memref<2x10240x64xf32, #tpu.memory_space<vmem>>, vector<1x1000x64xf32>
      %get3A_56 = vector.shape_cast %get3A_55 : vector<1x1000x64xf32> to vector<1000x64xf32>
      %add3A_57 = arith.addf %add3A_51, %get3A_56 : vector<1000x64xf32>
      %swap3A_58 = arith.index_cast %mul3A_28 : i32 to index
      %swap3A_59 = arith.constant 0 : index
      %swap3A_60 = vector.load %arg5[%swap3A_58, %swap3A_59] : memref<10000x64xf32, #tpu.memory_space<vmem>>, vector<1000x64xf32>
      tpu.vector_store %arg5[%swap3A_58, %swap3A_59], %add3A_42 {strides = array<i32>} : memref<10000x64xf32, #tpu.memory_space<vmem>>, vector<1000x64xf32>,
      %swap3A_61 = arith.index_cast %mul3A_28 : i32 to index
      %swap3A_62 = arith.constant 0 : index
      %swap3A_63 = vector.load %arg6[%swap3A_61, %swap3A_62] : memref<10000x64xf32, #tpu.memory_space<vmem>>, vector<1000x64xf32>
      tpu.vector_store %arg6[%swap3A_61, %swap3A_62], %add3A_57 {strides = array<i32>} : memref<10000x64xf32, #tpu.memory_space<vmem>>, vector<1000x64xf32>,
      %slice3A_64 = vector.extract_strided_slice %get3A_3 {offsets = [0, 0], sizes = [64, 64], strides = [1, 1]} : vector<129x64xf32> to vector<64x64xf32>
      %dot_general3A = arith.constant dense<0.000000e+00> : vector<1000x64xf32>
      %dot_general3A_65 = tpu.matmul %add3A_42, %slice3A_64, %dot_general3A {dimension_numbers = #tpu.dot_dimension_numbers<[1], [0], [0], [1], [0, 0, 1, 1], [], []>, precision = #tpu.contract_precision<fp32>, transpose_lhs_hint = false} : vector<1000x64xf32>, vector<64x64xf32>, vector<1000x64xf32> -> vector<1000x64xf32>
      %slice3A_66 = vector.extract_strided_slice %get3A_3 {offsets = [64, 0], sizes = [64, 64], strides = [1, 1]} : vector<129x64xf32> to vector<64x64xf32>
      %dot_general3A_67 = arith.constant dense<0.000000e+00> : vector<1000x64xf32>
      %dot_general3A_68 = tpu.matmul %add3A_57, %slice3A_66, %dot_general3A_67 {dimension_numbers = #tpu.dot_dimension_numbers<[1], [0], [0], [1], [0, 0, 1, 1], [], []>, precision = #tpu.contract_precision<fp32>, transpose_lhs_hint = false} : vector<1000x64xf32>, vector<64x64xf32>, vector<1000x64xf32> -> vector<1000x64xf32>
      %add3A_69 = arith.addf %dot_general3A_65, %dot_general3A_68 : vector<1000x64xf32>
      %slice3A_70 = vector.extract_strided_slice %get3A_3 {offsets = [128, 0], sizes = [1, 64], strides = [1, 1]} : vector<129x64xf32> to vector<1x64xf32>
      %add3A_71 = vector.broadcast %slice3A_70 : vector<1x64xf32> to vector<1000x64xf32>
      %add3A_72 = arith.addf %add3A_69, %add3A_71 : vector<1000x64xf32>
      %tanh3A = math.tanh %add3A_72 : vector<1000x64xf32>
      %broadcast_in_dim3A_73 = arith.constant 1.000000e+00 : f32
      %broadcast_in_dim3A_74 = vector.broadcast %broadcast_in_dim3A_73 : f32 to vector<24x64xf32>
      %concatenate3A = tpu.concatenate %tanh3A, %broadcast_in_dim3A_74 in 0 : vector<1000x64xf32>, vector<24x64xf32> -> vector<1024x64xf32>
      %slice3A_75 = vector.extract_strided_slice %concatenate3A {offsets = [0, 0], sizes = [512, 64], strides = [1, 1]} : vector<1024x64xf32> to vector<512x64xf32>
      %slice3A_76 = vector.extract_strided_slice %concatenate3A {offsets = [512, 0], sizes = [512, 64], strides = [1, 1]} : vector<1024x64xf32> to vector<512x64xf32>
      %mul3A_77 = arith.mulf %slice3A_75, %slice3A_76 : vector<512x64xf32>
      %slice3A_78 = vector.extract_strided_slice %mul3A_77 {offsets = [0, 0], sizes = [256, 64], strides = [1, 1]} : vector<512x64xf32> to vector<256x64xf32>
      %slice3A_79 = vector.extract_strided_slice %mul3A_77 {offsets = [256, 0], sizes = [256, 64], strides = [1, 1]} : vector<512x64xf32> to vector<256x64xf32>
      %mul3A_80 = arith.mulf %slice3A_78, %slice3A_79 : vector<256x64xf32>
      %slice3A_81 = vector.extract_strided_slice %mul3A_80 {offsets = [0, 0], sizes = [128, 64], strides = [1, 1]} : vector<256x64xf32> to vector<128x64xf32>
      %slice3A_82 = vector.extract_strided_slice %mul3A_80 {offsets = [128, 0], sizes = [128, 64], strides = [1, 1]} : vector<256x64xf32> to vector<128x64xf32>
      %mul3A_83 = arith.mulf %slice3A_81, %slice3A_82 : vector<128x64xf32>
      %slice3A_84 = vector.extract_strided_slice %mul3A_83 {offsets = [0, 0], sizes = [64, 64], strides = [1, 1]} : vector<128x64xf32> to vector<64x64xf32>
      %slice3A_85 = vector.extract_strided_slice %mul3A_83 {offsets = [64, 0], sizes = [64, 64], strides = [1, 1]} : vector<128x64xf32> to vector<64x64xf32>
      %mul3A_86 = arith.mulf %slice3A_84, %slice3A_85 : vector<64x64xf32>
      %slice3A_87 = vector.extract_strided_slice %mul3A_86 {offsets = [0, 0], sizes = [32, 64], strides = [1, 1]} : vector<64x64xf32> to vector<32x64xf32>
      %slice3A_88 = vector.extract_strided_slice %mul3A_86 {offsets = [32, 0], sizes = [32, 64], strides = [1, 1]} : vector<64x64xf32> to vector<32x64xf32>
      %mul3A_89 = arith.mulf %slice3A_87, %slice3A_88 : vector<32x64xf32>
      %slice3A_90 = vector.extract_strided_slice %mul3A_89 {offsets = [0, 0], sizes = [16, 64], strides = [1, 1]} : vector<32x64xf32> to vector<16x64xf32>
      %slice3A_91 = vector.extract_strided_slice %mul3A_89 {offsets = [16, 0], sizes = [16, 64], strides = [1, 1]} : vector<32x64xf32> to vector<16x64xf32>
      %mul3A_92 = arith.mulf %slice3A_90, %slice3A_91 : vector<16x64xf32>
      %slice3A_93 = vector.extract_strided_slice %mul3A_92 {offsets = [0, 0], sizes = [8, 64], strides = [1, 1]} : vector<16x64xf32> to vector<8x64xf32>
      %slice3A_94 = vector.extract_strided_slice %mul3A_92 {offsets = [8, 0], sizes = [8, 64], strides = [1, 1]} : vector<16x64xf32> to vector<8x64xf32>
      %mul3A_95 = arith.mulf %slice3A_93, %slice3A_94 : vector<8x64xf32>
      %mul3A_96 = arith.mulf %scan3A_26, %mul3A_95 : vector<8x64xf32>
      scf.yield %mul3A_96 : vector<8x64xf32>
    }
    %scan3A_9 = arith.constant 10 : i32
    %slice3A = vector.extract_strided_slice %scan3A_8 {offsets = [0, 0], sizes = [1, 64], strides = [1, 1]} : vector<8x64xf32> to vector<1x64xf32>
    %slice3A_10 = vector.extract_strided_slice %scan3A_8 {offsets = [1, 0], sizes = [1, 64], strides = [1, 1]} : vector<8x64xf32> to vector<1x64xf32>
    %mul3A = arith.mulf %slice3A, %slice3A_10 : vector<1x64xf32>
    %slice3A_11 = vector.extract_strided_slice %scan3A_8 {offsets = [2, 0], sizes = [1, 64], strides = [1, 1]} : vector<8x64xf32> to vector<1x64xf32>
    %mul3A_12 = arith.mulf %mul3A, %slice3A_11 : vector<1x64xf32>
    %slice3A_13 = vector.extract_strided_slice %scan3A_8 {offsets = [3, 0], sizes = [1, 64], strides = [1, 1]} : vector<8x64xf32> to vector<1x64xf32>
    %mul3A_14 = arith.mulf %mul3A_12, %slice3A_13 : vector<1x64xf32>
    %slice3A_15 = vector.extract_strided_slice %scan3A_8 {offsets = [4, 0], sizes = [1, 64], strides = [1, 1]} : vector<8x64xf32> to vector<1x64xf32>
    %mul3A_16 = arith.mulf %mul3A_14, %slice3A_15 : vector<1x64xf32>
    %slice3A_17 = vector.extract_strided_slice %scan3A_8 {offsets = [5, 0], sizes = [1, 64], strides = [1, 1]} : vector<8x64xf32> to vector<1x64xf32>
    %mul3A_18 = arith.mulf %mul3A_16, %slice3A_17 : vector<1x64xf32>
    %slice3A_19 = vector.extract_strided_slice %scan3A_8 {offsets = [6, 0], sizes = [1, 64], strides = [1, 1]} : vector<8x64xf32> to vector<1x64xf32>
    %mul3A_20 = arith.mulf %mul3A_18, %slice3A_19 : vector<1x64xf32>
    %slice3A_21 = vector.extract_strided_slice %scan3A_8 {offsets = [7, 0], sizes = [1, 64], strides = [1, 1]} : vector<8x64xf32> to vector<1x64xf32>
    %mul3A_22 = arith.mulf %mul3A_20, %slice3A_21 : vector<1x64xf32>
    %swap3A = arith.constant 0 : index
    %swap3A_23 = arith.constant 0 : index
    %swap3A_24 = vector.load %arg7[%swap3A, %swap3A_23] : memref<1x64xf32, #tpu.memory_space<vmem>>, vector<1x64xf32>
    tpu.vector_store %arg7[%swap3A, %swap3A_23], %mul3A_22 {strides = array<i32>} : memref<1x64xf32, #tpu.memory_space<vmem>>, vector<1x64xf32>,
    return
  }
}

module attributes {stable_mosaic.version = 14 : i64} {
  func.func @_tc_pool0_body(%arg0: memref<10000x64xf32, #tpu.memory_space<vmem>>, %arg1: memref<10000x64xf32, #tpu.memory_space<vmem>>, %arg2: memref<3x129x64xf32, #tpu.memory_space<vmem>>, %arg3: memref<1x64xf32, #tpu.memory_space<vmem>>) attributes {dimension_semantics = [], scalar_prefetch = 0 : i64, scratch_operands = 0 : i64, tpu.core_type = #tpu.core_type<tc>} {
    %get3A = arith.constant 0 : index
    %get3A_0 = arith.constant 0 : index
    %get3A_1 = arith.constant 0 : index
    %get3A_2 = vector.load %arg2[%get3A, %get3A_0, %get3A_1] : memref<3x129x64xf32, #tpu.memory_space<vmem>>, vector<1x129x64xf32>
    %get3A_3 = vector.shape_cast %get3A_2 : vector<1x129x64xf32> to vector<129x64xf32>
    %broadcast_in_dim3A = arith.constant 1.000000e+00 : f32
    %broadcast_in_dim3A_4 = vector.broadcast %broadcast_in_dim3A : f32 to vector<8x64xf32>
    %scan3A = arith.constant 0 : i32
    %scan3A_5 = arith.constant 10 : i32
    %scan3A_6 = arith.addi %scan3A, %scan3A_5 : i32
    %scan3A_7 = arith.constant 1 : i32
    %scan3A_8 = scf.for %scan3A_25 = %scan3A to %scan3A_6 step %scan3A_7 iter_args(%scan3A_26 = %broadcast_in_dim3A_4) -> (vector<8x64xf32>)  : i32 {
      %mul3A_27 = arith.constant 1000 : i32
      %mul3A_28 = arith.muli %scan3A_25, %mul3A_27 : i32
      %get3A_29 = arith.index_cast %mul3A_28 : i32 to index
      %get3A_30 = arith.constant 0 : index
      %get3A_31 = vector.load %arg0[%get3A_29, %get3A_30] : memref<10000x64xf32, #tpu.memory_space<vmem>>, vector<1000x64xf32>
      %get3A_32 = arith.index_cast %mul3A_28 : i32 to index
      %get3A_33 = arith.constant 0 : index
      %get3A_34 = vector.load %arg1[%get3A_32, %get3A_33] : memref<10000x64xf32, #tpu.memory_space<vmem>>, vector<1000x64xf32>
      %slice3A_35 = vector.extract_strided_slice %get3A_3 {offsets = [0, 0], sizes = [64, 64], strides = [1, 1]} : vector<129x64xf32> to vector<64x64xf32>
      %dot_general3A = arith.constant dense<0.000000e+00> : vector<1000x64xf32>
      %dot_general3A_36 = tpu.matmul %get3A_31, %slice3A_35, %dot_general3A {dimension_numbers = #tpu.dot_dimension_numbers<[1], [0], [0], [1], [0, 0, 1, 1], [], []>, precision = #tpu.contract_precision<fp32>, transpose_lhs_hint = false} : vector<1000x64xf32>, vector<64x64xf32>, vector<1000x64xf32> -> vector<1000x64xf32>
      %slice3A_37 = vector.extract_strided_slice %get3A_3 {offsets = [64, 0], sizes = [64, 64], strides = [1, 1]} : vector<129x64xf32> to vector<64x64xf32>
      %dot_general3A_38 = arith.constant dense<0.000000e+00> : vector<1000x64xf32>
      %dot_general3A_39 = tpu.matmul %get3A_34, %slice3A_37, %dot_general3A_38 {dimension_numbers = #tpu.dot_dimension_numbers<[1], [0], [0], [1], [0, 0, 1, 1], [], []>, precision = #tpu.contract_precision<fp32>, transpose_lhs_hint = false} : vector<1000x64xf32>, vector<64x64xf32>, vector<1000x64xf32> -> vector<1000x64xf32>
      %add3A = arith.addf %dot_general3A_36, %dot_general3A_39 : vector<1000x64xf32>
      %slice3A_40 = vector.extract_strided_slice %get3A_3 {offsets = [128, 0], sizes = [1, 64], strides = [1, 1]} : vector<129x64xf32> to vector<1x64xf32>
      %add3A_41 = vector.broadcast %slice3A_40 : vector<1x64xf32> to vector<1000x64xf32>
      %add3A_42 = arith.addf %add3A, %add3A_41 : vector<1000x64xf32>
      %tanh3A = math.tanh %add3A_42 : vector<1000x64xf32>
      %broadcast_in_dim3A_43 = arith.constant 1.000000e+00 : f32
      %broadcast_in_dim3A_44 = vector.broadcast %broadcast_in_dim3A_43 : f32 to vector<24x64xf32>
      %concatenate3A = tpu.concatenate %tanh3A, %broadcast_in_dim3A_44 in 0 : vector<1000x64xf32>, vector<24x64xf32> -> vector<1024x64xf32>
      %slice3A_45 = vector.extract_strided_slice %concatenate3A {offsets = [0, 0], sizes = [512, 64], strides = [1, 1]} : vector<1024x64xf32> to vector<512x64xf32>
      %slice3A_46 = vector.extract_strided_slice %concatenate3A {offsets = [512, 0], sizes = [512, 64], strides = [1, 1]} : vector<1024x64xf32> to vector<512x64xf32>
      %mul3A_47 = arith.mulf %slice3A_45, %slice3A_46 : vector<512x64xf32>
      %slice3A_48 = vector.extract_strided_slice %mul3A_47 {offsets = [0, 0], sizes = [256, 64], strides = [1, 1]} : vector<512x64xf32> to vector<256x64xf32>
      %slice3A_49 = vector.extract_strided_slice %mul3A_47 {offsets = [256, 0], sizes = [256, 64], strides = [1, 1]} : vector<512x64xf32> to vector<256x64xf32>
      %mul3A_50 = arith.mulf %slice3A_48, %slice3A_49 : vector<256x64xf32>
      %slice3A_51 = vector.extract_strided_slice %mul3A_50 {offsets = [0, 0], sizes = [128, 64], strides = [1, 1]} : vector<256x64xf32> to vector<128x64xf32>
      %slice3A_52 = vector.extract_strided_slice %mul3A_50 {offsets = [128, 0], sizes = [128, 64], strides = [1, 1]} : vector<256x64xf32> to vector<128x64xf32>
      %mul3A_53 = arith.mulf %slice3A_51, %slice3A_52 : vector<128x64xf32>
      %slice3A_54 = vector.extract_strided_slice %mul3A_53 {offsets = [0, 0], sizes = [64, 64], strides = [1, 1]} : vector<128x64xf32> to vector<64x64xf32>
      %slice3A_55 = vector.extract_strided_slice %mul3A_53 {offsets = [64, 0], sizes = [64, 64], strides = [1, 1]} : vector<128x64xf32> to vector<64x64xf32>
      %mul3A_56 = arith.mulf %slice3A_54, %slice3A_55 : vector<64x64xf32>
      %slice3A_57 = vector.extract_strided_slice %mul3A_56 {offsets = [0, 0], sizes = [32, 64], strides = [1, 1]} : vector<64x64xf32> to vector<32x64xf32>
      %slice3A_58 = vector.extract_strided_slice %mul3A_56 {offsets = [32, 0], sizes = [32, 64], strides = [1, 1]} : vector<64x64xf32> to vector<32x64xf32>
      %mul3A_59 = arith.mulf %slice3A_57, %slice3A_58 : vector<32x64xf32>
      %slice3A_60 = vector.extract_strided_slice %mul3A_59 {offsets = [0, 0], sizes = [16, 64], strides = [1, 1]} : vector<32x64xf32> to vector<16x64xf32>
      %slice3A_61 = vector.extract_strided_slice %mul3A_59 {offsets = [16, 0], sizes = [16, 64], strides = [1, 1]} : vector<32x64xf32> to vector<16x64xf32>
      %mul3A_62 = arith.mulf %slice3A_60, %slice3A_61 : vector<16x64xf32>
      %slice3A_63 = vector.extract_strided_slice %mul3A_62 {offsets = [0, 0], sizes = [8, 64], strides = [1, 1]} : vector<16x64xf32> to vector<8x64xf32>
      %slice3A_64 = vector.extract_strided_slice %mul3A_62 {offsets = [8, 0], sizes = [8, 64], strides = [1, 1]} : vector<16x64xf32> to vector<8x64xf32>
      %mul3A_65 = arith.mulf %slice3A_63, %slice3A_64 : vector<8x64xf32>
      %mul3A_66 = arith.mulf %scan3A_26, %mul3A_65 : vector<8x64xf32>
      scf.yield %mul3A_66 : vector<8x64xf32>
    }
    %scan3A_9 = arith.constant 10 : i32
    %slice3A = vector.extract_strided_slice %scan3A_8 {offsets = [0, 0], sizes = [1, 64], strides = [1, 1]} : vector<8x64xf32> to vector<1x64xf32>
    %slice3A_10 = vector.extract_strided_slice %scan3A_8 {offsets = [1, 0], sizes = [1, 64], strides = [1, 1]} : vector<8x64xf32> to vector<1x64xf32>
    %mul3A = arith.mulf %slice3A, %slice3A_10 : vector<1x64xf32>
    %slice3A_11 = vector.extract_strided_slice %scan3A_8 {offsets = [2, 0], sizes = [1, 64], strides = [1, 1]} : vector<8x64xf32> to vector<1x64xf32>
    %mul3A_12 = arith.mulf %mul3A, %slice3A_11 : vector<1x64xf32>
    %slice3A_13 = vector.extract_strided_slice %scan3A_8 {offsets = [3, 0], sizes = [1, 64], strides = [1, 1]} : vector<8x64xf32> to vector<1x64xf32>
    %mul3A_14 = arith.mulf %mul3A_12, %slice3A_13 : vector<1x64xf32>
    %slice3A_15 = vector.extract_strided_slice %scan3A_8 {offsets = [4, 0], sizes = [1, 64], strides = [1, 1]} : vector<8x64xf32> to vector<1x64xf32>
    %mul3A_16 = arith.mulf %mul3A_14, %slice3A_15 : vector<1x64xf32>
    %slice3A_17 = vector.extract_strided_slice %scan3A_8 {offsets = [5, 0], sizes = [1, 64], strides = [1, 1]} : vector<8x64xf32> to vector<1x64xf32>
    %mul3A_18 = arith.mulf %mul3A_16, %slice3A_17 : vector<1x64xf32>
    %slice3A_19 = vector.extract_strided_slice %scan3A_8 {offsets = [6, 0], sizes = [1, 64], strides = [1, 1]} : vector<8x64xf32> to vector<1x64xf32>
    %mul3A_20 = arith.mulf %mul3A_18, %slice3A_19 : vector<1x64xf32>
    %slice3A_21 = vector.extract_strided_slice %scan3A_8 {offsets = [7, 0], sizes = [1, 64], strides = [1, 1]} : vector<8x64xf32> to vector<1x64xf32>
    %mul3A_22 = arith.mulf %mul3A_20, %slice3A_21 : vector<1x64xf32>
    %swap3A = arith.constant 0 : index
    %swap3A_23 = arith.constant 0 : index
    %swap3A_24 = vector.load %arg3[%swap3A, %swap3A_23] : memref<1x64xf32, #tpu.memory_space<vmem>>, vector<1x64xf32>
    tpu.vector_store %arg3[%swap3A, %swap3A_23], %mul3A_22 {strides = array<i32>} : memref<1x64xf32, #tpu.memory_space<vmem>>, vector<1x64xf32>,
    return
  }
}

module attributes {stable_mosaic.version = 14 : i64} {
  func.func @_tc_final_body(%arg0: memref<10000x64xf32, #tpu.memory_space<vmem>>, %arg1: memref<10000x64xf32, #tpu.memory_space<vmem>>, %arg2: memref<2x10240x64xf32, #tpu.memory_space<vmem>>, %arg3: memref<2x10240x64xf32, #tpu.memory_space<vmem>>, %arg4: memref<3x129x64xf32, #tpu.memory_space<vmem>>, %arg5: memref<1x64xf32, #tpu.memory_space<vmem>>, %arg6: memref<1x64xf32, #tpu.memory_space<vmem>>, %arg7: memref<3x32x64xf32, #tpu.memory_space<vmem>>, %arg8: memref<3x32xf32, #tpu.memory_space<vmem>>, %arg9: memref<1x32xf32, #tpu.memory_space<vmem>>) attributes {dimension_semantics = [], scalar_prefetch = 0 : i64, scratch_operands = 0 : i64, tpu.core_type = #tpu.core_type<tc>} {
    %get3A = arith.constant 2 : index
    %get3A_0 = arith.constant 0 : index
    %get3A_1 = arith.constant 0 : index
    %get3A_2 = vector.load %arg4[%get3A, %get3A_0, %get3A_1] : memref<3x129x64xf32, #tpu.memory_space<vmem>>, vector<1x129x64xf32>
    %get3A_3 = vector.shape_cast %get3A_2 : vector<1x129x64xf32> to vector<129x64xf32>
    %broadcast_in_dim3A = arith.constant 1.000000e+00 : f32
    %broadcast_in_dim3A_4 = vector.broadcast %broadcast_in_dim3A : f32 to vector<8x64xf32>
    %scan3A = arith.constant 0 : i32
    %scan3A_5 = arith.constant 10 : i32
    %scan3A_6 = arith.addi %scan3A, %scan3A_5 : i32
    %scan3A_7 = arith.constant 1 : i32
    %scan3A_8 = scf.for %scan3A_67 = %scan3A to %scan3A_6 step %scan3A_7 iter_args(%scan3A_68 = %broadcast_in_dim3A_4) -> (vector<8x64xf32>)  : i32 {
      %mul3A_69 = arith.constant 1000 : i32
      %mul3A_70 = arith.muli %scan3A_67, %mul3A_69 : i32
      %get3A_71 = arith.index_cast %mul3A_70 : i32 to index
      %get3A_72 = arith.constant 0 : index
      %get3A_73 = vector.load %arg0[%get3A_71, %get3A_72] : memref<10000x64xf32, #tpu.memory_space<vmem>>, vector<1000x64xf32>
      %get3A_74 = arith.constant 0 : index
      %get3A_75 = arith.index_cast %mul3A_70 : i32 to index
      %get3A_76 = arith.constant 0 : index
      %get3A_77 = vector.load %arg2[%get3A_74, %get3A_75, %get3A_76] : memref<2x10240x64xf32, #tpu.memory_space<vmem>>, vector<1x1000x64xf32>
      %get3A_78 = vector.shape_cast %get3A_77 : vector<1x1000x64xf32> to vector<1000x64xf32>
      %add3A_79 = arith.addf %get3A_73, %get3A_78 : vector<1000x64xf32>
      %get3A_80 = arith.constant 1 : index
      %get3A_81 = arith.index_cast %mul3A_70 : i32 to index
      %get3A_82 = arith.constant 0 : index
      %get3A_83 = vector.load %arg2[%get3A_80, %get3A_81, %get3A_82] : memref<2x10240x64xf32, #tpu.memory_space<vmem>>, vector<1x1000x64xf32>
      %get3A_84 = vector.shape_cast %get3A_83 : vector<1x1000x64xf32> to vector<1000x64xf32>
      %add3A_85 = arith.addf %add3A_79, %get3A_84 : vector<1000x64xf32>
      %get3A_86 = arith.index_cast %mul3A_70 : i32 to index
      %get3A_87 = arith.constant 0 : index
      %get3A_88 = vector.load %arg1[%get3A_86, %get3A_87] : memref<10000x64xf32, #tpu.memory_space<vmem>>, vector<1000x64xf32>
      %get3A_89 = arith.constant 0 : index
      %get3A_90 = arith.index_cast %mul3A_70 : i32 to index
      %get3A_91 = arith.constant 0 : index
      %get3A_92 = vector.load %arg3[%get3A_89, %get3A_90, %get3A_91] : memref<2x10240x64xf32, #tpu.memory_space<vmem>>, vector<1x1000x64xf32>
      %get3A_93 = vector.shape_cast %get3A_92 : vector<1x1000x64xf32> to vector<1000x64xf32>
      %add3A_94 = arith.addf %get3A_88, %get3A_93 : vector<1000x64xf32>
      %get3A_95 = arith.constant 1 : index
      %get3A_96 = arith.index_cast %mul3A_70 : i32 to index
      %get3A_97 = arith.constant 0 : index
      %get3A_98 = vector.load %arg3[%get3A_95, %get3A_96, %get3A_97] : memref<2x10240x64xf32, #tpu.memory_space<vmem>>, vector<1x1000x64xf32>
      %get3A_99 = vector.shape_cast %get3A_98 : vector<1x1000x64xf32> to vector<1000x64xf32>
      %add3A_100 = arith.addf %add3A_94, %get3A_99 : vector<1000x64xf32>
      %slice3A_101 = vector.extract_strided_slice %get3A_3 {offsets = [0, 0], sizes = [64, 64], strides = [1, 1]} : vector<129x64xf32> to vector<64x64xf32>
      %dot_general3A_102 = arith.constant dense<0.000000e+00> : vector<1000x64xf32>
      %dot_general3A_103 = tpu.matmul %add3A_85, %slice3A_101, %dot_general3A_102 {dimension_numbers = #tpu.dot_dimension_numbers<[1], [0], [0], [1], [0, 0, 1, 1], [], []>, precision = #tpu.contract_precision<fp32>, transpose_lhs_hint = false} : vector<1000x64xf32>, vector<64x64xf32>, vector<1000x64xf32> -> vector<1000x64xf32>
      %slice3A_104 = vector.extract_strided_slice %get3A_3 {offsets = [64, 0], sizes = [64, 64], strides = [1, 1]} : vector<129x64xf32> to vector<64x64xf32>
      %dot_general3A_105 = arith.constant dense<0.000000e+00> : vector<1000x64xf32>
      %dot_general3A_106 = tpu.matmul %add3A_100, %slice3A_104, %dot_general3A_105 {dimension_numbers = #tpu.dot_dimension_numbers<[1], [0], [0], [1], [0, 0, 1, 1], [], []>, precision = #tpu.contract_precision<fp32>, transpose_lhs_hint = false} : vector<1000x64xf32>, vector<64x64xf32>, vector<1000x64xf32> -> vector<1000x64xf32>
      %add3A_107 = arith.addf %dot_general3A_103, %dot_general3A_106 : vector<1000x64xf32>
      %slice3A_108 = vector.extract_strided_slice %get3A_3 {offsets = [128, 0], sizes = [1, 64], strides = [1, 1]} : vector<129x64xf32> to vector<1x64xf32>
      %add3A_109 = vector.broadcast %slice3A_108 : vector<1x64xf32> to vector<1000x64xf32>
      %add3A_110 = arith.addf %add3A_107, %add3A_109 : vector<1000x64xf32>
      %tanh3A = math.tanh %add3A_110 : vector<1000x64xf32>
      %broadcast_in_dim3A_111 = arith.constant 1.000000e+00 : f32
      %broadcast_in_dim3A_112 = vector.broadcast %broadcast_in_dim3A_111 : f32 to vector<24x64xf32>
      %concatenate3A = tpu.concatenate %tanh3A, %broadcast_in_dim3A_112 in 0 : vector<1000x64xf32>, vector<24x64xf32> -> vector<1024x64xf32>
      %slice3A_113 = vector.extract_strided_slice %concatenate3A {offsets = [0, 0], sizes = [512, 64], strides = [1, 1]} : vector<1024x64xf32> to vector<512x64xf32>
      %slice3A_114 = vector.extract_strided_slice %concatenate3A {offsets = [512, 0], sizes = [512, 64], strides = [1, 1]} : vector<1024x64xf32> to vector<512x64xf32>
      %mul3A_115 = arith.mulf %slice3A_113, %slice3A_114 : vector<512x64xf32>
      %slice3A_116 = vector.extract_strided_slice %mul3A_115 {offsets = [0, 0], sizes = [256, 64], strides = [1, 1]} : vector<512x64xf32> to vector<256x64xf32>
      %slice3A_117 = vector.extract_strided_slice %mul3A_115 {offsets = [256, 0], sizes = [256, 64], strides = [1, 1]} : vector<512x64xf32> to vector<256x64xf32>
      %mul3A_118 = arith.mulf %slice3A_116, %slice3A_117 : vector<256x64xf32>
      %slice3A_119 = vector.extract_strided_slice %mul3A_118 {offsets = [0, 0], sizes = [128, 64], strides = [1, 1]} : vector<256x64xf32> to vector<128x64xf32>
      %slice3A_120 = vector.extract_strided_slice %mul3A_118 {offsets = [128, 0], sizes = [128, 64], strides = [1, 1]} : vector<256x64xf32> to vector<128x64xf32>
      %mul3A_121 = arith.mulf %slice3A_119, %slice3A_120 : vector<128x64xf32>
      %slice3A_122 = vector.extract_strided_slice %mul3A_121 {offsets = [0, 0], sizes = [64, 64], strides = [1, 1]} : vector<128x64xf32> to vector<64x64xf32>
      %slice3A_123 = vector.extract_strided_slice %mul3A_121 {offsets = [64, 0], sizes = [64, 64], strides = [1, 1]} : vector<128x64xf32> to vector<64x64xf32>
      %mul3A_124 = arith.mulf %slice3A_122, %slice3A_123 : vector<64x64xf32>
      %slice3A_125 = vector.extract_strided_slice %mul3A_124 {offsets = [0, 0], sizes = [32, 64], strides = [1, 1]} : vector<64x64xf32> to vector<32x64xf32>
      %slice3A_126 = vector.extract_strided_slice %mul3A_124 {offsets = [32, 0], sizes = [32, 64], strides = [1, 1]} : vector<64x64xf32> to vector<32x64xf32>
      %mul3A_127 = arith.mulf %slice3A_125, %slice3A_126 : vector<32x64xf32>
      %slice3A_128 = vector.extract_strided_slice %mul3A_127 {offsets = [0, 0], sizes = [16, 64], strides = [1, 1]} : vector<32x64xf32> to vector<16x64xf32>
      %slice3A_129 = vector.extract_strided_slice %mul3A_127 {offsets = [16, 0], sizes = [16, 64], strides = [1, 1]} : vector<32x64xf32> to vector<16x64xf32>
      %mul3A_130 = arith.mulf %slice3A_128, %slice3A_129 : vector<16x64xf32>
      %slice3A_131 = vector.extract_strided_slice %mul3A_130 {offsets = [0, 0], sizes = [8, 64], strides = [1, 1]} : vector<16x64xf32> to vector<8x64xf32>
      %slice3A_132 = vector.extract_strided_slice %mul3A_130 {offsets = [8, 0], sizes = [8, 64], strides = [1, 1]} : vector<16x64xf32> to vector<8x64xf32>
      %mul3A_133 = arith.mulf %slice3A_131, %slice3A_132 : vector<8x64xf32>
      %mul3A_134 = arith.mulf %scan3A_68, %mul3A_133 : vector<8x64xf32>
      scf.yield %mul3A_134 : vector<8x64xf32>
    }
    %scan3A_9 = arith.constant 10 : i32
    %slice3A = vector.extract_strided_slice %scan3A_8 {offsets = [0, 0], sizes = [1, 64], strides = [1, 1]} : vector<8x64xf32> to vector<1x64xf32>
    %slice3A_10 = vector.extract_strided_slice %scan3A_8 {offsets = [1, 0], sizes = [1, 64], strides = [1, 1]} : vector<8x64xf32> to vector<1x64xf32>
    %mul3A = arith.mulf %slice3A, %slice3A_10 : vector<1x64xf32>
    %slice3A_11 = vector.extract_strided_slice %scan3A_8 {offsets = [2, 0], sizes = [1, 64], strides = [1, 1]} : vector<8x64xf32> to vector<1x64xf32>
    %mul3A_12 = arith.mulf %mul3A, %slice3A_11 : vector<1x64xf32>
    %slice3A_13 = vector.extract_strided_slice %scan3A_8 {offsets = [3, 0], sizes = [1, 64], strides = [1, 1]} : vector<8x64xf32> to vector<1x64xf32>
    %mul3A_14 = arith.mulf %mul3A_12, %slice3A_13 : vector<1x64xf32>
    %slice3A_15 = vector.extract_strided_slice %scan3A_8 {offsets = [4, 0], sizes = [1, 64], strides = [1, 1]} : vector<8x64xf32> to vector<1x64xf32>
    %mul3A_16 = arith.mulf %mul3A_14, %slice3A_15 : vector<1x64xf32>
    %slice3A_17 = vector.extract_strided_slice %scan3A_8 {offsets = [5, 0], sizes = [1, 64], strides = [1, 1]} : vector<8x64xf32> to vector<1x64xf32>
    %mul3A_18 = arith.mulf %mul3A_16, %slice3A_17 : vector<1x64xf32>
    %slice3A_19 = vector.extract_strided_slice %scan3A_8 {offsets = [6, 0], sizes = [1, 64], strides = [1, 1]} : vector<8x64xf32> to vector<1x64xf32>
    %mul3A_20 = arith.mulf %mul3A_18, %slice3A_19 : vector<1x64xf32>
    %slice3A_21 = vector.extract_strided_slice %scan3A_8 {offsets = [7, 0], sizes = [1, 64], strides = [1, 1]} : vector<8x64xf32> to vector<1x64xf32>
    %mul3A_22 = arith.mulf %mul3A_20, %slice3A_21 : vector<1x64xf32>
    %get3A_23 = arith.constant 0 : index
    %get3A_24 = arith.constant 0 : index
    %get3A_25 = vector.load %arg5[%get3A_23, %get3A_24] : memref<1x64xf32, #tpu.memory_space<vmem>>, vector<1x64xf32>
    %get3A_26 = arith.constant 0 : index
    %get3A_27 = arith.constant 0 : index
    %get3A_28 = vector.load %arg6[%get3A_26, %get3A_27] : memref<1x64xf32, #tpu.memory_space<vmem>>, vector<1x64xf32>
    %broadcast_in_dim3A_29 = arith.constant 0.000000e+00 : f32
    %broadcast_in_dim3A_30 = vector.broadcast %broadcast_in_dim3A_29 : f32 to vector<1x32xf32>
    %get3A_31 = arith.constant 0 : index
    %get3A_32 = arith.constant 0 : index
    %get3A_33 = arith.constant 0 : index
    %get3A_34 = vector.load %arg7[%get3A_31, %get3A_32, %get3A_33] : memref<3x32x64xf32, #tpu.memory_space<vmem>>, vector<1x32x64xf32>
    %get3A_35 = vector.shape_cast %get3A_34 : vector<1x32x64xf32> to vector<32x64xf32>
    %dot_general3A = arith.constant dense<0.000000e+00> : vector<1x32xf32>
    %dot_general3A_36 = tpu.matmul %get3A_25, %get3A_35, %dot_general3A {dimension_numbers = #tpu.dot_dimension_numbers<[1], [1], [0], [0], [0, 0, 1, 0], [], []>, precision = #tpu.contract_precision<fp32>, transpose_lhs_hint = false} : vector<1x64xf32>, vector<32x64xf32>, vector<1x32xf32> -> vector<1x32xf32>
    %add3A = arith.addf %broadcast_in_dim3A_30, %dot_general3A_36 : vector<1x32xf32>
    %get3A_37 = arith.constant 0 : index
    %get3A_38 = arith.constant 0 : index
    %get3A_39 = vector.load %arg8[%get3A_37, %get3A_38] : memref<3x32xf32, #tpu.memory_space<vmem>>, vector<1x32xf32>
    %add3A_40 = arith.addf %add3A, %get3A_39 : vector<1x32xf32>
    %get3A_41 = arith.constant 1 : index
    %get3A_42 = arith.constant 0 : index
    %get3A_43 = arith.constant 0 : index
    %get3A_44 = vector.load %arg7[%get3A_41, %get3A_42, %get3A_43] : memref<3x32x64xf32, #tpu.memory_space<vmem>>, vector<1x32x64xf32>
    %get3A_45 = vector.shape_cast %get3A_44 : vector<1x32x64xf32> to vector<32x64xf32>
    %dot_general3A_46 = arith.constant dense<0.000000e+00> : vector<1x32xf32>
    %dot_general3A_47 = tpu.matmul %get3A_28, %get3A_45, %dot_general3A_46 {dimension_numbers = #tpu.dot_dimension_numbers<[1], [1], [0], [0], [0, 0, 1, 0], [], []>, precision = #tpu.contract_precision<fp32>, transpose_lhs_hint = false} : vector<1x64xf32>, vector<32x64xf32>, vector<1x32xf32> -> vector<1x32xf32>
    %add3A_48 = arith.addf %add3A_40, %dot_general3A_47 : vector<1x32xf32>
    %get3A_49 = arith.constant 1 : index
    %get3A_50 = arith.constant 0 : index
    %get3A_51 = vector.load %arg8[%get3A_49, %get3A_50] : memref<3x32xf32, #tpu.memory_space<vmem>>, vector<1x32xf32>
    %add3A_52 = arith.addf %add3A_48, %get3A_51 : vector<1x32xf32>
    %get3A_53 = arith.constant 2 : index
    %get3A_54 = arith.constant 0 : index
    %get3A_55 = arith.constant 0 : index
    %get3A_56 = vector.load %arg7[%get3A_53, %get3A_54, %get3A_55] : memref<3x32x64xf32, #tpu.memory_space<vmem>>, vector<1x32x64xf32>
    %get3A_57 = vector.shape_cast %get3A_56 : vector<1x32x64xf32> to vector<32x64xf32>
    %dot_general3A_58 = arith.constant dense<0.000000e+00> : vector<1x32xf32>
    %dot_general3A_59 = tpu.matmul %mul3A_22, %get3A_57, %dot_general3A_58 {dimension_numbers = #tpu.dot_dimension_numbers<[1], [1], [0], [0], [0, 0, 1, 0], [], []>, precision = #tpu.contract_precision<fp32>, transpose_lhs_hint = false} : vector<1x64xf32>, vector<32x64xf32>, vector<1x32xf32> -> vector<1x32xf32>
    %add3A_60 = arith.addf %add3A_52, %dot_general3A_59 : vector<1x32xf32>
    %get3A_61 = arith.constant 2 : index
    %get3A_62 = arith.constant 0 : index
    %get3A_63 = vector.load %arg8[%get3A_61, %get3A_62] : memref<3x32xf32, #tpu.memory_space<vmem>>, vector<1x32xf32>
    %add3A_64 = arith.addf %add3A_60, %get3A_63 : vector<1x32xf32>
    %swap3A = arith.constant 0 : index
    %swap3A_65 = arith.constant 0 : index
    %swap3A_66 = vector.load %arg9[%swap3A, %swap3A_65] : memref<1x32xf32, #tpu.memory_space<vmem>>, vector<1x32xf32>
    tpu.vector_store %arg9[%swap3A, %swap3A_65], %add3A_64 {strides = array<i32>} : memref<1x32xf32, #tpu.memory_space<vmem>>, vector<1x32xf32>,
    return
  }
}

</mosaic_0001>

<sc_bundles>
// kernel: kernel.10.cloned.1.call-start
scs
__scs_entry_jumppad:
0x0: {  	(pc) =	sbr.rel $0x88, $3  }
0x1: {  	(tag) =	ssettag $0x0;
	lr =	simm.s32 $0x1  }
0x2: {  	[smem:$0x3F9C] =	sst lr;
	_ =	strace $0xD0000000  }
0x3: {  	_ = 	snop  }
0x4: {  	_ = 	snop  }
0x5: {  	_ = 	snop  }
0x6: {  	_ = 	snop  }
0x7: {  	_ = 	snop  }
__scs_overlays_trampoline_lowered:
0x8: {  	[smem:$0x3FAB] =	sst s0  }
0x9: {  	[smem:$0x3FAC] =	sst s1  }
0xa: {  	[smem:$0x3FAD] =	sst s2  }
0xb: {  	[smem:$0x3FAE] =	sst s3  }
0xc: {  	[smem:$0x3FAF] =	sst s4  }
0xd: {  	[smem:$0x3FB0] =	sst s5  }
0xe: {  	[smem:$0x3FB1] =	sst s6  }
0xf: {  	[smem:$0x3FB2] =	sst s7  }
0x10: {  	[smem:$0x3FB3] =	sst s8  }
0x11: {  	[smem:$0x3FB4] =	sst s9;
	s0 =	simm.s32 @!p0 $0x0  }
0x12: {  	s1 =	sld [smem:$0x3F9A];
	s0 =	simm.s32 @p0 $0x1  }
0x13: {  	[smem:$0x3FB5] =	sst s0;
	s0 =	simm.s32 @!p1 $0x0  }
0x14: {  	s2 =	sld [smem:$0x3F99];
	s0 =	simm.s32 @p1 $0x1  }
0x15: {  	[smem:$0x3FB6] =	sst s0;
	s0 =	simm.s32 @!p2 $0x0  }
0x16: {  	s3 =	sld [smem:$0x3FDB];
	s0 =	simm.s32 @p2 $0x1  }
0x17: {  	s4 =	simm.s32 $0x1BF5;
	[smem:$0x3FB8] =	sst s0  }
0x18: {  	s0 =	sld [smem:$0x3F9B];
	_ =	swait.ge [sflag:s4], $0x0  }
0x19: {  	s7 =	sld [smem:$0x3F9C]  }
0x1a: {  	s8 =	sadd.s32 $0xFFFFE003, lr  }
0x1b: {  	s9 =	sadd.s32 $0xFFFFFEF7, lr;
	s5 =	simm.s32 $0xFFFFFFFF;
	p2 =	slt.u32 s8, $0xFFFFF086  }
0x1c: {  	p1 =	slt.u32 s9, $0xF7A;
	s5 =	simm.s32 @!p2 $0x0  }
0x1d: {  	s5 =	simm.s32 @p1 $0x1;
	p0 =	seq.s32 s7, s2  }
0x1e: {  	s7 =	smul.u32 @!p0 $0xF7A, s2;
	p2 =	seq.s32 @!p0 s5, $0x0  }
0x1f: {  	s9 =	smul.u32 $0xF7A, s1;
	s8 =	simm.s32 @!p0 $0x1BF5;
	p2 =	por !p2, p0  }
0x20: {  	[sflag:s8] =	ssyncset.s32 @!p0 $0xFFFFF086;
	s6 =	sadd.s32 @!p0 s3, s7;
	s7 =	simm.s32 @!p0 $0x108  }
0x21: {  	s3 =	sadd.s32 s3, s9;
	s6 =	sadd.s32 @!p0 $0x88, s6;
	s7 =	simm.s32 @p2 $0x1082  }
0x22: {  	[simem:s7], [sflag:s8] =	dma.local @!p0 [hbm:s6], $0xF7A  }
0x23: {  	s9 =	sor.u32 $0xD0000000, s2;
	s6 =	simm.s32 $0x108;
	_ =	swait.ge @!p0 [sflag:s8], $0x0  }
0x24: {  	s3 =	sadd.s32 $0x88, s3;
	s6 =	simm.s32 @!p1 $0x1082;
	[sflag:s4] =	ssyncset.s32 $0xFFFFF086  }
0x25: {  	[simem:s6], [sflag:s4] =	dma.local [hbm:s3], $0xF7A  }
0x26: {  	[smem:$0x3F9C] =	sst s1;
	(tag) =	ssettag s2;
	_ =	strace s9  }
0x27: {  	s1 =	sld [smem:$0x3FAC]  }
0x28: {  	s2 =	sld [smem:$0x3FAD]  }
0x29: {  	s4 =	sld [smem:$0x3FAF]  }
0x2a: {  	p0 =	seq.s32 s5, $0x0;
	s5 =	sld [smem:$0x3FB0]  }
0x2b: {  	s6 =	sld [smem:$0x3FB1]  }
0x2c: {  	s7 =	sld [smem:$0x3FB2]  }
0x2d: {  	s3 =	simm.s32 $0x108;
	s8 =	sld [smem:$0x3FB3]  }
0x2e: {  	s3 =	simm.s32 @!p0 $0x1082;
	s9 =	sld [smem:$0x3FB4]  }
0x2f: {  	lr =	sadd.s32 s0, s3;
	s0 =	sld [smem:$0x3FAB]  }
0x30: {  	s3 =	sld [smem:$0x3FAE]  }
0x31: {  	[smem:$0x3FB7] =	sst s10  }
0x32: {  	s10 =	sld [smem:$0x3FB5];
	_ =	sdelay $0x3  }
0x33: {  	p0 =	seq.s32 s10, $0x1;
	s10 =	sld [smem:$0x3FB7];
	_ =	sdelay $0x3  }
0x34: {  	[smem:$0x3FB7] =	sst s10  }
0x35: {  	s10 =	sld [smem:$0x3FB6];
	_ =	sdelay $0x3  }
0x36: {  	p1 =	seq.s32 s10, $0x1;
	s10 =	sld [smem:$0x3FB7];
	_ =	sdelay $0x3  }
0x37: {  	[smem:$0x3FB7] =	sst s10  }
0x38: {  	s10 =	sld [smem:$0x3FB8]  }
0x39: {  	_ = 	snop;
	(pc) =	sbr.ind lr, $3  }
0x3a: {  	_ = 	snop  }
0x3b: {  	_ = 	snop  }
0x3c: {  	p2 =	seq.s32 s10, $0x1;
	s10 =	sld [smem:$0x3FB7]  }
0x3d: {  	_ =	shalt  }
0x3e: {  	_ =	shalt  }
0x3f: {  	_ =	shalt  }
0x40: {  	_ =	shalt  }
0x41: {  	_ =	shalt  }
0x42: {  	_ =	shalt  }
0x43: {  	_ =	shalt  }
0x44: {  	_ =	shalt  }
0x45: {  	_ =	shalt  }
0x46: {  	_ =	shalt  }
0x47: {  	_ =	shalt  }
0x48: {  	_ =	shalt  }
0x49: {  	_ =	shalt  }
0x4a: {  	_ =	shalt  }
0x4b: {  	_ =	shalt  }
0x4c: {  	_ =	shalt  }
0x4d: {  	_ =	shalt  }
0x4e: {  	_ =	shalt  }
0x4f: {  	_ =	shalt  }
0x50: {  	_ =	shalt  }
0x51: {  	_ =	shalt  }
0x52: {  	_ =	shalt  }
0x53: {  	_ =	shalt  }
0x54: {  	_ =	shalt  }
0x55: {  	_ =	shalt  }
0x56: {  	_ =	shalt  }
0x57: {  	_ =	shalt  }
0x58: {  	_ =	shalt  }
0x59: {  	_ =	shalt  }
0x5a: {  	_ =	shalt  }
0x5b: {  	_ =	shalt  }
0x5c: {  	_ =	shalt  }
0x5d: {  	_ =	shalt  }
0x5e: {  	_ =	shalt  }
0x5f: {  	_ =	shalt  }
0x60: {  	_ =	shalt  }
0x61: {  	_ =	shalt  }
0x62: {  	_ =	shalt  }
0x63: {  	_ =	shalt  }
0x64: {  	_ =	shalt  }
0x65: {  	_ =	shalt  }
0x66: {  	_ =	shalt  }
0x67: {  	_ =	shalt  }
0x68: {  	_ =	shalt  }
0x69: {  	_ =	shalt  }
0x6a: {  	_ =	shalt  }
0x6b: {  	_ =	shalt  }
0x6c: {  	_ =	shalt  }
0x6d: {  	_ =	shalt  }
0x6e: {  	_ =	shalt  }
0x6f: {  	_ =	shalt  }
0x70: {  	_ =	shalt  }
0x71: {  	_ =	shalt  }
0x72: {  	_ =	shalt  }
0x73: {  	_ =	shalt  }
0x74: {  	_ =	shalt  }
0x75: {  	_ =	shalt  }
0x76: {  	_ =	shalt  }
0x77: {  	_ =	shalt  }
0x78: {  	_ =	shalt  }
0x79: {  	_ =	shalt  }
0x7a: {  	_ =	shalt  }
0x7b: {  	_ =	shalt  }
0x7c: {  	_ =	shalt  }
0x7d: {  	_ =	shalt  }
0x7e: {  	_ =	shalt  }
0x7f: {  	_ =	shalt  }
0x80: {  	_ =	shalt  }
0x81: {  	_ =	shalt  }
0x82: {  	_ =	shalt  }
0x83: {  	_ =	shalt  }
0x84: {  	_ =	shalt  }
0x85: {  	_ =	shalt  }
0x86: {  	_ =	shalt  }
0x87: {  	_ =	shalt  }
.Lfunc_end0:
.L_simem_size_0:
called_computation.1_lowered:
.L_overlay_start_0:
0x88: {  	s2 =	sld [smem:$0x3FD9]  }
0x89: {  	s3 =	sld [smem:$0x3FFE];
	_ =	sdelay $0x1  }
0x8a: {  	s1 =	srdreg.scid  }
0x8b: {  	s0 =	sand.u32 $0x1, s1  }
0x8c: {  	s16 =	sshll.u32 s0, $0xA;
	s2 =	sadd.s32 s3, s2  }
0x8d: {  	s2 =	sadd.s32 s2, s16  }
0x8e: {  	[smem:$0x3FC3] =	sst s2  }
0x8f: {  	_ = 	snop  }
0x90: {  	(tm) =	ssettm $0x1  }
0x91: {  	s17 =	sld [smem:$0x3FFB];
	_ =	sdelay $0x3  }
0x92: {  	_ =	strace s17  }
0x93: {  	s2 =	sld [smem:$0x3FFC];
	_ =	sdelay $0x3  }
0x94: {  	_ =	strace s2  }
0x95: {  	s2 =	sld [smem:$0x3FFD];
	_ =	sdelay $0x3  }
0x96: {  	_ =	strace s2  }
0x97: {  	_ =	strace $0x8FFFFFFF  }
0x98: {  	s18 =	sld [smem:$0x3FDB];
	_ =	sdelay $0x1  }
0x99: {  	s19 =	simm.s32 $_scs_section_size  }
0x9a: {  	s4 =	simm.s32 $_size__tile_overlayer_lowered;
	s5 =	simm.s32 $_tile_overlayer_lowered  }
0x9b: {  	s22 =	simm.s32 $0x1BFF;
	s21 =	sshll.u32 s5, $0x1;
	s2 =	sadd.s32 s19, s18  }
0x9c: {  	s6 =	simm.s32 $0x0;
	s20 =	sshll.u32 s4, $0x1;
	s4 =	sadd.s32 s21, s2  }
0x9d: {  	[timem:s6], [sflag:s22] =	dma.local [hbm:s4], s20  }
0x9e: {  	_ =	swait.ge [sflag:s22], s20  }
0x9f: {  	s3 =	ssub.s32 $0x0, s20;
	[sflag:s22] =	ssyncset.done $0x0  }
0xa0: {  	[sflag:s22] =	ssyncadd.s32 s3;
	_ =	sdelay $0x1  }
0xa1: {  	s23 =	simm.s32 $0x1B8B  }
0xa2: {  	_ =	swait.ge [sflag:s23], $0x1  }
0xa3: {  	[sflag:s23] =	ssyncset.done $0x0  }
0xa4: {  	s25 =	simm.s32 $0x1B8E;
	s24 =	sld [smem:$0x3FFE];
	[sflag:s23] =	ssyncadd.s32 $0xFFFFFFFF  }
0xa5: {  	s26 =	simm.s32 $execute0_lowered;
	[smem:$0x3FD2] =	sst s25  }
0xa6: {  	s4 =	sshll.u32 s26, $0x1;
	_ =	strace $0x80000049;
	[dreg:$0x1] =	wrdreg $0xFFFFFFFF  }
0xa7: {  	s28 =	simm.s32 $_size_execute0_lowered;
	s2 =	sadd.s32 s2, s4;
	[dreg:$0x0] =	wrdreg $0x0  }
0xa8: {  	s4 =	sshll.u32 s28, $0x1;
	[dreg:$0x2] =	wrdreg s2  }
0xa9: {  	[dreg:$0x3] =	wrdreg s4  }
0xaa: {  	[dreg:$0x4] =	wrdreg $0xC0  }
0xab: {  	_ =	task [dreg:s6], $0x5FFFF  }
0xac: {  	[dreg:$0x1] =	wrdreg $0xFFFFFFFF  }
0xad: {  	[dreg:$0x0] =	wrdreg $0x60  }
0xae: {  	[dreg:$0x2] =	wrdreg s24  }
0xaf: {  	[dreg:$0x3] =	wrdreg $0xE0000  }
0xb0: {  	[dreg:$0x4] =	wrdreg $0x9  }
0xb1: {  	_ =	task.clear_ibuf [dreg:s6], $0x5FFFF;
	_ =	strace $0x90000049  }
0xb2: {  	s29 =	simm.s32 $0x9;
	_ =	strace $0x8000004B  }
0xb3: {  	_ =	swait.ge [sflag:s29], $0x1  }
0xb4: {  	[sflag:s29] =	ssyncadd.s32 $0xFFFFFFFF  }
0xb5: {  	_ =	strace $0x9000004B  }
0xb6: {  	_ =	sfence  }
0xb7: {  	s30 =	sld [smem:$0x0];
	_ =	sdelay $0x2  }
0xb8: {  	s31 =	sshll.u32 s1, $0xD;
	s1 =	sshrl.u32 s1, $0x2  }
0xb9: {  	s3 =	sand.u32 $0x4000, s31;
	s1 =	sadd.s32 s1, s30  }
0xba: {  	s0 =	sor.u32 s3, s0;
	s1 =	sshll.u32 s1, $0x11  }
0xbb: {  	s0 =	sor.u32 s1, s0  }
0xbc: {  	s0 =	sadd.s32 $0x8F2B, s0  }
0xbd: {  	[sflag:s0] =	ssyncadd.remote.s32 $0x1  }
0xbe: {  	_ =	sfence.sel $0xFFFF  }
0xbf: {  	[dreg:$0x0] =	wrdreg $0xFFFFFFFF;
	(pc) =	sbr.abs _section_cstart, $3  }
0xc0: {  	[dreg:$0x1] =	wrdreg $0xFFFFFFFF  }
0xc1: {  	_ =	task.clear_ibuf [dreg:s6], $0x2FFFF;
	_ =	strace $0x9FFFFFFF  }
0xc2: {  	(tm) =	ssettm $0x7FFFFFFF  }
0xc3: {  	_ =	shalt  }
tec
execute0_lowered:
.L_overlay_start_1:
0x0: {  	(tag) =	ssettag $0x1  }
0x1: {  	s0 =	rddreg [dreg:$0x0]  }
0x2: {  	s2 =	rddreg [dreg:$0x1]  }
0x3: {  	s1 =	srdreg.scid;
	s13 =	stileid.u32;
	s4 =	simm.s32 $0x0  }
0x4: {  	s19 =	simm.s32 $0xC000;
	s20 =	simm.s32 $0x4;
	s21 =	simm.s32 $0x80  }
0x5: {  	s22 =	simm.s32 $0x6000;
	s23 =	simm.s32 $0x8000;
	s24 =	simm.s32 $0x100  }
0x6: {  	s28 =	simm.s32 $0x2;
	s29 =	simm.s32 $0x3;
	s1 =	sand.u32 $0x1, s1  }
0x7: {  	s3 =	smul.u32 $0xA000, s13;
	[smem:$0x7FF] =	sst s4;
	s4 =	sadd.s32 $0x3DA00, s0  }
0x8: {  	s5 =	sadd.s32 $0x51400, s0;
	s9 =	sadd.s32 $0x33600, s0;
	s8 =	smul.u32 $0x600, s13  }
0x9: {  	s10 =	sadd.s32 $0x29600, s0;
	s25 =	sadd.s32 $0x3D600, s0;
	s12 =	smul.u32 $0x28000, s13  }
0xa: {  	s30 =	sshll.u32 s13, $0xA;
	s6 =	smul.u32 $0xA0000, s1;
	_ =	strace $0x8000004A  }
0xb: {  	[dreg:$0x3] =	wrdreg s25;
	s26 =	ssub.s32 $0x2, s1;
	p0 =	sne.s32 s1, $0x0  }
0xc: {  	s25 =	simm.s32 $0xA000;
	s11 =	sshrl.u32 s26, $0x1;
	s8 =	sadd.s32 $0x4000, s8  }
0xd: {  	s12 =	sshrl.u32 s12, $0x2;
	s6 =	sadd.s32 s3, s6;
	s18 =	ssub.s32 s26, s11  }
0xe: {  	s11 =	sadd.s32 s3, s2;
	s31 =	sadd.s32 s12, s2;
	s26 =	simm.s32 $0x1  }
.Ltmp0:
0xf: {  	s7 =	sshrl.u32 s6, $0x3;
	s12 =	sadd.s32 $0x2000, s31;
	(pc) =	sbr.rel .LBB2_1-.Ltmp0, $4  }
0x10: {  	s13 =	sadd.s32 $0x4000, s31;
	s14 =	sadd.s32 $0x6000, s31;
	s15 =	sadd.s32 $0x8000, s31  }
0x11: {  	s18 =	smax.u32 s18, $0x1;
	s0 =	sadd.s32 s7, s0;
	s7 =	sadd.s32 s9, s8  }
0x12: {  	s8 =	sadd.s32 s10, s8;
	s9 =	sadd.s32 s9, s30;
	s10 =	sadd.s32 s10, s30  }
0x13: {  	s16 =	sadd.s32 $0x8CE00, s0;
	s17 =	sadd.s32 $0x64E00, s0;
	s0 =	simm.s32 $0x0  }
.LBB2_14:
0x14: {  	[tilespmem:s25], [sflag:$0x3] =	stream.indirect.gather [hbm4b:s5+s21], $0x40, s3, s21, $0xb8;
	[tilespmem:$0x18000] =	vst v63  }
0x15: {  	_ =	swait.ge [sflag:s26], $0x2000  }
0x16: {  	[sflag:s26] =	ssyncset.done $0x0  }
0x17: {  	s1 =	simm.s32 $0x5E80;
	[sflag:s26] =	ssyncadd.s32 $0xFFFFE000  }
0x18: {  	[spmem:s2] =	stream.indirect.scatter.add.f32 [tilespmem:s22], [sflag:$0x4], $0x40, s1, s21, $0xb8;
	[tilespmem:$0x18000] =	vst v63  }
0x19: {  	_ =	swait.ge [sflag:s20], $0x2000  }
0x1a: {  	[sflag:s20] =	ssyncset.done $0x0  }
0x1b: {  	[sflag:s20] =	ssyncadd.s32 $0xFFFFE000  }
0x1c: {  	_ =	swait.ge [sflag:s28], $0x2000  }
0x1d: {  	[sflag:s28] =	ssyncset.done $0x0  }
0x1e: {  	s3 =	simm.s32 $0x5F00;
	[sflag:s28] =	ssyncadd.s32 $0xFFFFE000  }
0x1f: {  	[spmem:s2] =	stream.indirect.scatter.add.f32 [tilespmem:s23], [sflag:$0x4], $0x40, s3, s21, $0xb8;
	[tilespmem:$0x18000] =	vst v63  }
0x20: {  	_ =	swait.ge [sflag:s20], $0x2000  }
0x21: {  	[sflag:s20] =	ssyncset.done $0x0  }
0x22: {  	[sflag:s20] =	ssyncadd.s32 $0xFFFFE000  }
0x23: {  	_ =	swait.ge [sflag:s29], $0x2000  }
0x24: {  	[sflag:s29] =	ssyncset.done $0x0  }
0x25: {  	s6 =	simm.s32 $0x5F80;
	[sflag:s29] =	ssyncadd.s32 $0xFFFFE000  }
0x26: {  	[spmem:s2] =	stream.indirect.scatter.add.f32 [tilespmem:s25], [sflag:$0x4], $0x40, s6, s21, $0xb8;
	[tilespmem:$0x18000] =	vst v63  }
.LBB2_15:
0x27: {  	_ =	swait.ge [sflag:s20], $0x2000  }
0x28: {  	s0 =	sadd.s32 $0x1, s0;
	[sflag:s20] =	ssyncset.done $0x0  }
0x29: {  	p1 =	sne.s32 s0, s18;
	[sflag:s20] =	ssyncadd.s32 $0xFFFFE000  }
.Ltmp1:
0x2a: {  	[bflag:$0x0] =	sbarrier.arrive $0xFFFF;
	(pc) =	sbr.rel @!p1 .LBB2_16-.Ltmp1, $4  }
0x2b: {  	[hbm:s17], [sflag:s30] =	dma.local [spmem:s31], $0x1400  }
0x2c: {  	_ =	swait.ge [sflag:s20], $0x1400  }
0x2d: {  	[sflag:s20] =	ssyncset.done $0x0  }
0x2e: {  	[sflag:s20] =	ssyncadd.s32 $0xFFFFEC00  }
.LBB2_1:
0x2f: {  	s1 =	simm.s32 @p0 $0x0;
	s3 =	simm.s32 @p0 $0x4  }
0x30: {  	[tilespmem:s1], [sflag:$0x4] =	stream.linear.gather @p0 [hbm4b:s7+s1], $0x3000, $0x38;
	[tilespmem:$0x18000] =	vst v63  }
0x31: {  	_ =	swait.ge @p0 [sflag:s3], $0x3000  }
0x32: {  	[sflag:s3] =	ssyncset.done @p0 $0x0  }
0x33: {  	s30 =	simm.s32 @p0 $0x3000;
	[sflag:s3] =	ssyncadd.s32 @p0 $0xFFFFD000  }
0x34: {  	[tilespmem:s30], [sflag:$0x4] =	stream.linear.gather @p0 [hbm4b:s8+s1], $0x3000, $0x38;
	[tilespmem:$0x18000] =	vst v63  }
0x35: {  	_ =	swait.ge @p0 [sflag:s3], $0x3000  }
0x36: {  	[sflag:s3] =	ssyncset.done @p0 $0x0  }
0x37: {  	s1 =	simm.s32 @!p0 $0x0;
	[sflag:s3] =	ssyncadd.s32 @p0 $0xFFFFD000;
	s3 =	simm.s32 @!p0 $0x4  }
0x38: {  	[tilespmem:s1], [sflag:$0x4] =	stream.linear.gather @!p0 [hbm4b:s9+s1], $0x2000, $0x38;
	[tilespmem:$0x18000] =	vst v63  }
0x39: {  	_ =	swait.ge @!p0 [sflag:s3], $0x2000  }
0x3a: {  	[sflag:s3] =	ssyncset.done @!p0 $0x0  }
0x3b: {  	s30 =	simm.s32 @!p0 $0x3000;
	[sflag:s3] =	ssyncadd.s32 @!p0 $0xFFFFE000  }
0x3c: {  	[tilespmem:s30], [sflag:$0x4] =	stream.linear.gather @!p0 [hbm4b:s10+s1], $0x2000, $0x38;
	[tilespmem:$0x18000] =	vst v63  }
0x3d: {  	_ =	swait.ge @!p0 [sflag:s3], $0x2000  }
0x3e: {  	[sflag:s3] =	ssyncset.done @!p0 $0x0  }
0x3f: {  	s30 =	simm.s32 $0x0;
	s31 =	rddreg [dreg:$0x3];
	[sflag:s3] =	ssyncadd.s32 @!p0 $0xFFFFE000  }
0x40: {  	[tilespmem:s19], [sflag:$0x4] =	stream.linear.gather [hbm4b:s31+s30], $0x2000, $0x38;
	[tilespmem:$0x18000] =	vst v63  }
0x41: {  	_ =	swait.ge [sflag:s20], $0x2000  }
0x42: {  	[sflag:s20] =	ssyncset.done $0x0  }
0x43: {  	[sflag:s20] =	ssyncadd.s32 $0xFFFFE000  }
0x44: {  	[spmem:s11] =	stream.linear.scatter [tilespmem:s19], [sflag:$0x4], $0x2000, $0x38;
	[tilespmem:$0x18000] =	vst v63  }
0x45: {  	_ =	swait.ge [sflag:s20], $0x2000  }
0x46: {  	[sflag:s20] =	ssyncset.done $0x0  }
0x47: {  	[sflag:s20] =	ssyncadd.s32 $0xFFFFE000  }
0x48: {  	[spmem:s12] =	stream.linear.scatter [tilespmem:s19], [sflag:$0x4], $0x2000, $0x38;
	[tilespmem:$0x18000] =	vst v63  }
0x49: {  	_ =	swait.ge [sflag:s20], $0x2000  }
0x4a: {  	[sflag:s20] =	ssyncset.done $0x0  }
0x4b: {  	[sflag:s20] =	ssyncadd.s32 $0xFFFFE000  }
0x4c: {  	[spmem:s13] =	stream.linear.scatter [tilespmem:s19], [sflag:$0x4], $0x2000, $0x38;
	[tilespmem:$0x18000] =	vst v63  }
0x4d: {  	_ =	swait.ge [sflag:s20], $0x2000  }
0x4e: {  	[sflag:s20] =	ssyncset.done $0x0  }
0x4f: {  	[sflag:s20] =	ssyncadd.s32 $0xFFFFE000  }
0x50: {  	[spmem:s14] =	stream.linear.scatter [tilespmem:s19], [sflag:$0x4], $0x2000, $0x38;
	[tilespmem:$0x18000] =	vst v63  }
0x51: {  	_ =	swait.ge [sflag:s20], $0x2000  }
0x52: {  	[sflag:s20] =	ssyncset.done $0x0  }
0x53: {  	[sflag:s20] =	ssyncadd.s32 $0xFFFFE000  }
0x54: {  	[spmem:s15] =	stream.linear.scatter [tilespmem:s19], [sflag:$0x4], $0x2000, $0x38;
	[tilespmem:$0x18000] =	vst v63  }
0x55: {  	_ =	swait.ge [sflag:s20], $0x2000  }
0x56: {  	[sflag:s20] =	ssyncset.done $0x0  }
0x57: {  	[sflag:s20] =	ssyncadd.s32 $0xFFFFE000  }
0x58: {  	[bflag:$0x0] =	sbarrier.arrive $0xFFFF  }
0x59: {  	[tilespmem:s22], [sflag:$0x1] =	stream.indirect.gather [hbm4b:s4+s21], $0x40, s30, s21, $0xb8;
	[tilespmem:$0x18000] =	vst v63  }
.Ltmp2:
0x5a: {  	_ = 	snop;
	(pc) =	sbr.rel @p0 .LBB2_5-.Ltmp2, $4  }
0x5b: {  	_ = 	snop  }
0x5c: {  	[tilespmem:s23], [sflag:$0x2] =	stream.indirect.gather [hbm4b:s4+s21], $0x40, s21, s21, $0xb8;
	[tilespmem:$0x18000] =	vst v63  }
0x5d: {  	_ = 	snop  }
0x5e: {  	[tilespmem:s25], [sflag:$0x3] =	stream.indirect.gather [hbm4b:s4+s21], $0x40, s24, s21, $0xb8;
	[tilespmem:$0x18000] =	vst v63  }
0x5f: {  	_ =	swait.ge [sflag:s26], $0x2000  }
0x60: {  	[sflag:s26] =	ssyncset.done $0x0  }
0x61: {  	s1 =	simm.s32 $0x3000;
	[sflag:s26] =	ssyncadd.s32 $0xFFFFE000  }
0x62: {  	[spmem:s2] =	stream.indirect.scatter.add.f32 [tilespmem:s22], [sflag:$0x4], $0x40, s1, s21, $0xb8;
	[tilespmem:$0x18000] =	vst v63  }
0x63: {  	_ =	swait.ge [sflag:s20], $0x2000  }
0x64: {  	[sflag:s20] =	ssyncset.done $0x0  }
0x65: {  	s31 =	simm.s32 $0x180;
	[sflag:s20] =	ssyncadd.s32 $0xFFFFE000  }
0x66: {  	[tilespmem:s22], [sflag:$0x1] =	stream.indirect.gather [hbm4b:s4+s21], $0x40, s31, s21, $0xb8;
	[tilespmem:$0x18000] =	vst v63  }
0x67: {  	_ =	swait.ge [sflag:s28], $0x2000  }
0x68: {  	[sflag:s28] =	ssyncset.done $0x0  }
0x69: {  	s3 =	simm.s32 $0x3080;
	[sflag:s28] =	ssyncadd.s32 $0xFFFFE000  }
0x6a: {  	[spmem:s2] =	stream.indirect.scatter.add.f32 [tilespmem:s23], [sflag:$0x4], $0x40, s3, s21, $0xb8;
	[tilespmem:$0x18000] =	vst v63  }
0x6b: {  	_ =	swait.ge [sflag:s20], $0x2000  }
0x6c: {  	[sflag:s20] =	ssyncset.done $0x0  }
0x6d: {  	s6 =	simm.s32 $0x200;
	[sflag:s20] =	ssyncadd.s32 $0xFFFFE000  }
0x6e: {  	[tilespmem:s23], [sflag:$0x2] =	stream.indirect.gather [hbm4b:s4+s21], $0x40, s6, s21, $0xb8;
	[tilespmem:$0x18000] =	vst v63  }
0x6f: {  	_ =	swait.ge [sflag:s29], $0x2000  }
0x70: {  	[sflag:s29] =	ssyncset.done $0x0  }
0x71: {  	s31 =	simm.s32 $0x3100;
	[sflag:s29] =	ssyncadd.s32 $0xFFFFE000  }
0x72: {  	[spmem:s2] =	stream.indirect.scatter.add.f32 [tilespmem:s25], [sflag:$0x4], $0x40, s31, s21, $0xb8;
	[tilespmem:$0x18000] =	vst v63  }
0x73: {  	_ =	swait.ge [sflag:s20], $0x2000  }
0x74: {  	[sflag:s20] =	ssyncset.done $0x0  }
0x75: {  	s30 =	simm.s32 $0x600;
	s1 =	simm.s32 $0x280;
	[sflag:s20] =	ssyncadd.s32 $0xFFFFE000  }
.LBB2_3:
0x76: {  	[tilespmem:s25], [sflag:$0x3] =	stream.indirect.gather [hbm4b:s4+s21], $0x40, s1, s21, $0xb8;
	[tilespmem:$0x18000] =	vst v63  }
0x77: {  	s1 =	smov.u32 s30  }
0x78: {  	p1 =	sne.s32 s30, $0x7200;
	s30 =	sadd.s32 $0x600, s30;
	_ =	swait.ge [sflag:s26], $0x2000  }
0x79: {  	s1 =	sshra.s32 s1, $0x2;
	[sflag:s26] =	ssyncset.done $0x0  }
0x7a: {  	s3 =	sadd.s32 $0x3000, s1;
	[sflag:s26] =	ssyncadd.s32 $0xFFFFE000  }
0x7b: {  	[spmem:s2] =	stream.indirect.scatter.add.f32 [tilespmem:s22], [sflag:$0x4], $0x40, s3, s21, $0xb8;
	[tilespmem:$0x18000] =	vst v63  }
0x7c: {  	_ =	swait.ge [sflag:s20], $0x2000  }
0x7d: {  	[sflag:s20] =	ssyncset.done $0x0  }
0x7e: {  	s3 =	sadd.s32 $0x180, s1;
	[sflag:s20] =	ssyncadd.s32 $0xFFFFE000  }
0x7f: {  	[tilespmem:s22], [sflag:$0x1] =	stream.indirect.gather [hbm4b:s4+s21], $0x40, s3, s21, $0xb8;
	[tilespmem:$0x18000] =	vst v63  }
0x80: {  	_ =	swait.ge [sflag:s28], $0x2000  }
0x81: {  	[sflag:s28] =	ssyncset.done $0x0  }
0x82: {  	s3 =	sadd.s32 $0x3080, s1;
	[sflag:s28] =	ssyncadd.s32 $0xFFFFE000  }
0x83: {  	[spmem:s2] =	stream.indirect.scatter.add.f32 [tilespmem:s23], [sflag:$0x4], $0x40, s3, s21, $0xb8;
	[tilespmem:$0x18000] =	vst v63  }
0x84: {  	_ =	swait.ge [sflag:s20], $0x2000  }
0x85: {  	[sflag:s20] =	ssyncset.done $0x0  }
0x86: {  	s3 =	sadd.s32 $0x200, s1;
	[sflag:s20] =	ssyncadd.s32 $0xFFFFE000  }
0x87: {  	[tilespmem:s23], [sflag:$0x2] =	stream.indirect.gather [hbm4b:s4+s21], $0x40, s3, s21, $0xb8;
	[tilespmem:$0x18000] =	vst v63  }
0x88: {  	_ =	swait.ge [sflag:s29], $0x2000  }
0x89: {  	[sflag:s29] =	ssyncset.done $0x0  }
.Ltmp3:
0x8a: {  	s3 =	sadd.s32 $0x3100, s1;
	[sflag:s29] =	ssyncadd.s32 $0xFFFFE000;
	(pc) =	sbr.rel @p1 .LBB2_3-.Ltmp3, $4  }
0x8b: {  	[spmem:s2] =	stream.indirect.scatter.add.f32 [tilespmem:s25], [sflag:$0x4], $0x40, s3, s21, $0xb8;
	[tilespmem:$0x18000] =	vst v63  }
0x8c: {  	_ =	swait.ge [sflag:s20], $0x2000  }
0x8d: {  	[sflag:s20] =	ssyncset.done $0x0  }
0x8e: {  	s1 =	sadd.s32 $0x280, s1;
	[sflag:s20] =	ssyncadd.s32 $0xFFFFE000  }
0x8f: {  	[tilespmem:s25], [sflag:$0x3] =	stream.indirect.gather [hbm4b:s4+s21], $0x40, s1, s21, $0xb8;
	[tilespmem:$0x18000] =	vst v63  }
0x90: {  	_ =	swait.ge [sflag:s26], $0x2000  }
0x91: {  	[sflag:s26] =	ssyncset.done $0x0  }
0x92: {  	s31 =	simm.s32 $0x4E00;
	[sflag:s26] =	ssyncadd.s32 $0xFFFFE000  }
0x93: {  	[spmem:s2] =	stream.indirect.scatter.add.f32 [tilespmem:s22], [sflag:$0x4], $0x40, s31, s21, $0xb8;
	[tilespmem:$0x18000] =	vst v63  }
0x94: {  	_ =	swait.ge [sflag:s20], $0x2000  }
0x95: {  	[sflag:s20] =	ssyncset.done $0x0  }
0x96: {  	s3 =	simm.s32 $0x1F80;
	[sflag:s20] =	ssyncadd.s32 $0xFFFFE000  }
0x97: {  	[tilespmem:s22], [sflag:$0x1] =	stream.indirect.gather [hbm4b:s4+s21], $0x40, s3, s21, $0xb8;
	[tilespmem:$0x18000] =	vst v63  }
0x98: {  	_ =	swait.ge [sflag:s28], $0x2000  }
0x99: {  	[sflag:s28] =	ssyncset.done $0x0  }
0x9a: {  	s6 =	simm.s32 $0x4E80;
	[sflag:s28] =	ssyncadd.s32 $0xFFFFE000  }
0x9b: {  	[spmem:s2] =	stream.indirect.scatter.add.f32 [tilespmem:s23], [sflag:$0x4], $0x40, s6, s21, $0xb8;
	[tilespmem:$0x18000] =	vst v63  }
0x9c: {  	_ =	swait.ge [sflag:s20], $0x2000  }
0x9d: {  	[sflag:s20] =	ssyncset.done $0x0  }
0x9e: {  	[sflag:s20] =	ssyncadd.s32 $0xFFFFE000  }
0x9f: {  	_ =	swait.ge [sflag:s29], $0x2000  }
0xa0: {  	[sflag:s29] =	ssyncset.done $0x0  }
0xa1: {  	s30 =	simm.s32 $0x4F00;
	[sflag:s29] =	ssyncadd.s32 $0xFFFFE000  }
0xa2: {  	[spmem:s2] =	stream.indirect.scatter.add.f32 [tilespmem:s25], [sflag:$0x4], $0x40, s30, s21, $0xb8;
	[tilespmem:$0x18000] =	vst v63  }
0xa3: {  	_ =	swait.ge [sflag:s20], $0x2000  }
0xa4: {  	[sflag:s20] =	ssyncset.done $0x0  }
.Ltmp4:
0xa5: {  	[sflag:s20] =	ssyncadd.s32 $0xFFFFE000;
	(pc) =	sbr.rel .LBB2_8-.Ltmp4, $4  }
0xa6: {  	_ =	swait.ge [sflag:s26], $0x2000  }
0xa7: {  	[sflag:s26] =	ssyncset.done $0x0  }
0xa8: {  	s31 =	simm.s32 $0x4F80;
	[sflag:s26] =	ssyncadd.s32 $0xFFFFE000  }
0xa9: {  	[spmem:s2] =	stream.indirect.scatter.add.f32 [tilespmem:s22], [sflag:$0x4], $0x40, s31, s21, $0xb8;
	[tilespmem:$0x18000] =	vst v63  }
.LBB2_5:
0xaa: {  	_ =	swait.ge [sflag:s26], $0x2000  }
0xab: {  	[sflag:s26] =	ssyncset.done $0x0  }
0xac: {  	s1 =	simm.s32 $0x3000;
	[sflag:s26] =	ssyncadd.s32 $0xFFFFE000  }
0xad: {  	[spmem:s2] =	stream.indirect.scatter.add.f32 [tilespmem:s22], [sflag:$0x4], $0x40, s1, s21, $0xb8;
	[tilespmem:$0x18000] =	vst v63  }
0xae: {  	_ =	swait.ge [sflag:s20], $0x2000  }
0xaf: {  	[sflag:s20] =	ssyncset.done $0x0  }
0xb0: {  	s31 =	simm.s32 $0x180;
	[sflag:s20] =	ssyncadd.s32 $0xFFFFE000  }
0xb1: {  	[tilespmem:s22], [sflag:$0x1] =	stream.indirect.gather [hbm4b:s4+s21], $0x40, s31, s21, $0xb8;
	[tilespmem:$0x18000] =	vst v63  }
0xb2: {  	_ =	swait.ge [sflag:s28], $0x2000  }
0xb3: {  	[sflag:s28] =	ssyncset.done $0x0  }
0xb4: {  	s3 =	simm.s32 $0x3080;
	[sflag:s28] =	ssyncadd.s32 $0xFFFFE000  }
0xb5: {  	[spmem:s2] =	stream.indirect.scatter.add.f32 [tilespmem:s23], [sflag:$0x4], $0x40, s3, s21, $0xb8;
	[tilespmem:$0x18000] =	vst v63  }
0xb6: {  	_ =	swait.ge [sflag:s20], $0x2000  }
0xb7: {  	[sflag:s20] =	ssyncset.done $0x0  }
0xb8: {  	s6 =	simm.s32 $0x200;
	[sflag:s20] =	ssyncadd.s32 $0xFFFFE000  }
0xb9: {  	[tilespmem:s23], [sflag:$0x2] =	stream.indirect.gather [hbm4b:s4+s21], $0x40, s6, s21, $0xb8;
	[tilespmem:$0x18000] =	vst v63  }
0xba: {  	_ =	swait.ge [sflag:s29], $0x2000  }
0xbb: {  	[sflag:s29] =	ssyncset.done $0x0  }
0xbc: {  	s31 =	simm.s32 $0x3100;
	[sflag:s29] =	ssyncadd.s32 $0xFFFFE000  }
0xbd: {  	[spmem:s2] =	stream.indirect.scatter.add.f32 [tilespmem:s25], [sflag:$0x4], $0x40, s31, s21, $0xb8;
	[tilespmem:$0x18000] =	vst v63  }
0xbe: {  	_ =	swait.ge [sflag:s20], $0x2000  }
0xbf: {  	[sflag:s20] =	ssyncset.done $0x0  }
0xc0: {  	s30 =	simm.s32 $0x600;
	s1 =	simm.s32 $0x280;
	[sflag:s20] =	ssyncadd.s32 $0xFFFFE000  }
.LBB2_6:
0xc1: {  	[tilespmem:s25], [sflag:$0x3] =	stream.indirect.gather [hbm4b:s4+s21], $0x40, s1, s21, $0xb8;
	[tilespmem:$0x18000] =	vst v63  }
0xc2: {  	s1 =	smov.u32 s30  }
0xc3: {  	p1 =	sne.s32 s30, $0xB400;
	s30 =	sadd.s32 $0x600, s30;
	_ =	swait.ge [sflag:s26], $0x2000  }
0xc4: {  	s1 =	sshra.s32 s1, $0x2;
	[sflag:s26] =	ssyncset.done $0x0  }
0xc5: {  	s3 =	sadd.s32 $0x3000, s1;
	[sflag:s26] =	ssyncadd.s32 $0xFFFFE000  }
0xc6: {  	[spmem:s2] =	stream.indirect.scatter.add.f32 [tilespmem:s22], [sflag:$0x4], $0x40, s3, s21, $0xb8;
	[tilespmem:$0x18000] =	vst v63  }
0xc7: {  	_ =	swait.ge [sflag:s20], $0x2000  }
0xc8: {  	[sflag:s20] =	ssyncset.done $0x0  }
0xc9: {  	s3 =	sadd.s32 $0x180, s1;
	[sflag:s20] =	ssyncadd.s32 $0xFFFFE000  }
0xca: {  	[tilespmem:s22], [sflag:$0x1] =	stream.indirect.gather [hbm4b:s4+s21], $0x40, s3, s21, $0xb8;
	[tilespmem:$0x18000] =	vst v63  }
0xcb: {  	_ =	swait.ge [sflag:s28], $0x2000  }
0xcc: {  	[sflag:s28] =	ssyncset.done $0x0  }
0xcd: {  	s3 =	sadd.s32 $0x3080, s1;
	[sflag:s28] =	ssyncadd.s32 $0xFFFFE000  }
0xce: {  	[spmem:s2] =	stream.indirect.scatter.add.f32 [tilespmem:s23], [sflag:$0x4], $0x40, s3, s21, $0xb8;
	[tilespmem:$0x18000] =	vst v63  }
0xcf: {  	_ =	swait.ge [sflag:s20], $0x2000  }
0xd0: {  	[sflag:s20] =	ssyncset.done $0x0  }
0xd1: {  	s3 =	sadd.s32 $0x200, s1;
	[sflag:s20] =	ssyncadd.s32 $0xFFFFE000  }
0xd2: {  	[tilespmem:s23], [sflag:$0x2] =	stream.indirect.gather [hbm4b:s4+s21], $0x40, s3, s21, $0xb8;
	[tilespmem:$0x18000] =	vst v63  }
0xd3: {  	_ =	swait.ge [sflag:s29], $0x2000  }
0xd4: {  	[sflag:s29] =	ssyncset.done $0x0  }
.Ltmp5:
0xd5: {  	s3 =	sadd.s32 $0x3100, s1;
	[sflag:s29] =	ssyncadd.s32 $0xFFFFE000;
	(pc) =	sbr.rel @p1 .LBB2_6-.Ltmp5, $4  }
0xd6: {  	[spmem:s2] =	stream.indirect.scatter.add.f32 [tilespmem:s25], [sflag:$0x4], $0x40, s3, s21, $0xb8;
	[tilespmem:$0x18000] =	vst v63  }
0xd7: {  	_ =	swait.ge [sflag:s20], $0x2000  }
0xd8: {  	[sflag:s20] =	ssyncset.done $0x0  }
0xd9: {  	s1 =	sadd.s32 $0x280, s1;
	[sflag:s20] =	ssyncadd.s32 $0xFFFFE000  }
0xda: {  	[tilespmem:s25], [sflag:$0x3] =	stream.indirect.gather [hbm4b:s4+s21], $0x40, s1, s21, $0xb8;
	[tilespmem:$0x18000] =	vst v63  }
0xdb: {  	_ =	swait.ge [sflag:s26], $0x2000  }
0xdc: {  	[sflag:s26] =	ssyncset.done $0x0  }
0xdd: {  	s6 =	simm.s32 $0x5E80;
	[sflag:s26] =	ssyncadd.s32 $0xFFFFE000  }
0xde: {  	[spmem:s2] =	stream.indirect.scatter.add.f32 [tilespmem:s22], [sflag:$0x4], $0x40, s6, s21, $0xb8;
	[tilespmem:$0x18000] =	vst v63  }
0xdf: {  	_ =	swait.ge [sflag:s20], $0x2000  }
0xe0: {  	[sflag:s20] =	ssyncset.done $0x0  }
0xe1: {  	[sflag:s20] =	ssyncadd.s32 $0xFFFFE000  }
0xe2: {  	_ =	swait.ge [sflag:s28], $0x2000  }
0xe3: {  	[sflag:s28] =	ssyncset.done $0x0  }
0xe4: {  	s30 =	simm.s32 $0x5F00;
	[sflag:s28] =	ssyncadd.s32 $0xFFFFE000  }
0xe5: {  	[spmem:s2] =	stream.indirect.scatter.add.f32 [tilespmem:s23], [sflag:$0x4], $0x40, s30, s21, $0xb8;
	[tilespmem:$0x18000] =	vst v63  }
0xe6: {  	_ =	swait.ge [sflag:s20], $0x2000  }
0xe7: {  	[sflag:s20] =	ssyncset.done $0x0  }
0xe8: {  	[sflag:s20] =	ssyncadd.s32 $0xFFFFE000  }
0xe9: {  	_ =	swait.ge [sflag:s29], $0x2000  }
0xea: {  	[sflag:s29] =	ssyncset.done $0x0  }
0xeb: {  	s31 =	simm.s32 $0x5F80;
	[sflag:s29] =	ssyncadd.s32 $0xFFFFE000  }
0xec: {  	[spmem:s2] =	stream.indirect.scatter.add.f32 [tilespmem:s25], [sflag:$0x4], $0x40, s31, s21, $0xb8;
	[tilespmem:$0x18000] =	vst v63  }
.LBB2_8:
0xed: {  	_ =	swait.ge [sflag:s20], $0x2000  }
0xee: {  	s1 =	stileid.u32;
	[sflag:s20] =	ssyncset.done $0x0  }
0xef: {  	s1 =	sshll.u32 s1, $0x6;
	[sflag:s20] =	ssyncadd.s32 $0xFFFFE000  }
0xf0: {  	s31 =	sshrl.u32 s11, $0x3;
	s30 =	sor.u32 $0x1C04, s1;
	[bflag:$0x0] =	sbarrier.arrive $0xFFFF  }
0xf1: {  	[hbm:s16], [sflag:s30] =	dma.local [spmem:s31], $0x1400  }
0xf2: {  	_ =	swait.ge [sflag:s20], $0x1400  }
0xf3: {  	[sflag:s20] =	ssyncset.done $0x0  }
0xf4: {  	[sflag:s20] =	ssyncadd.s32 $0xFFFFEC00  }
0xf5: {  	[spmem:s11] =	stream.linear.scatter [tilespmem:s19], [sflag:$0x4], $0x2000, $0x38;
	[tilespmem:$0x18000] =	vst v63  }
0xf6: {  	_ =	swait.ge [sflag:s20], $0x2000  }
0xf7: {  	[sflag:s20] =	ssyncset.done $0x0  }
0xf8: {  	[sflag:s20] =	ssyncadd.s32 $0xFFFFE000  }
0xf9: {  	[spmem:s12] =	stream.linear.scatter [tilespmem:s19], [sflag:$0x4], $0x2000, $0x38;
	[tilespmem:$0x18000] =	vst v63  }
0xfa: {  	_ =	swait.ge [sflag:s20], $0x2000  }
0xfb: {  	[sflag:s20] =	ssyncset.done $0x0  }
0xfc: {  	[sflag:s20] =	ssyncadd.s32 $0xFFFFE000  }
0xfd: {  	[spmem:s13] =	stream.linear.scatter [tilespmem:s19], [sflag:$0x4], $0x2000, $0x38;
	[tilespmem:$0x18000] =	vst v63  }
0xfe: {  	_ =	swait.ge [sflag:s20], $0x2000  }
0xff: {  	[sflag:s20] =	ssyncset.done $0x0  }
0x100: {  	[sflag:s20] =	ssyncadd.s32 $0xFFFFE000  }
0x101: {  	[spmem:s14] =	stream.linear.scatter [tilespmem:s19], [sflag:$0x4], $0x2000, $0x38;
	[tilespmem:$0x18000] =	vst v63  }
0x102: {  	_ =	swait.ge [sflag:s20], $0x2000  }
0x103: {  	[sflag:s20] =	ssyncset.done $0x0  }
0x104: {  	[sflag:s20] =	ssyncadd.s32 $0xFFFFE000  }
0x105: {  	[spmem:s15] =	stream.linear.scatter [tilespmem:s19], [sflag:$0x4], $0x2000, $0x38;
	[tilespmem:$0x18000] =	vst v63  }
0x106: {  	_ =	swait.ge [sflag:s20], $0x2000  }
0x107: {  	[sflag:s20] =	ssyncset.done $0x0  }
0x108: {  	[sflag:s20] =	ssyncadd.s32 $0xFFFFE000  }
0x109: {  	s6 =	simm.s32 $0x0;
	[bflag:$0x0] =	sbarrier.arrive $0xFFFF  }
0x10a: {  	[tilespmem:s22], [sflag:$0x1] =	stream.indirect.gather [hbm4b:s5+s21], $0x40, s6, s21, $0xb8;
	[tilespmem:$0x18000] =	vst v63  }
.Ltmp6:
0x10b: {  	_ = 	snop;
	(pc) =	sbr.rel @p0 .LBB2_12-.Ltmp6, $4  }
0x10c: {  	_ = 	snop  }
0x10d: {  	[tilespmem:s23], [sflag:$0x2] =	stream.indirect.gather [hbm4b:s5+s21], $0x40, s21, s21, $0xb8;
	[tilespmem:$0x18000] =	vst v63  }
0x10e: {  	_ = 	snop  }
0x10f: {  	[tilespmem:s25], [sflag:$0x3] =	stream.indirect.gather [hbm4b:s5+s21], $0x40, s24, s21, $0xb8;
	[tilespmem:$0x18000] =	vst v63  }
0x110: {  	_ =	swait.ge [sflag:s26], $0x2000  }
0x111: {  	[sflag:s26] =	ssyncset.done $0x0  }
0x112: {  	s1 =	simm.s32 $0x3000;
	[sflag:s26] =	ssyncadd.s32 $0xFFFFE000  }
0x113: {  	[spmem:s2] =	stream.indirect.scatter.add.f32 [tilespmem:s22], [sflag:$0x4], $0x40, s1, s21, $0xb8;
	[tilespmem:$0x18000] =	vst v63  }
0x114: {  	_ =	swait.ge [sflag:s20], $0x2000  }
0x115: {  	[sflag:s20] =	ssyncset.done $0x0  }
0x116: {  	s3 =	simm.s32 $0x180;
	[sflag:s20] =	ssyncadd.s32 $0xFFFFE000  }
0x117: {  	[tilespmem:s22], [sflag:$0x1] =	stream.indirect.gather [hbm4b:s5+s21], $0x40, s3, s21, $0xb8;
	[tilespmem:$0x18000] =	vst v63  }
0x118: {  	_ =	swait.ge [sflag:s28], $0x2000  }
0x119: {  	[sflag:s28] =	ssyncset.done $0x0  }
0x11a: {  	s6 =	simm.s32 $0x3080;
	[sflag:s28] =	ssyncadd.s32 $0xFFFFE000  }
0x11b: {  	[spmem:s2] =	stream.indirect.scatter.add.f32 [tilespmem:s23], [sflag:$0x4], $0x40, s6, s21, $0xb8;
	[tilespmem:$0x18000] =	vst v63  }
0x11c: {  	_ =	swait.ge [sflag:s20], $0x2000  }
0x11d: {  	[sflag:s20] =	ssyncset.done $0x0  }
0x11e: {  	s3 =	simm.s32 $0x200;
	[sflag:s20] =	ssyncadd.s32 $0xFFFFE000  }
0x11f: {  	[tilespmem:s23], [sflag:$0x2] =	stream.indirect.gather [hbm4b:s5+s21], $0x40, s3, s21, $0xb8;
	[tilespmem:$0x18000] =	vst v63  }
0x120: {  	_ =	swait.ge [sflag:s29], $0x2000  }
0x121: {  	[sflag:s29] =	ssyncset.done $0x0  }
0x122: {  	s6 =	simm.s32 $0x3100;
	[sflag:s29] =	ssyncadd.s32 $0xFFFFE000  }
0x123: {  	[spmem:s2] =	stream.indirect.scatter.add.f32 [tilespmem:s25], [sflag:$0x4], $0x40, s6, s21, $0xb8;
	[tilespmem:$0x18000] =	vst v63  }
0x124: {  	_ =	swait.ge [sflag:s20], $0x2000  }
0x125: {  	[sflag:s20] =	ssyncset.done $0x0  }
0x126: {  	s1 =	simm.s32 $0x600;
	s3 =	simm.s32 $0x280;
	[sflag:s20] =	ssyncadd.s32 $0xFFFFE000  }
.LBB2_10:
0x127: {  	[tilespmem:s25], [sflag:$0x3] =	stream.indirect.gather [hbm4b:s5+s21], $0x40, s3, s21, $0xb8;
	[tilespmem:$0x18000] =	vst v63  }
0x128: {  	s3 =	smov.u32 s1  }
0x129: {  	p1 =	sne.s32 s1, $0x7200;
	s1 =	sadd.s32 $0x600, s1;
	_ =	swait.ge [sflag:s26], $0x2000  }
0x12a: {  	s3 =	sshra.s32 s3, $0x2;
	[sflag:s26] =	ssyncset.done $0x0  }
0x12b: {  	s6 =	sadd.s32 $0x3000, s3;
	[sflag:s26] =	ssyncadd.s32 $0xFFFFE000  }
0x12c: {  	[spmem:s2] =	stream.indirect.scatter.add.f32 [tilespmem:s22], [sflag:$0x4], $0x40, s6, s21, $0xb8;
	[tilespmem:$0x18000] =	vst v63  }
0x12d: {  	_ =	swait.ge [sflag:s20], $0x2000  }
0x12e: {  	[sflag:s20] =	ssyncset.done $0x0  }
0x12f: {  	s6 =	sadd.s32 $0x180, s3;
	[sflag:s20] =	ssyncadd.s32 $0xFFFFE000  }
0x130: {  	[tilespmem:s22], [sflag:$0x1] =	stream.indirect.gather [hbm4b:s5+s21], $0x40, s6, s21, $0xb8;
	[tilespmem:$0x18000] =	vst v63  }
0x131: {  	_ =	swait.ge [sflag:s28], $0x2000  }
0x132: {  	[sflag:s28] =	ssyncset.done $0x0  }
0x133: {  	s6 =	sadd.s32 $0x3080, s3;
	[sflag:s28] =	ssyncadd.s32 $0xFFFFE000  }
0x134: {  	[spmem:s2] =	stream.indirect.scatter.add.f32 [tilespmem:s23], [sflag:$0x4], $0x40, s6, s21, $0xb8;
	[tilespmem:$0x18000] =	vst v63  }
0x135: {  	_ =	swait.ge [sflag:s20], $0x2000  }
0x136: {  	[sflag:s20] =	ssyncset.done $0x0  }
0x137: {  	s6 =	sadd.s32 $0x200, s3;
	[sflag:s20] =	ssyncadd.s32 $0xFFFFE000  }
0x138: {  	[tilespmem:s23], [sflag:$0x2] =	stream.indirect.gather [hbm4b:s5+s21], $0x40, s6, s21, $0xb8;
	[tilespmem:$0x18000] =	vst v63  }
0x139: {  	_ =	swait.ge [sflag:s29], $0x2000  }
0x13a: {  	[sflag:s29] =	ssyncset.done $0x0  }
.Ltmp7:
0x13b: {  	s6 =	sadd.s32 $0x3100, s3;
	[sflag:s29] =	ssyncadd.s32 $0xFFFFE000;
	(pc) =	sbr.rel @p1 .LBB2_10-.Ltmp7, $4  }
0x13c: {  	[spmem:s2] =	stream.indirect.scatter.add.f32 [tilespmem:s25], [sflag:$0x4], $0x40, s6, s21, $0xb8;
	[tilespmem:$0x18000] =	vst v63  }
0x13d: {  	_ =	swait.ge [sflag:s20], $0x2000  }
0x13e: {  	[sflag:s20] =	ssyncset.done $0x0  }
0x13f: {  	s3 =	sadd.s32 $0x280, s3;
	[sflag:s20] =	ssyncadd.s32 $0xFFFFE000  }
0x140: {  	[tilespmem:s25], [sflag:$0x3] =	stream.indirect.gather [hbm4b:s5+s21], $0x40, s3, s21, $0xb8;
	[tilespmem:$0x18000] =	vst v63  }
0x141: {  	_ =	swait.ge [sflag:s26], $0x2000  }
0x142: {  	[sflag:s26] =	ssyncset.done $0x0  }
0x143: {  	s1 =	simm.s32 $0x4E00;
	[sflag:s26] =	ssyncadd.s32 $0xFFFFE000  }
0x144: {  	[spmem:s2] =	stream.indirect.scatter.add.f32 [tilespmem:s22], [sflag:$0x4], $0x40, s1, s21, $0xb8;
	[tilespmem:$0x18000] =	vst v63  }
0x145: {  	_ =	swait.ge [sflag:s20], $0x2000  }
0x146: {  	[sflag:s20] =	ssyncset.done $0x0  }
0x147: {  	s3 =	simm.s32 $0x1F80;
	[sflag:s20] =	ssyncadd.s32 $0xFFFFE000  }
0x148: {  	[tilespmem:s22], [sflag:$0x1] =	stream.indirect.gather [hbm4b:s5+s21], $0x40, s3, s21, $0xb8;
	[tilespmem:$0x18000] =	vst v63  }
0x149: {  	_ =	swait.ge [sflag:s28], $0x2000  }
0x14a: {  	[sflag:s28] =	ssyncset.done $0x0  }
0x14b: {  	s6 =	simm.s32 $0x4E80;
	[sflag:s28] =	ssyncadd.s32 $0xFFFFE000  }
0x14c: {  	[spmem:s2] =	stream.indirect.scatter.add.f32 [tilespmem:s23], [sflag:$0x4], $0x40, s6, s21, $0xb8;
	[tilespmem:$0x18000] =	vst v63  }
0x14d: {  	_ =	swait.ge [sflag:s20], $0x2000  }
0x14e: {  	[sflag:s20] =	ssyncset.done $0x0  }
0x14f: {  	[sflag:s20] =	ssyncadd.s32 $0xFFFFE000  }
0x150: {  	_ =	swait.ge [sflag:s29], $0x2000  }
0x151: {  	[sflag:s29] =	ssyncset.done $0x0  }
0x152: {  	s3 =	simm.s32 $0x4F00;
	[sflag:s29] =	ssyncadd.s32 $0xFFFFE000  }
0x153: {  	[spmem:s2] =	stream.indirect.scatter.add.f32 [tilespmem:s25], [sflag:$0x4], $0x40, s3, s21, $0xb8;
	[tilespmem:$0x18000] =	vst v63  }
0x154: {  	_ =	swait.ge [sflag:s20], $0x2000  }
0x155: {  	[sflag:s20] =	ssyncset.done $0x0  }
.Ltmp8:
0x156: {  	[sflag:s20] =	ssyncadd.s32 $0xFFFFE000;
	(pc) =	sbr.rel .LBB2_15-.Ltmp8, $4  }
0x157: {  	_ =	swait.ge [sflag:s26], $0x2000  }
0x158: {  	[sflag:s26] =	ssyncset.done $0x0  }
0x159: {  	s6 =	simm.s32 $0x4F80;
	[sflag:s26] =	ssyncadd.s32 $0xFFFFE000  }
0x15a: {  	[spmem:s2] =	stream.indirect.scatter.add.f32 [tilespmem:s22], [sflag:$0x4], $0x40, s6, s21, $0xb8;
	[tilespmem:$0x18000] =	vst v63  }
.LBB2_12:
0x15b: {  	_ =	swait.ge [sflag:s26], $0x2000  }
0x15c: {  	[sflag:s26] =	ssyncset.done $0x0  }
0x15d: {  	s1 =	simm.s32 $0x3000;
	[sflag:s26] =	ssyncadd.s32 $0xFFFFE000  }
0x15e: {  	[spmem:s2] =	stream.indirect.scatter.add.f32 [tilespmem:s22], [sflag:$0x4], $0x40, s1, s21, $0xb8;
	[tilespmem:$0x18000] =	vst v63  }
0x15f: {  	_ =	swait.ge [sflag:s20], $0x2000  }
0x160: {  	[sflag:s20] =	ssyncset.done $0x0  }
0x161: {  	s3 =	simm.s32 $0x180;
	[sflag:s20] =	ssyncadd.s32 $0xFFFFE000  }
0x162: {  	[tilespmem:s22], [sflag:$0x1] =	stream.indirect.gather [hbm4b:s5+s21], $0x40, s3, s21, $0xb8;
	[tilespmem:$0x18000] =	vst v63  }
0x163: {  	_ =	swait.ge [sflag:s28], $0x2000  }
0x164: {  	[sflag:s28] =	ssyncset.done $0x0  }
0x165: {  	s6 =	simm.s32 $0x3080;
	[sflag:s28] =	ssyncadd.s32 $0xFFFFE000  }
0x166: {  	[spmem:s2] =	stream.indirect.scatter.add.f32 [tilespmem:s23], [sflag:$0x4], $0x40, s6, s21, $0xb8;
	[tilespmem:$0x18000] =	vst v63  }
0x167: {  	_ =	swait.ge [sflag:s20], $0x2000  }
0x168: {  	[sflag:s20] =	ssyncset.done $0x0  }
0x169: {  	s3 =	simm.s32 $0x200;
	[sflag:s20] =	ssyncadd.s32 $0xFFFFE000  }
0x16a: {  	[tilespmem:s23], [sflag:$0x2] =	stream.indirect.gather [hbm4b:s5+s21], $0x40, s3, s21, $0xb8;
	[tilespmem:$0x18000] =	vst v63  }
0x16b: {  	_ =	swait.ge [sflag:s29], $0x2000  }
0x16c: {  	[sflag:s29] =	ssyncset.done $0x0  }
0x16d: {  	s6 =	simm.s32 $0x3100;
	[sflag:s29] =	ssyncadd.s32 $0xFFFFE000  }
0x16e: {  	[spmem:s2] =	stream.indirect.scatter.add.f32 [tilespmem:s25], [sflag:$0x4], $0x40, s6, s21, $0xb8;
	[tilespmem:$0x18000] =	vst v63  }
0x16f: {  	_ =	swait.ge [sflag:s20], $0x2000  }
0x170: {  	[sflag:s20] =	ssyncset.done $0x0  }
0x171: {  	s1 =	simm.s32 $0x600;
	s3 =	simm.s32 $0x280;
	[sflag:s20] =	ssyncadd.s32 $0xFFFFE000  }
.LBB2_13:
0x172: {  	[tilespmem:s25], [sflag:$0x3] =	stream.indirect.gather [hbm4b:s5+s21], $0x40, s3, s21, $0xb8;
	[tilespmem:$0x18000] =	vst v63  }
0x173: {  	s3 =	smov.u32 s1  }
0x174: {  	p1 =	sne.s32 s1, $0xB400;
	s1 =	sadd.s32 $0x600, s1;
	_ =	swait.ge [sflag:s26], $0x2000  }
0x175: {  	s3 =	sshra.s32 s3, $0x2;
	[sflag:s26] =	ssyncset.done $0x0  }
0x176: {  	s6 =	sadd.s32 $0x3000, s3;
	[sflag:s26] =	ssyncadd.s32 $0xFFFFE000  }
0x177: {  	[spmem:s2] =	stream.indirect.scatter.add.f32 [tilespmem:s22], [sflag:$0x4], $0x40, s6, s21, $0xb8;
	[tilespmem:$0x18000] =	vst v63  }
0x178: {  	_ =	swait.ge [sflag:s20], $0x2000  }
0x179: {  	[sflag:s20] =	ssyncset.done $0x0  }
0x17a: {  	s6 =	sadd.s32 $0x180, s3;
	[sflag:s20] =	ssyncadd.s32 $0xFFFFE000  }
0x17b: {  	[tilespmem:s22], [sflag:$0x1] =	stream.indirect.gather [hbm4b:s5+s21], $0x40, s6, s21, $0xb8;
	[tilespmem:$0x18000] =	vst v63  }
0x17c: {  	_ =	swait.ge [sflag:s28], $0x2000  }
0x17d: {  	[sflag:s28] =	ssyncset.done $0x0  }
0x17e: {  	s6 =	sadd.s32 $0x3080, s3;
	[sflag:s28] =	ssyncadd.s32 $0xFFFFE000  }
0x17f: {  	[spmem:s2] =	stream.indirect.scatter.add.f32 [tilespmem:s23], [sflag:$0x4], $0x40, s6, s21, $0xb8;
	[tilespmem:$0x18000] =	vst v63  }
0x180: {  	_ =	swait.ge [sflag:s20], $0x2000  }
0x181: {  	[sflag:s20] =	ssyncset.done $0x0  }
0x182: {  	s6 =	sadd.s32 $0x200, s3;
	[sflag:s20] =	ssyncadd.s32 $0xFFFFE000  }
0x183: {  	[tilespmem:s23], [sflag:$0x2] =	stream.indirect.gather [hbm4b:s5+s21], $0x40, s6, s21, $0xb8;
	[tilespmem:$0x18000] =	vst v63  }
0x184: {  	_ =	swait.ge [sflag:s29], $0x2000  }
0x185: {  	[sflag:s29] =	ssyncset.done $0x0  }
.Ltmp9:
0x186: {  	s6 =	sadd.s32 $0x3100, s3;
	[sflag:s29] =	ssyncadd.s32 $0xFFFFE000;
	(pc) =	sbr.rel @p1 .LBB2_13-.Ltmp9, $4  }
0x187: {  	[spmem:s2] =	stream.indirect.scatter.add.f32 [tilespmem:s25], [sflag:$0x4], $0x40, s6, s21, $0xb8;
	[tilespmem:$0x18000] =	vst v63  }
0x188: {  	_ =	swait.ge [sflag:s20], $0x2000  }
0x189: {  	[sflag:s20] =	ssyncset.done $0x0  }
0x18a: {  	s3 =	sadd.s32 $0x280, s3;
	[sflag:s20] =	ssyncadd.s32 $0xFFFFE000  }
.Ltmp10:
0x18b: {  	_ = 	snop;
	(pc) =	sbr.rel .LBB2_14-.Ltmp10, $1  }
0x18c: {  	_ =	sdelay $0x3  }
.LBB2_16:
0x18d: {  	_ =	sfence.sel $0x180000  }
0x18e: {  	[bflag:$0x0] =	sbarrier.arrive $0xFFFF  }
0x18f: {  	_ =	strace $0x9000004A  }
0x190: {  	s0 =	stileid.u32;
	[bflag:$0x2] =	sbarrier.arrive $0xFFFF  }
0x191: {  	p0 =	sne.s32 s0, $0x0;
	s0 =	rddreg [dreg:$0x2]  }
0x192: {  	s0 =	sadd.s32 @!p0 $0x100000, s0  }
0x193: {  	[sflag:s0] =	ssyncadd.tile.s32 @!p0 $0x1;
	_ =	shalt  }
.Lfunc_end2:
_tile_overlayer_lowered:
.L_overlay_start_2:
0x194: {  	(tag) =	ssettag $0x2  }
0x195: {  	s0 =	rddreg [dreg:$0x0];
	s2 =	stileid.u32  }
0x196: {  	s1 =	rddreg [dreg:$0x1];
	p0 =	sne.s32 s2, $0x0  }
0x197: {  	s3 =	rddreg [dreg:$0x2];
	[bflag:$0x3] =	sbarrier.arrive $0xFFFF;
	s2 =	simm.s32 @!p0 $0x1C04  }
0x198: {  	[timem:s3], [sflag:s2] =	dma.local @!p0 [hbm:s0], s1  }
0x199: {  	s0 =	simm.s32 @!p0 $0x4  }
0x19a: {  	_ =	swait.ge @!p0 [sflag:s0], s1  }
0x19b: {  	s1 =	ssub.s32 @!p0 $0x0, s1;
	[sflag:s0] =	ssyncset.done @!p0 $0x0  }
0x19c: {  	[sflag:s0] =	ssyncadd.s32 @!p0 s1  }
0x19d: {  	[bflag:$0x3] =	sbarrier.arrive $0xFFFF  }
0x19e: {  	_ =	shalt  }

// kernel: kernel.7.cloned.1.call-start
scs
__scs_entry_jumppad:
0x0: {  	(pc) =	sbr.rel $0x88, $3  }
0x1: {  	(tag) =	ssettag $0x0;
	lr =	simm.s32 $0x1  }
0x2: {  	[smem:$0x3F9C] =	sst lr;
	_ =	strace $0xD0000000  }
0x3: {  	_ = 	snop  }
0x4: {  	_ = 	snop  }
0x5: {  	_ = 	snop  }
0x6: {  	_ = 	snop  }
0x7: {  	_ = 	snop  }
__scs_overlays_trampoline_lowered:
0x8: {  	[smem:$0x3FAB] =	sst s0  }
0x9: {  	[smem:$0x3FAC] =	sst s1  }
0xa: {  	[smem:$0x3FAD] =	sst s2  }
0xb: {  	[smem:$0x3FAE] =	sst s3  }
0xc: {  	[smem:$0x3FAF] =	sst s4  }
0xd: {  	[smem:$0x3FB0] =	sst s5  }
0xe: {  	[smem:$0x3FB1] =	sst s6  }
0xf: {  	[smem:$0x3FB2] =	sst s7  }
0x10: {  	[smem:$0x3FB3] =	sst s8  }
0x11: {  	[smem:$0x3FB4] =	sst s9;
	s0 =	simm.s32 @!p0 $0x0  }
0x12: {  	s1 =	sld [smem:$0x3F9A];
	s0 =	simm.s32 @p0 $0x1  }
0x13: {  	[smem:$0x3FB5] =	sst s0;
	s0 =	simm.s32 @!p1 $0x0  }
0x14: {  	s2 =	sld [smem:$0x3F99];
	s0 =	simm.s32 @p1 $0x1  }
0x15: {  	[smem:$0x3FB6] =	sst s0;
	s0 =	simm.s32 @!p2 $0x0  }
0x16: {  	s3 =	sld [smem:$0x3FDB];
	s0 =	simm.s32 @p2 $0x1  }
0x17: {  	s4 =	simm.s32 $0x1BF5;
	[smem:$0x3FB8] =	sst s0  }
0x18: {  	s0 =	sld [smem:$0x3F9B];
	_ =	swait.ge [sflag:s4], $0x0  }
0x19: {  	s7 =	sld [smem:$0x3F9C]  }
0x1a: {  	s8 =	sadd.s32 $0xFFFFE003, lr  }
0x1b: {  	s9 =	sadd.s32 $0xFFFFFEF7, lr;
	s5 =	simm.s32 $0xFFFFFFFF;
	p2 =	slt.u32 s8, $0xFFFFF086  }
0x1c: {  	p1 =	slt.u32 s9, $0xF7A;
	s5 =	simm.s32 @!p2 $0x0  }
0x1d: {  	s5 =	simm.s32 @p1 $0x1;
	p0 =	seq.s32 s7, s2  }
0x1e: {  	s7 =	smul.u32 @!p0 $0xF7A, s2;
	p2 =	seq.s32 @!p0 s5, $0x0  }
0x1f: {  	s9 =	smul.u32 $0xF7A, s1;
	s8 =	simm.s32 @!p0 $0x1BF5;
	p2 =	por !p2, p0  }
0x20: {  	[sflag:s8] =	ssyncset.s32 @!p0 $0xFFFFF086;
	s6 =	sadd.s32 @!p0 s3, s7;
	s7 =	simm.s32 @!p0 $0x108  }
0x21: {  	s3 =	sadd.s32 s3, s9;
	s6 =	sadd.s32 @!p0 $0x88, s6;
	s7 =	simm.s32 @p2 $0x1082  }
0x22: {  	[simem:s7], [sflag:s8] =	dma.local @!p0 [hbm:s6], $0xF7A  }
0x23: {  	s9 =	sor.u32 $0xD0000000, s2;
	s6 =	simm.s32 $0x108;
	_ =	swait.ge @!p0 [sflag:s8], $0x0  }
0x24: {  	s3 =	sadd.s32 $0x88, s3;
	s6 =	simm.s32 @!p1 $0x1082;
	[sflag:s4] =	ssyncset.s32 $0xFFFFF086  }
0x25: {  	[simem:s6], [sflag:s4] =	dma.local [hbm:s3], $0xF7A  }
0x26: {  	[smem:$0x3F9C] =	sst s1;
	(tag) =	ssettag s2;
	_ =	strace s9  }
0x27: {  	s1 =	sld [smem:$0x3FAC]  }
0x28: {  	s2 =	sld [smem:$0x3FAD]  }
0x29: {  	s4 =	sld [smem:$0x3FAF]  }
0x2a: {  	p0 =	seq.s32 s5, $0x0;
	s5 =	sld [smem:$0x3FB0]  }
0x2b: {  	s6 =	sld [smem:$0x3FB1]  }
0x2c: {  	s7 =	sld [smem:$0x3FB2]  }
0x2d: {  	s3 =	simm.s32 $0x108;
	s8 =	sld [smem:$0x3FB3]  }
0x2e: {  	s3 =	simm.s32 @!p0 $0x1082;
	s9 =	sld [smem:$0x3FB4]  }
0x2f: {  	lr =	sadd.s32 s0, s3;
	s0 =	sld [smem:$0x3FAB]  }
0x30: {  	s3 =	sld [smem:$0x3FAE]  }
0x31: {  	[smem:$0x3FB7] =	sst s10  }
0x32: {  	s10 =	sld [smem:$0x3FB5];
	_ =	sdelay $0x3  }
0x33: {  	p0 =	seq.s32 s10, $0x1;
	s10 =	sld [smem:$0x3FB7];
	_ =	sdelay $0x3  }
0x34: {  	[smem:$0x3FB7] =	sst s10  }
0x35: {  	s10 =	sld [smem:$0x3FB6];
	_ =	sdelay $0x3  }
0x36: {  	p1 =	seq.s32 s10, $0x1;
	s10 =	sld [smem:$0x3FB7];
	_ =	sdelay $0x3  }
0x37: {  	[smem:$0x3FB7] =	sst s10  }
0x38: {  	s10 =	sld [smem:$0x3FB8]  }
0x39: {  	_ = 	snop;
	(pc) =	sbr.ind lr, $3  }
0x3a: {  	_ = 	snop  }
0x3b: {  	_ = 	snop  }
0x3c: {  	p2 =	seq.s32 s10, $0x1;
	s10 =	sld [smem:$0x3FB7]  }
0x3d: {  	_ =	shalt  }
0x3e: {  	_ =	shalt  }
0x3f: {  	_ =	shalt  }
0x40: {  	_ =	shalt  }
0x41: {  	_ =	shalt  }
0x42: {  	_ =	shalt  }
0x43: {  	_ =	shalt  }
0x44: {  	_ =	shalt  }
0x45: {  	_ =	shalt  }
0x46: {  	_ =	shalt  }
0x47: {  	_ =	shalt  }
0x48: {  	_ =	shalt  }
0x49: {  	_ =	shalt  }
0x4a: {  	_ =	shalt  }
0x4b: {  	_ =	shalt  }
0x4c: {  	_ =	shalt  }
0x4d: {  	_ =	shalt  }
0x4e: {  	_ =	shalt  }
0x4f: {  	_ =	shalt  }
0x50: {  	_ =	shalt  }
0x51: {  	_ =	shalt  }
0x52: {  	_ =	shalt  }
0x53: {  	_ =	shalt  }
0x54: {  	_ =	shalt  }
0x55: {  	_ =	shalt  }
0x56: {  	_ =	shalt  }
0x57: {  	_ =	shalt  }
0x58: {  	_ =	shalt  }
0x59: {  	_ =	shalt  }
0x5a: {  	_ =	shalt  }
0x5b: {  	_ =	shalt  }
0x5c: {  	_ =	shalt  }
0x5d: {  	_ =	shalt  }
0x5e: {  	_ =	shalt  }
0x5f: {  	_ =	shalt  }
0x60: {  	_ =	shalt  }
0x61: {  	_ =	shalt  }
0x62: {  	_ =	shalt  }
0x63: {  	_ =	shalt  }
0x64: {  	_ =	shalt  }
0x65: {  	_ =	shalt  }
0x66: {  	_ =	shalt  }
0x67: {  	_ =	shalt  }
0x68: {  	_ =	shalt  }
0x69: {  	_ =	shalt  }
0x6a: {  	_ =	shalt  }
0x6b: {  	_ =	shalt  }
0x6c: {  	_ =	shalt  }
0x6d: {  	_ =	shalt  }
0x6e: {  	_ =	shalt  }
0x6f: {  	_ =	shalt  }
0x70: {  	_ =	shalt  }
0x71: {  	_ =	shalt  }
0x72: {  	_ =	shalt  }
0x73: {  	_ =	shalt  }
0x74: {  	_ =	shalt  }
0x75: {  	_ =	shalt  }
0x76: {  	_ =	shalt  }
0x77: {  	_ =	shalt  }
0x78: {  	_ =	shalt  }
0x79: {  	_ =	shalt  }
0x7a: {  	_ =	shalt  }
0x7b: {  	_ =	shalt  }
0x7c: {  	_ =	shalt  }
0x7d: {  	_ =	shalt  }
0x7e: {  	_ =	shalt  }
0x7f: {  	_ =	shalt  }
0x80: {  	_ =	shalt  }
0x81: {  	_ =	shalt  }
0x82: {  	_ =	shalt  }
0x83: {  	_ =	shalt  }
0x84: {  	_ =	shalt  }
0x85: {  	_ =	shalt  }
0x86: {  	_ =	shalt  }
0x87: {  	_ =	shalt  }
.Lfunc_end0:
.L_simem_size_0:
called_computation_lowered:
.L_overlay_start_0:
0x88: {  	s2 =	sld [smem:$0x3FD9]  }
0x89: {  	s3 =	sld [smem:$0x3FFE];
	_ =	sdelay $0x1  }
0x8a: {  	s1 =	srdreg.scid  }
0x8b: {  	s0 =	sand.u32 $0x1, s1  }
0x8c: {  	s16 =	sshll.u32 s0, $0xA;
	s2 =	sadd.s32 s3, s2  }
0x8d: {  	s2 =	sadd.s32 s2, s16  }
0x8e: {  	[smem:$0x3FC3] =	sst s2  }
0x8f: {  	_ = 	snop  }
0x90: {  	(tm) =	ssettm $0x1  }
0x91: {  	s17 =	sld [smem:$0x3FFB];
	_ =	sdelay $0x3  }
0x92: {  	_ =	strace s17  }
0x93: {  	s2 =	sld [smem:$0x3FFC];
	_ =	sdelay $0x3  }
0x94: {  	_ =	strace s2  }
0x95: {  	s2 =	sld [smem:$0x3FFD];
	_ =	sdelay $0x3  }
0x96: {  	_ =	strace s2  }
0x97: {  	_ =	strace $0x8FFFFFFF  }
0x98: {  	s18 =	sld [smem:$0x3FDB];
	_ =	sdelay $0x1  }
0x99: {  	s19 =	simm.s32 $_scs_section_size  }
0x9a: {  	s4 =	simm.s32 $_size__tile_overlayer_lowered;
	s5 =	simm.s32 $_tile_overlayer_lowered  }
0x9b: {  	s22 =	simm.s32 $0x1BFF;
	s21 =	sshll.u32 s5, $0x1;
	s2 =	sadd.s32 s19, s18  }
0x9c: {  	s6 =	simm.s32 $0x0;
	s20 =	sshll.u32 s4, $0x1;
	s4 =	sadd.s32 s21, s2  }
0x9d: {  	[timem:s6], [sflag:s22] =	dma.local [hbm:s4], s20  }
0x9e: {  	_ =	swait.ge [sflag:s22], s20  }
0x9f: {  	s3 =	ssub.s32 $0x0, s20;
	[sflag:s22] =	ssyncset.done $0x0  }
0xa0: {  	[sflag:s22] =	ssyncadd.s32 s3;
	_ =	sdelay $0x1  }
0xa1: {  	s23 =	simm.s32 $0x1B8B  }
0xa2: {  	_ =	swait.ge [sflag:s23], $0x1  }
0xa3: {  	[sflag:s23] =	ssyncset.done $0x0  }
0xa4: {  	s25 =	simm.s32 $0x1B8E;
	s24 =	sld [smem:$0x3FFE];
	[sflag:s23] =	ssyncadd.s32 $0xFFFFFFFF  }
0xa5: {  	s26 =	simm.s32 $execute0_lowered;
	[smem:$0x3FD2] =	sst s25  }
0xa6: {  	s4 =	sshll.u32 s26, $0x1;
	_ =	strace $0x80000046;
	[dreg:$0x1] =	wrdreg $0xFFFFFFFF  }
0xa7: {  	s28 =	simm.s32 $_size_execute0_lowered;
	s2 =	sadd.s32 s2, s4;
	[dreg:$0x0] =	wrdreg $0x0  }
0xa8: {  	s4 =	sshll.u32 s28, $0x1;
	[dreg:$0x2] =	wrdreg s2  }
0xa9: {  	[dreg:$0x3] =	wrdreg s4  }
0xaa: {  	[dreg:$0x4] =	wrdreg $0xC0  }
0xab: {  	_ =	task [dreg:s6], $0x5FFFF  }
0xac: {  	[dreg:$0x1] =	wrdreg $0xFFFFFFFF  }
0xad: {  	[dreg:$0x0] =	wrdreg $0x60  }
0xae: {  	[dreg:$0x2] =	wrdreg s24  }
0xaf: {  	[dreg:$0x3] =	wrdreg $0xE0000  }
0xb0: {  	[dreg:$0x4] =	wrdreg $0x9  }
0xb1: {  	_ =	task.clear_ibuf [dreg:s6], $0x5FFFF;
	_ =	strace $0x90000046  }
0xb2: {  	s29 =	simm.s32 $0x9;
	_ =	strace $0x80000048  }
0xb3: {  	_ =	swait.ge [sflag:s29], $0x1  }
0xb4: {  	[sflag:s29] =	ssyncadd.s32 $0xFFFFFFFF  }
0xb5: {  	_ =	strace $0x90000048  }
0xb6: {  	_ =	sfence  }
0xb7: {  	s30 =	sld [smem:$0x0];
	_ =	sdelay $0x2  }
0xb8: {  	s31 =	sshll.u32 s1, $0xD;
	s1 =	sshrl.u32 s1, $0x2  }
0xb9: {  	s3 =	sand.u32 $0x4000, s31;
	s1 =	sadd.s32 s1, s30  }
0xba: {  	s0 =	sor.u32 s3, s0;
	s1 =	sshll.u32 s1, $0x11  }
0xbb: {  	s0 =	sor.u32 s1, s0  }
0xbc: {  	s0 =	sadd.s32 $0x8F2B, s0  }
0xbd: {  	[sflag:s0] =	ssyncadd.remote.s32 $0x1  }
0xbe: {  	_ =	sfence.sel $0xFFFF  }
0xbf: {  	[dreg:$0x0] =	wrdreg $0xFFFFFFFF;
	(pc) =	sbr.abs _section_cstart, $3  }
0xc0: {  	[dreg:$0x1] =	wrdreg $0xFFFFFFFF  }
0xc1: {  	_ =	task.clear_ibuf [dreg:s6], $0x2FFFF;
	_ =	strace $0x9FFFFFFF  }
0xc2: {  	(tm) =	ssettm $0x7FFFFFFF  }
0xc3: {  	_ =	shalt  }
tec
execute0_lowered:
.L_overlay_start_1:
0x0: {  	(tag) =	ssettag $0x1  }
0x1: {  	s0 =	rddreg [dreg:$0x0]  }
0x2: {  	s2 =	rddreg [dreg:$0x1]  }
0x3: {  	s1 =	srdreg.scid;
	s13 =	stileid.u32;
	s4 =	simm.s32 $0x0  }
0x4: {  	s19 =	simm.s32 $0xC000;
	s20 =	simm.s32 $0x4;
	s21 =	simm.s32 $0x80  }
0x5: {  	s22 =	simm.s32 $0x6000;
	s23 =	simm.s32 $0x8000;
	s24 =	simm.s32 $0x100  }
0x6: {  	s28 =	simm.s32 $0x2;
	s29 =	simm.s32 $0x3;
	s1 =	sand.u32 $0x1, s1  }
0x7: {  	s3 =	smul.u32 $0xA000, s13;
	[smem:$0x7FF] =	sst s4;
	s4 =	sadd.s32 $0x15C00, s0  }
0x8: {  	s5 =	sadd.s32 $0x2200, s0;
	s9 =	sadd.s32 $0x33600, s0;
	s8 =	smul.u32 $0x600, s13  }
0x9: {  	s10 =	sadd.s32 $0x29600, s0;
	s25 =	sadd.s32 $0x3D600, s0;
	s12 =	smul.u32 $0x28000, s13  }
0xa: {  	s30 =	sshll.u32 s13, $0xA;
	s6 =	smul.u32 $0xA0000, s1;
	_ =	strace $0x80000047  }
0xb: {  	[dreg:$0x3] =	wrdreg s25;
	s26 =	ssub.s32 $0x2, s1;
	p0 =	sne.s32 s1, $0x0  }
0xc: {  	s25 =	simm.s32 $0xA000;
	s11 =	sshrl.u32 s26, $0x1;
	s8 =	sadd.s32 $0x4000, s8  }
0xd: {  	s12 =	sshrl.u32 s12, $0x2;
	s6 =	sadd.s32 s3, s6;
	s18 =	ssub.s32 s26, s11  }
0xe: {  	s11 =	sadd.s32 s3, s2;
	s31 =	sadd.s32 s12, s2;
	s26 =	simm.s32 $0x1  }
.Ltmp0:
0xf: {  	s7 =	sshrl.u32 s6, $0x3;
	s12 =	sadd.s32 $0x2000, s31;
	(pc) =	sbr.rel .LBB2_1-.Ltmp0, $4  }
0x10: {  	s13 =	sadd.s32 $0x4000, s31;
	s14 =	sadd.s32 $0x6000, s31;
	s15 =	sadd.s32 $0x8000, s31  }
0x11: {  	s18 =	smax.u32 s18, $0x1;
	s0 =	sadd.s32 s7, s0;
	s7 =	sadd.s32 s9, s8  }
0x12: {  	s8 =	sadd.s32 s10, s8;
	s9 =	sadd.s32 s9, s30;
	s10 =	sadd.s32 s10, s30  }
0x13: {  	s16 =	sadd.s32 $0x65A00, s0;
	s17 =	sadd.s32 $0x3DA00, s0;
	s0 =	simm.s32 $0x0  }
.LBB2_14:
0x14: {  	[tilespmem:s25], [sflag:$0x3] =	stream.indirect.gather [hbm4b:s5+s21], $0x40, s3, s21, $0xb8;
	[tilespmem:$0x18000] =	vst v63  }
0x15: {  	_ =	swait.ge [sflag:s26], $0x2000  }
0x16: {  	[sflag:s26] =	ssyncset.done $0x0  }
0x17: {  	s1 =	simm.s32 $0x5E80;
	[sflag:s26] =	ssyncadd.s32 $0xFFFFE000  }
0x18: {  	[spmem:s2] =	stream.indirect.scatter.add.f32 [tilespmem:s22], [sflag:$0x4], $0x40, s1, s21, $0xb8;
	[tilespmem:$0x18000] =	vst v63  }
0x19: {  	_ =	swait.ge [sflag:s20], $0x2000  }
0x1a: {  	[sflag:s20] =	ssyncset.done $0x0  }
0x1b: {  	[sflag:s20] =	ssyncadd.s32 $0xFFFFE000  }
0x1c: {  	_ =	swait.ge [sflag:s28], $0x2000  }
0x1d: {  	[sflag:s28] =	ssyncset.done $0x0  }
0x1e: {  	s3 =	simm.s32 $0x5F00;
	[sflag:s28] =	ssyncadd.s32 $0xFFFFE000  }
0x1f: {  	[spmem:s2] =	stream.indirect.scatter.add.f32 [tilespmem:s23], [sflag:$0x4], $0x40, s3, s21, $0xb8;
	[tilespmem:$0x18000] =	vst v63  }
0x20: {  	_ =	swait.ge [sflag:s20], $0x2000  }
0x21: {  	[sflag:s20] =	ssyncset.done $0x0  }
0x22: {  	[sflag:s20] =	ssyncadd.s32 $0xFFFFE000  }
0x23: {  	_ =	swait.ge [sflag:s29], $0x2000  }
0x24: {  	[sflag:s29] =	ssyncset.done $0x0  }
0x25: {  	s6 =	simm.s32 $0x5F80;
	[sflag:s29] =	ssyncadd.s32 $0xFFFFE000  }
0x26: {  	[spmem:s2] =	stream.indirect.scatter.add.f32 [tilespmem:s25], [sflag:$0x4], $0x40, s6, s21, $0xb8;
	[tilespmem:$0x18000] =	vst v63  }
.LBB2_15:
0x27: {  	_ =	swait.ge [sflag:s20], $0x2000  }
0x28: {  	s0 =	sadd.s32 $0x1, s0;
	[sflag:s20] =	ssyncset.done $0x0  }
0x29: {  	p1 =	sne.s32 s0, s18;
	[sflag:s20] =	ssyncadd.s32 $0xFFFFE000  }
.Ltmp1:
0x2a: {  	[bflag:$0x0] =	sbarrier.arrive $0xFFFF;
	(pc) =	sbr.rel @!p1 .LBB2_16-.Ltmp1, $4  }
0x2b: {  	[hbm:s17], [sflag:s30] =	dma.local [spmem:s31], $0x1400  }
0x2c: {  	_ =	swait.ge [sflag:s20], $0x1400  }
0x2d: {  	[sflag:s20] =	ssyncset.done $0x0  }
0x2e: {  	[sflag:s20] =	ssyncadd.s32 $0xFFFFEC00  }
.LBB2_1:
0x2f: {  	s1 =	simm.s32 @p0 $0x0;
	s3 =	simm.s32 @p0 $0x4  }
0x30: {  	[tilespmem:s1], [sflag:$0x4] =	stream.linear.gather @p0 [hbm4b:s7+s1], $0x3000, $0x38;
	[tilespmem:$0x18000] =	vst v63  }
0x31: {  	_ =	swait.ge @p0 [sflag:s3], $0x3000  }
0x32: {  	[sflag:s3] =	ssyncset.done @p0 $0x0  }
0x33: {  	s30 =	simm.s32 @p0 $0x3000;
	[sflag:s3] =	ssyncadd.s32 @p0 $0xFFFFD000  }
0x34: {  	[tilespmem:s30], [sflag:$0x4] =	stream.linear.gather @p0 [hbm4b:s8+s1], $0x3000, $0x38;
	[tilespmem:$0x18000] =	vst v63  }
0x35: {  	_ =	swait.ge @p0 [sflag:s3], $0x3000  }
0x36: {  	[sflag:s3] =	ssyncset.done @p0 $0x0  }
0x37: {  	s1 =	simm.s32 @!p0 $0x0;
	[sflag:s3] =	ssyncadd.s32 @p0 $0xFFFFD000;
	s3 =	simm.s32 @!p0 $0x4  }
0x38: {  	[tilespmem:s1], [sflag:$0x4] =	stream.linear.gather @!p0 [hbm4b:s9+s1], $0x2000, $0x38;
	[tilespmem:$0x18000] =	vst v63  }
0x39: {  	_ =	swait.ge @!p0 [sflag:s3], $0x2000  }
0x3a: {  	[sflag:s3] =	ssyncset.done @!p0 $0x0  }
0x3b: {  	s30 =	simm.s32 @!p0 $0x3000;
	[sflag:s3] =	ssyncadd.s32 @!p0 $0xFFFFE000  }
0x3c: {  	[tilespmem:s30], [sflag:$0x4] =	stream.linear.gather @!p0 [hbm4b:s10+s1], $0x2000, $0x38;
	[tilespmem:$0x18000] =	vst v63  }
0x3d: {  	_ =	swait.ge @!p0 [sflag:s3], $0x2000  }
0x3e: {  	[sflag:s3] =	ssyncset.done @!p0 $0x0  }
0x3f: {  	s30 =	simm.s32 $0x0;
	s31 =	rddreg [dreg:$0x3];
	[sflag:s3] =	ssyncadd.s32 @!p0 $0xFFFFE000  }
0x40: {  	[tilespmem:s19], [sflag:$0x4] =	stream.linear.gather [hbm4b:s31+s30], $0x2000, $0x38;
	[tilespmem:$0x18000] =	vst v63  }
0x41: {  	_ =	swait.ge [sflag:s20], $0x2000  }
0x42: {  	[sflag:s20] =	ssyncset.done $0x0  }
0x43: {  	[sflag:s20] =	ssyncadd.s32 $0xFFFFE000  }
0x44: {  	[spmem:s11] =	stream.linear.scatter [tilespmem:s19], [sflag:$0x4], $0x2000, $0x38;
	[tilespmem:$0x18000] =	vst v63  }
0x45: {  	_ =	swait.ge [sflag:s20], $0x2000  }
0x46: {  	[sflag:s20] =	ssyncset.done $0x0  }
0x47: {  	[sflag:s20] =	ssyncadd.s32 $0xFFFFE000  }
0x48: {  	[spmem:s12] =	stream.linear.scatter [tilespmem:s19], [sflag:$0x4], $0x2000, $0x38;
	[tilespmem:$0x18000] =	vst v63  }
0x49: {  	_ =	swait.ge [sflag:s20], $0x2000  }
0x4a: {  	[sflag:s20] =	ssyncset.done $0x0  }
0x4b: {  	[sflag:s20] =	ssyncadd.s32 $0xFFFFE000  }
0x4c: {  	[spmem:s13] =	stream.linear.scatter [tilespmem:s19], [sflag:$0x4], $0x2000, $0x38;
	[tilespmem:$0x18000] =	vst v63  }
0x4d: {  	_ =	swait.ge [sflag:s20], $0x2000  }
0x4e: {  	[sflag:s20] =	ssyncset.done $0x0  }
0x4f: {  	[sflag:s20] =	ssyncadd.s32 $0xFFFFE000  }
0x50: {  	[spmem:s14] =	stream.linear.scatter [tilespmem:s19], [sflag:$0x4], $0x2000, $0x38;
	[tilespmem:$0x18000] =	vst v63  }
0x51: {  	_ =	swait.ge [sflag:s20], $0x2000  }
0x52: {  	[sflag:s20] =	ssyncset.done $0x0  }
0x53: {  	[sflag:s20] =	ssyncadd.s32 $0xFFFFE000  }
0x54: {  	[spmem:s15] =	stream.linear.scatter [tilespmem:s19], [sflag:$0x4], $0x2000, $0x38;
	[tilespmem:$0x18000] =	vst v63  }
0x55: {  	_ =	swait.ge [sflag:s20], $0x2000  }
0x56: {  	[sflag:s20] =	ssyncset.done $0x0  }
0x57: {  	[sflag:s20] =	ssyncadd.s32 $0xFFFFE000  }
0x58: {  	[bflag:$0x0] =	sbarrier.arrive $0xFFFF  }
0x59: {  	[tilespmem:s22], [sflag:$0x1] =	stream.indirect.gather [hbm4b:s4+s21], $0x40, s30, s21, $0xb8;
	[tilespmem:$0x18000] =	vst v63  }
.Ltmp2:
0x5a: {  	_ = 	snop;
	(pc) =	sbr.rel @p0 .LBB2_5-.Ltmp2, $4  }
0x5b: {  	_ = 	snop  }
0x5c: {  	[tilespmem:s23], [sflag:$0x2] =	stream.indirect.gather [hbm4b:s4+s21], $0x40, s21, s21, $0xb8;
	[tilespmem:$0x18000] =	vst v63  }
0x5d: {  	_ = 	snop  }
0x5e: {  	[tilespmem:s25], [sflag:$0x3] =	stream.indirect.gather [hbm4b:s4+s21], $0x40, s24, s21, $0xb8;
	[tilespmem:$0x18000] =	vst v63  }
0x5f: {  	_ =	swait.ge [sflag:s26], $0x2000  }
0x60: {  	[sflag:s26] =	ssyncset.done $0x0  }
0x61: {  	s1 =	simm.s32 $0x3000;
	[sflag:s26] =	ssyncadd.s32 $0xFFFFE000  }
0x62: {  	[spmem:s2] =	stream.indirect.scatter.add.f32 [tilespmem:s22], [sflag:$0x4], $0x40, s1, s21, $0xb8;
	[tilespmem:$0x18000] =	vst v63  }
0x63: {  	_ =	swait.ge [sflag:s20], $0x2000  }
0x64: {  	[sflag:s20] =	ssyncset.done $0x0  }
0x65: {  	s31 =	simm.s32 $0x180;
	[sflag:s20] =	ssyncadd.s32 $0xFFFFE000  }
0x66: {  	[tilespmem:s22], [sflag:$0x1] =	stream.indirect.gather [hbm4b:s4+s21], $0x40, s31, s21, $0xb8;
	[tilespmem:$0x18000] =	vst v63  }
0x67: {  	_ =	swait.ge [sflag:s28], $0x2000  }
0x68: {  	[sflag:s28] =	ssyncset.done $0x0  }
0x69: {  	s3 =	simm.s32 $0x3080;
	[sflag:s28] =	ssyncadd.s32 $0xFFFFE000  }
0x6a: {  	[spmem:s2] =	stream.indirect.scatter.add.f32 [tilespmem:s23], [sflag:$0x4], $0x40, s3, s21, $0xb8;
	[tilespmem:$0x18000] =	vst v63  }
0x6b: {  	_ =	swait.ge [sflag:s20], $0x2000  }
0x6c: {  	[sflag:s20] =	ssyncset.done $0x0  }
0x6d: {  	s6 =	simm.s32 $0x200;
	[sflag:s20] =	ssyncadd.s32 $0xFFFFE000  }
0x6e: {  	[tilespmem:s23], [sflag:$0x2] =	stream.indirect.gather [hbm4b:s4+s21], $0x40, s6, s21, $0xb8;
	[tilespmem:$0x18000] =	vst v63  }
0x6f: {  	_ =	swait.ge [sflag:s29], $0x2000  }
0x70: {  	[sflag:s29] =	ssyncset.done $0x0  }
0x71: {  	s31 =	simm.s32 $0x3100;
	[sflag:s29] =	ssyncadd.s32 $0xFFFFE000  }
0x72: {  	[spmem:s2] =	stream.indirect.scatter.add.f32 [tilespmem:s25], [sflag:$0x4], $0x40, s31, s21, $0xb8;
	[tilespmem:$0x18000] =	vst v63  }
0x73: {  	_ =	swait.ge [sflag:s20], $0x2000  }
0x74: {  	[sflag:s20] =	ssyncset.done $0x0  }
0x75: {  	s30 =	simm.s32 $0x600;
	s1 =	simm.s32 $0x280;
	[sflag:s20] =	ssyncadd.s32 $0xFFFFE000  }
.LBB2_3:
0x76: {  	[tilespmem:s25], [sflag:$0x3] =	stream.indirect.gather [hbm4b:s4+s21], $0x40, s1, s21, $0xb8;
	[tilespmem:$0x18000] =	vst v63  }
0x77: {  	s1 =	smov.u32 s30  }
0x78: {  	p1 =	sne.s32 s30, $0x7200;
	s30 =	sadd.s32 $0x600, s30;
	_ =	swait.ge [sflag:s26], $0x2000  }
0x79: {  	s1 =	sshra.s32 s1, $0x2;
	[sflag:s26] =	ssyncset.done $0x0  }
0x7a: {  	s3 =	sadd.s32 $0x3000, s1;
	[sflag:s26] =	ssyncadd.s32 $0xFFFFE000  }
0x7b: {  	[spmem:s2] =	stream.indirect.scatter.add.f32 [tilespmem:s22], [sflag:$0x4], $0x40, s3, s21, $0xb8;
	[tilespmem:$0x18000] =	vst v63  }
0x7c: {  	_ =	swait.ge [sflag:s20], $0x2000  }
0x7d: {  	[sflag:s20] =	ssyncset.done $0x0  }
0x7e: {  	s3 =	sadd.s32 $0x180, s1;
	[sflag:s20] =	ssyncadd.s32 $0xFFFFE000  }
0x7f: {  	[tilespmem:s22], [sflag:$0x1] =	stream.indirect.gather [hbm4b:s4+s21], $0x40, s3, s21, $0xb8;
	[tilespmem:$0x18000] =	vst v63  }
0x80: {  	_ =	swait.ge [sflag:s28], $0x2000  }
0x81: {  	[sflag:s28] =	ssyncset.done $0x0  }
0x82: {  	s3 =	sadd.s32 $0x3080, s1;
	[sflag:s28] =	ssyncadd.s32 $0xFFFFE000  }
0x83: {  	[spmem:s2] =	stream.indirect.scatter.add.f32 [tilespmem:s23], [sflag:$0x4], $0x40, s3, s21, $0xb8;
	[tilespmem:$0x18000] =	vst v63  }
0x84: {  	_ =	swait.ge [sflag:s20], $0x2000  }
0x85: {  	[sflag:s20] =	ssyncset.done $0x0  }
0x86: {  	s3 =	sadd.s32 $0x200, s1;
	[sflag:s20] =	ssyncadd.s32 $0xFFFFE000  }
0x87: {  	[tilespmem:s23], [sflag:$0x2] =	stream.indirect.gather [hbm4b:s4+s21], $0x40, s3, s21, $0xb8;
	[tilespmem:$0x18000] =	vst v63  }
0x88: {  	_ =	swait.ge [sflag:s29], $0x2000  }
0x89: {  	[sflag:s29] =	ssyncset.done $0x0  }
.Ltmp3:
0x8a: {  	s3 =	sadd.s32 $0x3100, s1;
	[sflag:s29] =	ssyncadd.s32 $0xFFFFE000;
	(pc) =	sbr.rel @p1 .LBB2_3-.Ltmp3, $4  }
0x8b: {  	[spmem:s2] =	stream.indirect.scatter.add.f32 [tilespmem:s25], [sflag:$0x4], $0x40, s3, s21, $0xb8;
	[tilespmem:$0x18000] =	vst v63  }
0x8c: {  	_ =	swait.ge [sflag:s20], $0x2000  }
0x8d: {  	[sflag:s20] =	ssyncset.done $0x0  }
0x8e: {  	s1 =	sadd.s32 $0x280, s1;
	[sflag:s20] =	ssyncadd.s32 $0xFFFFE000  }
0x8f: {  	[tilespmem:s25], [sflag:$0x3] =	stream.indirect.gather [hbm4b:s4+s21], $0x40, s1, s21, $0xb8;
	[tilespmem:$0x18000] =	vst v63  }
0x90: {  	_ =	swait.ge [sflag:s26], $0x2000  }
0x91: {  	[sflag:s26] =	ssyncset.done $0x0  }
0x92: {  	s31 =	simm.s32 $0x4E00;
	[sflag:s26] =	ssyncadd.s32 $0xFFFFE000  }
0x93: {  	[spmem:s2] =	stream.indirect.scatter.add.f32 [tilespmem:s22], [sflag:$0x4], $0x40, s31, s21, $0xb8;
	[tilespmem:$0x18000] =	vst v63  }
0x94: {  	_ =	swait.ge [sflag:s20], $0x2000  }
0x95: {  	[sflag:s20] =	ssyncset.done $0x0  }
0x96: {  	s3 =	simm.s32 $0x1F80;
	[sflag:s20] =	ssyncadd.s32 $0xFFFFE000  }
0x97: {  	[tilespmem:s22], [sflag:$0x1] =	stream.indirect.gather [hbm4b:s4+s21], $0x40, s3, s21, $0xb8;
	[tilespmem:$0x18000] =	vst v63  }
0x98: {  	_ =	swait.ge [sflag:s28], $0x2000  }
0x99: {  	[sflag:s28] =	ssyncset.done $0x0  }
0x9a: {  	s6 =	simm.s32 $0x4E80;
	[sflag:s28] =	ssyncadd.s32 $0xFFFFE000  }
0x9b: {  	[spmem:s2] =	stream.indirect.scatter.add.f32 [tilespmem:s23], [sflag:$0x4], $0x40, s6, s21, $0xb8;
	[tilespmem:$0x18000] =	vst v63  }
0x9c: {  	_ =	swait.ge [sflag:s20], $0x2000  }
0x9d: {  	[sflag:s20] =	ssyncset.done $0x0  }
0x9e: {  	[sflag:s20] =	ssyncadd.s32 $0xFFFFE000  }
0x9f: {  	_ =	swait.ge [sflag:s29], $0x2000  }
0xa0: {  	[sflag:s29] =	ssyncset.done $0x0  }
0xa1: {  	s30 =	simm.s32 $0x4F00;
	[sflag:s29] =	ssyncadd.s32 $0xFFFFE000  }
0xa2: {  	[spmem:s2] =	stream.indirect.scatter.add.f32 [tilespmem:s25], [sflag:$0x4], $0x40, s30, s21, $0xb8;
	[tilespmem:$0x18000] =	vst v63  }
0xa3: {  	_ =	swait.ge [sflag:s20], $0x2000  }
0xa4: {  	[sflag:s20] =	ssyncset.done $0x0  }
.Ltmp4:
0xa5: {  	[sflag:s20] =	ssyncadd.s32 $0xFFFFE000;
	(pc) =	sbr.rel .LBB2_8-.Ltmp4, $4  }
0xa6: {  	_ =	swait.ge [sflag:s26], $0x2000  }
0xa7: {  	[sflag:s26] =	ssyncset.done $0x0  }
0xa8: {  	s31 =	simm.s32 $0x4F80;
	[sflag:s26] =	ssyncadd.s32 $0xFFFFE000  }
0xa9: {  	[spmem:s2] =	stream.indirect.scatter.add.f32 [tilespmem:s22], [sflag:$0x4], $0x40, s31, s21, $0xb8;
	[tilespmem:$0x18000] =	vst v63  }
.LBB2_5:
0xaa: {  	_ =	swait.ge [sflag:s26], $0x2000  }
0xab: {  	[sflag:s26] =	ssyncset.done $0x0  }
0xac: {  	s1 =	simm.s32 $0x3000;
	[sflag:s26] =	ssyncadd.s32 $0xFFFFE000  }
0xad: {  	[spmem:s2] =	stream.indirect.scatter.add.f32 [tilespmem:s22], [sflag:$0x4], $0x40, s1, s21, $0xb8;
	[tilespmem:$0x18000] =	vst v63  }
0xae: {  	_ =	swait.ge [sflag:s20], $0x2000  }
0xaf: {  	[sflag:s20] =	ssyncset.done $0x0  }
0xb0: {  	s31 =	simm.s32 $0x180;
	[sflag:s20] =	ssyncadd.s32 $0xFFFFE000  }
0xb1: {  	[tilespmem:s22], [sflag:$0x1] =	stream.indirect.gather [hbm4b:s4+s21], $0x40, s31, s21, $0xb8;
	[tilespmem:$0x18000] =	vst v63  }
0xb2: {  	_ =	swait.ge [sflag:s28], $0x2000  }
0xb3: {  	[sflag:s28] =	ssyncset.done $0x0  }
0xb4: {  	s3 =	simm.s32 $0x3080;
	[sflag:s28] =	ssyncadd.s32 $0xFFFFE000  }
0xb5: {  	[spmem:s2] =	stream.indirect.scatter.add.f32 [tilespmem:s23], [sflag:$0x4], $0x40, s3, s21, $0xb8;
	[tilespmem:$0x18000] =	vst v63  }
0xb6: {  	_ =	swait.ge [sflag:s20], $0x2000  }
0xb7: {  	[sflag:s20] =	ssyncset.done $0x0  }
0xb8: {  	s6 =	simm.s32 $0x200;
	[sflag:s20] =	ssyncadd.s32 $0xFFFFE000  }
0xb9: {  	[tilespmem:s23], [sflag:$0x2] =	stream.indirect.gather [hbm4b:s4+s21], $0x40, s6, s21, $0xb8;
	[tilespmem:$0x18000] =	vst v63  }
0xba: {  	_ =	swait.ge [sflag:s29], $0x2000  }
0xbb: {  	[sflag:s29] =	ssyncset.done $0x0  }
0xbc: {  	s31 =	simm.s32 $0x3100;
	[sflag:s29] =	ssyncadd.s32 $0xFFFFE000  }
0xbd: {  	[spmem:s2] =	stream.indirect.scatter.add.f32 [tilespmem:s25], [sflag:$0x4], $0x40, s31, s21, $0xb8;
	[tilespmem:$0x18000] =	vst v63  }
0xbe: {  	_ =	swait.ge [sflag:s20], $0x2000  }
0xbf: {  	[sflag:s20] =	ssyncset.done $0x0  }
0xc0: {  	s30 =	simm.s32 $0x600;
	s1 =	simm.s32 $0x280;
	[sflag:s20] =	ssyncadd.s32 $0xFFFFE000  }
.LBB2_6:
0xc1: {  	[tilespmem:s25], [sflag:$0x3] =	stream.indirect.gather [hbm4b:s4+s21], $0x40, s1, s21, $0xb8;
	[tilespmem:$0x18000] =	vst v63  }
0xc2: {  	s1 =	smov.u32 s30  }
0xc3: {  	p1 =	sne.s32 s30, $0xB400;
	s30 =	sadd.s32 $0x600, s30;
	_ =	swait.ge [sflag:s26], $0x2000  }
0xc4: {  	s1 =	sshra.s32 s1, $0x2;
	[sflag:s26] =	ssyncset.done $0x0  }
0xc5: {  	s3 =	sadd.s32 $0x3000, s1;
	[sflag:s26] =	ssyncadd.s32 $0xFFFFE000  }
0xc6: {  	[spmem:s2] =	stream.indirect.scatter.add.f32 [tilespmem:s22], [sflag:$0x4], $0x40, s3, s21, $0xb8;
	[tilespmem:$0x18000] =	vst v63  }
0xc7: {  	_ =	swait.ge [sflag:s20], $0x2000  }
0xc8: {  	[sflag:s20] =	ssyncset.done $0x0  }
0xc9: {  	s3 =	sadd.s32 $0x180, s1;
	[sflag:s20] =	ssyncadd.s32 $0xFFFFE000  }
0xca: {  	[tilespmem:s22], [sflag:$0x1] =	stream.indirect.gather [hbm4b:s4+s21], $0x40, s3, s21, $0xb8;
	[tilespmem:$0x18000] =	vst v63  }
0xcb: {  	_ =	swait.ge [sflag:s28], $0x2000  }
0xcc: {  	[sflag:s28] =	ssyncset.done $0x0  }
0xcd: {  	s3 =	sadd.s32 $0x3080, s1;
	[sflag:s28] =	ssyncadd.s32 $0xFFFFE000  }
0xce: {  	[spmem:s2] =	stream.indirect.scatter.add.f32 [tilespmem:s23], [sflag:$0x4], $0x40, s3, s21, $0xb8;
	[tilespmem:$0x18000] =	vst v63  }
0xcf: {  	_ =	swait.ge [sflag:s20], $0x2000  }
0xd0: {  	[sflag:s20] =	ssyncset.done $0x0  }
0xd1: {  	s3 =	sadd.s32 $0x200, s1;
	[sflag:s20] =	ssyncadd.s32 $0xFFFFE000  }
0xd2: {  	[tilespmem:s23], [sflag:$0x2] =	stream.indirect.gather [hbm4b:s4+s21], $0x40, s3, s21, $0xb8;
	[tilespmem:$0x18000] =	vst v63  }
0xd3: {  	_ =	swait.ge [sflag:s29], $0x2000  }
0xd4: {  	[sflag:s29] =	ssyncset.done $0x0  }
.Ltmp5:
0xd5: {  	s3 =	sadd.s32 $0x3100, s1;
	[sflag:s29] =	ssyncadd.s32 $0xFFFFE000;
	(pc) =	sbr.rel @p1 .LBB2_6-.Ltmp5, $4  }
0xd6: {  	[spmem:s2] =	stream.indirect.scatter.add.f32 [tilespmem:s25], [sflag:$0x4], $0x40, s3, s21, $0xb8;
	[tilespmem:$0x18000] =	vst v63  }
0xd7: {  	_ =	swait.ge [sflag:s20], $0x2000  }
0xd8: {  	[sflag:s20] =	ssyncset.done $0x0  }
0xd9: {  	s1 =	sadd.s32 $0x280, s1;
	[sflag:s20] =	ssyncadd.s32 $0xFFFFE000  }
0xda: {  	[tilespmem:s25], [sflag:$0x3] =	stream.indirect.gather [hbm4b:s4+s21], $0x40, s1, s21, $0xb8;
	[tilespmem:$0x18000] =	vst v63  }
0xdb: {  	_ =	swait.ge [sflag:s26], $0x2000  }
0xdc: {  	[sflag:s26] =	ssyncset.done $0x0  }
0xdd: {  	s6 =	simm.s32 $0x5E80;
	[sflag:s26] =	ssyncadd.s32 $0xFFFFE000  }
0xde: {  	[spmem:s2] =	stream.indirect.scatter.add.f32 [tilespmem:s22], [sflag:$0x4], $0x40, s6, s21, $0xb8;
	[tilespmem:$0x18000] =	vst v63  }
0xdf: {  	_ =	swait.ge [sflag:s20], $0x2000  }
0xe0: {  	[sflag:s20] =	ssyncset.done $0x0  }
0xe1: {  	[sflag:s20] =	ssyncadd.s32 $0xFFFFE000  }
0xe2: {  	_ =	swait.ge [sflag:s28], $0x2000  }
0xe3: {  	[sflag:s28] =	ssyncset.done $0x0  }
0xe4: {  	s30 =	simm.s32 $0x5F00;
	[sflag:s28] =	ssyncadd.s32 $0xFFFFE000  }
0xe5: {  	[spmem:s2] =	stream.indirect.scatter.add.f32 [tilespmem:s23], [sflag:$0x4], $0x40, s30, s21, $0xb8;
	[tilespmem:$0x18000] =	vst v63  }
0xe6: {  	_ =	swait.ge [sflag:s20], $0x2000  }
0xe7: {  	[sflag:s20] =	ssyncset.done $0x0  }
0xe8: {  	[sflag:s20] =	ssyncadd.s32 $0xFFFFE000  }
0xe9: {  	_ =	swait.ge [sflag:s29], $0x2000  }
0xea: {  	[sflag:s29] =	ssyncset.done $0x0  }
0xeb: {  	s31 =	simm.s32 $0x5F80;
	[sflag:s29] =	ssyncadd.s32 $0xFFFFE000  }
0xec: {  	[spmem:s2] =	stream.indirect.scatter.add.f32 [tilespmem:s25], [sflag:$0x4], $0x40, s31, s21, $0xb8;
	[tilespmem:$0x18000] =	vst v63  }
.LBB2_8:
0xed: {  	_ =	swait.ge [sflag:s20], $0x2000  }
0xee: {  	s1 =	stileid.u32;
	[sflag:s20] =	ssyncset.done $0x0  }
0xef: {  	s1 =	sshll.u32 s1, $0x6;
	[sflag:s20] =	ssyncadd.s32 $0xFFFFE000  }
0xf0: {  	s31 =	sshrl.u32 s11, $0x3;
	s30 =	sor.u32 $0x1C04, s1;
	[bflag:$0x0] =	sbarrier.arrive $0xFFFF  }
0xf1: {  	[hbm:s16], [sflag:s30] =	dma.local [spmem:s31], $0x1400  }
0xf2: {  	_ =	swait.ge [sflag:s20], $0x1400  }
0xf3: {  	[sflag:s20] =	ssyncset.done $0x0  }
0xf4: {  	[sflag:s20] =	ssyncadd.s32 $0xFFFFEC00  }
0xf5: {  	[spmem:s11] =	stream.linear.scatter [tilespmem:s19], [sflag:$0x4], $0x2000, $0x38;
	[tilespmem:$0x18000] =	vst v63  }
0xf6: {  	_ =	swait.ge [sflag:s20], $0x2000  }
0xf7: {  	[sflag:s20] =	ssyncset.done $0x0  }
0xf8: {  	[sflag:s20] =	ssyncadd.s32 $0xFFFFE000  }
0xf9: {  	[spmem:s12] =	stream.linear.scatter [tilespmem:s19], [sflag:$0x4], $0x2000, $0x38;
	[tilespmem:$0x18000] =	vst v63  }
0xfa: {  	_ =	swait.ge [sflag:s20], $0x2000  }
0xfb: {  	[sflag:s20] =	ssyncset.done $0x0  }
0xfc: {  	[sflag:s20] =	ssyncadd.s32 $0xFFFFE000  }
0xfd: {  	[spmem:s13] =	stream.linear.scatter [tilespmem:s19], [sflag:$0x4], $0x2000, $0x38;
	[tilespmem:$0x18000] =	vst v63  }
0xfe: {  	_ =	swait.ge [sflag:s20], $0x2000  }
0xff: {  	[sflag:s20] =	ssyncset.done $0x0  }
0x100: {  	[sflag:s20] =	ssyncadd.s32 $0xFFFFE000  }
0x101: {  	[spmem:s14] =	stream.linear.scatter [tilespmem:s19], [sflag:$0x4], $0x2000, $0x38;
	[tilespmem:$0x18000] =	vst v63  }
0x102: {  	_ =	swait.ge [sflag:s20], $0x2000  }
0x103: {  	[sflag:s20] =	ssyncset.done $0x0  }
0x104: {  	[sflag:s20] =	ssyncadd.s32 $0xFFFFE000  }
0x105: {  	[spmem:s15] =	stream.linear.scatter [tilespmem:s19], [sflag:$0x4], $0x2000, $0x38;
	[tilespmem:$0x18000] =	vst v63  }
0x106: {  	_ =	swait.ge [sflag:s20], $0x2000  }
0x107: {  	[sflag:s20] =	ssyncset.done $0x0  }
0x108: {  	[sflag:s20] =	ssyncadd.s32 $0xFFFFE000  }
0x109: {  	s6 =	simm.s32 $0x0;
	[bflag:$0x0] =	sbarrier.arrive $0xFFFF  }
0x10a: {  	[tilespmem:s22], [sflag:$0x1] =	stream.indirect.gather [hbm4b:s5+s21], $0x40, s6, s21, $0xb8;
	[tilespmem:$0x18000] =	vst v63  }
.Ltmp6:
0x10b: {  	_ = 	snop;
	(pc) =	sbr.rel @p0 .LBB2_12-.Ltmp6, $4  }
0x10c: {  	_ = 	snop  }
0x10d: {  	[tilespmem:s23], [sflag:$0x2] =	stream.indirect.gather [hbm4b:s5+s21], $0x40, s21, s21, $0xb8;
	[tilespmem:$0x18000] =	vst v63  }
0x10e: {  	_ = 	snop  }
0x10f: {  	[tilespmem:s25], [sflag:$0x3] =	stream.indirect.gather [hbm4b:s5+s21], $0x40, s24, s21, $0xb8;
	[tilespmem:$0x18000] =	vst v63  }
0x110: {  	_ =	swait.ge [sflag:s26], $0x2000  }
0x111: {  	[sflag:s26] =	ssyncset.done $0x0  }
0x112: {  	s1 =	simm.s32 $0x3000;
	[sflag:s26] =	ssyncadd.s32 $0xFFFFE000  }
0x113: {  	[spmem:s2] =	stream.indirect.scatter.add.f32 [tilespmem:s22], [sflag:$0x4], $0x40, s1, s21, $0xb8;
	[tilespmem:$0x18000] =	vst v63  }
0x114: {  	_ =	swait.ge [sflag:s20], $0x2000  }
0x115: {  	[sflag:s20] =	ssyncset.done $0x0  }
0x116: {  	s3 =	simm.s32 $0x180;
	[sflag:s20] =	ssyncadd.s32 $0xFFFFE000  }
0x117: {  	[tilespmem:s22], [sflag:$0x1] =	stream.indirect.gather [hbm4b:s5+s21], $0x40, s3, s21, $0xb8;
	[tilespmem:$0x18000] =	vst v63  }
0x118: {  	_ =	swait.ge [sflag:s28], $0x2000  }
0x119: {  	[sflag:s28] =	ssyncset.done $0x0  }
0x11a: {  	s6 =	simm.s32 $0x3080;
	[sflag:s28] =	ssyncadd.s32 $0xFFFFE000  }
0x11b: {  	[spmem:s2] =	stream.indirect.scatter.add.f32 [tilespmem:s23], [sflag:$0x4], $0x40, s6, s21, $0xb8;
	[tilespmem:$0x18000] =	vst v63  }
0x11c: {  	_ =	swait.ge [sflag:s20], $0x2000  }
0x11d: {  	[sflag:s20] =	ssyncset.done $0x0  }
0x11e: {  	s3 =	simm.s32 $0x200;
	[sflag:s20] =	ssyncadd.s32 $0xFFFFE000  }
0x11f: {  	[tilespmem:s23], [sflag:$0x2] =	stream.indirect.gather [hbm4b:s5+s21], $0x40, s3, s21, $0xb8;
	[tilespmem:$0x18000] =	vst v63  }
0x120: {  	_ =	swait.ge [sflag:s29], $0x2000  }
0x121: {  	[sflag:s29] =	ssyncset.done $0x0  }
0x122: {  	s6 =	simm.s32 $0x3100;
	[sflag:s29] =	ssyncadd.s32 $0xFFFFE000  }
0x123: {  	[spmem:s2] =	stream.indirect.scatter.add.f32 [tilespmem:s25], [sflag:$0x4], $0x40, s6, s21, $0xb8;
	[tilespmem:$0x18000] =	vst v63  }
0x124: {  	_ =	swait.ge [sflag:s20], $0x2000  }
0x125: {  	[sflag:s20] =	ssyncset.done $0x0  }
0x126: {  	s1 =	simm.s32 $0x600;
	s3 =	simm.s32 $0x280;
	[sflag:s20] =	ssyncadd.s32 $0xFFFFE000  }
.LBB2_10:
0x127: {  	[tilespmem:s25], [sflag:$0x3] =	stream.indirect.gather [hbm4b:s5+s21], $0x40, s3, s21, $0xb8;
	[tilespmem:$0x18000] =	vst v63  }
0x128: {  	s3 =	smov.u32 s1  }
0x129: {  	p1 =	sne.s32 s1, $0x7200;
	s1 =	sadd.s32 $0x600, s1;
	_ =	swait.ge [sflag:s26], $0x2000  }
0x12a: {  	s3 =	sshra.s32 s3, $0x2;
	[sflag:s26] =	ssyncset.done $0x0  }
0x12b: {  	s6 =	sadd.s32 $0x3000, s3;
	[sflag:s26] =	ssyncadd.s32 $0xFFFFE000  }
0x12c: {  	[spmem:s2] =	stream.indirect.scatter.add.f32 [tilespmem:s22], [sflag:$0x4], $0x40, s6, s21, $0xb8;
	[tilespmem:$0x18000] =	vst v63  }
0x12d: {  	_ =	swait.ge [sflag:s20], $0x2000  }
0x12e: {  	[sflag:s20] =	ssyncset.done $0x0  }
0x12f: {  	s6 =	sadd.s32 $0x180, s3;
	[sflag:s20] =	ssyncadd.s32 $0xFFFFE000  }
0x130: {  	[tilespmem:s22], [sflag:$0x1] =	stream.indirect.gather [hbm4b:s5+s21], $0x40, s6, s21, $0xb8;
	[tilespmem:$0x18000] =	vst v63  }
0x131: {  	_ =	swait.ge [sflag:s28], $0x2000  }
0x132: {  	[sflag:s28] =	ssyncset.done $0x0  }
0x133: {  	s6 =	sadd.s32 $0x3080, s3;
	[sflag:s28] =	ssyncadd.s32 $0xFFFFE000  }
0x134: {  	[spmem:s2] =	stream.indirect.scatter.add.f32 [tilespmem:s23], [sflag:$0x4], $0x40, s6, s21, $0xb8;
	[tilespmem:$0x18000] =	vst v63  }
0x135: {  	_ =	swait.ge [sflag:s20], $0x2000  }
0x136: {  	[sflag:s20] =	ssyncset.done $0x0  }
0x137: {  	s6 =	sadd.s32 $0x200, s3;
	[sflag:s20] =	ssyncadd.s32 $0xFFFFE000  }
0x138: {  	[tilespmem:s23], [sflag:$0x2] =	stream.indirect.gather [hbm4b:s5+s21], $0x40, s6, s21, $0xb8;
	[tilespmem:$0x18000] =	vst v63  }
0x139: {  	_ =	swait.ge [sflag:s29], $0x2000  }
0x13a: {  	[sflag:s29] =	ssyncset.done $0x0  }
.Ltmp7:
0x13b: {  	s6 =	sadd.s32 $0x3100, s3;
	[sflag:s29] =	ssyncadd.s32 $0xFFFFE000;
	(pc) =	sbr.rel @p1 .LBB2_10-.Ltmp7, $4  }
0x13c: {  	[spmem:s2] =	stream.indirect.scatter.add.f32 [tilespmem:s25], [sflag:$0x4], $0x40, s6, s21, $0xb8;
	[tilespmem:$0x18000] =	vst v63  }
0x13d: {  	_ =	swait.ge [sflag:s20], $0x2000  }
0x13e: {  	[sflag:s20] =	ssyncset.done $0x0  }
0x13f: {  	s3 =	sadd.s32 $0x280, s3;
	[sflag:s20] =	ssyncadd.s32 $0xFFFFE000  }
0x140: {  	[tilespmem:s25], [sflag:$0x3] =	stream.indirect.gather [hbm4b:s5+s21], $0x40, s3, s21, $0xb8;
	[tilespmem:$0x18000] =	vst v63  }
0x141: {  	_ =	swait.ge [sflag:s26], $0x2000  }
0x142: {  	[sflag:s26] =	ssyncset.done $0x0  }
0x143: {  	s1 =	simm.s32 $0x4E00;
	[sflag:s26] =	ssyncadd.s32 $0xFFFFE000  }
0x144: {  	[spmem:s2] =	stream.indirect.scatter.add.f32 [tilespmem:s22], [sflag:$0x4], $0x40, s1, s21, $0xb8;
	[tilespmem:$0x18000] =	vst v63  }
0x145: {  	_ =	swait.ge [sflag:s20], $0x2000  }
0x146: {  	[sflag:s20] =	ssyncset.done $0x0  }
0x147: {  	s3 =	simm.s32 $0x1F80;
	[sflag:s20] =	ssyncadd.s32 $0xFFFFE000  }
0x148: {  	[tilespmem:s22], [sflag:$0x1] =	stream.indirect.gather [hbm4b:s5+s21], $0x40, s3, s21, $0xb8;
	[tilespmem:$0x18000] =	vst v63  }
0x149: {  	_ =	swait.ge [sflag:s28], $0x2000  }
0x14a: {  	[sflag:s28] =	ssyncset.done $0x0  }
0x14b: {  	s6 =	simm.s32 $0x4E80;
	[sflag:s28] =	ssyncadd.s32 $0xFFFFE000  }
0x14c: {  	[spmem:s2] =	stream.indirect.scatter.add.f32 [tilespmem:s23], [sflag:$0x4], $0x40, s6, s21, $0xb8;
	[tilespmem:$0x18000] =	vst v63  }
0x14d: {  	_ =	swait.ge [sflag:s20], $0x2000  }
0x14e: {  	[sflag:s20] =	ssyncset.done $0x0  }
0x14f: {  	[sflag:s20] =	ssyncadd.s32 $0xFFFFE000  }
0x150: {  	_ =	swait.ge [sflag:s29], $0x2000  }
0x151: {  	[sflag:s29] =	ssyncset.done $0x0  }
0x152: {  	s3 =	simm.s32 $0x4F00;
	[sflag:s29] =	ssyncadd.s32 $0xFFFFE000  }
0x153: {  	[spmem:s2] =	stream.indirect.scatter.add.f32 [tilespmem:s25], [sflag:$0x4], $0x40, s3, s21, $0xb8;
	[tilespmem:$0x18000] =	vst v63  }
0x154: {  	_ =	swait.ge [sflag:s20], $0x2000  }
0x155: {  	[sflag:s20] =	ssyncset.done $0x0  }
.Ltmp8:
0x156: {  	[sflag:s20] =	ssyncadd.s32 $0xFFFFE000;
	(pc) =	sbr.rel .LBB2_15-.Ltmp8, $4  }
0x157: {  	_ =	swait.ge [sflag:s26], $0x2000  }
0x158: {  	[sflag:s26] =	ssyncset.done $0x0  }
0x159: {  	s6 =	simm.s32 $0x4F80;
	[sflag:s26] =	ssyncadd.s32 $0xFFFFE000  }
0x15a: {  	[spmem:s2] =	stream.indirect.scatter.add.f32 [tilespmem:s22], [sflag:$0x4], $0x40, s6, s21, $0xb8;
	[tilespmem:$0x18000] =	vst v63  }
.LBB2_12:
0x15b: {  	_ =	swait.ge [sflag:s26], $0x2000  }
0x15c: {  	[sflag:s26] =	ssyncset.done $0x0  }
0x15d: {  	s1 =	simm.s32 $0x3000;
	[sflag:s26] =	ssyncadd.s32 $0xFFFFE000  }
0x15e: {  	[spmem:s2] =	stream.indirect.scatter.add.f32 [tilespmem:s22], [sflag:$0x4], $0x40, s1, s21, $0xb8;
	[tilespmem:$0x18000] =	vst v63  }
0x15f: {  	_ =	swait.ge [sflag:s20], $0x2000  }
0x160: {  	[sflag:s20] =	ssyncset.done $0x0  }
0x161: {  	s3 =	simm.s32 $0x180;
	[sflag:s20] =	ssyncadd.s32 $0xFFFFE000  }
0x162: {  	[tilespmem:s22], [sflag:$0x1] =	stream.indirect.gather [hbm4b:s5+s21], $0x40, s3, s21, $0xb8;
	[tilespmem:$0x18000] =	vst v63  }
0x163: {  	_ =	swait.ge [sflag:s28], $0x2000  }
0x164: {  	[sflag:s28] =	ssyncset.done $0x0  }
0x165: {  	s6 =	simm.s32 $0x3080;
	[sflag:s28] =	ssyncadd.s32 $0xFFFFE000  }
0x166: {  	[spmem:s2] =	stream.indirect.scatter.add.f32 [tilespmem:s23], [sflag:$0x4], $0x40, s6, s21, $0xb8;
	[tilespmem:$0x18000] =	vst v63  }
0x167: {  	_ =	swait.ge [sflag:s20], $0x2000  }
0x168: {  	[sflag:s20] =	ssyncset.done $0x0  }
0x169: {  	s3 =	simm.s32 $0x200;
	[sflag:s20] =	ssyncadd.s32 $0xFFFFE000  }
0x16a: {  	[tilespmem:s23], [sflag:$0x2] =	stream.indirect.gather [hbm4b:s5+s21], $0x40, s3, s21, $0xb8;
	[tilespmem:$0x18000] =	vst v63  }
0x16b: {  	_ =	swait.ge [sflag:s29], $0x2000  }
0x16c: {  	[sflag:s29] =	ssyncset.done $0x0  }
0x16d: {  	s6 =	simm.s32 $0x3100;
	[sflag:s29] =	ssyncadd.s32 $0xFFFFE000  }
0x16e: {  	[spmem:s2] =	stream.indirect.scatter.add.f32 [tilespmem:s25], [sflag:$0x4], $0x40, s6, s21, $0xb8;
	[tilespmem:$0x18000] =	vst v63  }
0x16f: {  	_ =	swait.ge [sflag:s20], $0x2000  }
0x170: {  	[sflag:s20] =	ssyncset.done $0x0  }
0x171: {  	s1 =	simm.s32 $0x600;
	s3 =	simm.s32 $0x280;
	[sflag:s20] =	ssyncadd.s32 $0xFFFFE000  }
.LBB2_13:
0x172: {  	[tilespmem:s25], [sflag:$0x3] =	stream.indirect.gather [hbm4b:s5+s21], $0x40, s3, s21, $0xb8;
	[tilespmem:$0x18000] =	vst v63  }
0x173: {  	s3 =	smov.u32 s1  }
0x174: {  	p1 =	sne.s32 s1, $0xB400;
	s1 =	sadd.s32 $0x600, s1;
	_ =	swait.ge [sflag:s26], $0x2000  }
0x175: {  	s3 =	sshra.s32 s3, $0x2;
	[sflag:s26] =	ssyncset.done $0x0  }
0x176: {  	s6 =	sadd.s32 $0x3000, s3;
	[sflag:s26] =	ssyncadd.s32 $0xFFFFE000  }
0x177: {  	[spmem:s2] =	stream.indirect.scatter.add.f32 [tilespmem:s22], [sflag:$0x4], $0x40, s6, s21, $0xb8;
	[tilespmem:$0x18000] =	vst v63  }
0x178: {  	_ =	swait.ge [sflag:s20], $0x2000  }
0x179: {  	[sflag:s20] =	ssyncset.done $0x0  }
0x17a: {  	s6 =	sadd.s32 $0x180, s3;
	[sflag:s20] =	ssyncadd.s32 $0xFFFFE000  }
0x17b: {  	[tilespmem:s22], [sflag:$0x1] =	stream.indirect.gather [hbm4b:s5+s21], $0x40, s6, s21, $0xb8;
	[tilespmem:$0x18000] =	vst v63  }
0x17c: {  	_ =	swait.ge [sflag:s28], $0x2000  }
0x17d: {  	[sflag:s28] =	ssyncset.done $0x0  }
0x17e: {  	s6 =	sadd.s32 $0x3080, s3;
	[sflag:s28] =	ssyncadd.s32 $0xFFFFE000  }
0x17f: {  	[spmem:s2] =	stream.indirect.scatter.add.f32 [tilespmem:s23], [sflag:$0x4], $0x40, s6, s21, $0xb8;
	[tilespmem:$0x18000] =	vst v63  }
0x180: {  	_ =	swait.ge [sflag:s20], $0x2000  }
0x181: {  	[sflag:s20] =	ssyncset.done $0x0  }
0x182: {  	s6 =	sadd.s32 $0x200, s3;
	[sflag:s20] =	ssyncadd.s32 $0xFFFFE000  }
0x183: {  	[tilespmem:s23], [sflag:$0x2] =	stream.indirect.gather [hbm4b:s5+s21], $0x40, s6, s21, $0xb8;
	[tilespmem:$0x18000] =	vst v63  }
0x184: {  	_ =	swait.ge [sflag:s29], $0x2000  }
0x185: {  	[sflag:s29] =	ssyncset.done $0x0  }
.Ltmp9:
0x186: {  	s6 =	sadd.s32 $0x3100, s3;
	[sflag:s29] =	ssyncadd.s32 $0xFFFFE000;
	(pc) =	sbr.rel @p1 .LBB2_13-.Ltmp9, $4  }
0x187: {  	[spmem:s2] =	stream.indirect.scatter.add.f32 [tilespmem:s25], [sflag:$0x4], $0x40, s6, s21, $0xb8;
	[tilespmem:$0x18000] =	vst v63  }
0x188: {  	_ =	swait.ge [sflag:s20], $0x2000  }
0x189: {  	[sflag:s20] =	ssyncset.done $0x0  }
0x18a: {  	s3 =	sadd.s32 $0x280, s3;
	[sflag:s20] =	ssyncadd.s32 $0xFFFFE000  }
.Ltmp10:
0x18b: {  	_ = 	snop;
	(pc) =	sbr.rel .LBB2_14-.Ltmp10, $1  }
0x18c: {  	_ =	sdelay $0x3  }
.LBB2_16:
0x18d: {  	_ =	sfence.sel $0x180000  }
0x18e: {  	[bflag:$0x0] =	sbarrier.arrive $0xFFFF  }
0x18f: {  	_ =	strace $0x90000047  }
0x190: {  	s0 =	stileid.u32;
	[bflag:$0x2] =	sbarrier.arrive $0xFFFF  }
0x191: {  	p0 =	sne.s32 s0, $0x0;
	s0 =	rddreg [dreg:$0x2]  }
0x192: {  	s0 =	sadd.s32 @!p0 $0x100000, s0  }
0x193: {  	[sflag:s0] =	ssyncadd.tile.s32 @!p0 $0x1;
	_ =	shalt  }
.Lfunc_end2:
_tile_overlayer_lowered:
.L_overlay_start_2:
0x194: {  	(tag) =	ssettag $0x2  }
0x195: {  	s0 =	rddreg [dreg:$0x0];
	s2 =	stileid.u32  }
0x196: {  	s1 =	rddreg [dreg:$0x1];
	p0 =	sne.s32 s2, $0x0  }
0x197: {  	s3 =	rddreg [dreg:$0x2];
	[bflag:$0x3] =	sbarrier.arrive $0xFFFF;
	s2 =	simm.s32 @!p0 $0x1C04  }
0x198: {  	[timem:s3], [sflag:s2] =	dma.local @!p0 [hbm:s0], s1  }
0x199: {  	s0 =	simm.s32 @!p0 $0x4  }
0x19a: {  	_ =	swait.ge @!p0 [sflag:s0], s1  }
0x19b: {  	s1 =	ssub.s32 @!p0 $0x0, s1;
	[sflag:s0] =	ssyncset.done @!p0 $0x0  }
0x19c: {  	[sflag:s0] =	ssyncadd.s32 @!p0 s1  }
0x19d: {  	[bflag:$0x3] =	sbarrier.arrive $0xFFFF  }
0x19e: {  	_ =	shalt  }

</sc_bundles>
